<compile_context>
chip_gen: v7x
topology: tpu7x:2x2x1
jax: 0.10.2.dev20260603
libtpu: 0.0.44.dev20260713+nightly
codegen_flags: <defaults>
</compile_context>

<pallas_src>
import functools

import jax
import jax.numpy as jnp
from jax import lax
from jax.experimental import pallas as pl
from jax.experimental.pallas import tpu as pltpu
from jax.experimental.pallas import tpu_sc as plsc

N = 10000
D = 128
NUM_LAYERS = 4
NC = 2
NS = 16
NW = NC * NS
BLK = 128
ACC_ROWS_PER_TILE = 632
NPAD = NS * ACC_ROWS_PER_TILE
OUT_ROWS = ACC_ROWS_PER_TILE
DW = 16
R = 1000
GRID = N // R


def _make_propagate(q0, q1):
    mesh = plsc.VectorSubcoreMesh(core_axis_name="c", subcore_axis_name="s")
    slot = q0 + q1 + 4
    qmax = max(q0, q1)

    @functools.partial(
        pl.kernel,
        out_type=jax.ShapeDtypeStruct((NC, NPAD, D), jnp.float32),
        mesh=mesh,
        scratch_types=[
            pltpu.VMEM_SHARED((NPAD, D), jnp.float32),
            pltpu.VMEM((BLK, D), jnp.float32),
            pltpu.VMEM(((qmax + 2) * BLK,), jnp.int32),
            pltpu.VMEM((BLK,), jnp.int32),
            pltpu.VMEM((BLK,), jnp.int32),
            pltpu.SemaphoreType.DMA,
            pltpu.SemaphoreType.DMA,
            pltpu.SemaphoreType.DMA,
        ],
    )
    def propagate(y_hbm, rowp_hbm, colp_hbm, out_hbm, acc, buf0,
                  idx_r, idx_c0, idx_c1, sem0, semc0, semc1):
        c = lax.axis_index("c")
        s = lax.axis_index("s")
        kq2 = q0 // 2 + c * (q1 // 2 - q0 // 2)
        tb = (s * slot + c * (q0 + 2)) * BLK

        def _cols(j):
            return colp_hbm.at[pl.ds(tb + j * BLK, BLK)]

        pltpu.async_copy(rowp_hbm.at[pl.ds(tb, (qmax + 2) * BLK)], idx_r, sem0)
        pltpu.async_copy(_cols(0), idx_c0, semc0)
        pltpu.async_copy(_cols(1), idx_c1, semc1)

        zeros16 = jnp.zeros((16,), jnp.float32)

        def _zrow(i, _):
            def _zcol(j, _):
                buf0[i, pl.ds(j * 16, 16)] = zeros16
                return 0
            return lax.fori_loop(0, D // 16, _zcol, 0)

        lax.fori_loop(0, BLK, _zrow, 0)

        zb = s * ACC_ROWS_PER_TILE
        for k in range(ACC_ROWS_PER_TILE // BLK):
            pltpu.sync_copy(buf0, acc.at[pl.ds(zb + k * BLK, BLK)])
        rem = ACC_ROWS_PER_TILE % BLK
        pltpu.sync_copy(buf0.at[pl.ds(0, rem)],
                        acc.at[pl.ds(zb + (ACC_ROWS_PER_TILE // BLK) * BLK, rem)])

        pltpu.make_async_copy(
            rowp_hbm.at[pl.ds(0, (qmax + 2) * BLK)], idx_r, sem0).wait()
        plsc.subcore_barrier()

        def _gidx(j):
            return idx_r.at[pl.ds(j * BLK, BLK)]

        def _pair(j2, _):
            j0 = 2 * j2
            pltpu.async_copy(y_hbm.at[_gidx(j0)], buf0, sem0).wait()
            pltpu.make_async_copy(_cols(0), idx_c0, semc0).wait()
            pltpu.sync_copy(buf0, acc.at[idx_c0], add=True)
            pltpu.async_copy(_cols(j0 + 2), idx_c0, semc0)
            pltpu.async_copy(y_hbm.at[_gidx(j0 + 1)], buf0, sem0).wait()
            pltpu.make_async_copy(_cols(1), idx_c1, semc1).wait()
            pltpu.sync_copy(buf0, acc.at[idx_c1], add=True)
            pltpu.async_copy(_cols(j0 + 3), idx_c1, semc1)
            return 0

        lax.fori_loop(0, kq2, _pair, 0)
        pltpu.make_async_copy(_cols(0), idx_c0, semc0).wait()
        pltpu.make_async_copy(_cols(1), idx_c1, semc1).wait()
        plsc.subcore_barrier()

        ob = s * OUT_ROWS
        pltpu.sync_copy(acc.at[pl.ds(ob, OUT_ROWS)], out_hbm.at[c, pl.ds(ob, OUT_ROWS)])

    return propagate


def _make_degree(q0, q1):
    mesh = plsc.VectorSubcoreMesh(core_axis_name="c", subcore_axis_name="s")
    slot = q0 + q1 + 4

    @functools.partial(
        pl.kernel,
        out_type=jax.ShapeDtypeStruct((NC, NPAD, DW), jnp.float32),
        mesh=mesh,
        scratch_types=[
            pltpu.VMEM_SHARED((NPAD, DW), jnp.float32),
            pltpu.VMEM((ACC_ROWS_PER_TILE, DW), jnp.float32),
            pltpu.VMEM((BLK, DW), jnp.float32),
            pltpu.VMEM((BLK,), jnp.int32),
            pltpu.VMEM((BLK,), jnp.int32),
            pltpu.SemaphoreType.DMA,
            pltpu.SemaphoreType.DMA,
        ],
    )
    def degree(colp_hbm, out_hbm, acc, zbuf, ones, idx_c0, idx_c1, semc0, semc1):
        c = lax.axis_index("c")
        s = lax.axis_index("s")
        kq2 = q0 // 2 + c * (q1 // 2 - q0 // 2)
        tb = (s * slot + c * (q0 + 2)) * BLK

        def _cols(j):
            return colp_hbm.at[pl.ds(tb + j * BLK, BLK)]

        pltpu.async_copy(_cols(0), idx_c0, semc0)
        pltpu.async_copy(_cols(1), idx_c1, semc1)

        zeros16 = jnp.zeros((16,), jnp.float32)
        ones16 = jnp.ones((16,), jnp.float32)

        def _z(i, _):
            zbuf[i, :] = zeros16
            return 0

        def _o(i, _):
            ones[i, :] = ones16
            return 0

        lax.fori_loop(0, ACC_ROWS_PER_TILE, _z, 0)
        lax.fori_loop(0, BLK, _o, 0)

        pltpu.sync_copy(zbuf, acc.at[pl.ds(s * ACC_ROWS_PER_TILE, ACC_ROWS_PER_TILE)])
        plsc.subcore_barrier()

        def _pair(j2, _):
            j0 = 2 * j2
            pltpu.make_async_copy(_cols(0), idx_c0, semc0).wait()
            pltpu.sync_copy(ones, acc.at[idx_c0], add=True)
            pltpu.async_copy(_cols(j0 + 2), idx_c0, semc0)
            pltpu.make_async_copy(_cols(1), idx_c1, semc1).wait()
            pltpu.sync_copy(ones, acc.at[idx_c1], add=True)
            pltpu.async_copy(_cols(j0 + 3), idx_c1, semc1)
            return 0

        lax.fori_loop(0, kq2, _pair, 0)
        pltpu.make_async_copy(_cols(0), idx_c0, semc0).wait()
        pltpu.make_async_copy(_cols(1), idx_c1, semc1).wait()
        plsc.subcore_barrier()

        ob = s * OUT_ROWS
        pltpu.sync_copy(acc.at[pl.ds(ob, OUT_ROWS)], out_hbm.at[c, pl.ds(ob, OUT_ROWS)])

    return degree


def _dot(a, b):
    return jnp.dot(a, b, preferred_element_type=jnp.float32)


def _enc_body(x_r, wencT_r, b_r, w0_r, wi_r, we_r, p0_r, p1_r,
              x0_o, x0w0_o, dinv_o, xi_o, y_o, hwe_o):
    x = x_r[...]
    x0 = _dot(x, wencT_r[...]) + b_r[...]
    deg = p0_r[0, :, 0:1] + p1_r[0, :, 0:1] + 1.0
    dinvb = jnp.broadcast_to(lax.rsqrt(deg), x0.shape)
    xi = _dot(x0, wi_r[...])
    x0_o[...] = x0
    x0w0_o[...] = _dot(x0, w0_r[...])
    dinv_o[...] = dinvb
    xi_o[...] = xi
    y_o[...] = dinvb * xi
    hwe_o[...] = _dot(x0, we_r[...])


def _layer_body(h_r, xi_r, hwe_r, x0w0_r, dinv_r, p0_r, p1_r, wi_r, we_r,
                hn_o, xin_o, yn_o, hwen_o):
    dinvb = dinv_r[...]
    agg = dinvb * (p0_r[0] + p1_r[0]) + dinvb * dinvb * xi_r[...]
    hn = h_r[...] + jnp.maximum(agg - hwe_r[...] - x0w0_r[...], 0.0)
    hn = jnp.maximum(hn, 0.0)
    xin = _dot(hn, wi_r[...])
    hn_o[...] = hn
    xin_o[...] = xin
    yn_o[...] = dinvb * xin
    hwen_o[...] = _dot(hn, we_r[...])


def _final_body(h_r, xi_r, hwe_r, x0w0_r, dinv_r, p0_r, p1_r, wdecT_r, bd_r,
                out_o):
    dinvb = dinv_r[...]
    agg = dinvb * (p0_r[0] + p1_r[0]) + dinvb * dinvb * xi_r[...]
    hn = h_r[...] + jnp.maximum(agg - hwe_r[...] - x0w0_r[...], 0.0)
    hn = jnp.maximum(hn, 0.0)
    out_o[...] = _dot(hn, wdecT_r[...]) + bd_r[...]


def _row_spec():
    return pl.BlockSpec((R, D), lambda i: (i, 0))


def _pp_spec(core):
    return pl.BlockSpec((1, R, D), lambda i, core=core: (core, i, 0))


def _dp_spec(core):
    return pl.BlockSpec((1, R, DW), lambda i, core=core: (core, i, 0))


def _w_spec():
    return pl.BlockSpec((D, D), lambda i: (0, 0))


def _b_spec():
    return pl.BlockSpec((1, D), lambda i: (0, 0))


_F32 = functools.partial(jax.ShapeDtypeStruct, dtype=jnp.float32)

_encoder = pl.pallas_call(
    _enc_body,
    grid=(GRID,),
    in_specs=[_row_spec(), _w_spec(), _b_spec(), _w_spec(), _w_spec(), _w_spec(),
              _dp_spec(0), _dp_spec(1)],
    out_specs=[_row_spec()] * 6,
    out_shape=[_F32((N, D))] * 6,
)

_layer = pl.pallas_call(
    _layer_body,
    grid=(GRID,),
    in_specs=[_row_spec()] * 5 + [_pp_spec(0), _pp_spec(1), _w_spec(), _w_spec()],
    out_specs=[_row_spec()] * 4,
    out_shape=[_F32((N, D))] * 4,
)

_final = pl.pallas_call(
    _final_body,
    grid=(GRID,),
    in_specs=[_row_spec()] * 5 + [_pp_spec(0), _pp_spec(1), _w_spec(), _b_spec()],
    out_specs=_row_spec(),
    out_shape=_F32((N, D)),
)


def _symmetrize(W):
    return jnp.triu(W) + jnp.triu(W, 1).T


def kernel(x, edge_index, W_enc, b_enc, Wi, We, W0, W_dec, b_dec):
    row = edge_index[0].astype(jnp.int32)
    col = edge_index[1].astype(jnp.int32)
    E = row.shape[0]
    Q0, Q1 = 120, 38
    BT = NS * (Q0 + Q1)
    EP = BT * BLK

    def _quota_layout(v, fill):
        vp = jnp.concatenate([v, jnp.full((EP - E,), fill, jnp.int32)])
        b3 = vp.reshape(NS, Q0 + Q1, BLK)
        pad = jnp.full((NS, 2, BLK), fill, jnp.int32)
        return jnp.concatenate(
            [b3[:, :Q0], pad, b3[:, Q0:], pad], axis=1).reshape(-1)

    rowp = _quota_layout(row, 0)
    colp = _quota_layout(col, N)

    Wi_s = _symmetrize(Wi)
    We_s = _symmetrize(We)
    W0_s = _symmetrize(W0)

    degree = _make_degree(Q0, Q1)
    propagate = _make_propagate(Q0, Q1)

    dp = degree(colp)
    x0, x0w0, dinvb, xi, y, hwe = _encoder(
        x, W_enc.T, b_enc.reshape(1, D), W0_s, Wi_s, We_s, dp, dp)

    h = x0
    for _ in range(NUM_LAYERS - 1):
        pp = propagate(y, rowp, colp)
        h, xi, y, hwe = _layer(h, xi, hwe, x0w0, dinvb, pp, pp, Wi_s, We_s)
    pp = propagate(y, rowp, colp)
    return _final(h, xi, hwe, x0w0, dinvb, pp, pp, W_dec.T,
                  b_dec.reshape(1, D))

# --- scband reference (transcript-rebuilt; emitter-appended) ---
"""Pipeline reference for scband-graffnn-48309792145741 (READ-ONLY COPY).

The authoritative reference and input builder live on the scoring server;
editing this copy changes nothing except your own understanding.
"""

import jax, jax.numpy as jnp
import numpy as np

N_NODES = 10000
N_EDGES = 320000
IN_CH = 128
HID_CH = 128
OUT_CH = 128
NUM_LAYERS = 4
STEP_SIZE = 1.0


def glorot(key, shape):
    fan_in, fan_out = shape[1], shape[0]
    limit = jnp.sqrt(6.0 / (fan_in + fan_out))
    return jax.random.uniform(key, shape, jnp.float32, -limit, limit)


def setup_inputs(seed: int = 0) -> dict:
    key = jax.random.key(seed)
    ks = jax.random.split(key, 10)
    x = jax.random.normal(ks[0], (N_NODES, IN_CH), dtype=jnp.float32)
    edge_index = jax.random.randint(ks[1], (2, N_EDGES), 0, N_NODES, dtype=jnp.int64)
    W_enc = glorot(ks[2], (HID_CH, IN_CH))
    b_enc = jnp.zeros((HID_CH,), jnp.float32)
    W_dec = glorot(ks[3], (OUT_CH, HID_CH))
    b_dec = jnp.zeros((OUT_CH,), jnp.float32)
    # shared_weights=True -> a single GRAFFConv reused NUM_LAYERS times
    Wi = glorot(ks[4], (HID_CH, HID_CH))
    We = glorot(ks[5], (HID_CH, HID_CH))
    W0 = glorot(ks[6], (HID_CH, HID_CH))
    return {"x": x, "edge_index": edge_index, "W_enc": W_enc, "b_enc": b_enc,
            "Wi": Wi, "We": We, "W0": W0, "W_dec": W_dec, "b_dec": b_dec}


def _symmetrize(W):
    # SymmetricLinear parametrization: triu(W) + triu(W,1).T
    return jnp.triu(W) + jnp.triu(W, 1).T


def _gcn_norm(edge_index, num_nodes, dtype):
    row, col = edge_index[0], edge_index[1]
    loop = jnp.arange(num_nodes, dtype=edge_index.dtype)
    row = jnp.concatenate([row, loop])
    col = jnp.concatenate([col, loop])
    ew = jnp.ones(row.shape[0], dtype=dtype)
    deg = jnp.zeros(num_nodes, dtype=dtype).at[col].add(ew)
    deg_inv_sqrt = jnp.where(deg > 0, jax.lax.rsqrt(jnp.where(deg > 0, deg, 1.0)), 0.0)
    norm = deg_inv_sqrt[row] * ew * deg_inv_sqrt[col]
    return row, col, norm


def reference(x, edge_index, W_enc, b_enc, Wi, We, W0, W_dec, b_dec):
    N = x.shape[0]
    row, col, norm = _gcn_norm(edge_index, N, x.dtype)
    # encoder MLP([in, hidden]) -> single Linear
    x0 = x @ W_enc.T + b_enc
    h = x0
    Wi_s = _symmetrize(Wi)
    We_s = _symmetrize(We)
    W0_s = _symmetrize(W0)
    for _ in range(NUM_LAYERS):
        xi = h @ Wi_s.T
        # propagate with aggr='add': messages norm * x_j gathered from src, scattered to dst
        agg = jnp.zeros_like(h).at[col].add(norm[:, None] * xi[row])
        h = h + STEP_SIZE * jax.nn.relu(agg - h @ We_s.T - x0 @ W0_s.T)
        h = jax.nn.relu(h)
    # decoder MLP([hidden, out]) -> single Linear
    return h @ W_dec.T + b_dec

if __name__ == "__main__":
    import jax
    _d = setup_inputs()
    print(jax.jit(kernel)(*tuple(_d.values())))

</pallas_src>

<mosaic_0001>
#map = affine_map<(d0, d1) -> (0)>
#map1 = affine_map<(d0, d1) -> (0, 0, 0)>
module attributes {stable_mosaic.version = 14 : i64} {
  func.func @degree(%arg0: i32, %arg1: i32, %arg2: memref<331776xi32, #tpu.memory_space<hbm>>, %arg3: memref<2x10112x16xf32, #tpu.memory_space<hbm>>, %arg4: memref<10112x16xf32, #tpu.memory_space<vmem_shared>>, %arg5: memref<632x16xf32, #tpu.memory_space<vmem>>, %arg6: memref<128x16xf32, #tpu.memory_space<vmem>>, %arg7: memref<128xi32, #tpu.memory_space<vmem>>, %arg8: memref<128xi32, #tpu.memory_space<vmem>>, %arg9: memref<!tpu.dma_semaphore, #tpu.memory_space<semaphore_mem>>, %arg10: memref<!tpu.dma_semaphore, #tpu.memory_space<semaphore_mem>>) attributes {dimension_semantics = [#tpu.dimension_semantics<core_parallel>, #tpu.dimension_semantics<subcore_parallel>], iteration_bounds = array<i64: 2, 16>, scalar_prefetch = 0 : i64, scratch_operands = 7 : i64, tpu.core_type = #tpu.core_type<sc_vector_subcore>, window_params = [{transform_indices = #map}, {transform_indices = #map1}]} {
    %mul3A = arith.constant -41 : i32
    %mul3A_0 = arith.muli %arg0, %mul3A : i32
    %add3A = arith.constant 60 : i32
    %add3A_1 = arith.addi %add3A, %mul3A_0 : i32
    %mul3A_2 = arith.constant 162 : i32
    %mul3A_3 = arith.muli %arg1, %mul3A_2 : i32
    %mul3A_4 = arith.constant 122 : i32
    %mul3A_5 = arith.muli %arg0, %mul3A_4 : i32
    %add3A_6 = arith.addi %mul3A_3, %mul3A_5 : i32
    %mul3A_7 = arith.constant 128 : i32
    %mul3A_8 = arith.muli %add3A_6, %mul3A_7 : i32
    %add3A_9 = arith.constant 0 : i32
    %add3A_10 = arith.addi %mul3A_8, %add3A_9 : i32
    %dma_start3A = tpu.memref_slice %arg2[%add3A_10] : memref<331776xi32, #tpu.memory_space<hbm>> -> memref<128xi32, #tpu.memory_space<hbm>>
    %dma_start3A_11 = tpu.memref_slice %arg2[%add3A_10] : memref<331776xi32, #tpu.memory_space<hbm>> -> memref<128xi32, #tpu.memory_space<hbm>>
    tpu.enqueue_dma source(%dma_start3A_11 : memref<128xi32, #tpu.memory_space<hbm>>) target(%arg7 : memref<128xi32, #tpu.memory_space<vmem>>) target_semaphore(%arg9 : memref<!tpu.dma_semaphore, #tpu.memory_space<semaphore_mem>>)
    %add3A_12 = arith.constant 128 : i32
    %add3A_13 = arith.addi %mul3A_8, %add3A_12 : i32
    %dma_start3A_14 = tpu.memref_slice %arg2[%add3A_13] : memref<331776xi32, #tpu.memory_space<hbm>> -> memref<128xi32, #tpu.memory_space<hbm>>
    %dma_start3A_15 = tpu.memref_slice %arg2[%add3A_13] : memref<331776xi32, #tpu.memory_space<hbm>> -> memref<128xi32, #tpu.memory_space<hbm>>
    tpu.enqueue_dma source(%dma_start3A_15 : memref<128xi32, #tpu.memory_space<hbm>>) target(%arg8 : memref<128xi32, #tpu.memory_space<vmem>>) target_semaphore(%arg10 : memref<!tpu.dma_semaphore, #tpu.memory_space<semaphore_mem>>)
    %broadcast_in_dim3A = arith.constant 0.000000e+00 : f32
    %broadcast_in_dim3A_16 = vector.broadcast %broadcast_in_dim3A : f32 to vector<16xf32>
    %broadcast_in_dim3A_17 = arith.constant 1.000000e+00 : f32
    %broadcast_in_dim3A_18 = vector.broadcast %broadcast_in_dim3A_17 : f32 to vector<16xf32>
    %scan3A = arith.constant 0 : i32
    %scan3A_19 = arith.constant 0 : i32
    %scan3A_20 = arith.constant 632 : i32
    %scan3A_21 = arith.addi %scan3A_19, %scan3A_20 : i32
    %scan3A_22 = arith.constant 1 : i32
    %scan3A_23 = scf.for %scan3A_55 = %scan3A_19 to %scan3A_21 step %scan3A_22 iter_args(%scan3A_56 = %scan3A) -> (i32)  : i32 {
      %swap3A = arith.index_cast %scan3A_55 : i32 to index
      %swap3A_57 = arith.constant 0 : index
      %swap3A_58 = tpu.vector_load %arg5[%swap3A, %swap3A_57] {strides = array<i32>} : memref<632x16xf32, #tpu.memory_space<vmem>>, vector<1x16xf32>,
      %swap3A_59 = vector.shape_cast %swap3A_58 : vector<1x16xf32> to vector<16xf32>
      %swap3A_60 = vector.shape_cast %broadcast_in_dim3A_16 : vector<16xf32> to vector<1x16xf32>
      tpu.vector_store %arg5[%swap3A, %swap3A_57], %swap3A_60 {strides = array<i32>} : memref<632x16xf32, #tpu.memory_space<vmem>>, vector<1x16xf32>,
      %scan3A_61 = arith.constant 0 : i32
      scf.yield %scan3A_61 : i32
    }
    %scan3A_24 = arith.constant 632 : i32
    %scan3A_25 = arith.constant 0 : i32
    %scan3A_26 = arith.constant 0 : i32
    %scan3A_27 = arith.constant 128 : i32
    %scan3A_28 = arith.addi %scan3A_26, %scan3A_27 : i32
    %scan3A_29 = arith.constant 1 : i32
    %scan3A_30 = scf.for %scan3A_55 = %scan3A_26 to %scan3A_28 step %scan3A_29 iter_args(%scan3A_56 = %scan3A_25) -> (i32)  : i32 {
      %swap3A = arith.index_cast %scan3A_55 : i32 to index
      %swap3A_57 = arith.constant 0 : index
      %swap3A_58 = tpu.vector_load %arg6[%swap3A, %swap3A_57] {strides = array<i32>} : memref<128x16xf32, #tpu.memory_space<vmem>>, vector<1x16xf32>,
      %swap3A_59 = vector.shape_cast %swap3A_58 : vector<1x16xf32> to vector<16xf32>
      %swap3A_60 = vector.shape_cast %broadcast_in_dim3A_18 : vector<16xf32> to vector<1x16xf32>
      tpu.vector_store %arg6[%swap3A, %swap3A_57], %swap3A_60 {strides = array<i32>} : memref<128x16xf32, #tpu.memory_space<vmem>>, vector<1x16xf32>,
      %scan3A_61 = arith.constant 0 : i32
      scf.yield %scan3A_61 : i32
    }
    %scan3A_31 = arith.constant 128 : i32
    %mul3A_32 = arith.constant 632 : i32
    %mul3A_33 = arith.muli %arg1, %mul3A_32 : i32
    "tpu.region"() ({
      %run_scoped3A = tpu.sem_alloc : memref<!tpu.dma_semaphore, #tpu.memory_space<semaphore_mem>>
      %dma_start3A_55 = arith.constant 0 : i32
      %dma_start3A_56 = tpu.memref_slice %arg4[%mul3A_33, %dma_start3A_55] : memref<10112x16xf32, #tpu.memory_space<vmem_shared>> -> memref<632x16xf32, #tpu.memory_space<vmem_shared>>
      %dma_start3A_57 = arith.constant 0 : i32
      %dma_start3A_58 = tpu.memref_slice %arg4[%mul3A_33, %dma_start3A_57] : memref<10112x16xf32, #tpu.memory_space<vmem_shared>> -> memref<632x16xf32, #tpu.memory_space<vmem_shared>>
      tpu.enqueue_dma source(%arg5 : memref<632x16xf32, #tpu.memory_space<vmem>>) target(%dma_start3A_58 : memref<632x16xf32, #tpu.memory_space<vmem_shared>>) target_semaphore(%run_scoped3A : memref<!tpu.dma_semaphore, #tpu.memory_space<semaphore_mem>>)
      %dma_wait3A_59 = arith.constant 0 : i32
      %dma_wait3A_60 = tpu.memref_slice %arg4[%mul3A_33, %dma_wait3A_59] : memref<10112x16xf32, #tpu.memory_space<vmem_shared>> -> memref<632x16xf32, #tpu.memory_space<vmem_shared>>
      %dma_wait3A_61 = arith.constant 0 : i32
      %dma_wait3A_62 = tpu.memref_slice %arg4[%mul3A_33, %dma_wait3A_61] : memref<10112x16xf32, #tpu.memory_space<vmem_shared>> -> memref<632x16xf32, #tpu.memory_space<vmem_shared>>
      tpu.wait_dma2 semaphore(%run_scoped3A : memref<!tpu.dma_semaphore, #tpu.memory_space<semaphore_mem>>) src(%arg5 : memref<632x16xf32, #tpu.memory_space<vmem>>) dst(%dma_wait3A_62 : memref<632x16xf32, #tpu.memory_space<vmem_shared>>)
      tpu.yield
    }) : () -> ()
    %barrier3A = arith.constant 0 : index
    tpu.barrier barrier_id(%barrier3A)
    %while3A = arith.constant 0 : i32
    %while3A_34 = arith.constant 0 : i32
    %while3A_35 = arith.subi %add3A_1, %while3A : i32
    %while3A_36 = arith.addi %while3A, %while3A_35 : i32
    %while3A_37 = arith.constant 1 : i32
    %while3A_38 = arith.divsi %while3A_35, %while3A_37 : i32
    %while3A_39 = arith.muli %while3A_38, %while3A_37 : i32
    %while3A_40 = arith.addi %while3A, %while3A_39 : i32
    %while3A_41 = arith.constant 1 : i32
    %while3A_42 = scf.for %while3A_55 = %while3A to %while3A_40 step %while3A_41 iter_args(%while3A_56 = %while3A_34) -> (i32)  : i32 {
      %mul3A_57 = arith.constant 2 : i32
      %mul3A_58 = arith.muli %mul3A_57, %while3A_55 : i32
      %add3A_59 = arith.constant 0 : i32
      %add3A_60 = arith.addi %mul3A_8, %add3A_59 : i32
      %dma_wait3A_61 = tpu.memref_slice %arg2[%add3A_60] : memref<331776xi32, #tpu.memory_space<hbm>> -> memref<128xi32, #tpu.memory_space<hbm>>
      %dma_wait3A_62 = tpu.memref_slice %arg2[%add3A_60] : memref<331776xi32, #tpu.memory_space<hbm>> -> memref<128xi32, #tpu.memory_space<hbm>>
      tpu.wait_dma2 semaphore(%arg9 : memref<!tpu.dma_semaphore, #tpu.memory_space<semaphore_mem>>) src(%dma_wait3A_62 : memref<128xi32, #tpu.memory_space<hbm>>) dst(%arg7 : memref<128xi32, #tpu.memory_space<vmem>>)
      "tpu.region"() ({
        %run_scoped3A = tpu.sem_alloc : memref<!tpu.dma_semaphore, #tpu.memory_space<semaphore_mem>>
        %dma_start3A_82 = arith.constant 0 : i32
        %dma_start3A_83 = arith.constant 0 : i32
        %dma_start3A_84 = tpu.memref_slice %arg4[%dma_start3A_82, %dma_start3A_83] : memref<10112x16xf32, #tpu.memory_space<vmem_shared>> -> memref<10112x16xf32, #tpu.memory_space<vmem_shared>>
        tpu.enqueue_indirect_dma source(%arg6 : memref<128x16xf32, #tpu.memory_space<vmem>>) target(%dma_start3A_84 : memref<10112x16xf32, #tpu.memory_space<vmem_shared>>) offsets(%arg7 : memref<128xi32, #tpu.memory_space<vmem>>) semaphore(%run_scoped3A : memref<!tpu.dma_semaphore, #tpu.memory_space<semaphore_mem>>) {add = true}
        %dma_wait3A_85 = arith.constant 0 : i32
        %dma_wait3A_86 = arith.constant 0 : i32
        %dma_wait3A_87 = tpu.memref_slice %arg4[%dma_wait3A_85, %dma_wait3A_86] : memref<10112x16xf32, #tpu.memory_space<vmem_shared>> -> memref<10112x16xf32, #tpu.memory_space<vmem_shared>>
        tpu.wait_indirect_dma semaphore(%run_scoped3A : memref<!tpu.dma_semaphore, #tpu.memory_space<semaphore_mem>>) src(%arg6 : memref<128x16xf32, #tpu.memory_space<vmem>>) dst(%dma_wait3A_87 : memref<10112x16xf32, #tpu.memory_space<vmem_shared>>)
        tpu.yield
      }) : () -> ()
      %add3A_63 = arith.constant 2 : i32
      %add3A_64 = arith.addi %mul3A_58, %add3A_63 : i32
      %mul3A_65 = arith.constant 128 : i32
      %mul3A_66 = arith.muli %add3A_64, %mul3A_65 : i32
      %add3A_67 = arith.addi %mul3A_8, %mul3A_66 : i32
      %dma_start3A_68 = tpu.memref_slice %arg2[%add3A_67] : memref<331776xi32, #tpu.memory_space<hbm>> -> memref<128xi32, #tpu.memory_space<hbm>>
      %dma_start3A_69 = tpu.memref_slice %arg2[%add3A_67] : memref<331776xi32, #tpu.memory_space<hbm>> -> memref<128xi32, #tpu.memory_space<hbm>>
      tpu.enqueue_dma source(%dma_start3A_69 : memref<128xi32, #tpu.memory_space<hbm>>) target(%arg7 : memref<128xi32, #tpu.memory_space<vmem>>) target_semaphore(%arg9 : memref<!tpu.dma_semaphore, #tpu.memory_space<semaphore_mem>>)
      %add3A_70 = arith.constant 128 : i32
      %add3A_71 = arith.addi %mul3A_8, %add3A_70 : i32
      %dma_wait3A_72 = tpu.memref_slice %arg2[%add3A_71] : memref<331776xi32, #tpu.memory_space<hbm>> -> memref<128xi32, #tpu.memory_space<hbm>>
      %dma_wait3A_73 = tpu.memref_slice %arg2[%add3A_71] : memref<331776xi32, #tpu.memory_space<hbm>> -> memref<128xi32, #tpu.memory_space<hbm>>
      tpu.wait_dma2 semaphore(%arg10 : memref<!tpu.dma_semaphore, #tpu.memory_space<semaphore_mem>>) src(%dma_wait3A_73 : memref<128xi32, #tpu.memory_space<hbm>>) dst(%arg8 : memref<128xi32, #tpu.memory_space<vmem>>)
      "tpu.region"() ({
        %run_scoped3A = tpu.sem_alloc : memref<!tpu.dma_semaphore, #tpu.memory_space<semaphore_mem>>
        %dma_start3A_82 = arith.constant 0 : i32
        %dma_start3A_83 = arith.constant 0 : i32
        %dma_start3A_84 = tpu.memref_slice %arg4[%dma_start3A_82, %dma_start3A_83] : memref<10112x16xf32, #tpu.memory_space<vmem_shared>> -> memref<10112x16xf32, #tpu.memory_space<vmem_shared>>
        tpu.enqueue_indirect_dma source(%arg6 : memref<128x16xf32, #tpu.memory_space<vmem>>) target(%dma_start3A_84 : memref<10112x16xf32, #tpu.memory_space<vmem_shared>>) offsets(%arg8 : memref<128xi32, #tpu.memory_space<vmem>>) semaphore(%run_scoped3A : memref<!tpu.dma_semaphore, #tpu.memory_space<semaphore_mem>>) {add = true}
        %dma_wait3A_85 = arith.constant 0 : i32
        %dma_wait3A_86 = arith.constant 0 : i32
        %dma_wait3A_87 = tpu.memref_slice %arg4[%dma_wait3A_85, %dma_wait3A_86] : memref<10112x16xf32, #tpu.memory_space<vmem_shared>> -> memref<10112x16xf32, #tpu.memory_space<vmem_shared>>
        tpu.wait_indirect_dma semaphore(%run_scoped3A : memref<!tpu.dma_semaphore, #tpu.memory_space<semaphore_mem>>) src(%arg6 : memref<128x16xf32, #tpu.memory_space<vmem>>) dst(%dma_wait3A_87 : memref<10112x16xf32, #tpu.memory_space<vmem_shared>>)
        tpu.yield
      }) : () -> ()
      %add3A_74 = arith.constant 3 : i32
      %add3A_75 = arith.addi %mul3A_58, %add3A_74 : i32
      %mul3A_76 = arith.constant 128 : i32
      %mul3A_77 = arith.muli %add3A_75, %mul3A_76 : i32
      %add3A_78 = arith.addi %mul3A_8, %mul3A_77 : i32
      %dma_start3A_79 = tpu.memref_slice %arg2[%add3A_78] : memref<331776xi32, #tpu.memory_space<hbm>> -> memref<128xi32, #tpu.memory_space<hbm>>
      %dma_start3A_80 = tpu.memref_slice %arg2[%add3A_78] : memref<331776xi32, #tpu.memory_space<hbm>> -> memref<128xi32, #tpu.memory_space<hbm>>
      tpu.enqueue_dma source(%dma_start3A_80 : memref<128xi32, #tpu.memory_space<hbm>>) target(%arg8 : memref<128xi32, #tpu.memory_space<vmem>>) target_semaphore(%arg10 : memref<!tpu.dma_semaphore, #tpu.memory_space<semaphore_mem>>)
      %while3A_81 = arith.constant 0 : i32
      scf.yield %while3A_81 : i32
    }
    %while3A_43 = arith.constant 1 : i32
    %while3A_44 = scf.for %while3A_55 = %while3A_40 to %while3A_36 step %while3A_43 iter_args(%while3A_56 = %while3A_42) -> (i32)  : i32 {
      %mul3A_57 = arith.constant 2 : i32
      %mul3A_58 = arith.muli %mul3A_57, %while3A_55 : i32
      %add3A_59 = arith.constant 0 : i32
      %add3A_60 = arith.addi %mul3A_8, %add3A_59 : i32
      %dma_wait3A_61 = tpu.memref_slice %arg2[%add3A_60] : memref<331776xi32, #tpu.memory_space<hbm>> -> memref<128xi32, #tpu.memory_space<hbm>>
      %dma_wait3A_62 = tpu.memref_slice %arg2[%add3A_60] : memref<331776xi32, #tpu.memory_space<hbm>> -> memref<128xi32, #tpu.memory_space<hbm>>
      tpu.wait_dma2 semaphore(%arg9 : memref<!tpu.dma_semaphore, #tpu.memory_space<semaphore_mem>>) src(%dma_wait3A_62 : memref<128xi32, #tpu.memory_space<hbm>>) dst(%arg7 : memref<128xi32, #tpu.memory_space<vmem>>)
      "tpu.region"() ({
        %run_scoped3A = tpu.sem_alloc : memref<!tpu.dma_semaphore, #tpu.memory_space<semaphore_mem>>
        %dma_start3A_82 = arith.constant 0 : i32
        %dma_start3A_83 = arith.constant 0 : i32
        %dma_start3A_84 = tpu.memref_slice %arg4[%dma_start3A_82, %dma_start3A_83] : memref<10112x16xf32, #tpu.memory_space<vmem_shared>> -> memref<10112x16xf32, #tpu.memory_space<vmem_shared>>
        tpu.enqueue_indirect_dma source(%arg6 : memref<128x16xf32, #tpu.memory_space<vmem>>) target(%dma_start3A_84 : memref<10112x16xf32, #tpu.memory_space<vmem_shared>>) offsets(%arg7 : memref<128xi32, #tpu.memory_space<vmem>>) semaphore(%run_scoped3A : memref<!tpu.dma_semaphore, #tpu.memory_space<semaphore_mem>>) {add = true}
        %dma_wait3A_85 = arith.constant 0 : i32
        %dma_wait3A_86 = arith.constant 0 : i32
        %dma_wait3A_87 = tpu.memref_slice %arg4[%dma_wait3A_85, %dma_wait3A_86] : memref<10112x16xf32, #tpu.memory_space<vmem_shared>> -> memref<10112x16xf32, #tpu.memory_space<vmem_shared>>
        tpu.wait_indirect_dma semaphore(%run_scoped3A : memref<!tpu.dma_semaphore, #tpu.memory_space<semaphore_mem>>) src(%arg6 : memref<128x16xf32, #tpu.memory_space<vmem>>) dst(%dma_wait3A_87 : memref<10112x16xf32, #tpu.memory_space<vmem_shared>>)
        tpu.yield
      }) : () -> ()
      %add3A_63 = arith.constant 2 : i32
      %add3A_64 = arith.addi %mul3A_58, %add3A_63 : i32
      %mul3A_65 = arith.constant 128 : i32
      %mul3A_66 = arith.muli %add3A_64, %mul3A_65 : i32
      %add3A_67 = arith.addi %mul3A_8, %mul3A_66 : i32
      %dma_start3A_68 = tpu.memref_slice %arg2[%add3A_67] : memref<331776xi32, #tpu.memory_space<hbm>> -> memref<128xi32, #tpu.memory_space<hbm>>
      %dma_start3A_69 = tpu.memref_slice %arg2[%add3A_67] : memref<331776xi32, #tpu.memory_space<hbm>> -> memref<128xi32, #tpu.memory_space<hbm>>
      tpu.enqueue_dma source(%dma_start3A_69 : memref<128xi32, #tpu.memory_space<hbm>>) target(%arg7 : memref<128xi32, #tpu.memory_space<vmem>>) target_semaphore(%arg9 : memref<!tpu.dma_semaphore, #tpu.memory_space<semaphore_mem>>)
      %add3A_70 = arith.constant 128 : i32
      %add3A_71 = arith.addi %mul3A_8, %add3A_70 : i32
      %dma_wait3A_72 = tpu.memref_slice %arg2[%add3A_71] : memref<331776xi32, #tpu.memory_space<hbm>> -> memref<128xi32, #tpu.memory_space<hbm>>
      %dma_wait3A_73 = tpu.memref_slice %arg2[%add3A_71] : memref<331776xi32, #tpu.memory_space<hbm>> -> memref<128xi32, #tpu.memory_space<hbm>>
      tpu.wait_dma2 semaphore(%arg10 : memref<!tpu.dma_semaphore, #tpu.memory_space<semaphore_mem>>) src(%dma_wait3A_73 : memref<128xi32, #tpu.memory_space<hbm>>) dst(%arg8 : memref<128xi32, #tpu.memory_space<vmem>>)
      "tpu.region"() ({
        %run_scoped3A = tpu.sem_alloc : memref<!tpu.dma_semaphore, #tpu.memory_space<semaphore_mem>>
        %dma_start3A_82 = arith.constant 0 : i32
        %dma_start3A_83 = arith.constant 0 : i32
        %dma_start3A_84 = tpu.memref_slice %arg4[%dma_start3A_82, %dma_start3A_83] : memref<10112x16xf32, #tpu.memory_space<vmem_shared>> -> memref<10112x16xf32, #tpu.memory_space<vmem_shared>>
        tpu.enqueue_indirect_dma source(%arg6 : memref<128x16xf32, #tpu.memory_space<vmem>>) target(%dma_start3A_84 : memref<10112x16xf32, #tpu.memory_space<vmem_shared>>) offsets(%arg8 : memref<128xi32, #tpu.memory_space<vmem>>) semaphore(%run_scoped3A : memref<!tpu.dma_semaphore, #tpu.memory_space<semaphore_mem>>) {add = true}
        %dma_wait3A_85 = arith.constant 0 : i32
        %dma_wait3A_86 = arith.constant 0 : i32
        %dma_wait3A_87 = tpu.memref_slice %arg4[%dma_wait3A_85, %dma_wait3A_86] : memref<10112x16xf32, #tpu.memory_space<vmem_shared>> -> memref<10112x16xf32, #tpu.memory_space<vmem_shared>>
        tpu.wait_indirect_dma semaphore(%run_scoped3A : memref<!tpu.dma_semaphore, #tpu.memory_space<semaphore_mem>>) src(%arg6 : memref<128x16xf32, #tpu.memory_space<vmem>>) dst(%dma_wait3A_87 : memref<10112x16xf32, #tpu.memory_space<vmem_shared>>)
        tpu.yield
      }) : () -> ()
      %add3A_74 = arith.constant 3 : i32
      %add3A_75 = arith.addi %mul3A_58, %add3A_74 : i32
      %mul3A_76 = arith.constant 128 : i32
      %mul3A_77 = arith.muli %add3A_75, %mul3A_76 : i32
      %add3A_78 = arith.addi %mul3A_8, %mul3A_77 : i32
      %dma_start3A_79 = tpu.memref_slice %arg2[%add3A_78] : memref<331776xi32, #tpu.memory_space<hbm>> -> memref<128xi32, #tpu.memory_space<hbm>>
      %dma_start3A_80 = tpu.memref_slice %arg2[%add3A_78] : memref<331776xi32, #tpu.memory_space<hbm>> -> memref<128xi32, #tpu.memory_space<hbm>>
      tpu.enqueue_dma source(%dma_start3A_80 : memref<128xi32, #tpu.memory_space<hbm>>) target(%arg8 : memref<128xi32, #tpu.memory_space<vmem>>) target_semaphore(%arg10 : memref<!tpu.dma_semaphore, #tpu.memory_space<semaphore_mem>>)
      %while3A_81 = arith.constant 0 : i32
      scf.yield %while3A_81 : i32
    }
    %add3A_45 = arith.constant 0 : i32
    %add3A_46 = arith.addi %mul3A_8, %add3A_45 : i32
    %dma_wait3A = tpu.memref_slice %arg2[%add3A_46] : memref<331776xi32, #tpu.memory_space<hbm>> -> memref<128xi32, #tpu.memory_space<hbm>>
    %dma_wait3A_47 = tpu.memref_slice %arg2[%add3A_46] : memref<331776xi32, #tpu.memory_space<hbm>> -> memref<128xi32, #tpu.memory_space<hbm>>
    tpu.wait_dma2 semaphore(%arg9 : memref<!tpu.dma_semaphore, #tpu.memory_space<semaphore_mem>>) src(%dma_wait3A_47 : memref<128xi32, #tpu.memory_space<hbm>>) dst(%arg7 : memref<128xi32, #tpu.memory_space<vmem>>)
    %add3A_48 = arith.constant 128 : i32
    %add3A_49 = arith.addi %mul3A_8, %add3A_48 : i32
    %dma_wait3A_50 = tpu.memref_slice %arg2[%add3A_49] : memref<331776xi32, #tpu.memory_space<hbm>> -> memref<128xi32, #tpu.memory_space<hbm>>
    %dma_wait3A_51 = tpu.memref_slice %arg2[%add3A_49] : memref<331776xi32, #tpu.memory_space<hbm>> -> memref<128xi32, #tpu.memory_space<hbm>>
    tpu.wait_dma2 semaphore(%arg10 : memref<!tpu.dma_semaphore, #tpu.memory_space<semaphore_mem>>) src(%dma_wait3A_51 : memref<128xi32, #tpu.memory_space<hbm>>) dst(%arg8 : memref<128xi32, #tpu.memory_space<vmem>>)
    %barrier3A_52 = arith.constant 0 : index
    tpu.barrier barrier_id(%barrier3A_52)
    %mul3A_53 = arith.constant 632 : i32
    %mul3A_54 = arith.muli %arg1, %mul3A_53 : i32
    "tpu.region"() ({
      %run_scoped3A = tpu.sem_alloc : memref<!tpu.dma_semaphore, #tpu.memory_space<semaphore_mem>>
      %dma_start3A_55 = arith.constant 0 : i32
      %dma_start3A_56 = tpu.memref_slice %arg3[%arg0, %mul3A_54, %dma_start3A_55] : memref<2x10112x16xf32, #tpu.memory_space<hbm>> -> memref<1x632x16xf32, #tpu.memory_space<hbm>>
      %dma_start3A_57 = tpu.memref_squeeze %dma_start3A_56 : memref<1x632x16xf32, #tpu.memory_space<hbm>> -> memref<632x16xf32, #tpu.memory_space<hbm>>
      %dma_start3A_58 = arith.constant 0 : i32
      %dma_start3A_59 = tpu.memref_slice %arg4[%mul3A_54, %dma_start3A_58] : memref<10112x16xf32, #tpu.memory_space<vmem_shared>> -> memref<632x16xf32, #tpu.memory_space<vmem_shared>>
      tpu.enqueue_dma source(%dma_start3A_59 : memref<632x16xf32, #tpu.memory_space<vmem_shared>>) target(%dma_start3A_57 : memref<632x16xf32, #tpu.memory_space<hbm>>) target_semaphore(%run_scoped3A : memref<!tpu.dma_semaphore, #tpu.memory_space<semaphore_mem>>)
      %dma_wait3A_60 = arith.constant 0 : i32
      %dma_wait3A_61 = tpu.memref_slice %arg3[%arg0, %mul3A_54, %dma_wait3A_60] : memref<2x10112x16xf32, #tpu.memory_space<hbm>> -> memref<1x632x16xf32, #tpu.memory_space<hbm>>
      %dma_wait3A_62 = tpu.memref_squeeze %dma_wait3A_61 : memref<1x632x16xf32, #tpu.memory_space<hbm>> -> memref<632x16xf32, #tpu.memory_space<hbm>>
      %dma_wait3A_63 = arith.constant 0 : i32
      %dma_wait3A_64 = tpu.memref_slice %arg4[%mul3A_54, %dma_wait3A_63] : memref<10112x16xf32, #tpu.memory_space<vmem_shared>> -> memref<632x16xf32, #tpu.memory_space<vmem_shared>>
      tpu.wait_dma2 semaphore(%run_scoped3A : memref<!tpu.dma_semaphore, #tpu.memory_space<semaphore_mem>>) src(%dma_wait3A_64 : memref<632x16xf32, #tpu.memory_space<vmem_shared>>) dst(%dma_wait3A_62 : memref<632x16xf32, #tpu.memory_space<hbm>>)
      tpu.yield
    }) : () -> ()
    return
  }
}

#map = affine_map<(d0, d1) -> (0, 0)>
#map1 = affine_map<(d0, d1) -> (0)>
#map2 = affine_map<(d0, d1) -> (0, 0, 0)>
module attributes {stable_mosaic.version = 14 : i64} {
  func.func @propagate(%arg0: i32, %arg1: i32, %arg2: memref<10000x128xf32, #tpu.memory_space<hbm>>, %arg3: memref<331776xi32, #tpu.memory_space<hbm>>, %arg4: memref<331776xi32, #tpu.memory_space<hbm>>, %arg5: memref<2x10112x128xf32, #tpu.memory_space<hbm>>, %arg6: memref<10112x128xf32, #tpu.memory_space<vmem_shared>>, %arg7: memref<128x128xf32, #tpu.memory_space<vmem>>, %arg8: memref<15616xi32, #tpu.memory_space<vmem>>, %arg9: memref<128xi32, #tpu.memory_space<vmem>>, %arg10: memref<128xi32, #tpu.memory_space<vmem>>, %arg11: memref<!tpu.dma_semaphore, #tpu.memory_space<semaphore_mem>>, %arg12: memref<!tpu.dma_semaphore, #tpu.memory_space<semaphore_mem>>, %arg13: memref<!tpu.dma_semaphore, #tpu.memory_space<semaphore_mem>>) attributes {dimension_semantics = [#tpu.dimension_semantics<core_parallel>, #tpu.dimension_semantics<subcore_parallel>], iteration_bounds = array<i64: 2, 16>, scalar_prefetch = 0 : i64, scratch_operands = 8 : i64, tpu.core_type = #tpu.core_type<sc_vector_subcore>, window_params = [{transform_indices = #map}, {transform_indices = #map1}, {transform_indices = #map1}, {transform_indices = #map2}]} {
    %mul3A = arith.constant -41 : i32
    %mul3A_0 = arith.muli %arg0, %mul3A : i32
    %add3A = arith.constant 60 : i32
    %add3A_1 = arith.addi %add3A, %mul3A_0 : i32
    %mul3A_2 = arith.constant 162 : i32
    %mul3A_3 = arith.muli %arg1, %mul3A_2 : i32
    %mul3A_4 = arith.constant 122 : i32
    %mul3A_5 = arith.muli %arg0, %mul3A_4 : i32
    %add3A_6 = arith.addi %mul3A_3, %mul3A_5 : i32
    %mul3A_7 = arith.constant 128 : i32
    %mul3A_8 = arith.muli %add3A_6, %mul3A_7 : i32
    %dma_start3A = tpu.memref_slice %arg3[%mul3A_8] : memref<331776xi32, #tpu.memory_space<hbm>> -> memref<15616xi32, #tpu.memory_space<hbm>>
    %dma_start3A_9 = tpu.memref_slice %arg3[%mul3A_8] : memref<331776xi32, #tpu.memory_space<hbm>> -> memref<15616xi32, #tpu.memory_space<hbm>>
    tpu.enqueue_dma source(%dma_start3A_9 : memref<15616xi32, #tpu.memory_space<hbm>>) target(%arg8 : memref<15616xi32, #tpu.memory_space<vmem>>) target_semaphore(%arg11 : memref<!tpu.dma_semaphore, #tpu.memory_space<semaphore_mem>>)
    %add3A_10 = arith.constant 0 : i32
    %add3A_11 = arith.addi %mul3A_8, %add3A_10 : i32
    %dma_start3A_12 = tpu.memref_slice %arg4[%add3A_11] : memref<331776xi32, #tpu.memory_space<hbm>> -> memref<128xi32, #tpu.memory_space<hbm>>
    %dma_start3A_13 = tpu.memref_slice %arg4[%add3A_11] : memref<331776xi32, #tpu.memory_space<hbm>> -> memref<128xi32, #tpu.memory_space<hbm>>
    tpu.enqueue_dma source(%dma_start3A_13 : memref<128xi32, #tpu.memory_space<hbm>>) target(%arg9 : memref<128xi32, #tpu.memory_space<vmem>>) target_semaphore(%arg12 : memref<!tpu.dma_semaphore, #tpu.memory_space<semaphore_mem>>)
    %add3A_14 = arith.constant 128 : i32
    %add3A_15 = arith.addi %mul3A_8, %add3A_14 : i32
    %dma_start3A_16 = tpu.memref_slice %arg4[%add3A_15] : memref<331776xi32, #tpu.memory_space<hbm>> -> memref<128xi32, #tpu.memory_space<hbm>>
    %dma_start3A_17 = tpu.memref_slice %arg4[%add3A_15] : memref<331776xi32, #tpu.memory_space<hbm>> -> memref<128xi32, #tpu.memory_space<hbm>>
    tpu.enqueue_dma source(%dma_start3A_17 : memref<128xi32, #tpu.memory_space<hbm>>) target(%arg10 : memref<128xi32, #tpu.memory_space<vmem>>) target_semaphore(%arg13 : memref<!tpu.dma_semaphore, #tpu.memory_space<semaphore_mem>>)
    %broadcast_in_dim3A = arith.constant 0.000000e+00 : f32
    %broadcast_in_dim3A_18 = vector.broadcast %broadcast_in_dim3A : f32 to vector<16xf32>
    %scan3A = arith.constant 0 : i32
    %scan3A_19 = arith.constant 0 : i32
    %scan3A_20 = arith.constant 128 : i32
    %scan3A_21 = arith.addi %scan3A_19, %scan3A_20 : i32
    %scan3A_22 = arith.constant 1 : i32
    %scan3A_23 = scf.for %scan3A_62 = %scan3A_19 to %scan3A_21 step %scan3A_22 iter_args(%scan3A_63 = %scan3A) -> (i32)  : i32 {
      %scan3A_64 = arith.constant 0 : i32
      %scan3A_65 = arith.constant 0 : i32
      %scan3A_66 = arith.constant 8 : i32
      %scan3A_67 = arith.addi %scan3A_65, %scan3A_66 : i32
      %scan3A_68 = arith.constant 1 : i32
      %scan3A_69 = scf.for %scan3A_71 = %scan3A_65 to %scan3A_67 step %scan3A_68 iter_args(%scan3A_72 = %scan3A_64) -> (i32)  : i32 {
        %mul3A_73 = arith.constant 16 : i32
        %mul3A_74 = arith.muli %scan3A_71, %mul3A_73 : i32
        %swap3A = arith.index_cast %scan3A_62 : i32 to index
        %swap3A_75 = arith.index_cast %mul3A_74 : i32 to index
        %swap3A_76 = tpu.vector_load %arg7[%swap3A, %swap3A_75] {strides = array<i32>} : memref<128x128xf32, #tpu.memory_space<vmem>>, vector<1x16xf32>,
        %swap3A_77 = vector.shape_cast %swap3A_76 : vector<1x16xf32> to vector<16xf32>
        %swap3A_78 = vector.shape_cast %broadcast_in_dim3A_18 : vector<16xf32> to vector<1x16xf32>
        tpu.vector_store %arg7[%swap3A, %swap3A_75], %swap3A_78 {strides = array<i32>} : memref<128x128xf32, #tpu.memory_space<vmem>>, vector<1x16xf32>,
        %scan3A_79 = arith.constant 0 : i32
        scf.yield %scan3A_79 : i32
      }
      %scan3A_70 = arith.constant 8 : i32
      scf.yield %scan3A_69 : i32
    }
    %scan3A_24 = arith.constant 128 : i32
    %mul3A_25 = arith.constant 632 : i32
    %mul3A_26 = arith.muli %arg1, %mul3A_25 : i32
    %add3A_27 = arith.constant 0 : i32
    %add3A_28 = arith.addi %mul3A_26, %add3A_27 : i32
    "tpu.region"() ({
      %run_scoped3A = tpu.sem_alloc : memref<!tpu.dma_semaphore, #tpu.memory_space<semaphore_mem>>
      %dma_start3A_62 = arith.constant 0 : i32
      %dma_start3A_63 = tpu.memref_slice %arg6[%add3A_28, %dma_start3A_62] : memref<10112x128xf32, #tpu.memory_space<vmem_shared>> -> memref<128x128xf32, #tpu.memory_space<vmem_shared>>
      %dma_start3A_64 = arith.constant 0 : i32
      %dma_start3A_65 = tpu.memref_slice %arg6[%add3A_28, %dma_start3A_64] : memref<10112x128xf32, #tpu.memory_space<vmem_shared>> -> memref<128x128xf32, #tpu.memory_space<vmem_shared>>
      tpu.enqueue_dma source(%arg7 : memref<128x128xf32, #tpu.memory_space<vmem>>) target(%dma_start3A_65 : memref<128x128xf32, #tpu.memory_space<vmem_shared>>) target_semaphore(%run_scoped3A : memref<!tpu.dma_semaphore, #tpu.memory_space<semaphore_mem>>)
      %dma_wait3A_66 = arith.constant 0 : i32
      %dma_wait3A_67 = tpu.memref_slice %arg6[%add3A_28, %dma_wait3A_66] : memref<10112x128xf32, #tpu.memory_space<vmem_shared>> -> memref<128x128xf32, #tpu.memory_space<vmem_shared>>
      %dma_wait3A_68 = arith.constant 0 : i32
      %dma_wait3A_69 = tpu.memref_slice %arg6[%add3A_28, %dma_wait3A_68] : memref<10112x128xf32, #tpu.memory_space<vmem_shared>> -> memref<128x128xf32, #tpu.memory_space<vmem_shared>>
      tpu.wait_dma2 semaphore(%run_scoped3A : memref<!tpu.dma_semaphore, #tpu.memory_space<semaphore_mem>>) src(%arg7 : memref<128x128xf32, #tpu.memory_space<vmem>>) dst(%dma_wait3A_69 : memref<128x128xf32, #tpu.memory_space<vmem_shared>>)
      tpu.yield
    }) : () -> ()
    %add3A_29 = arith.constant 128 : i32
    %add3A_30 = arith.addi %mul3A_26, %add3A_29 : i32
    "tpu.region"() ({
      %run_scoped3A = tpu.sem_alloc : memref<!tpu.dma_semaphore, #tpu.memory_space<semaphore_mem>>
      %dma_start3A_62 = arith.constant 0 : i32
      %dma_start3A_63 = tpu.memref_slice %arg6[%add3A_30, %dma_start3A_62] : memref<10112x128xf32, #tpu.memory_space<vmem_shared>> -> memref<128x128xf32, #tpu.memory_space<vmem_shared>>
      %dma_start3A_64 = arith.constant 0 : i32
      %dma_start3A_65 = tpu.memref_slice %arg6[%add3A_30, %dma_start3A_64] : memref<10112x128xf32, #tpu.memory_space<vmem_shared>> -> memref<128x128xf32, #tpu.memory_space<vmem_shared>>
      tpu.enqueue_dma source(%arg7 : memref<128x128xf32, #tpu.memory_space<vmem>>) target(%dma_start3A_65 : memref<128x128xf32, #tpu.memory_space<vmem_shared>>) target_semaphore(%run_scoped3A : memref<!tpu.dma_semaphore, #tpu.memory_space<semaphore_mem>>)
      %dma_wait3A_66 = arith.constant 0 : i32
      %dma_wait3A_67 = tpu.memref_slice %arg6[%add3A_30, %dma_wait3A_66] : memref<10112x128xf32, #tpu.memory_space<vmem_shared>> -> memref<128x128xf32, #tpu.memory_space<vmem_shared>>
      %dma_wait3A_68 = arith.constant 0 : i32
      %dma_wait3A_69 = tpu.memref_slice %arg6[%add3A_30, %dma_wait3A_68] : memref<10112x128xf32, #tpu.memory_space<vmem_shared>> -> memref<128x128xf32, #tpu.memory_space<vmem_shared>>
      tpu.wait_dma2 semaphore(%run_scoped3A : memref<!tpu.dma_semaphore, #tpu.memory_space<semaphore_mem>>) src(%arg7 : memref<128x128xf32, #tpu.memory_space<vmem>>) dst(%dma_wait3A_69 : memref<128x128xf32, #tpu.memory_space<vmem_shared>>)
      tpu.yield
    }) : () -> ()
    %add3A_31 = arith.constant 256 : i32
    %add3A_32 = arith.addi %mul3A_26, %add3A_31 : i32
    "tpu.region"() ({
      %run_scoped3A = tpu.sem_alloc : memref<!tpu.dma_semaphore, #tpu.memory_space<semaphore_mem>>
      %dma_start3A_62 = arith.constant 0 : i32
      %dma_start3A_63 = tpu.memref_slice %arg6[%add3A_32, %dma_start3A_62] : memref<10112x128xf32, #tpu.memory_space<vmem_shared>> -> memref<128x128xf32, #tpu.memory_space<vmem_shared>>
      %dma_start3A_64 = arith.constant 0 : i32
      %dma_start3A_65 = tpu.memref_slice %arg6[%add3A_32, %dma_start3A_64] : memref<10112x128xf32, #tpu.memory_space<vmem_shared>> -> memref<128x128xf32, #tpu.memory_space<vmem_shared>>
      tpu.enqueue_dma source(%arg7 : memref<128x128xf32, #tpu.memory_space<vmem>>) target(%dma_start3A_65 : memref<128x128xf32, #tpu.memory_space<vmem_shared>>) target_semaphore(%run_scoped3A : memref<!tpu.dma_semaphore, #tpu.memory_space<semaphore_mem>>)
      %dma_wait3A_66 = arith.constant 0 : i32
      %dma_wait3A_67 = tpu.memref_slice %arg6[%add3A_32, %dma_wait3A_66] : memref<10112x128xf32, #tpu.memory_space<vmem_shared>> -> memref<128x128xf32, #tpu.memory_space<vmem_shared>>
      %dma_wait3A_68 = arith.constant 0 : i32
      %dma_wait3A_69 = tpu.memref_slice %arg6[%add3A_32, %dma_wait3A_68] : memref<10112x128xf32, #tpu.memory_space<vmem_shared>> -> memref<128x128xf32, #tpu.memory_space<vmem_shared>>
      tpu.wait_dma2 semaphore(%run_scoped3A : memref<!tpu.dma_semaphore, #tpu.memory_space<semaphore_mem>>) src(%arg7 : memref<128x128xf32, #tpu.memory_space<vmem>>) dst(%dma_wait3A_69 : memref<128x128xf32, #tpu.memory_space<vmem_shared>>)
      tpu.yield
    }) : () -> ()
    %add3A_33 = arith.constant 384 : i32
    %add3A_34 = arith.addi %mul3A_26, %add3A_33 : i32
    "tpu.region"() ({
      %run_scoped3A = tpu.sem_alloc : memref<!tpu.dma_semaphore, #tpu.memory_space<semaphore_mem>>
      %dma_start3A_62 = arith.constant 0 : i32
      %dma_start3A_63 = tpu.memref_slice %arg6[%add3A_34, %dma_start3A_62] : memref<10112x128xf32, #tpu.memory_space<vmem_shared>> -> memref<128x128xf32, #tpu.memory_space<vmem_shared>>
      %dma_start3A_64 = arith.constant 0 : i32
      %dma_start3A_65 = tpu.memref_slice %arg6[%add3A_34, %dma_start3A_64] : memref<10112x128xf32, #tpu.memory_space<vmem_shared>> -> memref<128x128xf32, #tpu.memory_space<vmem_shared>>
      tpu.enqueue_dma source(%arg7 : memref<128x128xf32, #tpu.memory_space<vmem>>) target(%dma_start3A_65 : memref<128x128xf32, #tpu.memory_space<vmem_shared>>) target_semaphore(%run_scoped3A : memref<!tpu.dma_semaphore, #tpu.memory_space<semaphore_mem>>)
      %dma_wait3A_66 = arith.constant 0 : i32
      %dma_wait3A_67 = tpu.memref_slice %arg6[%add3A_34, %dma_wait3A_66] : memref<10112x128xf32, #tpu.memory_space<vmem_shared>> -> memref<128x128xf32, #tpu.memory_space<vmem_shared>>
      %dma_wait3A_68 = arith.constant 0 : i32
      %dma_wait3A_69 = tpu.memref_slice %arg6[%add3A_34, %dma_wait3A_68] : memref<10112x128xf32, #tpu.memory_space<vmem_shared>> -> memref<128x128xf32, #tpu.memory_space<vmem_shared>>
      tpu.wait_dma2 semaphore(%run_scoped3A : memref<!tpu.dma_semaphore, #tpu.memory_space<semaphore_mem>>) src(%arg7 : memref<128x128xf32, #tpu.memory_space<vmem>>) dst(%dma_wait3A_69 : memref<128x128xf32, #tpu.memory_space<vmem_shared>>)
      tpu.yield
    }) : () -> ()
    %add3A_35 = arith.constant 512 : i32
    %add3A_36 = arith.addi %mul3A_26, %add3A_35 : i32
    "tpu.region"() ({
      %run_scoped3A = tpu.sem_alloc : memref<!tpu.dma_semaphore, #tpu.memory_space<semaphore_mem>>
      %dma_start3A_62 = arith.constant 0 : i32
      %dma_start3A_63 = arith.constant 0 : i32
      %dma_start3A_64 = tpu.memref_slice %arg7[%dma_start3A_62, %dma_start3A_63] : memref<128x128xf32, #tpu.memory_space<vmem>> -> memref<120x128xf32, #tpu.memory_space<vmem>>
      %dma_start3A_65 = arith.constant 0 : i32
      %dma_start3A_66 = tpu.memref_slice %arg6[%add3A_36, %dma_start3A_65] : memref<10112x128xf32, #tpu.memory_space<vmem_shared>> -> memref<120x128xf32, #tpu.memory_space<vmem_shared>>
      %dma_start3A_67 = arith.constant 0 : i32
      %dma_start3A_68 = tpu.memref_slice %arg6[%add3A_36, %dma_start3A_67] : memref<10112x128xf32, #tpu.memory_space<vmem_shared>> -> memref<120x128xf32, #tpu.memory_space<vmem_shared>>
      %dma_start3A_69 = arith.constant 0 : i32
      %dma_start3A_70 = arith.constant 0 : i32
      %dma_start3A_71 = tpu.memref_slice %arg7[%dma_start3A_69, %dma_start3A_70] : memref<128x128xf32, #tpu.memory_space<vmem>> -> memref<120x128xf32, #tpu.memory_space<vmem>>
      tpu.enqueue_dma source(%dma_start3A_71 : memref<120x128xf32, #tpu.memory_space<vmem>>) target(%dma_start3A_68 : memref<120x128xf32, #tpu.memory_space<vmem_shared>>) target_semaphore(%run_scoped3A : memref<!tpu.dma_semaphore, #tpu.memory_space<semaphore_mem>>)
      %dma_wait3A_72 = arith.constant 0 : i32
      %dma_wait3A_73 = arith.constant 0 : i32
      %dma_wait3A_74 = tpu.memref_slice %arg7[%dma_wait3A_72, %dma_wait3A_73] : memref<128x128xf32, #tpu.memory_space<vmem>> -> memref<120x128xf32, #tpu.memory_space<vmem>>
      %dma_wait3A_75 = arith.constant 0 : i32
      %dma_wait3A_76 = tpu.memref_slice %arg6[%add3A_36, %dma_wait3A_75] : memref<10112x128xf32, #tpu.memory_space<vmem_shared>> -> memref<120x128xf32, #tpu.memory_space<vmem_shared>>
      %dma_wait3A_77 = arith.constant 0 : i32
      %dma_wait3A_78 = tpu.memref_slice %arg6[%add3A_36, %dma_wait3A_77] : memref<10112x128xf32, #tpu.memory_space<vmem_shared>> -> memref<120x128xf32, #tpu.memory_space<vmem_shared>>
      %dma_wait3A_79 = arith.constant 0 : i32
      %dma_wait3A_80 = arith.constant 0 : i32
      %dma_wait3A_81 = tpu.memref_slice %arg7[%dma_wait3A_79, %dma_wait3A_80] : memref<128x128xf32, #tpu.memory_space<vmem>> -> memref<120x128xf32, #tpu.memory_space<vmem>>
      tpu.wait_dma2 semaphore(%run_scoped3A : memref<!tpu.dma_semaphore, #tpu.memory_space<semaphore_mem>>) src(%dma_wait3A_81 : memref<120x128xf32, #tpu.memory_space<vmem>>) dst(%dma_wait3A_78 : memref<120x128xf32, #tpu.memory_space<vmem_shared>>)
      tpu.yield
    }) : () -> ()
    %dma_wait3A = arith.constant 0 : i32
    %dma_wait3A_37 = tpu.memref_slice %arg3[%dma_wait3A] : memref<331776xi32, #tpu.memory_space<hbm>> -> memref<15616xi32, #tpu.memory_space<hbm>>
    %dma_wait3A_38 = arith.constant 0 : i32
    %dma_wait3A_39 = tpu.memref_slice %arg3[%dma_wait3A_38] : memref<331776xi32, #tpu.memory_space<hbm>> -> memref<15616xi32, #tpu.memory_space<hbm>>
    tpu.wait_dma2 semaphore(%arg11 : memref<!tpu.dma_semaphore, #tpu.memory_space<semaphore_mem>>) src(%dma_wait3A_39 : memref<15616xi32, #tpu.memory_space<hbm>>) dst(%arg8 : memref<15616xi32, #tpu.memory_space<vmem>>)
    %barrier3A = arith.constant 0 : index
    tpu.barrier barrier_id(%barrier3A)
    %while3A = arith.constant 0 : i32
    %while3A_40 = arith.constant 0 : i32
    %while3A_41 = arith.subi %add3A_1, %while3A : i32
    %while3A_42 = arith.addi %while3A, %while3A_41 : i32
    %while3A_43 = arith.constant 1 : i32
    %while3A_44 = arith.divsi %while3A_41, %while3A_43 : i32
    %while3A_45 = arith.muli %while3A_44, %while3A_43 : i32
    %while3A_46 = arith.addi %while3A, %while3A_45 : i32
    %while3A_47 = arith.constant 1 : i32
    %while3A_48 = scf.for %while3A_62 = %while3A to %while3A_46 step %while3A_47 iter_args(%while3A_63 = %while3A_40) -> (i32)  : i32 {
      %mul3A_64 = arith.constant 2 : i32
      %mul3A_65 = arith.muli %mul3A_64, %while3A_62 : i32
      %mul3A_66 = arith.constant 128 : i32
      %mul3A_67 = arith.muli %mul3A_65, %mul3A_66 : i32
      %dma_start3A_68 = tpu.memref_slice %arg8[%mul3A_67] : memref<15616xi32, #tpu.memory_space<vmem>> -> memref<128xi32, #tpu.memory_space<vmem>>
      %dma_start3A_69 = arith.constant 0 : i32
      %dma_start3A_70 = arith.constant 0 : i32
      %dma_start3A_71 = tpu.memref_slice %arg2[%dma_start3A_69, %dma_start3A_70] : memref<10000x128xf32, #tpu.memory_space<hbm>> -> memref<10000x128xf32, #tpu.memory_space<hbm>>
      tpu.enqueue_indirect_dma source(%dma_start3A_71 : memref<10000x128xf32, #tpu.memory_space<hbm>>) target(%arg7 : memref<128x128xf32, #tpu.memory_space<vmem>>) offsets(%dma_start3A_68 : memref<128xi32, #tpu.memory_space<vmem>>) semaphore(%arg11 : memref<!tpu.dma_semaphore, #tpu.memory_space<semaphore_mem>>)
      %dma_wait3A_72 = tpu.memref_slice %arg8[%mul3A_67] : memref<15616xi32, #tpu.memory_space<vmem>> -> memref<128xi32, #tpu.memory_space<vmem>>
      %dma_wait3A_73 = arith.constant 0 : i32
      %dma_wait3A_74 = arith.constant 0 : i32
      %dma_wait3A_75 = tpu.memref_slice %arg2[%dma_wait3A_73, %dma_wait3A_74] : memref<10000x128xf32, #tpu.memory_space<hbm>> -> memref<10000x128xf32, #tpu.memory_space<hbm>>
      tpu.wait_indirect_dma semaphore(%arg11 : memref<!tpu.dma_semaphore, #tpu.memory_space<semaphore_mem>>) src(%dma_wait3A_75 : memref<10000x128xf32, #tpu.memory_space<hbm>>) dst(%arg7 : memref<128x128xf32, #tpu.memory_space<vmem>>)
      %add3A_76 = arith.constant 0 : i32
      %add3A_77 = arith.addi %mul3A_8, %add3A_76 : i32
      %dma_wait3A_78 = tpu.memref_slice %arg4[%add3A_77] : memref<331776xi32, #tpu.memory_space<hbm>> -> memref<128xi32, #tpu.memory_space<hbm>>
      %dma_wait3A_79 = tpu.memref_slice %arg4[%add3A_77] : memref<331776xi32, #tpu.memory_space<hbm>> -> memref<128xi32, #tpu.memory_space<hbm>>
      tpu.wait_dma2 semaphore(%arg12 : memref<!tpu.dma_semaphore, #tpu.memory_space<semaphore_mem>>) src(%dma_wait3A_79 : memref<128xi32, #tpu.memory_space<hbm>>) dst(%arg9 : memref<128xi32, #tpu.memory_space<vmem>>)
      "tpu.region"() ({
        %run_scoped3A = tpu.sem_alloc : memref<!tpu.dma_semaphore, #tpu.memory_space<semaphore_mem>>
        %dma_start3A_111 = arith.constant 0 : i32
        %dma_start3A_112 = arith.constant 0 : i32
        %dma_start3A_113 = tpu.memref_slice %arg6[%dma_start3A_111, %dma_start3A_112] : memref<10112x128xf32, #tpu.memory_space<vmem_shared>> -> memref<10112x128xf32, #tpu.memory_space<vmem_shared>>
        tpu.enqueue_indirect_dma source(%arg7 : memref<128x128xf32, #tpu.memory_space<vmem>>) target(%dma_start3A_113 : memref<10112x128xf32, #tpu.memory_space<vmem_shared>>) offsets(%arg9 : memref<128xi32, #tpu.memory_space<vmem>>) semaphore(%run_scoped3A : memref<!tpu.dma_semaphore, #tpu.memory_space<semaphore_mem>>) {add = true}
        %dma_wait3A_114 = arith.constant 0 : i32
        %dma_wait3A_115 = arith.constant 0 : i32
        %dma_wait3A_116 = tpu.memref_slice %arg6[%dma_wait3A_114, %dma_wait3A_115] : memref<10112x128xf32, #tpu.memory_space<vmem_shared>> -> memref<10112x128xf32, #tpu.memory_space<vmem_shared>>
        tpu.wait_indirect_dma semaphore(%run_scoped3A : memref<!tpu.dma_semaphore, #tpu.memory_space<semaphore_mem>>) src(%arg7 : memref<128x128xf32, #tpu.memory_space<vmem>>) dst(%dma_wait3A_116 : memref<10112x128xf32, #tpu.memory_space<vmem_shared>>)
        tpu.yield
      }) : () -> ()
      %add3A_80 = arith.constant 2 : i32
      %add3A_81 = arith.addi %mul3A_65, %add3A_80 : i32
      %mul3A_82 = arith.constant 128 : i32
      %mul3A_83 = arith.muli %add3A_81, %mul3A_82 : i32
      %add3A_84 = arith.addi %mul3A_8, %mul3A_83 : i32
      %dma_start3A_85 = tpu.memref_slice %arg4[%add3A_84] : memref<331776xi32, #tpu.memory_space<hbm>> -> memref<128xi32, #tpu.memory_space<hbm>>
      %dma_start3A_86 = tpu.memref_slice %arg4[%add3A_84] : memref<331776xi32, #tpu.memory_space<hbm>> -> memref<128xi32, #tpu.memory_space<hbm>>
      tpu.enqueue_dma source(%dma_start3A_86 : memref<128xi32, #tpu.memory_space<hbm>>) target(%arg9 : memref<128xi32, #tpu.memory_space<vmem>>) target_semaphore(%arg12 : memref<!tpu.dma_semaphore, #tpu.memory_space<semaphore_mem>>)
      %add3A_87 = arith.constant 1 : i32
      %add3A_88 = arith.addi %mul3A_65, %add3A_87 : i32
      %mul3A_89 = arith.constant 128 : i32
      %mul3A_90 = arith.muli %add3A_88, %mul3A_89 : i32
      %dma_start3A_91 = tpu.memref_slice %arg8[%mul3A_90] : memref<15616xi32, #tpu.memory_space<vmem>> -> memref<128xi32, #tpu.memory_space<vmem>>
      %dma_start3A_92 = arith.constant 0 : i32
      %dma_start3A_93 = arith.constant 0 : i32
      %dma_start3A_94 = tpu.memref_slice %arg2[%dma_start3A_92, %dma_start3A_93] : memref<10000x128xf32, #tpu.memory_space<hbm>> -> memref<10000x128xf32, #tpu.memory_space<hbm>>
      tpu.enqueue_indirect_dma source(%dma_start3A_94 : memref<10000x128xf32, #tpu.memory_space<hbm>>) target(%arg7 : memref<128x128xf32, #tpu.memory_space<vmem>>) offsets(%dma_start3A_91 : memref<128xi32, #tpu.memory_space<vmem>>) semaphore(%arg11 : memref<!tpu.dma_semaphore, #tpu.memory_space<semaphore_mem>>)
      %dma_wait3A_95 = tpu.memref_slice %arg8[%mul3A_90] : memref<15616xi32, #tpu.memory_space<vmem>> -> memref<128xi32, #tpu.memory_space<vmem>>
      %dma_wait3A_96 = arith.constant 0 : i32
      %dma_wait3A_97 = arith.constant 0 : i32
      %dma_wait3A_98 = tpu.memref_slice %arg2[%dma_wait3A_96, %dma_wait3A_97] : memref<10000x128xf32, #tpu.memory_space<hbm>> -> memref<10000x128xf32, #tpu.memory_space<hbm>>
      tpu.wait_indirect_dma semaphore(%arg11 : memref<!tpu.dma_semaphore, #tpu.memory_space<semaphore_mem>>) src(%dma_wait3A_98 : memref<10000x128xf32, #tpu.memory_space<hbm>>) dst(%arg7 : memref<128x128xf32, #tpu.memory_space<vmem>>)
      %add3A_99 = arith.constant 128 : i32
      %add3A_100 = arith.addi %mul3A_8, %add3A_99 : i32
      %dma_wait3A_101 = tpu.memref_slice %arg4[%add3A_100] : memref<331776xi32, #tpu.memory_space<hbm>> -> memref<128xi32, #tpu.memory_space<hbm>>
      %dma_wait3A_102 = tpu.memref_slice %arg4[%add3A_100] : memref<331776xi32, #tpu.memory_space<hbm>> -> memref<128xi32, #tpu.memory_space<hbm>>
      tpu.wait_dma2 semaphore(%arg13 : memref<!tpu.dma_semaphore, #tpu.memory_space<semaphore_mem>>) src(%dma_wait3A_102 : memref<128xi32, #tpu.memory_space<hbm>>) dst(%arg10 : memref<128xi32, #tpu.memory_space<vmem>>)
      "tpu.region"() ({
        %run_scoped3A = tpu.sem_alloc : memref<!tpu.dma_semaphore, #tpu.memory_space<semaphore_mem>>
        %dma_start3A_111 = arith.constant 0 : i32
        %dma_start3A_112 = arith.constant 0 : i32
        %dma_start3A_113 = tpu.memref_slice %arg6[%dma_start3A_111, %dma_start3A_112] : memref<10112x128xf32, #tpu.memory_space<vmem_shared>> -> memref<10112x128xf32, #tpu.memory_space<vmem_shared>>
        tpu.enqueue_indirect_dma source(%arg7 : memref<128x128xf32, #tpu.memory_space<vmem>>) target(%dma_start3A_113 : memref<10112x128xf32, #tpu.memory_space<vmem_shared>>) offsets(%arg10 : memref<128xi32, #tpu.memory_space<vmem>>) semaphore(%run_scoped3A : memref<!tpu.dma_semaphore, #tpu.memory_space<semaphore_mem>>) {add = true}
        %dma_wait3A_114 = arith.constant 0 : i32
        %dma_wait3A_115 = arith.constant 0 : i32
        %dma_wait3A_116 = tpu.memref_slice %arg6[%dma_wait3A_114, %dma_wait3A_115] : memref<10112x128xf32, #tpu.memory_space<vmem_shared>> -> memref<10112x128xf32, #tpu.memory_space<vmem_shared>>
        tpu.wait_indirect_dma semaphore(%run_scoped3A : memref<!tpu.dma_semaphore, #tpu.memory_space<semaphore_mem>>) src(%arg7 : memref<128x128xf32, #tpu.memory_space<vmem>>) dst(%dma_wait3A_116 : memref<10112x128xf32, #tpu.memory_space<vmem_shared>>)
        tpu.yield
      }) : () -> ()
      %add3A_103 = arith.constant 3 : i32
      %add3A_104 = arith.addi %mul3A_65, %add3A_103 : i32
      %mul3A_105 = arith.constant 128 : i32
      %mul3A_106 = arith.muli %add3A_104, %mul3A_105 : i32
      %add3A_107 = arith.addi %mul3A_8, %mul3A_106 : i32
      %dma_start3A_108 = tpu.memref_slice %arg4[%add3A_107] : memref<331776xi32, #tpu.memory_space<hbm>> -> memref<128xi32, #tpu.memory_space<hbm>>
      %dma_start3A_109 = tpu.memref_slice %arg4[%add3A_107] : memref<331776xi32, #tpu.memory_space<hbm>> -> memref<128xi32, #tpu.memory_space<hbm>>
      tpu.enqueue_dma source(%dma_start3A_109 : memref<128xi32, #tpu.memory_space<hbm>>) target(%arg10 : memref<128xi32, #tpu.memory_space<vmem>>) target_semaphore(%arg13 : memref<!tpu.dma_semaphore, #tpu.memory_space<semaphore_mem>>)
      %while3A_110 = arith.constant 0 : i32
      scf.yield %while3A_110 : i32
    }
    %while3A_49 = arith.constant 1 : i32
    %while3A_50 = scf.for %while3A_62 = %while3A_46 to %while3A_42 step %while3A_49 iter_args(%while3A_63 = %while3A_48) -> (i32)  : i32 {
      %mul3A_64 = arith.constant 2 : i32
      %mul3A_65 = arith.muli %mul3A_64, %while3A_62 : i32
      %mul3A_66 = arith.constant 128 : i32
      %mul3A_67 = arith.muli %mul3A_65, %mul3A_66 : i32
      %dma_start3A_68 = tpu.memref_slice %arg8[%mul3A_67] : memref<15616xi32, #tpu.memory_space<vmem>> -> memref<128xi32, #tpu.memory_space<vmem>>
      %dma_start3A_69 = arith.constant 0 : i32
      %dma_start3A_70 = arith.constant 0 : i32
      %dma_start3A_71 = tpu.memref_slice %arg2[%dma_start3A_69, %dma_start3A_70] : memref<10000x128xf32, #tpu.memory_space<hbm>> -> memref<10000x128xf32, #tpu.memory_space<hbm>>
      tpu.enqueue_indirect_dma source(%dma_start3A_71 : memref<10000x128xf32, #tpu.memory_space<hbm>>) target(%arg7 : memref<128x128xf32, #tpu.memory_space<vmem>>) offsets(%dma_start3A_68 : memref<128xi32, #tpu.memory_space<vmem>>) semaphore(%arg11 : memref<!tpu.dma_semaphore, #tpu.memory_space<semaphore_mem>>)
      %dma_wait3A_72 = tpu.memref_slice %arg8[%mul3A_67] : memref<15616xi32, #tpu.memory_space<vmem>> -> memref<128xi32, #tpu.memory_space<vmem>>
      %dma_wait3A_73 = arith.constant 0 : i32
      %dma_wait3A_74 = arith.constant 0 : i32
      %dma_wait3A_75 = tpu.memref_slice %arg2[%dma_wait3A_73, %dma_wait3A_74] : memref<10000x128xf32, #tpu.memory_space<hbm>> -> memref<10000x128xf32, #tpu.memory_space<hbm>>
      tpu.wait_indirect_dma semaphore(%arg11 : memref<!tpu.dma_semaphore, #tpu.memory_space<semaphore_mem>>) src(%dma_wait3A_75 : memref<10000x128xf32, #tpu.memory_space<hbm>>) dst(%arg7 : memref<128x128xf32, #tpu.memory_space<vmem>>)
      %add3A_76 = arith.constant 0 : i32
      %add3A_77 = arith.addi %mul3A_8, %add3A_76 : i32
      %dma_wait3A_78 = tpu.memref_slice %arg4[%add3A_77] : memref<331776xi32, #tpu.memory_space<hbm>> -> memref<128xi32, #tpu.memory_space<hbm>>
      %dma_wait3A_79 = tpu.memref_slice %arg4[%add3A_77] : memref<331776xi32, #tpu.memory_space<hbm>> -> memref<128xi32, #tpu.memory_space<hbm>>
      tpu.wait_dma2 semaphore(%arg12 : memref<!tpu.dma_semaphore, #tpu.memory_space<semaphore_mem>>) src(%dma_wait3A_79 : memref<128xi32, #tpu.memory_space<hbm>>) dst(%arg9 : memref<128xi32, #tpu.memory_space<vmem>>)
      "tpu.region"() ({
        %run_scoped3A = tpu.sem_alloc : memref<!tpu.dma_semaphore, #tpu.memory_space<semaphore_mem>>
        %dma_start3A_111 = arith.constant 0 : i32
        %dma_start3A_112 = arith.constant 0 : i32
        %dma_start3A_113 = tpu.memref_slice %arg6[%dma_start3A_111, %dma_start3A_112] : memref<10112x128xf32, #tpu.memory_space<vmem_shared>> -> memref<10112x128xf32, #tpu.memory_space<vmem_shared>>
        tpu.enqueue_indirect_dma source(%arg7 : memref<128x128xf32, #tpu.memory_space<vmem>>) target(%dma_start3A_113 : memref<10112x128xf32, #tpu.memory_space<vmem_shared>>) offsets(%arg9 : memref<128xi32, #tpu.memory_space<vmem>>) semaphore(%run_scoped3A : memref<!tpu.dma_semaphore, #tpu.memory_space<semaphore_mem>>) {add = true}
        %dma_wait3A_114 = arith.constant 0 : i32
        %dma_wait3A_115 = arith.constant 0 : i32
        %dma_wait3A_116 = tpu.memref_slice %arg6[%dma_wait3A_114, %dma_wait3A_115] : memref<10112x128xf32, #tpu.memory_space<vmem_shared>> -> memref<10112x128xf32, #tpu.memory_space<vmem_shared>>
        tpu.wait_indirect_dma semaphore(%run_scoped3A : memref<!tpu.dma_semaphore, #tpu.memory_space<semaphore_mem>>) src(%arg7 : memref<128x128xf32, #tpu.memory_space<vmem>>) dst(%dma_wait3A_116 : memref<10112x128xf32, #tpu.memory_space<vmem_shared>>)
        tpu.yield
      }) : () -> ()
      %add3A_80 = arith.constant 2 : i32
      %add3A_81 = arith.addi %mul3A_65, %add3A_80 : i32
      %mul3A_82 = arith.constant 128 : i32
      %mul3A_83 = arith.muli %add3A_81, %mul3A_82 : i32
      %add3A_84 = arith.addi %mul3A_8, %mul3A_83 : i32
      %dma_start3A_85 = tpu.memref_slice %arg4[%add3A_84] : memref<331776xi32, #tpu.memory_space<hbm>> -> memref<128xi32, #tpu.memory_space<hbm>>
      %dma_start3A_86 = tpu.memref_slice %arg4[%add3A_84] : memref<331776xi32, #tpu.memory_space<hbm>> -> memref<128xi32, #tpu.memory_space<hbm>>
      tpu.enqueue_dma source(%dma_start3A_86 : memref<128xi32, #tpu.memory_space<hbm>>) target(%arg9 : memref<128xi32, #tpu.memory_space<vmem>>) target_semaphore(%arg12 : memref<!tpu.dma_semaphore, #tpu.memory_space<semaphore_mem>>)
      %add3A_87 = arith.constant 1 : i32
      %add3A_88 = arith.addi %mul3A_65, %add3A_87 : i32
      %mul3A_89 = arith.constant 128 : i32
      %mul3A_90 = arith.muli %add3A_88, %mul3A_89 : i32
      %dma_start3A_91 = tpu.memref_slice %arg8[%mul3A_90] : memref<15616xi32, #tpu.memory_space<vmem>> -> memref<128xi32, #tpu.memory_space<vmem>>
      %dma_start3A_92 = arith.constant 0 : i32
      %dma_start3A_93 = arith.constant 0 : i32
      %dma_start3A_94 = tpu.memref_slice %arg2[%dma_start3A_92, %dma_start3A_93] : memref<10000x128xf32, #tpu.memory_space<hbm>> -> memref<10000x128xf32, #tpu.memory_space<hbm>>
      tpu.enqueue_indirect_dma source(%dma_start3A_94 : memref<10000x128xf32, #tpu.memory_space<hbm>>) target(%arg7 : memref<128x128xf32, #tpu.memory_space<vmem>>) offsets(%dma_start3A_91 : memref<128xi32, #tpu.memory_space<vmem>>) semaphore(%arg11 : memref<!tpu.dma_semaphore, #tpu.memory_space<semaphore_mem>>)
      %dma_wait3A_95 = tpu.memref_slice %arg8[%mul3A_90] : memref<15616xi32, #tpu.memory_space<vmem>> -> memref<128xi32, #tpu.memory_space<vmem>>
      %dma_wait3A_96 = arith.constant 0 : i32
      %dma_wait3A_97 = arith.constant 0 : i32
      %dma_wait3A_98 = tpu.memref_slice %arg2[%dma_wait3A_96, %dma_wait3A_97] : memref<10000x128xf32, #tpu.memory_space<hbm>> -> memref<10000x128xf32, #tpu.memory_space<hbm>>
      tpu.wait_indirect_dma semaphore(%arg11 : memref<!tpu.dma_semaphore, #tpu.memory_space<semaphore_mem>>) src(%dma_wait3A_98 : memref<10000x128xf32, #tpu.memory_space<hbm>>) dst(%arg7 : memref<128x128xf32, #tpu.memory_space<vmem>>)
      %add3A_99 = arith.constant 128 : i32
      %add3A_100 = arith.addi %mul3A_8, %add3A_99 : i32
      %dma_wait3A_101 = tpu.memref_slice %arg4[%add3A_100] : memref<331776xi32, #tpu.memory_space<hbm>> -> memref<128xi32, #tpu.memory_space<hbm>>
      %dma_wait3A_102 = tpu.memref_slice %arg4[%add3A_100] : memref<331776xi32, #tpu.memory_space<hbm>> -> memref<128xi32, #tpu.memory_space<hbm>>
      tpu.wait_dma2 semaphore(%arg13 : memref<!tpu.dma_semaphore, #tpu.memory_space<semaphore_mem>>) src(%dma_wait3A_102 : memref<128xi32, #tpu.memory_space<hbm>>) dst(%arg10 : memref<128xi32, #tpu.memory_space<vmem>>)
      "tpu.region"() ({
        %run_scoped3A = tpu.sem_alloc : memref<!tpu.dma_semaphore, #tpu.memory_space<semaphore_mem>>
        %dma_start3A_111 = arith.constant 0 : i32
        %dma_start3A_112 = arith.constant 0 : i32
        %dma_start3A_113 = tpu.memref_slice %arg6[%dma_start3A_111, %dma_start3A_112] : memref<10112x128xf32, #tpu.memory_space<vmem_shared>> -> memref<10112x128xf32, #tpu.memory_space<vmem_shared>>
        tpu.enqueue_indirect_dma source(%arg7 : memref<128x128xf32, #tpu.memory_space<vmem>>) target(%dma_start3A_113 : memref<10112x128xf32, #tpu.memory_space<vmem_shared>>) offsets(%arg10 : memref<128xi32, #tpu.memory_space<vmem>>) semaphore(%run_scoped3A : memref<!tpu.dma_semaphore, #tpu.memory_space<semaphore_mem>>) {add = true}
        %dma_wait3A_114 = arith.constant 0 : i32
        %dma_wait3A_115 = arith.constant 0 : i32
        %dma_wait3A_116 = tpu.memref_slice %arg6[%dma_wait3A_114, %dma_wait3A_115] : memref<10112x128xf32, #tpu.memory_space<vmem_shared>> -> memref<10112x128xf32, #tpu.memory_space<vmem_shared>>
        tpu.wait_indirect_dma semaphore(%run_scoped3A : memref<!tpu.dma_semaphore, #tpu.memory_space<semaphore_mem>>) src(%arg7 : memref<128x128xf32, #tpu.memory_space<vmem>>) dst(%dma_wait3A_116 : memref<10112x128xf32, #tpu.memory_space<vmem_shared>>)
        tpu.yield
      }) : () -> ()
      %add3A_103 = arith.constant 3 : i32
      %add3A_104 = arith.addi %mul3A_65, %add3A_103 : i32
      %mul3A_105 = arith.constant 128 : i32
      %mul3A_106 = arith.muli %add3A_104, %mul3A_105 : i32
      %add3A_107 = arith.addi %mul3A_8, %mul3A_106 : i32
      %dma_start3A_108 = tpu.memref_slice %arg4[%add3A_107] : memref<331776xi32, #tpu.memory_space<hbm>> -> memref<128xi32, #tpu.memory_space<hbm>>
      %dma_start3A_109 = tpu.memref_slice %arg4[%add3A_107] : memref<331776xi32, #tpu.memory_space<hbm>> -> memref<128xi32, #tpu.memory_space<hbm>>
      tpu.enqueue_dma source(%dma_start3A_109 : memref<128xi32, #tpu.memory_space<hbm>>) target(%arg10 : memref<128xi32, #tpu.memory_space<vmem>>) target_semaphore(%arg13 : memref<!tpu.dma_semaphore, #tpu.memory_space<semaphore_mem>>)
      %while3A_110 = arith.constant 0 : i32
      scf.yield %while3A_110 : i32
    }
    %add3A_51 = arith.constant 0 : i32
    %add3A_52 = arith.addi %mul3A_8, %add3A_51 : i32
    %dma_wait3A_53 = tpu.memref_slice %arg4[%add3A_52] : memref<331776xi32, #tpu.memory_space<hbm>> -> memref<128xi32, #tpu.memory_space<hbm>>
    %dma_wait3A_54 = tpu.memref_slice %arg4[%add3A_52] : memref<331776xi32, #tpu.memory_space<hbm>> -> memref<128xi32, #tpu.memory_space<hbm>>
    tpu.wait_dma2 semaphore(%arg12 : memref<!tpu.dma_semaphore, #tpu.memory_space<semaphore_mem>>) src(%dma_wait3A_54 : memref<128xi32, #tpu.memory_space<hbm>>) dst(%arg9 : memref<128xi32, #tpu.memory_space<vmem>>)
    %add3A_55 = arith.constant 128 : i32
    %add3A_56 = arith.addi %mul3A_8, %add3A_55 : i32
    %dma_wait3A_57 = tpu.memref_slice %arg4[%add3A_56] : memref<331776xi32, #tpu.memory_space<hbm>> -> memref<128xi32, #tpu.memory_space<hbm>>
    %dma_wait3A_58 = tpu.memref_slice %arg4[%add3A_56] : memref<331776xi32, #tpu.memory_space<hbm>> -> memref<128xi32, #tpu.memory_space<hbm>>
    tpu.wait_dma2 semaphore(%arg13 : memref<!tpu.dma_semaphore, #tpu.memory_space<semaphore_mem>>) src(%dma_wait3A_58 : memref<128xi32, #tpu.memory_space<hbm>>) dst(%arg10 : memref<128xi32, #tpu.memory_space<vmem>>)
    %barrier3A_59 = arith.constant 0 : index
    tpu.barrier barrier_id(%barrier3A_59)
    %mul3A_60 = arith.constant 632 : i32
    %mul3A_61 = arith.muli %arg1, %mul3A_60 : i32
    "tpu.region"() ({
      %run_scoped3A = tpu.sem_alloc : memref<!tpu.dma_semaphore, #tpu.memory_space<semaphore_mem>>
      %dma_start3A_62 = arith.constant 0 : i32
      %dma_start3A_63 = tpu.memref_slice %arg5[%arg0, %mul3A_61, %dma_start3A_62] : memref<2x10112x128xf32, #tpu.memory_space<hbm>> -> memref<1x632x128xf32, #tpu.memory_space<hbm>>
      %dma_start3A_64 = tpu.memref_squeeze %dma_start3A_63 : memref<1x632x128xf32, #tpu.memory_space<hbm>> -> memref<632x128xf32, #tpu.memory_space<hbm>>
      %dma_start3A_65 = arith.constant 0 : i32
      %dma_start3A_66 = tpu.memref_slice %arg6[%mul3A_61, %dma_start3A_65] : memref<10112x128xf32, #tpu.memory_space<vmem_shared>> -> memref<632x128xf32, #tpu.memory_space<vmem_shared>>
      tpu.enqueue_dma source(%dma_start3A_66 : memref<632x128xf32, #tpu.memory_space<vmem_shared>>) target(%dma_start3A_64 : memref<632x128xf32, #tpu.memory_space<hbm>>) target_semaphore(%run_scoped3A : memref<!tpu.dma_semaphore, #tpu.memory_space<semaphore_mem>>)
      %dma_wait3A_67 = arith.constant 0 : i32
      %dma_wait3A_68 = tpu.memref_slice %arg5[%arg0, %mul3A_61, %dma_wait3A_67] : memref<2x10112x128xf32, #tpu.memory_space<hbm>> -> memref<1x632x128xf32, #tpu.memory_space<hbm>>
      %dma_wait3A_69 = tpu.memref_squeeze %dma_wait3A_68 : memref<1x632x128xf32, #tpu.memory_space<hbm>> -> memref<632x128xf32, #tpu.memory_space<hbm>>
      %dma_wait3A_70 = arith.constant 0 : i32
      %dma_wait3A_71 = tpu.memref_slice %arg6[%mul3A_61, %dma_wait3A_70] : memref<10112x128xf32, #tpu.memory_space<vmem_shared>> -> memref<632x128xf32, #tpu.memory_space<vmem_shared>>
      tpu.wait_dma2 semaphore(%run_scoped3A : memref<!tpu.dma_semaphore, #tpu.memory_space<semaphore_mem>>) src(%dma_wait3A_71 : memref<632x128xf32, #tpu.memory_space<vmem_shared>>) dst(%dma_wait3A_69 : memref<632x128xf32, #tpu.memory_space<hbm>>)
      tpu.yield
    }) : () -> ()
    return
  }
}

#map = affine_map<(d0, d1) -> (0, 0)>
#map1 = affine_map<(d0, d1) -> (0)>
#map2 = affine_map<(d0, d1) -> (0, 0, 0)>
module attributes {stable_mosaic.version = 14 : i64} {
  func.func @propagate(%arg0: i32, %arg1: i32, %arg2: memref<10000x128xf32, #tpu.memory_space<hbm>>, %arg3: memref<331776xi32, #tpu.memory_space<hbm>>, %arg4: memref<331776xi32, #tpu.memory_space<hbm>>, %arg5: memref<2x10112x128xf32, #tpu.memory_space<hbm>>, %arg6: memref<10112x128xf32, #tpu.memory_space<vmem_shared>>, %arg7: memref<128x128xf32, #tpu.memory_space<vmem>>, %arg8: memref<15616xi32, #tpu.memory_space<vmem>>, %arg9: memref<128xi32, #tpu.memory_space<vmem>>, %arg10: memref<128xi32, #tpu.memory_space<vmem>>, %arg11: memref<!tpu.dma_semaphore, #tpu.memory_space<semaphore_mem>>, %arg12: memref<!tpu.dma_semaphore, #tpu.memory_space<semaphore_mem>>, %arg13: memref<!tpu.dma_semaphore, #tpu.memory_space<semaphore_mem>>) attributes {dimension_semantics = [#tpu.dimension_semantics<core_parallel>, #tpu.dimension_semantics<subcore_parallel>], iteration_bounds = array<i64: 2, 16>, scalar_prefetch = 0 : i64, scratch_operands = 8 : i64, tpu.core_type = #tpu.core_type<sc_vector_subcore>, window_params = [{transform_indices = #map}, {transform_indices = #map1}, {transform_indices = #map1}, {transform_indices = #map2}]} {
    %mul3A = arith.constant -41 : i32
    %mul3A_0 = arith.muli %arg0, %mul3A : i32
    %add3A = arith.constant 60 : i32
    %add3A_1 = arith.addi %add3A, %mul3A_0 : i32
    %mul3A_2 = arith.constant 162 : i32
    %mul3A_3 = arith.muli %arg1, %mul3A_2 : i32
    %mul3A_4 = arith.constant 122 : i32
    %mul3A_5 = arith.muli %arg0, %mul3A_4 : i32
    %add3A_6 = arith.addi %mul3A_3, %mul3A_5 : i32
    %mul3A_7 = arith.constant 128 : i32
    %mul3A_8 = arith.muli %add3A_6, %mul3A_7 : i32
    %dma_start3A = tpu.memref_slice %arg3[%mul3A_8] : memref<331776xi32, #tpu.memory_space<hbm>> -> memref<15616xi32, #tpu.memory_space<hbm>>
    %dma_start3A_9 = tpu.memref_slice %arg3[%mul3A_8] : memref<331776xi32, #tpu.memory_space<hbm>> -> memref<15616xi32, #tpu.memory_space<hbm>>
    tpu.enqueue_dma source(%dma_start3A_9 : memref<15616xi32, #tpu.memory_space<hbm>>) target(%arg8 : memref<15616xi32, #tpu.memory_space<vmem>>) target_semaphore(%arg11 : memref<!tpu.dma_semaphore, #tpu.memory_space<semaphore_mem>>)
    %add3A_10 = arith.constant 0 : i32
    %add3A_11 = arith.addi %mul3A_8, %add3A_10 : i32
    %dma_start3A_12 = tpu.memref_slice %arg4[%add3A_11] : memref<331776xi32, #tpu.memory_space<hbm>> -> memref<128xi32, #tpu.memory_space<hbm>>
    %dma_start3A_13 = tpu.memref_slice %arg4[%add3A_11] : memref<331776xi32, #tpu.memory_space<hbm>> -> memref<128xi32, #tpu.memory_space<hbm>>
    tpu.enqueue_dma source(%dma_start3A_13 : memref<128xi32, #tpu.memory_space<hbm>>) target(%arg9 : memref<128xi32, #tpu.memory_space<vmem>>) target_semaphore(%arg12 : memref<!tpu.dma_semaphore, #tpu.memory_space<semaphore_mem>>)
    %add3A_14 = arith.constant 128 : i32
    %add3A_15 = arith.addi %mul3A_8, %add3A_14 : i32
    %dma_start3A_16 = tpu.memref_slice %arg4[%add3A_15] : memref<331776xi32, #tpu.memory_space<hbm>> -> memref<128xi32, #tpu.memory_space<hbm>>
    %dma_start3A_17 = tpu.memref_slice %arg4[%add3A_15] : memref<331776xi32, #tpu.memory_space<hbm>> -> memref<128xi32, #tpu.memory_space<hbm>>
    tpu.enqueue_dma source(%dma_start3A_17 : memref<128xi32, #tpu.memory_space<hbm>>) target(%arg10 : memref<128xi32, #tpu.memory_space<vmem>>) target_semaphore(%arg13 : memref<!tpu.dma_semaphore, #tpu.memory_space<semaphore_mem>>)
    %broadcast_in_dim3A = arith.constant 0.000000e+00 : f32
    %broadcast_in_dim3A_18 = vector.broadcast %broadcast_in_dim3A : f32 to vector<16xf32>
    %scan3A = arith.constant 0 : i32
    %scan3A_19 = arith.constant 0 : i32
    %scan3A_20 = arith.constant 128 : i32
    %scan3A_21 = arith.addi %scan3A_19, %scan3A_20 : i32
    %scan3A_22 = arith.constant 1 : i32
    %scan3A_23 = scf.for %scan3A_62 = %scan3A_19 to %scan3A_21 step %scan3A_22 iter_args(%scan3A_63 = %scan3A) -> (i32)  : i32 {
      %scan3A_64 = arith.constant 0 : i32
      %scan3A_65 = arith.constant 0 : i32
      %scan3A_66 = arith.constant 8 : i32
      %scan3A_67 = arith.addi %scan3A_65, %scan3A_66 : i32
      %scan3A_68 = arith.constant 1 : i32
      %scan3A_69 = scf.for %scan3A_71 = %scan3A_65 to %scan3A_67 step %scan3A_68 iter_args(%scan3A_72 = %scan3A_64) -> (i32)  : i32 {
        %mul3A_73 = arith.constant 16 : i32
        %mul3A_74 = arith.muli %scan3A_71, %mul3A_73 : i32
        %swap3A = arith.index_cast %scan3A_62 : i32 to index
        %swap3A_75 = arith.index_cast %mul3A_74 : i32 to index
        %swap3A_76 = tpu.vector_load %arg7[%swap3A, %swap3A_75] {strides = array<i32>} : memref<128x128xf32, #tpu.memory_space<vmem>>, vector<1x16xf32>,
        %swap3A_77 = vector.shape_cast %swap3A_76 : vector<1x16xf32> to vector<16xf32>
        %swap3A_78 = vector.shape_cast %broadcast_in_dim3A_18 : vector<16xf32> to vector<1x16xf32>
        tpu.vector_store %arg7[%swap3A, %swap3A_75], %swap3A_78 {strides = array<i32>} : memref<128x128xf32, #tpu.memory_space<vmem>>, vector<1x16xf32>,
        %scan3A_79 = arith.constant 0 : i32
        scf.yield %scan3A_79 : i32
      }
      %scan3A_70 = arith.constant 8 : i32
      scf.yield %scan3A_69 : i32
    }
    %scan3A_24 = arith.constant 128 : i32
    %mul3A_25 = arith.constant 632 : i32
    %mul3A_26 = arith.muli %arg1, %mul3A_25 : i32
    %add3A_27 = arith.constant 0 : i32
    %add3A_28 = arith.addi %mul3A_26, %add3A_27 : i32
    "tpu.region"() ({
      %run_scoped3A = tpu.sem_alloc : memref<!tpu.dma_semaphore, #tpu.memory_space<semaphore_mem>>
      %dma_start3A_62 = arith.constant 0 : i32
      %dma_start3A_63 = tpu.memref_slice %arg6[%add3A_28, %dma_start3A_62] : memref<10112x128xf32, #tpu.memory_space<vmem_shared>> -> memref<128x128xf32, #tpu.memory_space<vmem_shared>>
      %dma_start3A_64 = arith.constant 0 : i32
      %dma_start3A_65 = tpu.memref_slice %arg6[%add3A_28, %dma_start3A_64] : memref<10112x128xf32, #tpu.memory_space<vmem_shared>> -> memref<128x128xf32, #tpu.memory_space<vmem_shared>>
      tpu.enqueue_dma source(%arg7 : memref<128x128xf32, #tpu.memory_space<vmem>>) target(%dma_start3A_65 : memref<128x128xf32, #tpu.memory_space<vmem_shared>>) target_semaphore(%run_scoped3A : memref<!tpu.dma_semaphore, #tpu.memory_space<semaphore_mem>>)
      %dma_wait3A_66 = arith.constant 0 : i32
      %dma_wait3A_67 = tpu.memref_slice %arg6[%add3A_28, %dma_wait3A_66] : memref<10112x128xf32, #tpu.memory_space<vmem_shared>> -> memref<128x128xf32, #tpu.memory_space<vmem_shared>>
      %dma_wait3A_68 = arith.constant 0 : i32
      %dma_wait3A_69 = tpu.memref_slice %arg6[%add3A_28, %dma_wait3A_68] : memref<10112x128xf32, #tpu.memory_space<vmem_shared>> -> memref<128x128xf32, #tpu.memory_space<vmem_shared>>
      tpu.wait_dma2 semaphore(%run_scoped3A : memref<!tpu.dma_semaphore, #tpu.memory_space<semaphore_mem>>) src(%arg7 : memref<128x128xf32, #tpu.memory_space<vmem>>) dst(%dma_wait3A_69 : memref<128x128xf32, #tpu.memory_space<vmem_shared>>)
      tpu.yield
    }) : () -> ()
    %add3A_29 = arith.constant 128 : i32
    %add3A_30 = arith.addi %mul3A_26, %add3A_29 : i32
    "tpu.region"() ({
      %run_scoped3A = tpu.sem_alloc : memref<!tpu.dma_semaphore, #tpu.memory_space<semaphore_mem>>
      %dma_start3A_62 = arith.constant 0 : i32
      %dma_start3A_63 = tpu.memref_slice %arg6[%add3A_30, %dma_start3A_62] : memref<10112x128xf32, #tpu.memory_space<vmem_shared>> -> memref<128x128xf32, #tpu.memory_space<vmem_shared>>
      %dma_start3A_64 = arith.constant 0 : i32
      %dma_start3A_65 = tpu.memref_slice %arg6[%add3A_30, %dma_start3A_64] : memref<10112x128xf32, #tpu.memory_space<vmem_shared>> -> memref<128x128xf32, #tpu.memory_space<vmem_shared>>
      tpu.enqueue_dma source(%arg7 : memref<128x128xf32, #tpu.memory_space<vmem>>) target(%dma_start3A_65 : memref<128x128xf32, #tpu.memory_space<vmem_shared>>) target_semaphore(%run_scoped3A : memref<!tpu.dma_semaphore, #tpu.memory_space<semaphore_mem>>)
      %dma_wait3A_66 = arith.constant 0 : i32
      %dma_wait3A_67 = tpu.memref_slice %arg6[%add3A_30, %dma_wait3A_66] : memref<10112x128xf32, #tpu.memory_space<vmem_shared>> -> memref<128x128xf32, #tpu.memory_space<vmem_shared>>
      %dma_wait3A_68 = arith.constant 0 : i32
      %dma_wait3A_69 = tpu.memref_slice %arg6[%add3A_30, %dma_wait3A_68] : memref<10112x128xf32, #tpu.memory_space<vmem_shared>> -> memref<128x128xf32, #tpu.memory_space<vmem_shared>>
      tpu.wait_dma2 semaphore(%run_scoped3A : memref<!tpu.dma_semaphore, #tpu.memory_space<semaphore_mem>>) src(%arg7 : memref<128x128xf32, #tpu.memory_space<vmem>>) dst(%dma_wait3A_69 : memref<128x128xf32, #tpu.memory_space<vmem_shared>>)
      tpu.yield
    }) : () -> ()
    %add3A_31 = arith.constant 256 : i32
    %add3A_32 = arith.addi %mul3A_26, %add3A_31 : i32
    "tpu.region"() ({
      %run_scoped3A = tpu.sem_alloc : memref<!tpu.dma_semaphore, #tpu.memory_space<semaphore_mem>>
      %dma_start3A_62 = arith.constant 0 : i32
      %dma_start3A_63 = tpu.memref_slice %arg6[%add3A_32, %dma_start3A_62] : memref<10112x128xf32, #tpu.memory_space<vmem_shared>> -> memref<128x128xf32, #tpu.memory_space<vmem_shared>>
      %dma_start3A_64 = arith.constant 0 : i32
      %dma_start3A_65 = tpu.memref_slice %arg6[%add3A_32, %dma_start3A_64] : memref<10112x128xf32, #tpu.memory_space<vmem_shared>> -> memref<128x128xf32, #tpu.memory_space<vmem_shared>>
      tpu.enqueue_dma source(%arg7 : memref<128x128xf32, #tpu.memory_space<vmem>>) target(%dma_start3A_65 : memref<128x128xf32, #tpu.memory_space<vmem_shared>>) target_semaphore(%run_scoped3A : memref<!tpu.dma_semaphore, #tpu.memory_space<semaphore_mem>>)
      %dma_wait3A_66 = arith.constant 0 : i32
      %dma_wait3A_67 = tpu.memref_slice %arg6[%add3A_32, %dma_wait3A_66] : memref<10112x128xf32, #tpu.memory_space<vmem_shared>> -> memref<128x128xf32, #tpu.memory_space<vmem_shared>>
      %dma_wait3A_68 = arith.constant 0 : i32
      %dma_wait3A_69 = tpu.memref_slice %arg6[%add3A_32, %dma_wait3A_68] : memref<10112x128xf32, #tpu.memory_space<vmem_shared>> -> memref<128x128xf32, #tpu.memory_space<vmem_shared>>
      tpu.wait_dma2 semaphore(%run_scoped3A : memref<!tpu.dma_semaphore, #tpu.memory_space<semaphore_mem>>) src(%arg7 : memref<128x128xf32, #tpu.memory_space<vmem>>) dst(%dma_wait3A_69 : memref<128x128xf32, #tpu.memory_space<vmem_shared>>)
      tpu.yield
    }) : () -> ()
    %add3A_33 = arith.constant 384 : i32
    %add3A_34 = arith.addi %mul3A_26, %add3A_33 : i32
    "tpu.region"() ({
      %run_scoped3A = tpu.sem_alloc : memref<!tpu.dma_semaphore, #tpu.memory_space<semaphore_mem>>
      %dma_start3A_62 = arith.constant 0 : i32
      %dma_start3A_63 = tpu.memref_slice %arg6[%add3A_34, %dma_start3A_62] : memref<10112x128xf32, #tpu.memory_space<vmem_shared>> -> memref<128x128xf32, #tpu.memory_space<vmem_shared>>
      %dma_start3A_64 = arith.constant 0 : i32
      %dma_start3A_65 = tpu.memref_slice %arg6[%add3A_34, %dma_start3A_64] : memref<10112x128xf32, #tpu.memory_space<vmem_shared>> -> memref<128x128xf32, #tpu.memory_space<vmem_shared>>
      tpu.enqueue_dma source(%arg7 : memref<128x128xf32, #tpu.memory_space<vmem>>) target(%dma_start3A_65 : memref<128x128xf32, #tpu.memory_space<vmem_shared>>) target_semaphore(%run_scoped3A : memref<!tpu.dma_semaphore, #tpu.memory_space<semaphore_mem>>)
      %dma_wait3A_66 = arith.constant 0 : i32
      %dma_wait3A_67 = tpu.memref_slice %arg6[%add3A_34, %dma_wait3A_66] : memref<10112x128xf32, #tpu.memory_space<vmem_shared>> -> memref<128x128xf32, #tpu.memory_space<vmem_shared>>
      %dma_wait3A_68 = arith.constant 0 : i32
      %dma_wait3A_69 = tpu.memref_slice %arg6[%add3A_34, %dma_wait3A_68] : memref<10112x128xf32, #tpu.memory_space<vmem_shared>> -> memref<128x128xf32, #tpu.memory_space<vmem_shared>>
      tpu.wait_dma2 semaphore(%run_scoped3A : memref<!tpu.dma_semaphore, #tpu.memory_space<semaphore_mem>>) src(%arg7 : memref<128x128xf32, #tpu.memory_space<vmem>>) dst(%dma_wait3A_69 : memref<128x128xf32, #tpu.memory_space<vmem_shared>>)
      tpu.yield
    }) : () -> ()
    %add3A_35 = arith.constant 512 : i32
    %add3A_36 = arith.addi %mul3A_26, %add3A_35 : i32
    "tpu.region"() ({
      %run_scoped3A = tpu.sem_alloc : memref<!tpu.dma_semaphore, #tpu.memory_space<semaphore_mem>>
      %dma_start3A_62 = arith.constant 0 : i32
      %dma_start3A_63 = arith.constant 0 : i32
      %dma_start3A_64 = tpu.memref_slice %arg7[%dma_start3A_62, %dma_start3A_63] : memref<128x128xf32, #tpu.memory_space<vmem>> -> memref<120x128xf32, #tpu.memory_space<vmem>>
      %dma_start3A_65 = arith.constant 0 : i32
      %dma_start3A_66 = tpu.memref_slice %arg6[%add3A_36, %dma_start3A_65] : memref<10112x128xf32, #tpu.memory_space<vmem_shared>> -> memref<120x128xf32, #tpu.memory_space<vmem_shared>>
      %dma_start3A_67 = arith.constant 0 : i32
      %dma_start3A_68 = tpu.memref_slice %arg6[%add3A_36, %dma_start3A_67] : memref<10112x128xf32, #tpu.memory_space<vmem_shared>> -> memref<120x128xf32, #tpu.memory_space<vmem_shared>>
      %dma_start3A_69 = arith.constant 0 : i32
      %dma_start3A_70 = arith.constant 0 : i32
      %dma_start3A_71 = tpu.memref_slice %arg7[%dma_start3A_69, %dma_start3A_70] : memref<128x128xf32, #tpu.memory_space<vmem>> -> memref<120x128xf32, #tpu.memory_space<vmem>>
      tpu.enqueue_dma source(%dma_start3A_71 : memref<120x128xf32, #tpu.memory_space<vmem>>) target(%dma_start3A_68 : memref<120x128xf32, #tpu.memory_space<vmem_shared>>) target_semaphore(%run_scoped3A : memref<!tpu.dma_semaphore, #tpu.memory_space<semaphore_mem>>)
      %dma_wait3A_72 = arith.constant 0 : i32
      %dma_wait3A_73 = arith.constant 0 : i32
      %dma_wait3A_74 = tpu.memref_slice %arg7[%dma_wait3A_72, %dma_wait3A_73] : memref<128x128xf32, #tpu.memory_space<vmem>> -> memref<120x128xf32, #tpu.memory_space<vmem>>
      %dma_wait3A_75 = arith.constant 0 : i32
      %dma_wait3A_76 = tpu.memref_slice %arg6[%add3A_36, %dma_wait3A_75] : memref<10112x128xf32, #tpu.memory_space<vmem_shared>> -> memref<120x128xf32, #tpu.memory_space<vmem_shared>>
      %dma_wait3A_77 = arith.constant 0 : i32
      %dma_wait3A_78 = tpu.memref_slice %arg6[%add3A_36, %dma_wait3A_77] : memref<10112x128xf32, #tpu.memory_space<vmem_shared>> -> memref<120x128xf32, #tpu.memory_space<vmem_shared>>
      %dma_wait3A_79 = arith.constant 0 : i32
      %dma_wait3A_80 = arith.constant 0 : i32
      %dma_wait3A_81 = tpu.memref_slice %arg7[%dma_wait3A_79, %dma_wait3A_80] : memref<128x128xf32, #tpu.memory_space<vmem>> -> memref<120x128xf32, #tpu.memory_space<vmem>>
      tpu.wait_dma2 semaphore(%run_scoped3A : memref<!tpu.dma_semaphore, #tpu.memory_space<semaphore_mem>>) src(%dma_wait3A_81 : memref<120x128xf32, #tpu.memory_space<vmem>>) dst(%dma_wait3A_78 : memref<120x128xf32, #tpu.memory_space<vmem_shared>>)
      tpu.yield
    }) : () -> ()
    %dma_wait3A = arith.constant 0 : i32
    %dma_wait3A_37 = tpu.memref_slice %arg3[%dma_wait3A] : memref<331776xi32, #tpu.memory_space<hbm>> -> memref<15616xi32, #tpu.memory_space<hbm>>
    %dma_wait3A_38 = arith.constant 0 : i32
    %dma_wait3A_39 = tpu.memref_slice %arg3[%dma_wait3A_38] : memref<331776xi32, #tpu.memory_space<hbm>> -> memref<15616xi32, #tpu.memory_space<hbm>>
    tpu.wait_dma2 semaphore(%arg11 : memref<!tpu.dma_semaphore, #tpu.memory_space<semaphore_mem>>) src(%dma_wait3A_39 : memref<15616xi32, #tpu.memory_space<hbm>>) dst(%arg8 : memref<15616xi32, #tpu.memory_space<vmem>>)
    %barrier3A = arith.constant 0 : index
    tpu.barrier barrier_id(%barrier3A)
    %while3A = arith.constant 0 : i32
    %while3A_40 = arith.constant 0 : i32
    %while3A_41 = arith.subi %add3A_1, %while3A : i32
    %while3A_42 = arith.addi %while3A, %while3A_41 : i32
    %while3A_43 = arith.constant 1 : i32
    %while3A_44 = arith.divsi %while3A_41, %while3A_43 : i32
    %while3A_45 = arith.muli %while3A_44, %while3A_43 : i32
    %while3A_46 = arith.addi %while3A, %while3A_45 : i32
    %while3A_47 = arith.constant 1 : i32
    %while3A_48 = scf.for %while3A_62 = %while3A to %while3A_46 step %while3A_47 iter_args(%while3A_63 = %while3A_40) -> (i32)  : i32 {
      %mul3A_64 = arith.constant 2 : i32
      %mul3A_65 = arith.muli %mul3A_64, %while3A_62 : i32
      %mul3A_66 = arith.constant 128 : i32
      %mul3A_67 = arith.muli %mul3A_65, %mul3A_66 : i32
      %dma_start3A_68 = tpu.memref_slice %arg8[%mul3A_67] : memref<15616xi32, #tpu.memory_space<vmem>> -> memref<128xi32, #tpu.memory_space<vmem>>
      %dma_start3A_69 = arith.constant 0 : i32
      %dma_start3A_70 = arith.constant 0 : i32
      %dma_start3A_71 = tpu.memref_slice %arg2[%dma_start3A_69, %dma_start3A_70] : memref<10000x128xf32, #tpu.memory_space<hbm>> -> memref<10000x128xf32, #tpu.memory_space<hbm>>
      tpu.enqueue_indirect_dma source(%dma_start3A_71 : memref<10000x128xf32, #tpu.memory_space<hbm>>) target(%arg7 : memref<128x128xf32, #tpu.memory_space<vmem>>) offsets(%dma_start3A_68 : memref<128xi32, #tpu.memory_space<vmem>>) semaphore(%arg11 : memref<!tpu.dma_semaphore, #tpu.memory_space<semaphore_mem>>)
      %dma_wait3A_72 = tpu.memref_slice %arg8[%mul3A_67] : memref<15616xi32, #tpu.memory_space<vmem>> -> memref<128xi32, #tpu.memory_space<vmem>>
      %dma_wait3A_73 = arith.constant 0 : i32
      %dma_wait3A_74 = arith.constant 0 : i32
      %dma_wait3A_75 = tpu.memref_slice %arg2[%dma_wait3A_73, %dma_wait3A_74] : memref<10000x128xf32, #tpu.memory_space<hbm>> -> memref<10000x128xf32, #tpu.memory_space<hbm>>
      tpu.wait_indirect_dma semaphore(%arg11 : memref<!tpu.dma_semaphore, #tpu.memory_space<semaphore_mem>>) src(%dma_wait3A_75 : memref<10000x128xf32, #tpu.memory_space<hbm>>) dst(%arg7 : memref<128x128xf32, #tpu.memory_space<vmem>>)
      %add3A_76 = arith.constant 0 : i32
      %add3A_77 = arith.addi %mul3A_8, %add3A_76 : i32
      %dma_wait3A_78 = tpu.memref_slice %arg4[%add3A_77] : memref<331776xi32, #tpu.memory_space<hbm>> -> memref<128xi32, #tpu.memory_space<hbm>>
      %dma_wait3A_79 = tpu.memref_slice %arg4[%add3A_77] : memref<331776xi32, #tpu.memory_space<hbm>> -> memref<128xi32, #tpu.memory_space<hbm>>
      tpu.wait_dma2 semaphore(%arg12 : memref<!tpu.dma_semaphore, #tpu.memory_space<semaphore_mem>>) src(%dma_wait3A_79 : memref<128xi32, #tpu.memory_space<hbm>>) dst(%arg9 : memref<128xi32, #tpu.memory_space<vmem>>)
      "tpu.region"() ({
        %run_scoped3A = tpu.sem_alloc : memref<!tpu.dma_semaphore, #tpu.memory_space<semaphore_mem>>
        %dma_start3A_111 = arith.constant 0 : i32
        %dma_start3A_112 = arith.constant 0 : i32
        %dma_start3A_113 = tpu.memref_slice %arg6[%dma_start3A_111, %dma_start3A_112] : memref<10112x128xf32, #tpu.memory_space<vmem_shared>> -> memref<10112x128xf32, #tpu.memory_space<vmem_shared>>
        tpu.enqueue_indirect_dma source(%arg7 : memref<128x128xf32, #tpu.memory_space<vmem>>) target(%dma_start3A_113 : memref<10112x128xf32, #tpu.memory_space<vmem_shared>>) offsets(%arg9 : memref<128xi32, #tpu.memory_space<vmem>>) semaphore(%run_scoped3A : memref<!tpu.dma_semaphore, #tpu.memory_space<semaphore_mem>>) {add = true}
        %dma_wait3A_114 = arith.constant 0 : i32
        %dma_wait3A_115 = arith.constant 0 : i32
        %dma_wait3A_116 = tpu.memref_slice %arg6[%dma_wait3A_114, %dma_wait3A_115] : memref<10112x128xf32, #tpu.memory_space<vmem_shared>> -> memref<10112x128xf32, #tpu.memory_space<vmem_shared>>
        tpu.wait_indirect_dma semaphore(%run_scoped3A : memref<!tpu.dma_semaphore, #tpu.memory_space<semaphore_mem>>) src(%arg7 : memref<128x128xf32, #tpu.memory_space<vmem>>) dst(%dma_wait3A_116 : memref<10112x128xf32, #tpu.memory_space<vmem_shared>>)
        tpu.yield
      }) : () -> ()
      %add3A_80 = arith.constant 2 : i32
      %add3A_81 = arith.addi %mul3A_65, %add3A_80 : i32
      %mul3A_82 = arith.constant 128 : i32
      %mul3A_83 = arith.muli %add3A_81, %mul3A_82 : i32
      %add3A_84 = arith.addi %mul3A_8, %mul3A_83 : i32
      %dma_start3A_85 = tpu.memref_slice %arg4[%add3A_84] : memref<331776xi32, #tpu.memory_space<hbm>> -> memref<128xi32, #tpu.memory_space<hbm>>
      %dma_start3A_86 = tpu.memref_slice %arg4[%add3A_84] : memref<331776xi32, #tpu.memory_space<hbm>> -> memref<128xi32, #tpu.memory_space<hbm>>
      tpu.enqueue_dma source(%dma_start3A_86 : memref<128xi32, #tpu.memory_space<hbm>>) target(%arg9 : memref<128xi32, #tpu.memory_space<vmem>>) target_semaphore(%arg12 : memref<!tpu.dma_semaphore, #tpu.memory_space<semaphore_mem>>)
      %add3A_87 = arith.constant 1 : i32
      %add3A_88 = arith.addi %mul3A_65, %add3A_87 : i32
      %mul3A_89 = arith.constant 128 : i32
      %mul3A_90 = arith.muli %add3A_88, %mul3A_89 : i32
      %dma_start3A_91 = tpu.memref_slice %arg8[%mul3A_90] : memref<15616xi32, #tpu.memory_space<vmem>> -> memref<128xi32, #tpu.memory_space<vmem>>
      %dma_start3A_92 = arith.constant 0 : i32
      %dma_start3A_93 = arith.constant 0 : i32
      %dma_start3A_94 = tpu.memref_slice %arg2[%dma_start3A_92, %dma_start3A_93] : memref<10000x128xf32, #tpu.memory_space<hbm>> -> memref<10000x128xf32, #tpu.memory_space<hbm>>
      tpu.enqueue_indirect_dma source(%dma_start3A_94 : memref<10000x128xf32, #tpu.memory_space<hbm>>) target(%arg7 : memref<128x128xf32, #tpu.memory_space<vmem>>) offsets(%dma_start3A_91 : memref<128xi32, #tpu.memory_space<vmem>>) semaphore(%arg11 : memref<!tpu.dma_semaphore, #tpu.memory_space<semaphore_mem>>)
      %dma_wait3A_95 = tpu.memref_slice %arg8[%mul3A_90] : memref<15616xi32, #tpu.memory_space<vmem>> -> memref<128xi32, #tpu.memory_space<vmem>>
      %dma_wait3A_96 = arith.constant 0 : i32
      %dma_wait3A_97 = arith.constant 0 : i32
      %dma_wait3A_98 = tpu.memref_slice %arg2[%dma_wait3A_96, %dma_wait3A_97] : memref<10000x128xf32, #tpu.memory_space<hbm>> -> memref<10000x128xf32, #tpu.memory_space<hbm>>
      tpu.wait_indirect_dma semaphore(%arg11 : memref<!tpu.dma_semaphore, #tpu.memory_space<semaphore_mem>>) src(%dma_wait3A_98 : memref<10000x128xf32, #tpu.memory_space<hbm>>) dst(%arg7 : memref<128x128xf32, #tpu.memory_space<vmem>>)
      %add3A_99 = arith.constant 128 : i32
      %add3A_100 = arith.addi %mul3A_8, %add3A_99 : i32
      %dma_wait3A_101 = tpu.memref_slice %arg4[%add3A_100] : memref<331776xi32, #tpu.memory_space<hbm>> -> memref<128xi32, #tpu.memory_space<hbm>>
      %dma_wait3A_102 = tpu.memref_slice %arg4[%add3A_100] : memref<331776xi32, #tpu.memory_space<hbm>> -> memref<128xi32, #tpu.memory_space<hbm>>
      tpu.wait_dma2 semaphore(%arg13 : memref<!tpu.dma_semaphore, #tpu.memory_space<semaphore_mem>>) src(%dma_wait3A_102 : memref<128xi32, #tpu.memory_space<hbm>>) dst(%arg10 : memref<128xi32, #tpu.memory_space<vmem>>)
      "tpu.region"() ({
        %run_scoped3A = tpu.sem_alloc : memref<!tpu.dma_semaphore, #tpu.memory_space<semaphore_mem>>
        %dma_start3A_111 = arith.constant 0 : i32
        %dma_start3A_112 = arith.constant 0 : i32
        %dma_start3A_113 = tpu.memref_slice %arg6[%dma_start3A_111, %dma_start3A_112] : memref<10112x128xf32, #tpu.memory_space<vmem_shared>> -> memref<10112x128xf32, #tpu.memory_space<vmem_shared>>
        tpu.enqueue_indirect_dma source(%arg7 : memref<128x128xf32, #tpu.memory_space<vmem>>) target(%dma_start3A_113 : memref<10112x128xf32, #tpu.memory_space<vmem_shared>>) offsets(%arg10 : memref<128xi32, #tpu.memory_space<vmem>>) semaphore(%run_scoped3A : memref<!tpu.dma_semaphore, #tpu.memory_space<semaphore_mem>>) {add = true}
        %dma_wait3A_114 = arith.constant 0 : i32
        %dma_wait3A_115 = arith.constant 0 : i32
        %dma_wait3A_116 = tpu.memref_slice %arg6[%dma_wait3A_114, %dma_wait3A_115] : memref<10112x128xf32, #tpu.memory_space<vmem_shared>> -> memref<10112x128xf32, #tpu.memory_space<vmem_shared>>
        tpu.wait_indirect_dma semaphore(%run_scoped3A : memref<!tpu.dma_semaphore, #tpu.memory_space<semaphore_mem>>) src(%arg7 : memref<128x128xf32, #tpu.memory_space<vmem>>) dst(%dma_wait3A_116 : memref<10112x128xf32, #tpu.memory_space<vmem_shared>>)
        tpu.yield
      }) : () -> ()
      %add3A_103 = arith.constant 3 : i32
      %add3A_104 = arith.addi %mul3A_65, %add3A_103 : i32
      %mul3A_105 = arith.constant 128 : i32
      %mul3A_106 = arith.muli %add3A_104, %mul3A_105 : i32
      %add3A_107 = arith.addi %mul3A_8, %mul3A_106 : i32
      %dma_start3A_108 = tpu.memref_slice %arg4[%add3A_107] : memref<331776xi32, #tpu.memory_space<hbm>> -> memref<128xi32, #tpu.memory_space<hbm>>
      %dma_start3A_109 = tpu.memref_slice %arg4[%add3A_107] : memref<331776xi32, #tpu.memory_space<hbm>> -> memref<128xi32, #tpu.memory_space<hbm>>
      tpu.enqueue_dma source(%dma_start3A_109 : memref<128xi32, #tpu.memory_space<hbm>>) target(%arg10 : memref<128xi32, #tpu.memory_space<vmem>>) target_semaphore(%arg13 : memref<!tpu.dma_semaphore, #tpu.memory_space<semaphore_mem>>)
      %while3A_110 = arith.constant 0 : i32
      scf.yield %while3A_110 : i32
    }
    %while3A_49 = arith.constant 1 : i32
    %while3A_50 = scf.for %while3A_62 = %while3A_46 to %while3A_42 step %while3A_49 iter_args(%while3A_63 = %while3A_48) -> (i32)  : i32 {
      %mul3A_64 = arith.constant 2 : i32
      %mul3A_65 = arith.muli %mul3A_64, %while3A_62 : i32
      %mul3A_66 = arith.constant 128 : i32
      %mul3A_67 = arith.muli %mul3A_65, %mul3A_66 : i32
      %dma_start3A_68 = tpu.memref_slice %arg8[%mul3A_67] : memref<15616xi32, #tpu.memory_space<vmem>> -> memref<128xi32, #tpu.memory_space<vmem>>
      %dma_start3A_69 = arith.constant 0 : i32
      %dma_start3A_70 = arith.constant 0 : i32
      %dma_start3A_71 = tpu.memref_slice %arg2[%dma_start3A_69, %dma_start3A_70] : memref<10000x128xf32, #tpu.memory_space<hbm>> -> memref<10000x128xf32, #tpu.memory_space<hbm>>
      tpu.enqueue_indirect_dma source(%dma_start3A_71 : memref<10000x128xf32, #tpu.memory_space<hbm>>) target(%arg7 : memref<128x128xf32, #tpu.memory_space<vmem>>) offsets(%dma_start3A_68 : memref<128xi32, #tpu.memory_space<vmem>>) semaphore(%arg11 : memref<!tpu.dma_semaphore, #tpu.memory_space<semaphore_mem>>)
      %dma_wait3A_72 = tpu.memref_slice %arg8[%mul3A_67] : memref<15616xi32, #tpu.memory_space<vmem>> -> memref<128xi32, #tpu.memory_space<vmem>>
      %dma_wait3A_73 = arith.constant 0 : i32
      %dma_wait3A_74 = arith.constant 0 : i32
      %dma_wait3A_75 = tpu.memref_slice %arg2[%dma_wait3A_73, %dma_wait3A_74] : memref<10000x128xf32, #tpu.memory_space<hbm>> -> memref<10000x128xf32, #tpu.memory_space<hbm>>
      tpu.wait_indirect_dma semaphore(%arg11 : memref<!tpu.dma_semaphore, #tpu.memory_space<semaphore_mem>>) src(%dma_wait3A_75 : memref<10000x128xf32, #tpu.memory_space<hbm>>) dst(%arg7 : memref<128x128xf32, #tpu.memory_space<vmem>>)
      %add3A_76 = arith.constant 0 : i32
      %add3A_77 = arith.addi %mul3A_8, %add3A_76 : i32
      %dma_wait3A_78 = tpu.memref_slice %arg4[%add3A_77] : memref<331776xi32, #tpu.memory_space<hbm>> -> memref<128xi32, #tpu.memory_space<hbm>>
      %dma_wait3A_79 = tpu.memref_slice %arg4[%add3A_77] : memref<331776xi32, #tpu.memory_space<hbm>> -> memref<128xi32, #tpu.memory_space<hbm>>
      tpu.wait_dma2 semaphore(%arg12 : memref<!tpu.dma_semaphore, #tpu.memory_space<semaphore_mem>>) src(%dma_wait3A_79 : memref<128xi32, #tpu.memory_space<hbm>>) dst(%arg9 : memref<128xi32, #tpu.memory_space<vmem>>)
      "tpu.region"() ({
        %run_scoped3A = tpu.sem_alloc : memref<!tpu.dma_semaphore, #tpu.memory_space<semaphore_mem>>
        %dma_start3A_111 = arith.constant 0 : i32
        %dma_start3A_112 = arith.constant 0 : i32
        %dma_start3A_113 = tpu.memref_slice %arg6[%dma_start3A_111, %dma_start3A_112] : memref<10112x128xf32, #tpu.memory_space<vmem_shared>> -> memref<10112x128xf32, #tpu.memory_space<vmem_shared>>
        tpu.enqueue_indirect_dma source(%arg7 : memref<128x128xf32, #tpu.memory_space<vmem>>) target(%dma_start3A_113 : memref<10112x128xf32, #tpu.memory_space<vmem_shared>>) offsets(%arg9 : memref<128xi32, #tpu.memory_space<vmem>>) semaphore(%run_scoped3A : memref<!tpu.dma_semaphore, #tpu.memory_space<semaphore_mem>>) {add = true}
        %dma_wait3A_114 = arith.constant 0 : i32
        %dma_wait3A_115 = arith.constant 0 : i32
        %dma_wait3A_116 = tpu.memref_slice %arg6[%dma_wait3A_114, %dma_wait3A_115] : memref<10112x128xf32, #tpu.memory_space<vmem_shared>> -> memref<10112x128xf32, #tpu.memory_space<vmem_shared>>
        tpu.wait_indirect_dma semaphore(%run_scoped3A : memref<!tpu.dma_semaphore, #tpu.memory_space<semaphore_mem>>) src(%arg7 : memref<128x128xf32, #tpu.memory_space<vmem>>) dst(%dma_wait3A_116 : memref<10112x128xf32, #tpu.memory_space<vmem_shared>>)
        tpu.yield
      }) : () -> ()
      %add3A_80 = arith.constant 2 : i32
      %add3A_81 = arith.addi %mul3A_65, %add3A_80 : i32
      %mul3A_82 = arith.constant 128 : i32
      %mul3A_83 = arith.muli %add3A_81, %mul3A_82 : i32
      %add3A_84 = arith.addi %mul3A_8, %mul3A_83 : i32
      %dma_start3A_85 = tpu.memref_slice %arg4[%add3A_84] : memref<331776xi32, #tpu.memory_space<hbm>> -> memref<128xi32, #tpu.memory_space<hbm>>
      %dma_start3A_86 = tpu.memref_slice %arg4[%add3A_84] : memref<331776xi32, #tpu.memory_space<hbm>> -> memref<128xi32, #tpu.memory_space<hbm>>
      tpu.enqueue_dma source(%dma_start3A_86 : memref<128xi32, #tpu.memory_space<hbm>>) target(%arg9 : memref<128xi32, #tpu.memory_space<vmem>>) target_semaphore(%arg12 : memref<!tpu.dma_semaphore, #tpu.memory_space<semaphore_mem>>)
      %add3A_87 = arith.constant 1 : i32
      %add3A_88 = arith.addi %mul3A_65, %add3A_87 : i32
      %mul3A_89 = arith.constant 128 : i32
      %mul3A_90 = arith.muli %add3A_88, %mul3A_89 : i32
      %dma_start3A_91 = tpu.memref_slice %arg8[%mul3A_90] : memref<15616xi32, #tpu.memory_space<vmem>> -> memref<128xi32, #tpu.memory_space<vmem>>
      %dma_start3A_92 = arith.constant 0 : i32
      %dma_start3A_93 = arith.constant 0 : i32
      %dma_start3A_94 = tpu.memref_slice %arg2[%dma_start3A_92, %dma_start3A_93] : memref<10000x128xf32, #tpu.memory_space<hbm>> -> memref<10000x128xf32, #tpu.memory_space<hbm>>
      tpu.enqueue_indirect_dma source(%dma_start3A_94 : memref<10000x128xf32, #tpu.memory_space<hbm>>) target(%arg7 : memref<128x128xf32, #tpu.memory_space<vmem>>) offsets(%dma_start3A_91 : memref<128xi32, #tpu.memory_space<vmem>>) semaphore(%arg11 : memref<!tpu.dma_semaphore, #tpu.memory_space<semaphore_mem>>)
      %dma_wait3A_95 = tpu.memref_slice %arg8[%mul3A_90] : memref<15616xi32, #tpu.memory_space<vmem>> -> memref<128xi32, #tpu.memory_space<vmem>>
      %dma_wait3A_96 = arith.constant 0 : i32
      %dma_wait3A_97 = arith.constant 0 : i32
      %dma_wait3A_98 = tpu.memref_slice %arg2[%dma_wait3A_96, %dma_wait3A_97] : memref<10000x128xf32, #tpu.memory_space<hbm>> -> memref<10000x128xf32, #tpu.memory_space<hbm>>
      tpu.wait_indirect_dma semaphore(%arg11 : memref<!tpu.dma_semaphore, #tpu.memory_space<semaphore_mem>>) src(%dma_wait3A_98 : memref<10000x128xf32, #tpu.memory_space<hbm>>) dst(%arg7 : memref<128x128xf32, #tpu.memory_space<vmem>>)
      %add3A_99 = arith.constant 128 : i32
      %add3A_100 = arith.addi %mul3A_8, %add3A_99 : i32
      %dma_wait3A_101 = tpu.memref_slice %arg4[%add3A_100] : memref<331776xi32, #tpu.memory_space<hbm>> -> memref<128xi32, #tpu.memory_space<hbm>>
      %dma_wait3A_102 = tpu.memref_slice %arg4[%add3A_100] : memref<331776xi32, #tpu.memory_space<hbm>> -> memref<128xi32, #tpu.memory_space<hbm>>
      tpu.wait_dma2 semaphore(%arg13 : memref<!tpu.dma_semaphore, #tpu.memory_space<semaphore_mem>>) src(%dma_wait3A_102 : memref<128xi32, #tpu.memory_space<hbm>>) dst(%arg10 : memref<128xi32, #tpu.memory_space<vmem>>)
      "tpu.region"() ({
        %run_scoped3A = tpu.sem_alloc : memref<!tpu.dma_semaphore, #tpu.memory_space<semaphore_mem>>
        %dma_start3A_111 = arith.constant 0 : i32
        %dma_start3A_112 = arith.constant 0 : i32
        %dma_start3A_113 = tpu.memref_slice %arg6[%dma_start3A_111, %dma_start3A_112] : memref<10112x128xf32, #tpu.memory_space<vmem_shared>> -> memref<10112x128xf32, #tpu.memory_space<vmem_shared>>
        tpu.enqueue_indirect_dma source(%arg7 : memref<128x128xf32, #tpu.memory_space<vmem>>) target(%dma_start3A_113 : memref<10112x128xf32, #tpu.memory_space<vmem_shared>>) offsets(%arg10 : memref<128xi32, #tpu.memory_space<vmem>>) semaphore(%run_scoped3A : memref<!tpu.dma_semaphore, #tpu.memory_space<semaphore_mem>>) {add = true}
        %dma_wait3A_114 = arith.constant 0 : i32
        %dma_wait3A_115 = arith.constant 0 : i32
        %dma_wait3A_116 = tpu.memref_slice %arg6[%dma_wait3A_114, %dma_wait3A_115] : memref<10112x128xf32, #tpu.memory_space<vmem_shared>> -> memref<10112x128xf32, #tpu.memory_space<vmem_shared>>
        tpu.wait_indirect_dma semaphore(%run_scoped3A : memref<!tpu.dma_semaphore, #tpu.memory_space<semaphore_mem>>) src(%arg7 : memref<128x128xf32, #tpu.memory_space<vmem>>) dst(%dma_wait3A_116 : memref<10112x128xf32, #tpu.memory_space<vmem_shared>>)
        tpu.yield
      }) : () -> ()
      %add3A_103 = arith.constant 3 : i32
      %add3A_104 = arith.addi %mul3A_65, %add3A_103 : i32
      %mul3A_105 = arith.constant 128 : i32
      %mul3A_106 = arith.muli %add3A_104, %mul3A_105 : i32
      %add3A_107 = arith.addi %mul3A_8, %mul3A_106 : i32
      %dma_start3A_108 = tpu.memref_slice %arg4[%add3A_107] : memref<331776xi32, #tpu.memory_space<hbm>> -> memref<128xi32, #tpu.memory_space<hbm>>
      %dma_start3A_109 = tpu.memref_slice %arg4[%add3A_107] : memref<331776xi32, #tpu.memory_space<hbm>> -> memref<128xi32, #tpu.memory_space<hbm>>
      tpu.enqueue_dma source(%dma_start3A_109 : memref<128xi32, #tpu.memory_space<hbm>>) target(%arg10 : memref<128xi32, #tpu.memory_space<vmem>>) target_semaphore(%arg13 : memref<!tpu.dma_semaphore, #tpu.memory_space<semaphore_mem>>)
      %while3A_110 = arith.constant 0 : i32
      scf.yield %while3A_110 : i32
    }
    %add3A_51 = arith.constant 0 : i32
    %add3A_52 = arith.addi %mul3A_8, %add3A_51 : i32
    %dma_wait3A_53 = tpu.memref_slice %arg4[%add3A_52] : memref<331776xi32, #tpu.memory_space<hbm>> -> memref<128xi32, #tpu.memory_space<hbm>>
    %dma_wait3A_54 = tpu.memref_slice %arg4[%add3A_52] : memref<331776xi32, #tpu.memory_space<hbm>> -> memref<128xi32, #tpu.memory_space<hbm>>
    tpu.wait_dma2 semaphore(%arg12 : memref<!tpu.dma_semaphore, #tpu.memory_space<semaphore_mem>>) src(%dma_wait3A_54 : memref<128xi32, #tpu.memory_space<hbm>>) dst(%arg9 : memref<128xi32, #tpu.memory_space<vmem>>)
    %add3A_55 = arith.constant 128 : i32
    %add3A_56 = arith.addi %mul3A_8, %add3A_55 : i32
    %dma_wait3A_57 = tpu.memref_slice %arg4[%add3A_56] : memref<331776xi32, #tpu.memory_space<hbm>> -> memref<128xi32, #tpu.memory_space<hbm>>
    %dma_wait3A_58 = tpu.memref_slice %arg4[%add3A_56] : memref<331776xi32, #tpu.memory_space<hbm>> -> memref<128xi32, #tpu.memory_space<hbm>>
    tpu.wait_dma2 semaphore(%arg13 : memref<!tpu.dma_semaphore, #tpu.memory_space<semaphore_mem>>) src(%dma_wait3A_58 : memref<128xi32, #tpu.memory_space<hbm>>) dst(%arg10 : memref<128xi32, #tpu.memory_space<vmem>>)
    %barrier3A_59 = arith.constant 0 : index
    tpu.barrier barrier_id(%barrier3A_59)
    %mul3A_60 = arith.constant 632 : i32
    %mul3A_61 = arith.muli %arg1, %mul3A_60 : i32
    "tpu.region"() ({
      %run_scoped3A = tpu.sem_alloc : memref<!tpu.dma_semaphore, #tpu.memory_space<semaphore_mem>>
      %dma_start3A_62 = arith.constant 0 : i32
      %dma_start3A_63 = tpu.memref_slice %arg5[%arg0, %mul3A_61, %dma_start3A_62] : memref<2x10112x128xf32, #tpu.memory_space<hbm>> -> memref<1x632x128xf32, #tpu.memory_space<hbm>>
      %dma_start3A_64 = tpu.memref_squeeze %dma_start3A_63 : memref<1x632x128xf32, #tpu.memory_space<hbm>> -> memref<632x128xf32, #tpu.memory_space<hbm>>
      %dma_start3A_65 = arith.constant 0 : i32
      %dma_start3A_66 = tpu.memref_slice %arg6[%mul3A_61, %dma_start3A_65] : memref<10112x128xf32, #tpu.memory_space<vmem_shared>> -> memref<632x128xf32, #tpu.memory_space<vmem_shared>>
      tpu.enqueue_dma source(%dma_start3A_66 : memref<632x128xf32, #tpu.memory_space<vmem_shared>>) target(%dma_start3A_64 : memref<632x128xf32, #tpu.memory_space<hbm>>) target_semaphore(%run_scoped3A : memref<!tpu.dma_semaphore, #tpu.memory_space<semaphore_mem>>)
      %dma_wait3A_67 = arith.constant 0 : i32
      %dma_wait3A_68 = tpu.memref_slice %arg5[%arg0, %mul3A_61, %dma_wait3A_67] : memref<2x10112x128xf32, #tpu.memory_space<hbm>> -> memref<1x632x128xf32, #tpu.memory_space<hbm>>
      %dma_wait3A_69 = tpu.memref_squeeze %dma_wait3A_68 : memref<1x632x128xf32, #tpu.memory_space<hbm>> -> memref<632x128xf32, #tpu.memory_space<hbm>>
      %dma_wait3A_70 = arith.constant 0 : i32
      %dma_wait3A_71 = tpu.memref_slice %arg6[%mul3A_61, %dma_wait3A_70] : memref<10112x128xf32, #tpu.memory_space<vmem_shared>> -> memref<632x128xf32, #tpu.memory_space<vmem_shared>>
      tpu.wait_dma2 semaphore(%run_scoped3A : memref<!tpu.dma_semaphore, #tpu.memory_space<semaphore_mem>>) src(%dma_wait3A_71 : memref<632x128xf32, #tpu.memory_space<vmem_shared>>) dst(%dma_wait3A_69 : memref<632x128xf32, #tpu.memory_space<hbm>>)
      tpu.yield
    }) : () -> ()
    return
  }
}

#map = affine_map<(d0, d1) -> (0, 0)>
#map1 = affine_map<(d0, d1) -> (0)>
#map2 = affine_map<(d0, d1) -> (0, 0, 0)>
module attributes {stable_mosaic.version = 14 : i64} {
  func.func @propagate(%arg0: i32, %arg1: i32, %arg2: memref<10000x128xf32, #tpu.memory_space<hbm>>, %arg3: memref<331776xi32, #tpu.memory_space<hbm>>, %arg4: memref<331776xi32, #tpu.memory_space<hbm>>, %arg5: memref<2x10112x128xf32, #tpu.memory_space<hbm>>, %arg6: memref<10112x128xf32, #tpu.memory_space<vmem_shared>>, %arg7: memref<128x128xf32, #tpu.memory_space<vmem>>, %arg8: memref<15616xi32, #tpu.memory_space<vmem>>, %arg9: memref<128xi32, #tpu.memory_space<vmem>>, %arg10: memref<128xi32, #tpu.memory_space<vmem>>, %arg11: memref<!tpu.dma_semaphore, #tpu.memory_space<semaphore_mem>>, %arg12: memref<!tpu.dma_semaphore, #tpu.memory_space<semaphore_mem>>, %arg13: memref<!tpu.dma_semaphore, #tpu.memory_space<semaphore_mem>>) attributes {dimension_semantics = [#tpu.dimension_semantics<core_parallel>, #tpu.dimension_semantics<subcore_parallel>], iteration_bounds = array<i64: 2, 16>, scalar_prefetch = 0 : i64, scratch_operands = 8 : i64, tpu.core_type = #tpu.core_type<sc_vector_subcore>, window_params = [{transform_indices = #map}, {transform_indices = #map1}, {transform_indices = #map1}, {transform_indices = #map2}]} {
    %mul3A = arith.constant -41 : i32
    %mul3A_0 = arith.muli %arg0, %mul3A : i32
    %add3A = arith.constant 60 : i32
    %add3A_1 = arith.addi %add3A, %mul3A_0 : i32
    %mul3A_2 = arith.constant 162 : i32
    %mul3A_3 = arith.muli %arg1, %mul3A_2 : i32
    %mul3A_4 = arith.constant 122 : i32
    %mul3A_5 = arith.muli %arg0, %mul3A_4 : i32
    %add3A_6 = arith.addi %mul3A_3, %mul3A_5 : i32
    %mul3A_7 = arith.constant 128 : i32
    %mul3A_8 = arith.muli %add3A_6, %mul3A_7 : i32
    %dma_start3A = tpu.memref_slice %arg3[%mul3A_8] : memref<331776xi32, #tpu.memory_space<hbm>> -> memref<15616xi32, #tpu.memory_space<hbm>>
    %dma_start3A_9 = tpu.memref_slice %arg3[%mul3A_8] : memref<331776xi32, #tpu.memory_space<hbm>> -> memref<15616xi32, #tpu.memory_space<hbm>>
    tpu.enqueue_dma source(%dma_start3A_9 : memref<15616xi32, #tpu.memory_space<hbm>>) target(%arg8 : memref<15616xi32, #tpu.memory_space<vmem>>) target_semaphore(%arg11 : memref<!tpu.dma_semaphore, #tpu.memory_space<semaphore_mem>>)
    %add3A_10 = arith.constant 0 : i32
    %add3A_11 = arith.addi %mul3A_8, %add3A_10 : i32
    %dma_start3A_12 = tpu.memref_slice %arg4[%add3A_11] : memref<331776xi32, #tpu.memory_space<hbm>> -> memref<128xi32, #tpu.memory_space<hbm>>
    %dma_start3A_13 = tpu.memref_slice %arg4[%add3A_11] : memref<331776xi32, #tpu.memory_space<hbm>> -> memref<128xi32, #tpu.memory_space<hbm>>
    tpu.enqueue_dma source(%dma_start3A_13 : memref<128xi32, #tpu.memory_space<hbm>>) target(%arg9 : memref<128xi32, #tpu.memory_space<vmem>>) target_semaphore(%arg12 : memref<!tpu.dma_semaphore, #tpu.memory_space<semaphore_mem>>)
    %add3A_14 = arith.constant 128 : i32
    %add3A_15 = arith.addi %mul3A_8, %add3A_14 : i32
    %dma_start3A_16 = tpu.memref_slice %arg4[%add3A_15] : memref<331776xi32, #tpu.memory_space<hbm>> -> memref<128xi32, #tpu.memory_space<hbm>>
    %dma_start3A_17 = tpu.memref_slice %arg4[%add3A_15] : memref<331776xi32, #tpu.memory_space<hbm>> -> memref<128xi32, #tpu.memory_space<hbm>>
    tpu.enqueue_dma source(%dma_start3A_17 : memref<128xi32, #tpu.memory_space<hbm>>) target(%arg10 : memref<128xi32, #tpu.memory_space<vmem>>) target_semaphore(%arg13 : memref<!tpu.dma_semaphore, #tpu.memory_space<semaphore_mem>>)
    %broadcast_in_dim3A = arith.constant 0.000000e+00 : f32
    %broadcast_in_dim3A_18 = vector.broadcast %broadcast_in_dim3A : f32 to vector<16xf32>
    %scan3A = arith.constant 0 : i32
    %scan3A_19 = arith.constant 0 : i32
    %scan3A_20 = arith.constant 128 : i32
    %scan3A_21 = arith.addi %scan3A_19, %scan3A_20 : i32
    %scan3A_22 = arith.constant 1 : i32
    %scan3A_23 = scf.for %scan3A_62 = %scan3A_19 to %scan3A_21 step %scan3A_22 iter_args(%scan3A_63 = %scan3A) -> (i32)  : i32 {
      %scan3A_64 = arith.constant 0 : i32
      %scan3A_65 = arith.constant 0 : i32
      %scan3A_66 = arith.constant 8 : i32
      %scan3A_67 = arith.addi %scan3A_65, %scan3A_66 : i32
      %scan3A_68 = arith.constant 1 : i32
      %scan3A_69 = scf.for %scan3A_71 = %scan3A_65 to %scan3A_67 step %scan3A_68 iter_args(%scan3A_72 = %scan3A_64) -> (i32)  : i32 {
        %mul3A_73 = arith.constant 16 : i32
        %mul3A_74 = arith.muli %scan3A_71, %mul3A_73 : i32
        %swap3A = arith.index_cast %scan3A_62 : i32 to index
        %swap3A_75 = arith.index_cast %mul3A_74 : i32 to index
        %swap3A_76 = tpu.vector_load %arg7[%swap3A, %swap3A_75] {strides = array<i32>} : memref<128x128xf32, #tpu.memory_space<vmem>>, vector<1x16xf32>,
        %swap3A_77 = vector.shape_cast %swap3A_76 : vector<1x16xf32> to vector<16xf32>
        %swap3A_78 = vector.shape_cast %broadcast_in_dim3A_18 : vector<16xf32> to vector<1x16xf32>
        tpu.vector_store %arg7[%swap3A, %swap3A_75], %swap3A_78 {strides = array<i32>} : memref<128x128xf32, #tpu.memory_space<vmem>>, vector<1x16xf32>,
        %scan3A_79 = arith.constant 0 : i32
        scf.yield %scan3A_79 : i32
      }
      %scan3A_70 = arith.constant 8 : i32
      scf.yield %scan3A_69 : i32
    }
    %scan3A_24 = arith.constant 128 : i32
    %mul3A_25 = arith.constant 632 : i32
    %mul3A_26 = arith.muli %arg1, %mul3A_25 : i32
    %add3A_27 = arith.constant 0 : i32
    %add3A_28 = arith.addi %mul3A_26, %add3A_27 : i32
    "tpu.region"() ({
      %run_scoped3A = tpu.sem_alloc : memref<!tpu.dma_semaphore, #tpu.memory_space<semaphore_mem>>
      %dma_start3A_62 = arith.constant 0 : i32
      %dma_start3A_63 = tpu.memref_slice %arg6[%add3A_28, %dma_start3A_62] : memref<10112x128xf32, #tpu.memory_space<vmem_shared>> -> memref<128x128xf32, #tpu.memory_space<vmem_shared>>
      %dma_start3A_64 = arith.constant 0 : i32
      %dma_start3A_65 = tpu.memref_slice %arg6[%add3A_28, %dma_start3A_64] : memref<10112x128xf32, #tpu.memory_space<vmem_shared>> -> memref<128x128xf32, #tpu.memory_space<vmem_shared>>
      tpu.enqueue_dma source(%arg7 : memref<128x128xf32, #tpu.memory_space<vmem>>) target(%dma_start3A_65 : memref<128x128xf32, #tpu.memory_space<vmem_shared>>) target_semaphore(%run_scoped3A : memref<!tpu.dma_semaphore, #tpu.memory_space<semaphore_mem>>)
      %dma_wait3A_66 = arith.constant 0 : i32
      %dma_wait3A_67 = tpu.memref_slice %arg6[%add3A_28, %dma_wait3A_66] : memref<10112x128xf32, #tpu.memory_space<vmem_shared>> -> memref<128x128xf32, #tpu.memory_space<vmem_shared>>
      %dma_wait3A_68 = arith.constant 0 : i32
      %dma_wait3A_69 = tpu.memref_slice %arg6[%add3A_28, %dma_wait3A_68] : memref<10112x128xf32, #tpu.memory_space<vmem_shared>> -> memref<128x128xf32, #tpu.memory_space<vmem_shared>>
      tpu.wait_dma2 semaphore(%run_scoped3A : memref<!tpu.dma_semaphore, #tpu.memory_space<semaphore_mem>>) src(%arg7 : memref<128x128xf32, #tpu.memory_space<vmem>>) dst(%dma_wait3A_69 : memref<128x128xf32, #tpu.memory_space<vmem_shared>>)
      tpu.yield
    }) : () -> ()
    %add3A_29 = arith.constant 128 : i32
    %add3A_30 = arith.addi %mul3A_26, %add3A_29 : i32
    "tpu.region"() ({
      %run_scoped3A = tpu.sem_alloc : memref<!tpu.dma_semaphore, #tpu.memory_space<semaphore_mem>>
      %dma_start3A_62 = arith.constant 0 : i32
      %dma_start3A_63 = tpu.memref_slice %arg6[%add3A_30, %dma_start3A_62] : memref<10112x128xf32, #tpu.memory_space<vmem_shared>> -> memref<128x128xf32, #tpu.memory_space<vmem_shared>>
      %dma_start3A_64 = arith.constant 0 : i32
      %dma_start3A_65 = tpu.memref_slice %arg6[%add3A_30, %dma_start3A_64] : memref<10112x128xf32, #tpu.memory_space<vmem_shared>> -> memref<128x128xf32, #tpu.memory_space<vmem_shared>>
      tpu.enqueue_dma source(%arg7 : memref<128x128xf32, #tpu.memory_space<vmem>>) target(%dma_start3A_65 : memref<128x128xf32, #tpu.memory_space<vmem_shared>>) target_semaphore(%run_scoped3A : memref<!tpu.dma_semaphore, #tpu.memory_space<semaphore_mem>>)
      %dma_wait3A_66 = arith.constant 0 : i32
      %dma_wait3A_67 = tpu.memref_slice %arg6[%add3A_30, %dma_wait3A_66] : memref<10112x128xf32, #tpu.memory_space<vmem_shared>> -> memref<128x128xf32, #tpu.memory_space<vmem_shared>>
      %dma_wait3A_68 = arith.constant 0 : i32
      %dma_wait3A_69 = tpu.memref_slice %arg6[%add3A_30, %dma_wait3A_68] : memref<10112x128xf32, #tpu.memory_space<vmem_shared>> -> memref<128x128xf32, #tpu.memory_space<vmem_shared>>
      tpu.wait_dma2 semaphore(%run_scoped3A : memref<!tpu.dma_semaphore, #tpu.memory_space<semaphore_mem>>) src(%arg7 : memref<128x128xf32, #tpu.memory_space<vmem>>) dst(%dma_wait3A_69 : memref<128x128xf32, #tpu.memory_space<vmem_shared>>)
      tpu.yield
    }) : () -> ()
    %add3A_31 = arith.constant 256 : i32
    %add3A_32 = arith.addi %mul3A_26, %add3A_31 : i32
    "tpu.region"() ({
      %run_scoped3A = tpu.sem_alloc : memref<!tpu.dma_semaphore, #tpu.memory_space<semaphore_mem>>
      %dma_start3A_62 = arith.constant 0 : i32
      %dma_start3A_63 = tpu.memref_slice %arg6[%add3A_32, %dma_start3A_62] : memref<10112x128xf32, #tpu.memory_space<vmem_shared>> -> memref<128x128xf32, #tpu.memory_space<vmem_shared>>
      %dma_start3A_64 = arith.constant 0 : i32
      %dma_start3A_65 = tpu.memref_slice %arg6[%add3A_32, %dma_start3A_64] : memref<10112x128xf32, #tpu.memory_space<vmem_shared>> -> memref<128x128xf32, #tpu.memory_space<vmem_shared>>
      tpu.enqueue_dma source(%arg7 : memref<128x128xf32, #tpu.memory_space<vmem>>) target(%dma_start3A_65 : memref<128x128xf32, #tpu.memory_space<vmem_shared>>) target_semaphore(%run_scoped3A : memref<!tpu.dma_semaphore, #tpu.memory_space<semaphore_mem>>)
      %dma_wait3A_66 = arith.constant 0 : i32
      %dma_wait3A_67 = tpu.memref_slice %arg6[%add3A_32, %dma_wait3A_66] : memref<10112x128xf32, #tpu.memory_space<vmem_shared>> -> memref<128x128xf32, #tpu.memory_space<vmem_shared>>
      %dma_wait3A_68 = arith.constant 0 : i32
      %dma_wait3A_69 = tpu.memref_slice %arg6[%add3A_32, %dma_wait3A_68] : memref<10112x128xf32, #tpu.memory_space<vmem_shared>> -> memref<128x128xf32, #tpu.memory_space<vmem_shared>>
      tpu.wait_dma2 semaphore(%run_scoped3A : memref<!tpu.dma_semaphore, #tpu.memory_space<semaphore_mem>>) src(%arg7 : memref<128x128xf32, #tpu.memory_space<vmem>>) dst(%dma_wait3A_69 : memref<128x128xf32, #tpu.memory_space<vmem_shared>>)
      tpu.yield
    }) : () -> ()
    %add3A_33 = arith.constant 384 : i32
    %add3A_34 = arith.addi %mul3A_26, %add3A_33 : i32
    "tpu.region"() ({
      %run_scoped3A = tpu.sem_alloc : memref<!tpu.dma_semaphore, #tpu.memory_space<semaphore_mem>>
      %dma_start3A_62 = arith.constant 0 : i32
      %dma_start3A_63 = tpu.memref_slice %arg6[%add3A_34, %dma_start3A_62] : memref<10112x128xf32, #tpu.memory_space<vmem_shared>> -> memref<128x128xf32, #tpu.memory_space<vmem_shared>>
      %dma_start3A_64 = arith.constant 0 : i32
      %dma_start3A_65 = tpu.memref_slice %arg6[%add3A_34, %dma_start3A_64] : memref<10112x128xf32, #tpu.memory_space<vmem_shared>> -> memref<128x128xf32, #tpu.memory_space<vmem_shared>>
      tpu.enqueue_dma source(%arg7 : memref<128x128xf32, #tpu.memory_space<vmem>>) target(%dma_start3A_65 : memref<128x128xf32, #tpu.memory_space<vmem_shared>>) target_semaphore(%run_scoped3A : memref<!tpu.dma_semaphore, #tpu.memory_space<semaphore_mem>>)
      %dma_wait3A_66 = arith.constant 0 : i32
      %dma_wait3A_67 = tpu.memref_slice %arg6[%add3A_34, %dma_wait3A_66] : memref<10112x128xf32, #tpu.memory_space<vmem_shared>> -> memref<128x128xf32, #tpu.memory_space<vmem_shared>>
      %dma_wait3A_68 = arith.constant 0 : i32
      %dma_wait3A_69 = tpu.memref_slice %arg6[%add3A_34, %dma_wait3A_68] : memref<10112x128xf32, #tpu.memory_space<vmem_shared>> -> memref<128x128xf32, #tpu.memory_space<vmem_shared>>
      tpu.wait_dma2 semaphore(%run_scoped3A : memref<!tpu.dma_semaphore, #tpu.memory_space<semaphore_mem>>) src(%arg7 : memref<128x128xf32, #tpu.memory_space<vmem>>) dst(%dma_wait3A_69 : memref<128x128xf32, #tpu.memory_space<vmem_shared>>)
      tpu.yield
    }) : () -> ()
    %add3A_35 = arith.constant 512 : i32
    %add3A_36 = arith.addi %mul3A_26, %add3A_35 : i32
    "tpu.region"() ({
      %run_scoped3A = tpu.sem_alloc : memref<!tpu.dma_semaphore, #tpu.memory_space<semaphore_mem>>
      %dma_start3A_62 = arith.constant 0 : i32
      %dma_start3A_63 = arith.constant 0 : i32
      %dma_start3A_64 = tpu.memref_slice %arg7[%dma_start3A_62, %dma_start3A_63] : memref<128x128xf32, #tpu.memory_space<vmem>> -> memref<120x128xf32, #tpu.memory_space<vmem>>
      %dma_start3A_65 = arith.constant 0 : i32
      %dma_start3A_66 = tpu.memref_slice %arg6[%add3A_36, %dma_start3A_65] : memref<10112x128xf32, #tpu.memory_space<vmem_shared>> -> memref<120x128xf32, #tpu.memory_space<vmem_shared>>
      %dma_start3A_67 = arith.constant 0 : i32
      %dma_start3A_68 = tpu.memref_slice %arg6[%add3A_36, %dma_start3A_67] : memref<10112x128xf32, #tpu.memory_space<vmem_shared>> -> memref<120x128xf32, #tpu.memory_space<vmem_shared>>
      %dma_start3A_69 = arith.constant 0 : i32
      %dma_start3A_70 = arith.constant 0 : i32
      %dma_start3A_71 = tpu.memref_slice %arg7[%dma_start3A_69, %dma_start3A_70] : memref<128x128xf32, #tpu.memory_space<vmem>> -> memref<120x128xf32, #tpu.memory_space<vmem>>
      tpu.enqueue_dma source(%dma_start3A_71 : memref<120x128xf32, #tpu.memory_space<vmem>>) target(%dma_start3A_68 : memref<120x128xf32, #tpu.memory_space<vmem_shared>>) target_semaphore(%run_scoped3A : memref<!tpu.dma_semaphore, #tpu.memory_space<semaphore_mem>>)
      %dma_wait3A_72 = arith.constant 0 : i32
      %dma_wait3A_73 = arith.constant 0 : i32
      %dma_wait3A_74 = tpu.memref_slice %arg7[%dma_wait3A_72, %dma_wait3A_73] : memref<128x128xf32, #tpu.memory_space<vmem>> -> memref<120x128xf32, #tpu.memory_space<vmem>>
      %dma_wait3A_75 = arith.constant 0 : i32
      %dma_wait3A_76 = tpu.memref_slice %arg6[%add3A_36, %dma_wait3A_75] : memref<10112x128xf32, #tpu.memory_space<vmem_shared>> -> memref<120x128xf32, #tpu.memory_space<vmem_shared>>
      %dma_wait3A_77 = arith.constant 0 : i32
      %dma_wait3A_78 = tpu.memref_slice %arg6[%add3A_36, %dma_wait3A_77] : memref<10112x128xf32, #tpu.memory_space<vmem_shared>> -> memref<120x128xf32, #tpu.memory_space<vmem_shared>>
      %dma_wait3A_79 = arith.constant 0 : i32
      %dma_wait3A_80 = arith.constant 0 : i32
      %dma_wait3A_81 = tpu.memref_slice %arg7[%dma_wait3A_79, %dma_wait3A_80] : memref<128x128xf32, #tpu.memory_space<vmem>> -> memref<120x128xf32, #tpu.memory_space<vmem>>
      tpu.wait_dma2 semaphore(%run_scoped3A : memref<!tpu.dma_semaphore, #tpu.memory_space<semaphore_mem>>) src(%dma_wait3A_81 : memref<120x128xf32, #tpu.memory_space<vmem>>) dst(%dma_wait3A_78 : memref<120x128xf32, #tpu.memory_space<vmem_shared>>)
      tpu.yield
    }) : () -> ()
    %dma_wait3A = arith.constant 0 : i32
    %dma_wait3A_37 = tpu.memref_slice %arg3[%dma_wait3A] : memref<331776xi32, #tpu.memory_space<hbm>> -> memref<15616xi32, #tpu.memory_space<hbm>>
    %dma_wait3A_38 = arith.constant 0 : i32
    %dma_wait3A_39 = tpu.memref_slice %arg3[%dma_wait3A_38] : memref<331776xi32, #tpu.memory_space<hbm>> -> memref<15616xi32, #tpu.memory_space<hbm>>
    tpu.wait_dma2 semaphore(%arg11 : memref<!tpu.dma_semaphore, #tpu.memory_space<semaphore_mem>>) src(%dma_wait3A_39 : memref<15616xi32, #tpu.memory_space<hbm>>) dst(%arg8 : memref<15616xi32, #tpu.memory_space<vmem>>)
    %barrier3A = arith.constant 0 : index
    tpu.barrier barrier_id(%barrier3A)
    %while3A = arith.constant 0 : i32
    %while3A_40 = arith.constant 0 : i32
    %while3A_41 = arith.subi %add3A_1, %while3A : i32
    %while3A_42 = arith.addi %while3A, %while3A_41 : i32
    %while3A_43 = arith.constant 1 : i32
    %while3A_44 = arith.divsi %while3A_41, %while3A_43 : i32
    %while3A_45 = arith.muli %while3A_44, %while3A_43 : i32
    %while3A_46 = arith.addi %while3A, %while3A_45 : i32
    %while3A_47 = arith.constant 1 : i32
    %while3A_48 = scf.for %while3A_62 = %while3A to %while3A_46 step %while3A_47 iter_args(%while3A_63 = %while3A_40) -> (i32)  : i32 {
      %mul3A_64 = arith.constant 2 : i32
      %mul3A_65 = arith.muli %mul3A_64, %while3A_62 : i32
      %mul3A_66 = arith.constant 128 : i32
      %mul3A_67 = arith.muli %mul3A_65, %mul3A_66 : i32
      %dma_start3A_68 = tpu.memref_slice %arg8[%mul3A_67] : memref<15616xi32, #tpu.memory_space<vmem>> -> memref<128xi32, #tpu.memory_space<vmem>>
      %dma_start3A_69 = arith.constant 0 : i32
      %dma_start3A_70 = arith.constant 0 : i32
      %dma_start3A_71 = tpu.memref_slice %arg2[%dma_start3A_69, %dma_start3A_70] : memref<10000x128xf32, #tpu.memory_space<hbm>> -> memref<10000x128xf32, #tpu.memory_space<hbm>>
      tpu.enqueue_indirect_dma source(%dma_start3A_71 : memref<10000x128xf32, #tpu.memory_space<hbm>>) target(%arg7 : memref<128x128xf32, #tpu.memory_space<vmem>>) offsets(%dma_start3A_68 : memref<128xi32, #tpu.memory_space<vmem>>) semaphore(%arg11 : memref<!tpu.dma_semaphore, #tpu.memory_space<semaphore_mem>>)
      %dma_wait3A_72 = tpu.memref_slice %arg8[%mul3A_67] : memref<15616xi32, #tpu.memory_space<vmem>> -> memref<128xi32, #tpu.memory_space<vmem>>
      %dma_wait3A_73 = arith.constant 0 : i32
      %dma_wait3A_74 = arith.constant 0 : i32
      %dma_wait3A_75 = tpu.memref_slice %arg2[%dma_wait3A_73, %dma_wait3A_74] : memref<10000x128xf32, #tpu.memory_space<hbm>> -> memref<10000x128xf32, #tpu.memory_space<hbm>>
      tpu.wait_indirect_dma semaphore(%arg11 : memref<!tpu.dma_semaphore, #tpu.memory_space<semaphore_mem>>) src(%dma_wait3A_75 : memref<10000x128xf32, #tpu.memory_space<hbm>>) dst(%arg7 : memref<128x128xf32, #tpu.memory_space<vmem>>)
      %add3A_76 = arith.constant 0 : i32
      %add3A_77 = arith.addi %mul3A_8, %add3A_76 : i32
      %dma_wait3A_78 = tpu.memref_slice %arg4[%add3A_77] : memref<331776xi32, #tpu.memory_space<hbm>> -> memref<128xi32, #tpu.memory_space<hbm>>
      %dma_wait3A_79 = tpu.memref_slice %arg4[%add3A_77] : memref<331776xi32, #tpu.memory_space<hbm>> -> memref<128xi32, #tpu.memory_space<hbm>>
      tpu.wait_dma2 semaphore(%arg12 : memref<!tpu.dma_semaphore, #tpu.memory_space<semaphore_mem>>) src(%dma_wait3A_79 : memref<128xi32, #tpu.memory_space<hbm>>) dst(%arg9 : memref<128xi32, #tpu.memory_space<vmem>>)
      "tpu.region"() ({
        %run_scoped3A = tpu.sem_alloc : memref<!tpu.dma_semaphore, #tpu.memory_space<semaphore_mem>>
        %dma_start3A_111 = arith.constant 0 : i32
        %dma_start3A_112 = arith.constant 0 : i32
        %dma_start3A_113 = tpu.memref_slice %arg6[%dma_start3A_111, %dma_start3A_112] : memref<10112x128xf32, #tpu.memory_space<vmem_shared>> -> memref<10112x128xf32, #tpu.memory_space<vmem_shared>>
        tpu.enqueue_indirect_dma source(%arg7 : memref<128x128xf32, #tpu.memory_space<vmem>>) target(%dma_start3A_113 : memref<10112x128xf32, #tpu.memory_space<vmem_shared>>) offsets(%arg9 : memref<128xi32, #tpu.memory_space<vmem>>) semaphore(%run_scoped3A : memref<!tpu.dma_semaphore, #tpu.memory_space<semaphore_mem>>) {add = true}
        %dma_wait3A_114 = arith.constant 0 : i32
        %dma_wait3A_115 = arith.constant 0 : i32
        %dma_wait3A_116 = tpu.memref_slice %arg6[%dma_wait3A_114, %dma_wait3A_115] : memref<10112x128xf32, #tpu.memory_space<vmem_shared>> -> memref<10112x128xf32, #tpu.memory_space<vmem_shared>>
        tpu.wait_indirect_dma semaphore(%run_scoped3A : memref<!tpu.dma_semaphore, #tpu.memory_space<semaphore_mem>>) src(%arg7 : memref<128x128xf32, #tpu.memory_space<vmem>>) dst(%dma_wait3A_116 : memref<10112x128xf32, #tpu.memory_space<vmem_shared>>)
        tpu.yield
      }) : () -> ()
      %add3A_80 = arith.constant 2 : i32
      %add3A_81 = arith.addi %mul3A_65, %add3A_80 : i32
      %mul3A_82 = arith.constant 128 : i32
      %mul3A_83 = arith.muli %add3A_81, %mul3A_82 : i32
      %add3A_84 = arith.addi %mul3A_8, %mul3A_83 : i32
      %dma_start3A_85 = tpu.memref_slice %arg4[%add3A_84] : memref<331776xi32, #tpu.memory_space<hbm>> -> memref<128xi32, #tpu.memory_space<hbm>>
      %dma_start3A_86 = tpu.memref_slice %arg4[%add3A_84] : memref<331776xi32, #tpu.memory_space<hbm>> -> memref<128xi32, #tpu.memory_space<hbm>>
      tpu.enqueue_dma source(%dma_start3A_86 : memref<128xi32, #tpu.memory_space<hbm>>) target(%arg9 : memref<128xi32, #tpu.memory_space<vmem>>) target_semaphore(%arg12 : memref<!tpu.dma_semaphore, #tpu.memory_space<semaphore_mem>>)
      %add3A_87 = arith.constant 1 : i32
      %add3A_88 = arith.addi %mul3A_65, %add3A_87 : i32
      %mul3A_89 = arith.constant 128 : i32
      %mul3A_90 = arith.muli %add3A_88, %mul3A_89 : i32
      %dma_start3A_91 = tpu.memref_slice %arg8[%mul3A_90] : memref<15616xi32, #tpu.memory_space<vmem>> -> memref<128xi32, #tpu.memory_space<vmem>>
      %dma_start3A_92 = arith.constant 0 : i32
      %dma_start3A_93 = arith.constant 0 : i32
      %dma_start3A_94 = tpu.memref_slice %arg2[%dma_start3A_92, %dma_start3A_93] : memref<10000x128xf32, #tpu.memory_space<hbm>> -> memref<10000x128xf32, #tpu.memory_space<hbm>>
      tpu.enqueue_indirect_dma source(%dma_start3A_94 : memref<10000x128xf32, #tpu.memory_space<hbm>>) target(%arg7 : memref<128x128xf32, #tpu.memory_space<vmem>>) offsets(%dma_start3A_91 : memref<128xi32, #tpu.memory_space<vmem>>) semaphore(%arg11 : memref<!tpu.dma_semaphore, #tpu.memory_space<semaphore_mem>>)
      %dma_wait3A_95 = tpu.memref_slice %arg8[%mul3A_90] : memref<15616xi32, #tpu.memory_space<vmem>> -> memref<128xi32, #tpu.memory_space<vmem>>
      %dma_wait3A_96 = arith.constant 0 : i32
      %dma_wait3A_97 = arith.constant 0 : i32
      %dma_wait3A_98 = tpu.memref_slice %arg2[%dma_wait3A_96, %dma_wait3A_97] : memref<10000x128xf32, #tpu.memory_space<hbm>> -> memref<10000x128xf32, #tpu.memory_space<hbm>>
      tpu.wait_indirect_dma semaphore(%arg11 : memref<!tpu.dma_semaphore, #tpu.memory_space<semaphore_mem>>) src(%dma_wait3A_98 : memref<10000x128xf32, #tpu.memory_space<hbm>>) dst(%arg7 : memref<128x128xf32, #tpu.memory_space<vmem>>)
      %add3A_99 = arith.constant 128 : i32
      %add3A_100 = arith.addi %mul3A_8, %add3A_99 : i32
      %dma_wait3A_101 = tpu.memref_slice %arg4[%add3A_100] : memref<331776xi32, #tpu.memory_space<hbm>> -> memref<128xi32, #tpu.memory_space<hbm>>
      %dma_wait3A_102 = tpu.memref_slice %arg4[%add3A_100] : memref<331776xi32, #tpu.memory_space<hbm>> -> memref<128xi32, #tpu.memory_space<hbm>>
      tpu.wait_dma2 semaphore(%arg13 : memref<!tpu.dma_semaphore, #tpu.memory_space<semaphore_mem>>) src(%dma_wait3A_102 : memref<128xi32, #tpu.memory_space<hbm>>) dst(%arg10 : memref<128xi32, #tpu.memory_space<vmem>>)
      "tpu.region"() ({
        %run_scoped3A = tpu.sem_alloc : memref<!tpu.dma_semaphore, #tpu.memory_space<semaphore_mem>>
        %dma_start3A_111 = arith.constant 0 : i32
        %dma_start3A_112 = arith.constant 0 : i32
        %dma_start3A_113 = tpu.memref_slice %arg6[%dma_start3A_111, %dma_start3A_112] : memref<10112x128xf32, #tpu.memory_space<vmem_shared>> -> memref<10112x128xf32, #tpu.memory_space<vmem_shared>>
        tpu.enqueue_indirect_dma source(%arg7 : memref<128x128xf32, #tpu.memory_space<vmem>>) target(%dma_start3A_113 : memref<10112x128xf32, #tpu.memory_space<vmem_shared>>) offsets(%arg10 : memref<128xi32, #tpu.memory_space<vmem>>) semaphore(%run_scoped3A : memref<!tpu.dma_semaphore, #tpu.memory_space<semaphore_mem>>) {add = true}
        %dma_wait3A_114 = arith.constant 0 : i32
        %dma_wait3A_115 = arith.constant 0 : i32
        %dma_wait3A_116 = tpu.memref_slice %arg6[%dma_wait3A_114, %dma_wait3A_115] : memref<10112x128xf32, #tpu.memory_space<vmem_shared>> -> memref<10112x128xf32, #tpu.memory_space<vmem_shared>>
        tpu.wait_indirect_dma semaphore(%run_scoped3A : memref<!tpu.dma_semaphore, #tpu.memory_space<semaphore_mem>>) src(%arg7 : memref<128x128xf32, #tpu.memory_space<vmem>>) dst(%dma_wait3A_116 : memref<10112x128xf32, #tpu.memory_space<vmem_shared>>)
        tpu.yield
      }) : () -> ()
      %add3A_103 = arith.constant 3 : i32
      %add3A_104 = arith.addi %mul3A_65, %add3A_103 : i32
      %mul3A_105 = arith.constant 128 : i32
      %mul3A_106 = arith.muli %add3A_104, %mul3A_105 : i32
      %add3A_107 = arith.addi %mul3A_8, %mul3A_106 : i32
      %dma_start3A_108 = tpu.memref_slice %arg4[%add3A_107] : memref<331776xi32, #tpu.memory_space<hbm>> -> memref<128xi32, #tpu.memory_space<hbm>>
      %dma_start3A_109 = tpu.memref_slice %arg4[%add3A_107] : memref<331776xi32, #tpu.memory_space<hbm>> -> memref<128xi32, #tpu.memory_space<hbm>>
      tpu.enqueue_dma source(%dma_start3A_109 : memref<128xi32, #tpu.memory_space<hbm>>) target(%arg10 : memref<128xi32, #tpu.memory_space<vmem>>) target_semaphore(%arg13 : memref<!tpu.dma_semaphore, #tpu.memory_space<semaphore_mem>>)
      %while3A_110 = arith.constant 0 : i32
      scf.yield %while3A_110 : i32
    }
    %while3A_49 = arith.constant 1 : i32
    %while3A_50 = scf.for %while3A_62 = %while3A_46 to %while3A_42 step %while3A_49 iter_args(%while3A_63 = %while3A_48) -> (i32)  : i32 {
      %mul3A_64 = arith.constant 2 : i32
      %mul3A_65 = arith.muli %mul3A_64, %while3A_62 : i32
      %mul3A_66 = arith.constant 128 : i32
      %mul3A_67 = arith.muli %mul3A_65, %mul3A_66 : i32
      %dma_start3A_68 = tpu.memref_slice %arg8[%mul3A_67] : memref<15616xi32, #tpu.memory_space<vmem>> -> memref<128xi32, #tpu.memory_space<vmem>>
      %dma_start3A_69 = arith.constant 0 : i32
      %dma_start3A_70 = arith.constant 0 : i32
      %dma_start3A_71 = tpu.memref_slice %arg2[%dma_start3A_69, %dma_start3A_70] : memref<10000x128xf32, #tpu.memory_space<hbm>> -> memref<10000x128xf32, #tpu.memory_space<hbm>>
      tpu.enqueue_indirect_dma source(%dma_start3A_71 : memref<10000x128xf32, #tpu.memory_space<hbm>>) target(%arg7 : memref<128x128xf32, #tpu.memory_space<vmem>>) offsets(%dma_start3A_68 : memref<128xi32, #tpu.memory_space<vmem>>) semaphore(%arg11 : memref<!tpu.dma_semaphore, #tpu.memory_space<semaphore_mem>>)
      %dma_wait3A_72 = tpu.memref_slice %arg8[%mul3A_67] : memref<15616xi32, #tpu.memory_space<vmem>> -> memref<128xi32, #tpu.memory_space<vmem>>
      %dma_wait3A_73 = arith.constant 0 : i32
      %dma_wait3A_74 = arith.constant 0 : i32
      %dma_wait3A_75 = tpu.memref_slice %arg2[%dma_wait3A_73, %dma_wait3A_74] : memref<10000x128xf32, #tpu.memory_space<hbm>> -> memref<10000x128xf32, #tpu.memory_space<hbm>>
      tpu.wait_indirect_dma semaphore(%arg11 : memref<!tpu.dma_semaphore, #tpu.memory_space<semaphore_mem>>) src(%dma_wait3A_75 : memref<10000x128xf32, #tpu.memory_space<hbm>>) dst(%arg7 : memref<128x128xf32, #tpu.memory_space<vmem>>)
      %add3A_76 = arith.constant 0 : i32
      %add3A_77 = arith.addi %mul3A_8, %add3A_76 : i32
      %dma_wait3A_78 = tpu.memref_slice %arg4[%add3A_77] : memref<331776xi32, #tpu.memory_space<hbm>> -> memref<128xi32, #tpu.memory_space<hbm>>
      %dma_wait3A_79 = tpu.memref_slice %arg4[%add3A_77] : memref<331776xi32, #tpu.memory_space<hbm>> -> memref<128xi32, #tpu.memory_space<hbm>>
      tpu.wait_dma2 semaphore(%arg12 : memref<!tpu.dma_semaphore, #tpu.memory_space<semaphore_mem>>) src(%dma_wait3A_79 : memref<128xi32, #tpu.memory_space<hbm>>) dst(%arg9 : memref<128xi32, #tpu.memory_space<vmem>>)
      "tpu.region"() ({
        %run_scoped3A = tpu.sem_alloc : memref<!tpu.dma_semaphore, #tpu.memory_space<semaphore_mem>>
        %dma_start3A_111 = arith.constant 0 : i32
        %dma_start3A_112 = arith.constant 0 : i32
        %dma_start3A_113 = tpu.memref_slice %arg6[%dma_start3A_111, %dma_start3A_112] : memref<10112x128xf32, #tpu.memory_space<vmem_shared>> -> memref<10112x128xf32, #tpu.memory_space<vmem_shared>>
        tpu.enqueue_indirect_dma source(%arg7 : memref<128x128xf32, #tpu.memory_space<vmem>>) target(%dma_start3A_113 : memref<10112x128xf32, #tpu.memory_space<vmem_shared>>) offsets(%arg9 : memref<128xi32, #tpu.memory_space<vmem>>) semaphore(%run_scoped3A : memref<!tpu.dma_semaphore, #tpu.memory_space<semaphore_mem>>) {add = true}
        %dma_wait3A_114 = arith.constant 0 : i32
        %dma_wait3A_115 = arith.constant 0 : i32
        %dma_wait3A_116 = tpu.memref_slice %arg6[%dma_wait3A_114, %dma_wait3A_115] : memref<10112x128xf32, #tpu.memory_space<vmem_shared>> -> memref<10112x128xf32, #tpu.memory_space<vmem_shared>>
        tpu.wait_indirect_dma semaphore(%run_scoped3A : memref<!tpu.dma_semaphore, #tpu.memory_space<semaphore_mem>>) src(%arg7 : memref<128x128xf32, #tpu.memory_space<vmem>>) dst(%dma_wait3A_116 : memref<10112x128xf32, #tpu.memory_space<vmem_shared>>)
        tpu.yield
      }) : () -> ()
      %add3A_80 = arith.constant 2 : i32
      %add3A_81 = arith.addi %mul3A_65, %add3A_80 : i32
      %mul3A_82 = arith.constant 128 : i32
      %mul3A_83 = arith.muli %add3A_81, %mul3A_82 : i32
      %add3A_84 = arith.addi %mul3A_8, %mul3A_83 : i32
      %dma_start3A_85 = tpu.memref_slice %arg4[%add3A_84] : memref<331776xi32, #tpu.memory_space<hbm>> -> memref<128xi32, #tpu.memory_space<hbm>>
      %dma_start3A_86 = tpu.memref_slice %arg4[%add3A_84] : memref<331776xi32, #tpu.memory_space<hbm>> -> memref<128xi32, #tpu.memory_space<hbm>>
      tpu.enqueue_dma source(%dma_start3A_86 : memref<128xi32, #tpu.memory_space<hbm>>) target(%arg9 : memref<128xi32, #tpu.memory_space<vmem>>) target_semaphore(%arg12 : memref<!tpu.dma_semaphore, #tpu.memory_space<semaphore_mem>>)
      %add3A_87 = arith.constant 1 : i32
      %add3A_88 = arith.addi %mul3A_65, %add3A_87 : i32
      %mul3A_89 = arith.constant 128 : i32
      %mul3A_90 = arith.muli %add3A_88, %mul3A_89 : i32
      %dma_start3A_91 = tpu.memref_slice %arg8[%mul3A_90] : memref<15616xi32, #tpu.memory_space<vmem>> -> memref<128xi32, #tpu.memory_space<vmem>>
      %dma_start3A_92 = arith.constant 0 : i32
      %dma_start3A_93 = arith.constant 0 : i32
      %dma_start3A_94 = tpu.memref_slice %arg2[%dma_start3A_92, %dma_start3A_93] : memref<10000x128xf32, #tpu.memory_space<hbm>> -> memref<10000x128xf32, #tpu.memory_space<hbm>>
      tpu.enqueue_indirect_dma source(%dma_start3A_94 : memref<10000x128xf32, #tpu.memory_space<hbm>>) target(%arg7 : memref<128x128xf32, #tpu.memory_space<vmem>>) offsets(%dma_start3A_91 : memref<128xi32, #tpu.memory_space<vmem>>) semaphore(%arg11 : memref<!tpu.dma_semaphore, #tpu.memory_space<semaphore_mem>>)
      %dma_wait3A_95 = tpu.memref_slice %arg8[%mul3A_90] : memref<15616xi32, #tpu.memory_space<vmem>> -> memref<128xi32, #tpu.memory_space<vmem>>
      %dma_wait3A_96 = arith.constant 0 : i32
      %dma_wait3A_97 = arith.constant 0 : i32
      %dma_wait3A_98 = tpu.memref_slice %arg2[%dma_wait3A_96, %dma_wait3A_97] : memref<10000x128xf32, #tpu.memory_space<hbm>> -> memref<10000x128xf32, #tpu.memory_space<hbm>>
      tpu.wait_indirect_dma semaphore(%arg11 : memref<!tpu.dma_semaphore, #tpu.memory_space<semaphore_mem>>) src(%dma_wait3A_98 : memref<10000x128xf32, #tpu.memory_space<hbm>>) dst(%arg7 : memref<128x128xf32, #tpu.memory_space<vmem>>)
      %add3A_99 = arith.constant 128 : i32
      %add3A_100 = arith.addi %mul3A_8, %add3A_99 : i32
      %dma_wait3A_101 = tpu.memref_slice %arg4[%add3A_100] : memref<331776xi32, #tpu.memory_space<hbm>> -> memref<128xi32, #tpu.memory_space<hbm>>
      %dma_wait3A_102 = tpu.memref_slice %arg4[%add3A_100] : memref<331776xi32, #tpu.memory_space<hbm>> -> memref<128xi32, #tpu.memory_space<hbm>>
      tpu.wait_dma2 semaphore(%arg13 : memref<!tpu.dma_semaphore, #tpu.memory_space<semaphore_mem>>) src(%dma_wait3A_102 : memref<128xi32, #tpu.memory_space<hbm>>) dst(%arg10 : memref<128xi32, #tpu.memory_space<vmem>>)
      "tpu.region"() ({
        %run_scoped3A = tpu.sem_alloc : memref<!tpu.dma_semaphore, #tpu.memory_space<semaphore_mem>>
        %dma_start3A_111 = arith.constant 0 : i32
        %dma_start3A_112 = arith.constant 0 : i32
        %dma_start3A_113 = tpu.memref_slice %arg6[%dma_start3A_111, %dma_start3A_112] : memref<10112x128xf32, #tpu.memory_space<vmem_shared>> -> memref<10112x128xf32, #tpu.memory_space<vmem_shared>>
        tpu.enqueue_indirect_dma source(%arg7 : memref<128x128xf32, #tpu.memory_space<vmem>>) target(%dma_start3A_113 : memref<10112x128xf32, #tpu.memory_space<vmem_shared>>) offsets(%arg10 : memref<128xi32, #tpu.memory_space<vmem>>) semaphore(%run_scoped3A : memref<!tpu.dma_semaphore, #tpu.memory_space<semaphore_mem>>) {add = true}
        %dma_wait3A_114 = arith.constant 0 : i32
        %dma_wait3A_115 = arith.constant 0 : i32
        %dma_wait3A_116 = tpu.memref_slice %arg6[%dma_wait3A_114, %dma_wait3A_115] : memref<10112x128xf32, #tpu.memory_space<vmem_shared>> -> memref<10112x128xf32, #tpu.memory_space<vmem_shared>>
        tpu.wait_indirect_dma semaphore(%run_scoped3A : memref<!tpu.dma_semaphore, #tpu.memory_space<semaphore_mem>>) src(%arg7 : memref<128x128xf32, #tpu.memory_space<vmem>>) dst(%dma_wait3A_116 : memref<10112x128xf32, #tpu.memory_space<vmem_shared>>)
        tpu.yield
      }) : () -> ()
      %add3A_103 = arith.constant 3 : i32
      %add3A_104 = arith.addi %mul3A_65, %add3A_103 : i32
      %mul3A_105 = arith.constant 128 : i32
      %mul3A_106 = arith.muli %add3A_104, %mul3A_105 : i32
      %add3A_107 = arith.addi %mul3A_8, %mul3A_106 : i32
      %dma_start3A_108 = tpu.memref_slice %arg4[%add3A_107] : memref<331776xi32, #tpu.memory_space<hbm>> -> memref<128xi32, #tpu.memory_space<hbm>>
      %dma_start3A_109 = tpu.memref_slice %arg4[%add3A_107] : memref<331776xi32, #tpu.memory_space<hbm>> -> memref<128xi32, #tpu.memory_space<hbm>>
      tpu.enqueue_dma source(%dma_start3A_109 : memref<128xi32, #tpu.memory_space<hbm>>) target(%arg10 : memref<128xi32, #tpu.memory_space<vmem>>) target_semaphore(%arg13 : memref<!tpu.dma_semaphore, #tpu.memory_space<semaphore_mem>>)
      %while3A_110 = arith.constant 0 : i32
      scf.yield %while3A_110 : i32
    }
    %add3A_51 = arith.constant 0 : i32
    %add3A_52 = arith.addi %mul3A_8, %add3A_51 : i32
    %dma_wait3A_53 = tpu.memref_slice %arg4[%add3A_52] : memref<331776xi32, #tpu.memory_space<hbm>> -> memref<128xi32, #tpu.memory_space<hbm>>
    %dma_wait3A_54 = tpu.memref_slice %arg4[%add3A_52] : memref<331776xi32, #tpu.memory_space<hbm>> -> memref<128xi32, #tpu.memory_space<hbm>>
    tpu.wait_dma2 semaphore(%arg12 : memref<!tpu.dma_semaphore, #tpu.memory_space<semaphore_mem>>) src(%dma_wait3A_54 : memref<128xi32, #tpu.memory_space<hbm>>) dst(%arg9 : memref<128xi32, #tpu.memory_space<vmem>>)
    %add3A_55 = arith.constant 128 : i32
    %add3A_56 = arith.addi %mul3A_8, %add3A_55 : i32
    %dma_wait3A_57 = tpu.memref_slice %arg4[%add3A_56] : memref<331776xi32, #tpu.memory_space<hbm>> -> memref<128xi32, #tpu.memory_space<hbm>>
    %dma_wait3A_58 = tpu.memref_slice %arg4[%add3A_56] : memref<331776xi32, #tpu.memory_space<hbm>> -> memref<128xi32, #tpu.memory_space<hbm>>
    tpu.wait_dma2 semaphore(%arg13 : memref<!tpu.dma_semaphore, #tpu.memory_space<semaphore_mem>>) src(%dma_wait3A_58 : memref<128xi32, #tpu.memory_space<hbm>>) dst(%arg10 : memref<128xi32, #tpu.memory_space<vmem>>)
    %barrier3A_59 = arith.constant 0 : index
    tpu.barrier barrier_id(%barrier3A_59)
    %mul3A_60 = arith.constant 632 : i32
    %mul3A_61 = arith.muli %arg1, %mul3A_60 : i32
    "tpu.region"() ({
      %run_scoped3A = tpu.sem_alloc : memref<!tpu.dma_semaphore, #tpu.memory_space<semaphore_mem>>
      %dma_start3A_62 = arith.constant 0 : i32
      %dma_start3A_63 = tpu.memref_slice %arg5[%arg0, %mul3A_61, %dma_start3A_62] : memref<2x10112x128xf32, #tpu.memory_space<hbm>> -> memref<1x632x128xf32, #tpu.memory_space<hbm>>
      %dma_start3A_64 = tpu.memref_squeeze %dma_start3A_63 : memref<1x632x128xf32, #tpu.memory_space<hbm>> -> memref<632x128xf32, #tpu.memory_space<hbm>>
      %dma_start3A_65 = arith.constant 0 : i32
      %dma_start3A_66 = tpu.memref_slice %arg6[%mul3A_61, %dma_start3A_65] : memref<10112x128xf32, #tpu.memory_space<vmem_shared>> -> memref<632x128xf32, #tpu.memory_space<vmem_shared>>
      tpu.enqueue_dma source(%dma_start3A_66 : memref<632x128xf32, #tpu.memory_space<vmem_shared>>) target(%dma_start3A_64 : memref<632x128xf32, #tpu.memory_space<hbm>>) target_semaphore(%run_scoped3A : memref<!tpu.dma_semaphore, #tpu.memory_space<semaphore_mem>>)
      %dma_wait3A_67 = arith.constant 0 : i32
      %dma_wait3A_68 = tpu.memref_slice %arg5[%arg0, %mul3A_61, %dma_wait3A_67] : memref<2x10112x128xf32, #tpu.memory_space<hbm>> -> memref<1x632x128xf32, #tpu.memory_space<hbm>>
      %dma_wait3A_69 = tpu.memref_squeeze %dma_wait3A_68 : memref<1x632x128xf32, #tpu.memory_space<hbm>> -> memref<632x128xf32, #tpu.memory_space<hbm>>
      %dma_wait3A_70 = arith.constant 0 : i32
      %dma_wait3A_71 = tpu.memref_slice %arg6[%mul3A_61, %dma_wait3A_70] : memref<10112x128xf32, #tpu.memory_space<vmem_shared>> -> memref<632x128xf32, #tpu.memory_space<vmem_shared>>
      tpu.wait_dma2 semaphore(%run_scoped3A : memref<!tpu.dma_semaphore, #tpu.memory_space<semaphore_mem>>) src(%dma_wait3A_71 : memref<632x128xf32, #tpu.memory_space<vmem_shared>>) dst(%dma_wait3A_69 : memref<632x128xf32, #tpu.memory_space<hbm>>)
      tpu.yield
    }) : () -> ()
    return
  }
}

#map = affine_map<(d0, d1) -> (0, 0)>
#map1 = affine_map<(d0, d1) -> (0)>
#map2 = affine_map<(d0, d1) -> (0, 0, 0)>
module attributes {stable_mosaic.version = 14 : i64} {
  func.func @propagate(%arg0: i32, %arg1: i32, %arg2: memref<10000x128xf32, #tpu.memory_space<hbm>>, %arg3: memref<331776xi32, #tpu.memory_space<hbm>>, %arg4: memref<331776xi32, #tpu.memory_space<hbm>>, %arg5: memref<2x10112x128xf32, #tpu.memory_space<hbm>>, %arg6: memref<10112x128xf32, #tpu.memory_space<vmem_shared>>, %arg7: memref<128x128xf32, #tpu.memory_space<vmem>>, %arg8: memref<15616xi32, #tpu.memory_space<vmem>>, %arg9: memref<128xi32, #tpu.memory_space<vmem>>, %arg10: memref<128xi32, #tpu.memory_space<vmem>>, %arg11: memref<!tpu.dma_semaphore, #tpu.memory_space<semaphore_mem>>, %arg12: memref<!tpu.dma_semaphore, #tpu.memory_space<semaphore_mem>>, %arg13: memref<!tpu.dma_semaphore, #tpu.memory_space<semaphore_mem>>) attributes {dimension_semantics = [#tpu.dimension_semantics<core_parallel>, #tpu.dimension_semantics<subcore_parallel>], iteration_bounds = array<i64: 2, 16>, scalar_prefetch = 0 : i64, scratch_operands = 8 : i64, tpu.core_type = #tpu.core_type<sc_vector_subcore>, window_params = [{transform_indices = #map}, {transform_indices = #map1}, {transform_indices = #map1}, {transform_indices = #map2}]} {
    %mul3A = arith.constant -41 : i32
    %mul3A_0 = arith.muli %arg0, %mul3A : i32
    %add3A = arith.constant 60 : i32
    %add3A_1 = arith.addi %add3A, %mul3A_0 : i32
    %mul3A_2 = arith.constant 162 : i32
    %mul3A_3 = arith.muli %arg1, %mul3A_2 : i32
    %mul3A_4 = arith.constant 122 : i32
    %mul3A_5 = arith.muli %arg0, %mul3A_4 : i32
    %add3A_6 = arith.addi %mul3A_3, %mul3A_5 : i32
    %mul3A_7 = arith.constant 128 : i32
    %mul3A_8 = arith.muli %add3A_6, %mul3A_7 : i32
    %dma_start3A = tpu.memref_slice %arg3[%mul3A_8] : memref<331776xi32, #tpu.memory_space<hbm>> -> memref<15616xi32, #tpu.memory_space<hbm>>
    %dma_start3A_9 = tpu.memref_slice %arg3[%mul3A_8] : memref<331776xi32, #tpu.memory_space<hbm>> -> memref<15616xi32, #tpu.memory_space<hbm>>
    tpu.enqueue_dma source(%dma_start3A_9 : memref<15616xi32, #tpu.memory_space<hbm>>) target(%arg8 : memref<15616xi32, #tpu.memory_space<vmem>>) target_semaphore(%arg11 : memref<!tpu.dma_semaphore, #tpu.memory_space<semaphore_mem>>)
    %add3A_10 = arith.constant 0 : i32
    %add3A_11 = arith.addi %mul3A_8, %add3A_10 : i32
    %dma_start3A_12 = tpu.memref_slice %arg4[%add3A_11] : memref<331776xi32, #tpu.memory_space<hbm>> -> memref<128xi32, #tpu.memory_space<hbm>>
    %dma_start3A_13 = tpu.memref_slice %arg4[%add3A_11] : memref<331776xi32, #tpu.memory_space<hbm>> -> memref<128xi32, #tpu.memory_space<hbm>>
    tpu.enqueue_dma source(%dma_start3A_13 : memref<128xi32, #tpu.memory_space<hbm>>) target(%arg9 : memref<128xi32, #tpu.memory_space<vmem>>) target_semaphore(%arg12 : memref<!tpu.dma_semaphore, #tpu.memory_space<semaphore_mem>>)
    %add3A_14 = arith.constant 128 : i32
    %add3A_15 = arith.addi %mul3A_8, %add3A_14 : i32
    %dma_start3A_16 = tpu.memref_slice %arg4[%add3A_15] : memref<331776xi32, #tpu.memory_space<hbm>> -> memref<128xi32, #tpu.memory_space<hbm>>
    %dma_start3A_17 = tpu.memref_slice %arg4[%add3A_15] : memref<331776xi32, #tpu.memory_space<hbm>> -> memref<128xi32, #tpu.memory_space<hbm>>
    tpu.enqueue_dma source(%dma_start3A_17 : memref<128xi32, #tpu.memory_space<hbm>>) target(%arg10 : memref<128xi32, #tpu.memory_space<vmem>>) target_semaphore(%arg13 : memref<!tpu.dma_semaphore, #tpu.memory_space<semaphore_mem>>)
    %broadcast_in_dim3A = arith.constant 0.000000e+00 : f32
    %broadcast_in_dim3A_18 = vector.broadcast %broadcast_in_dim3A : f32 to vector<16xf32>
    %scan3A = arith.constant 0 : i32
    %scan3A_19 = arith.constant 0 : i32
    %scan3A_20 = arith.constant 128 : i32
    %scan3A_21 = arith.addi %scan3A_19, %scan3A_20 : i32
    %scan3A_22 = arith.constant 1 : i32
    %scan3A_23 = scf.for %scan3A_62 = %scan3A_19 to %scan3A_21 step %scan3A_22 iter_args(%scan3A_63 = %scan3A) -> (i32)  : i32 {
      %scan3A_64 = arith.constant 0 : i32
      %scan3A_65 = arith.constant 0 : i32
      %scan3A_66 = arith.constant 8 : i32
      %scan3A_67 = arith.addi %scan3A_65, %scan3A_66 : i32
      %scan3A_68 = arith.constant 1 : i32
      %scan3A_69 = scf.for %scan3A_71 = %scan3A_65 to %scan3A_67 step %scan3A_68 iter_args(%scan3A_72 = %scan3A_64) -> (i32)  : i32 {
        %mul3A_73 = arith.constant 16 : i32
        %mul3A_74 = arith.muli %scan3A_71, %mul3A_73 : i32
        %swap3A = arith.index_cast %scan3A_62 : i32 to index
        %swap3A_75 = arith.index_cast %mul3A_74 : i32 to index
        %swap3A_76 = tpu.vector_load %arg7[%swap3A, %swap3A_75] {strides = array<i32>} : memref<128x128xf32, #tpu.memory_space<vmem>>, vector<1x16xf32>,
        %swap3A_77 = vector.shape_cast %swap3A_76 : vector<1x16xf32> to vector<16xf32>
        %swap3A_78 = vector.shape_cast %broadcast_in_dim3A_18 : vector<16xf32> to vector<1x16xf32>
        tpu.vector_store %arg7[%swap3A, %swap3A_75], %swap3A_78 {strides = array<i32>} : memref<128x128xf32, #tpu.memory_space<vmem>>, vector<1x16xf32>,
        %scan3A_79 = arith.constant 0 : i32
        scf.yield %scan3A_79 : i32
      }
      %scan3A_70 = arith.constant 8 : i32
      scf.yield %scan3A_69 : i32
    }
    %scan3A_24 = arith.constant 128 : i32
    %mul3A_25 = arith.constant 632 : i32
    %mul3A_26 = arith.muli %arg1, %mul3A_25 : i32
    %add3A_27 = arith.constant 0 : i32
    %add3A_28 = arith.addi %mul3A_26, %add3A_27 : i32
    "tpu.region"() ({
      %run_scoped3A = tpu.sem_alloc : memref<!tpu.dma_semaphore, #tpu.memory_space<semaphore_mem>>
      %dma_start3A_62 = arith.constant 0 : i32
      %dma_start3A_63 = tpu.memref_slice %arg6[%add3A_28, %dma_start3A_62] : memref<10112x128xf32, #tpu.memory_space<vmem_shared>> -> memref<128x128xf32, #tpu.memory_space<vmem_shared>>
      %dma_start3A_64 = arith.constant 0 : i32
      %dma_start3A_65 = tpu.memref_slice %arg6[%add3A_28, %dma_start3A_64] : memref<10112x128xf32, #tpu.memory_space<vmem_shared>> -> memref<128x128xf32, #tpu.memory_space<vmem_shared>>
      tpu.enqueue_dma source(%arg7 : memref<128x128xf32, #tpu.memory_space<vmem>>) target(%dma_start3A_65 : memref<128x128xf32, #tpu.memory_space<vmem_shared>>) target_semaphore(%run_scoped3A : memref<!tpu.dma_semaphore, #tpu.memory_space<semaphore_mem>>)
      %dma_wait3A_66 = arith.constant 0 : i32
      %dma_wait3A_67 = tpu.memref_slice %arg6[%add3A_28, %dma_wait3A_66] : memref<10112x128xf32, #tpu.memory_space<vmem_shared>> -> memref<128x128xf32, #tpu.memory_space<vmem_shared>>
      %dma_wait3A_68 = arith.constant 0 : i32
      %dma_wait3A_69 = tpu.memref_slice %arg6[%add3A_28, %dma_wait3A_68] : memref<10112x128xf32, #tpu.memory_space<vmem_shared>> -> memref<128x128xf32, #tpu.memory_space<vmem_shared>>
      tpu.wait_dma2 semaphore(%run_scoped3A : memref<!tpu.dma_semaphore, #tpu.memory_space<semaphore_mem>>) src(%arg7 : memref<128x128xf32, #tpu.memory_space<vmem>>) dst(%dma_wait3A_69 : memref<128x128xf32, #tpu.memory_space<vmem_shared>>)
      tpu.yield
    }) : () -> ()
    %add3A_29 = arith.constant 128 : i32
    %add3A_30 = arith.addi %mul3A_26, %add3A_29 : i32
    "tpu.region"() ({
      %run_scoped3A = tpu.sem_alloc : memref<!tpu.dma_semaphore, #tpu.memory_space<semaphore_mem>>
      %dma_start3A_62 = arith.constant 0 : i32
      %dma_start3A_63 = tpu.memref_slice %arg6[%add3A_30, %dma_start3A_62] : memref<10112x128xf32, #tpu.memory_space<vmem_shared>> -> memref<128x128xf32, #tpu.memory_space<vmem_shared>>
      %dma_start3A_64 = arith.constant 0 : i32
      %dma_start3A_65 = tpu.memref_slice %arg6[%add3A_30, %dma_start3A_64] : memref<10112x128xf32, #tpu.memory_space<vmem_shared>> -> memref<128x128xf32, #tpu.memory_space<vmem_shared>>
      tpu.enqueue_dma source(%arg7 : memref<128x128xf32, #tpu.memory_space<vmem>>) target(%dma_start3A_65 : memref<128x128xf32, #tpu.memory_space<vmem_shared>>) target_semaphore(%run_scoped3A : memref<!tpu.dma_semaphore, #tpu.memory_space<semaphore_mem>>)
      %dma_wait3A_66 = arith.constant 0 : i32
      %dma_wait3A_67 = tpu.memref_slice %arg6[%add3A_30, %dma_wait3A_66] : memref<10112x128xf32, #tpu.memory_space<vmem_shared>> -> memref<128x128xf32, #tpu.memory_space<vmem_shared>>
      %dma_wait3A_68 = arith.constant 0 : i32
      %dma_wait3A_69 = tpu.memref_slice %arg6[%add3A_30, %dma_wait3A_68] : memref<10112x128xf32, #tpu.memory_space<vmem_shared>> -> memref<128x128xf32, #tpu.memory_space<vmem_shared>>
      tpu.wait_dma2 semaphore(%run_scoped3A : memref<!tpu.dma_semaphore, #tpu.memory_space<semaphore_mem>>) src(%arg7 : memref<128x128xf32, #tpu.memory_space<vmem>>) dst(%dma_wait3A_69 : memref<128x128xf32, #tpu.memory_space<vmem_shared>>)
      tpu.yield
    }) : () -> ()
    %add3A_31 = arith.constant 256 : i32
    %add3A_32 = arith.addi %mul3A_26, %add3A_31 : i32
    "tpu.region"() ({
      %run_scoped3A = tpu.sem_alloc : memref<!tpu.dma_semaphore, #tpu.memory_space<semaphore_mem>>
      %dma_start3A_62 = arith.constant 0 : i32
      %dma_start3A_63 = tpu.memref_slice %arg6[%add3A_32, %dma_start3A_62] : memref<10112x128xf32, #tpu.memory_space<vmem_shared>> -> memref<128x128xf32, #tpu.memory_space<vmem_shared>>
      %dma_start3A_64 = arith.constant 0 : i32
      %dma_start3A_65 = tpu.memref_slice %arg6[%add3A_32, %dma_start3A_64] : memref<10112x128xf32, #tpu.memory_space<vmem_shared>> -> memref<128x128xf32, #tpu.memory_space<vmem_shared>>
      tpu.enqueue_dma source(%arg7 : memref<128x128xf32, #tpu.memory_space<vmem>>) target(%dma_start3A_65 : memref<128x128xf32, #tpu.memory_space<vmem_shared>>) target_semaphore(%run_scoped3A : memref<!tpu.dma_semaphore, #tpu.memory_space<semaphore_mem>>)
      %dma_wait3A_66 = arith.constant 0 : i32
      %dma_wait3A_67 = tpu.memref_slice %arg6[%add3A_32, %dma_wait3A_66] : memref<10112x128xf32, #tpu.memory_space<vmem_shared>> -> memref<128x128xf32, #tpu.memory_space<vmem_shared>>
      %dma_wait3A_68 = arith.constant 0 : i32
      %dma_wait3A_69 = tpu.memref_slice %arg6[%add3A_32, %dma_wait3A_68] : memref<10112x128xf32, #tpu.memory_space<vmem_shared>> -> memref<128x128xf32, #tpu.memory_space<vmem_shared>>
      tpu.wait_dma2 semaphore(%run_scoped3A : memref<!tpu.dma_semaphore, #tpu.memory_space<semaphore_mem>>) src(%arg7 : memref<128x128xf32, #tpu.memory_space<vmem>>) dst(%dma_wait3A_69 : memref<128x128xf32, #tpu.memory_space<vmem_shared>>)
      tpu.yield
    }) : () -> ()
    %add3A_33 = arith.constant 384 : i32
    %add3A_34 = arith.addi %mul3A_26, %add3A_33 : i32
    "tpu.region"() ({
      %run_scoped3A = tpu.sem_alloc : memref<!tpu.dma_semaphore, #tpu.memory_space<semaphore_mem>>
      %dma_start3A_62 = arith.constant 0 : i32
      %dma_start3A_63 = tpu.memref_slice %arg6[%add3A_34, %dma_start3A_62] : memref<10112x128xf32, #tpu.memory_space<vmem_shared>> -> memref<128x128xf32, #tpu.memory_space<vmem_shared>>
      %dma_start3A_64 = arith.constant 0 : i32
      %dma_start3A_65 = tpu.memref_slice %arg6[%add3A_34, %dma_start3A_64] : memref<10112x128xf32, #tpu.memory_space<vmem_shared>> -> memref<128x128xf32, #tpu.memory_space<vmem_shared>>
      tpu.enqueue_dma source(%arg7 : memref<128x128xf32, #tpu.memory_space<vmem>>) target(%dma_start3A_65 : memref<128x128xf32, #tpu.memory_space<vmem_shared>>) target_semaphore(%run_scoped3A : memref<!tpu.dma_semaphore, #tpu.memory_space<semaphore_mem>>)
      %dma_wait3A_66 = arith.constant 0 : i32
      %dma_wait3A_67 = tpu.memref_slice %arg6[%add3A_34, %dma_wait3A_66] : memref<10112x128xf32, #tpu.memory_space<vmem_shared>> -> memref<128x128xf32, #tpu.memory_space<vmem_shared>>
      %dma_wait3A_68 = arith.constant 0 : i32
      %dma_wait3A_69 = tpu.memref_slice %arg6[%add3A_34, %dma_wait3A_68] : memref<10112x128xf32, #tpu.memory_space<vmem_shared>> -> memref<128x128xf32, #tpu.memory_space<vmem_shared>>
      tpu.wait_dma2 semaphore(%run_scoped3A : memref<!tpu.dma_semaphore, #tpu.memory_space<semaphore_mem>>) src(%arg7 : memref<128x128xf32, #tpu.memory_space<vmem>>) dst(%dma_wait3A_69 : memref<128x128xf32, #tpu.memory_space<vmem_shared>>)
      tpu.yield
    }) : () -> ()
    %add3A_35 = arith.constant 512 : i32
    %add3A_36 = arith.addi %mul3A_26, %add3A_35 : i32
    "tpu.region"() ({
      %run_scoped3A = tpu.sem_alloc : memref<!tpu.dma_semaphore, #tpu.memory_space<semaphore_mem>>
      %dma_start3A_62 = arith.constant 0 : i32
      %dma_start3A_63 = arith.constant 0 : i32
      %dma_start3A_64 = tpu.memref_slice %arg7[%dma_start3A_62, %dma_start3A_63] : memref<128x128xf32, #tpu.memory_space<vmem>> -> memref<120x128xf32, #tpu.memory_space<vmem>>
      %dma_start3A_65 = arith.constant 0 : i32
      %dma_start3A_66 = tpu.memref_slice %arg6[%add3A_36, %dma_start3A_65] : memref<10112x128xf32, #tpu.memory_space<vmem_shared>> -> memref<120x128xf32, #tpu.memory_space<vmem_shared>>
      %dma_start3A_67 = arith.constant 0 : i32
      %dma_start3A_68 = tpu.memref_slice %arg6[%add3A_36, %dma_start3A_67] : memref<10112x128xf32, #tpu.memory_space<vmem_shared>> -> memref<120x128xf32, #tpu.memory_space<vmem_shared>>
      %dma_start3A_69 = arith.constant 0 : i32
      %dma_start3A_70 = arith.constant 0 : i32
      %dma_start3A_71 = tpu.memref_slice %arg7[%dma_start3A_69, %dma_start3A_70] : memref<128x128xf32, #tpu.memory_space<vmem>> -> memref<120x128xf32, #tpu.memory_space<vmem>>
      tpu.enqueue_dma source(%dma_start3A_71 : memref<120x128xf32, #tpu.memory_space<vmem>>) target(%dma_start3A_68 : memref<120x128xf32, #tpu.memory_space<vmem_shared>>) target_semaphore(%run_scoped3A : memref<!tpu.dma_semaphore, #tpu.memory_space<semaphore_mem>>)
      %dma_wait3A_72 = arith.constant 0 : i32
      %dma_wait3A_73 = arith.constant 0 : i32
      %dma_wait3A_74 = tpu.memref_slice %arg7[%dma_wait3A_72, %dma_wait3A_73] : memref<128x128xf32, #tpu.memory_space<vmem>> -> memref<120x128xf32, #tpu.memory_space<vmem>>
      %dma_wait3A_75 = arith.constant 0 : i32
      %dma_wait3A_76 = tpu.memref_slice %arg6[%add3A_36, %dma_wait3A_75] : memref<10112x128xf32, #tpu.memory_space<vmem_shared>> -> memref<120x128xf32, #tpu.memory_space<vmem_shared>>
      %dma_wait3A_77 = arith.constant 0 : i32
      %dma_wait3A_78 = tpu.memref_slice %arg6[%add3A_36, %dma_wait3A_77] : memref<10112x128xf32, #tpu.memory_space<vmem_shared>> -> memref<120x128xf32, #tpu.memory_space<vmem_shared>>
      %dma_wait3A_79 = arith.constant 0 : i32
      %dma_wait3A_80 = arith.constant 0 : i32
      %dma_wait3A_81 = tpu.memref_slice %arg7[%dma_wait3A_79, %dma_wait3A_80] : memref<128x128xf32, #tpu.memory_space<vmem>> -> memref<120x128xf32, #tpu.memory_space<vmem>>
      tpu.wait_dma2 semaphore(%run_scoped3A : memref<!tpu.dma_semaphore, #tpu.memory_space<semaphore_mem>>) src(%dma_wait3A_81 : memref<120x128xf32, #tpu.memory_space<vmem>>) dst(%dma_wait3A_78 : memref<120x128xf32, #tpu.memory_space<vmem_shared>>)
      tpu.yield
    }) : () -> ()
    %dma_wait3A = arith.constant 0 : i32
    %dma_wait3A_37 = tpu.memref_slice %arg3[%dma_wait3A] : memref<331776xi32, #tpu.memory_space<hbm>> -> memref<15616xi32, #tpu.memory_space<hbm>>
    %dma_wait3A_38 = arith.constant 0 : i32
    %dma_wait3A_39 = tpu.memref_slice %arg3[%dma_wait3A_38] : memref<331776xi32, #tpu.memory_space<hbm>> -> memref<15616xi32, #tpu.memory_space<hbm>>
    tpu.wait_dma2 semaphore(%arg11 : memref<!tpu.dma_semaphore, #tpu.memory_space<semaphore_mem>>) src(%dma_wait3A_39 : memref<15616xi32, #tpu.memory_space<hbm>>) dst(%arg8 : memref<15616xi32, #tpu.memory_space<vmem>>)
    %barrier3A = arith.constant 0 : index
    tpu.barrier barrier_id(%barrier3A)
    %while3A = arith.constant 0 : i32
    %while3A_40 = arith.constant 0 : i32
    %while3A_41 = arith.subi %add3A_1, %while3A : i32
    %while3A_42 = arith.addi %while3A, %while3A_41 : i32
    %while3A_43 = arith.constant 1 : i32
    %while3A_44 = arith.divsi %while3A_41, %while3A_43 : i32
    %while3A_45 = arith.muli %while3A_44, %while3A_43 : i32
    %while3A_46 = arith.addi %while3A, %while3A_45 : i32
    %while3A_47 = arith.constant 1 : i32
    %while3A_48 = scf.for %while3A_62 = %while3A to %while3A_46 step %while3A_47 iter_args(%while3A_63 = %while3A_40) -> (i32)  : i32 {
      %mul3A_64 = arith.constant 2 : i32
      %mul3A_65 = arith.muli %mul3A_64, %while3A_62 : i32
      %mul3A_66 = arith.constant 128 : i32
      %mul3A_67 = arith.muli %mul3A_65, %mul3A_66 : i32
      %dma_start3A_68 = tpu.memref_slice %arg8[%mul3A_67] : memref<15616xi32, #tpu.memory_space<vmem>> -> memref<128xi32, #tpu.memory_space<vmem>>
      %dma_start3A_69 = arith.constant 0 : i32
      %dma_start3A_70 = arith.constant 0 : i32
      %dma_start3A_71 = tpu.memref_slice %arg2[%dma_start3A_69, %dma_start3A_70] : memref<10000x128xf32, #tpu.memory_space<hbm>> -> memref<10000x128xf32, #tpu.memory_space<hbm>>
      tpu.enqueue_indirect_dma source(%dma_start3A_71 : memref<10000x128xf32, #tpu.memory_space<hbm>>) target(%arg7 : memref<128x128xf32, #tpu.memory_space<vmem>>) offsets(%dma_start3A_68 : memref<128xi32, #tpu.memory_space<vmem>>) semaphore(%arg11 : memref<!tpu.dma_semaphore, #tpu.memory_space<semaphore_mem>>)
      %dma_wait3A_72 = tpu.memref_slice %arg8[%mul3A_67] : memref<15616xi32, #tpu.memory_space<vmem>> -> memref<128xi32, #tpu.memory_space<vmem>>
      %dma_wait3A_73 = arith.constant 0 : i32
      %dma_wait3A_74 = arith.constant 0 : i32
      %dma_wait3A_75 = tpu.memref_slice %arg2[%dma_wait3A_73, %dma_wait3A_74] : memref<10000x128xf32, #tpu.memory_space<hbm>> -> memref<10000x128xf32, #tpu.memory_space<hbm>>
      tpu.wait_indirect_dma semaphore(%arg11 : memref<!tpu.dma_semaphore, #tpu.memory_space<semaphore_mem>>) src(%dma_wait3A_75 : memref<10000x128xf32, #tpu.memory_space<hbm>>) dst(%arg7 : memref<128x128xf32, #tpu.memory_space<vmem>>)
      %add3A_76 = arith.constant 0 : i32
      %add3A_77 = arith.addi %mul3A_8, %add3A_76 : i32
      %dma_wait3A_78 = tpu.memref_slice %arg4[%add3A_77] : memref<331776xi32, #tpu.memory_space<hbm>> -> memref<128xi32, #tpu.memory_space<hbm>>
      %dma_wait3A_79 = tpu.memref_slice %arg4[%add3A_77] : memref<331776xi32, #tpu.memory_space<hbm>> -> memref<128xi32, #tpu.memory_space<hbm>>
      tpu.wait_dma2 semaphore(%arg12 : memref<!tpu.dma_semaphore, #tpu.memory_space<semaphore_mem>>) src(%dma_wait3A_79 : memref<128xi32, #tpu.memory_space<hbm>>) dst(%arg9 : memref<128xi32, #tpu.memory_space<vmem>>)
      "tpu.region"() ({
        %run_scoped3A = tpu.sem_alloc : memref<!tpu.dma_semaphore, #tpu.memory_space<semaphore_mem>>
        %dma_start3A_111 = arith.constant 0 : i32
        %dma_start3A_112 = arith.constant 0 : i32
        %dma_start3A_113 = tpu.memref_slice %arg6[%dma_start3A_111, %dma_start3A_112] : memref<10112x128xf32, #tpu.memory_space<vmem_shared>> -> memref<10112x128xf32, #tpu.memory_space<vmem_shared>>
        tpu.enqueue_indirect_dma source(%arg7 : memref<128x128xf32, #tpu.memory_space<vmem>>) target(%dma_start3A_113 : memref<10112x128xf32, #tpu.memory_space<vmem_shared>>) offsets(%arg9 : memref<128xi32, #tpu.memory_space<vmem>>) semaphore(%run_scoped3A : memref<!tpu.dma_semaphore, #tpu.memory_space<semaphore_mem>>) {add = true}
        %dma_wait3A_114 = arith.constant 0 : i32
        %dma_wait3A_115 = arith.constant 0 : i32
        %dma_wait3A_116 = tpu.memref_slice %arg6[%dma_wait3A_114, %dma_wait3A_115] : memref<10112x128xf32, #tpu.memory_space<vmem_shared>> -> memref<10112x128xf32, #tpu.memory_space<vmem_shared>>
        tpu.wait_indirect_dma semaphore(%run_scoped3A : memref<!tpu.dma_semaphore, #tpu.memory_space<semaphore_mem>>) src(%arg7 : memref<128x128xf32, #tpu.memory_space<vmem>>) dst(%dma_wait3A_116 : memref<10112x128xf32, #tpu.memory_space<vmem_shared>>)
        tpu.yield
      }) : () -> ()
      %add3A_80 = arith.constant 2 : i32
      %add3A_81 = arith.addi %mul3A_65, %add3A_80 : i32
      %mul3A_82 = arith.constant 128 : i32
      %mul3A_83 = arith.muli %add3A_81, %mul3A_82 : i32
      %add3A_84 = arith.addi %mul3A_8, %mul3A_83 : i32
      %dma_start3A_85 = tpu.memref_slice %arg4[%add3A_84] : memref<331776xi32, #tpu.memory_space<hbm>> -> memref<128xi32, #tpu.memory_space<hbm>>
      %dma_start3A_86 = tpu.memref_slice %arg4[%add3A_84] : memref<331776xi32, #tpu.memory_space<hbm>> -> memref<128xi32, #tpu.memory_space<hbm>>
      tpu.enqueue_dma source(%dma_start3A_86 : memref<128xi32, #tpu.memory_space<hbm>>) target(%arg9 : memref<128xi32, #tpu.memory_space<vmem>>) target_semaphore(%arg12 : memref<!tpu.dma_semaphore, #tpu.memory_space<semaphore_mem>>)
      %add3A_87 = arith.constant 1 : i32
      %add3A_88 = arith.addi %mul3A_65, %add3A_87 : i32
      %mul3A_89 = arith.constant 128 : i32
      %mul3A_90 = arith.muli %add3A_88, %mul3A_89 : i32
      %dma_start3A_91 = tpu.memref_slice %arg8[%mul3A_90] : memref<15616xi32, #tpu.memory_space<vmem>> -> memref<128xi32, #tpu.memory_space<vmem>>
      %dma_start3A_92 = arith.constant 0 : i32
      %dma_start3A_93 = arith.constant 0 : i32
      %dma_start3A_94 = tpu.memref_slice %arg2[%dma_start3A_92, %dma_start3A_93] : memref<10000x128xf32, #tpu.memory_space<hbm>> -> memref<10000x128xf32, #tpu.memory_space<hbm>>
      tpu.enqueue_indirect_dma source(%dma_start3A_94 : memref<10000x128xf32, #tpu.memory_space<hbm>>) target(%arg7 : memref<128x128xf32, #tpu.memory_space<vmem>>) offsets(%dma_start3A_91 : memref<128xi32, #tpu.memory_space<vmem>>) semaphore(%arg11 : memref<!tpu.dma_semaphore, #tpu.memory_space<semaphore_mem>>)
      %dma_wait3A_95 = tpu.memref_slice %arg8[%mul3A_90] : memref<15616xi32, #tpu.memory_space<vmem>> -> memref<128xi32, #tpu.memory_space<vmem>>
      %dma_wait3A_96 = arith.constant 0 : i32
      %dma_wait3A_97 = arith.constant 0 : i32
      %dma_wait3A_98 = tpu.memref_slice %arg2[%dma_wait3A_96, %dma_wait3A_97] : memref<10000x128xf32, #tpu.memory_space<hbm>> -> memref<10000x128xf32, #tpu.memory_space<hbm>>
      tpu.wait_indirect_dma semaphore(%arg11 : memref<!tpu.dma_semaphore, #tpu.memory_space<semaphore_mem>>) src(%dma_wait3A_98 : memref<10000x128xf32, #tpu.memory_space<hbm>>) dst(%arg7 : memref<128x128xf32, #tpu.memory_space<vmem>>)
      %add3A_99 = arith.constant 128 : i32
      %add3A_100 = arith.addi %mul3A_8, %add3A_99 : i32
      %dma_wait3A_101 = tpu.memref_slice %arg4[%add3A_100] : memref<331776xi32, #tpu.memory_space<hbm>> -> memref<128xi32, #tpu.memory_space<hbm>>
      %dma_wait3A_102 = tpu.memref_slice %arg4[%add3A_100] : memref<331776xi32, #tpu.memory_space<hbm>> -> memref<128xi32, #tpu.memory_space<hbm>>
      tpu.wait_dma2 semaphore(%arg13 : memref<!tpu.dma_semaphore, #tpu.memory_space<semaphore_mem>>) src(%dma_wait3A_102 : memref<128xi32, #tpu.memory_space<hbm>>) dst(%arg10 : memref<128xi32, #tpu.memory_space<vmem>>)
      "tpu.region"() ({
        %run_scoped3A = tpu.sem_alloc : memref<!tpu.dma_semaphore, #tpu.memory_space<semaphore_mem>>
        %dma_start3A_111 = arith.constant 0 : i32
        %dma_start3A_112 = arith.constant 0 : i32
        %dma_start3A_113 = tpu.memref_slice %arg6[%dma_start3A_111, %dma_start3A_112] : memref<10112x128xf32, #tpu.memory_space<vmem_shared>> -> memref<10112x128xf32, #tpu.memory_space<vmem_shared>>
        tpu.enqueue_indirect_dma source(%arg7 : memref<128x128xf32, #tpu.memory_space<vmem>>) target(%dma_start3A_113 : memref<10112x128xf32, #tpu.memory_space<vmem_shared>>) offsets(%arg10 : memref<128xi32, #tpu.memory_space<vmem>>) semaphore(%run_scoped3A : memref<!tpu.dma_semaphore, #tpu.memory_space<semaphore_mem>>) {add = true}
        %dma_wait3A_114 = arith.constant 0 : i32
        %dma_wait3A_115 = arith.constant 0 : i32
        %dma_wait3A_116 = tpu.memref_slice %arg6[%dma_wait3A_114, %dma_wait3A_115] : memref<10112x128xf32, #tpu.memory_space<vmem_shared>> -> memref<10112x128xf32, #tpu.memory_space<vmem_shared>>
        tpu.wait_indirect_dma semaphore(%run_scoped3A : memref<!tpu.dma_semaphore, #tpu.memory_space<semaphore_mem>>) src(%arg7 : memref<128x128xf32, #tpu.memory_space<vmem>>) dst(%dma_wait3A_116 : memref<10112x128xf32, #tpu.memory_space<vmem_shared>>)
        tpu.yield
      }) : () -> ()
      %add3A_103 = arith.constant 3 : i32
      %add3A_104 = arith.addi %mul3A_65, %add3A_103 : i32
      %mul3A_105 = arith.constant 128 : i32
      %mul3A_106 = arith.muli %add3A_104, %mul3A_105 : i32
      %add3A_107 = arith.addi %mul3A_8, %mul3A_106 : i32
      %dma_start3A_108 = tpu.memref_slice %arg4[%add3A_107] : memref<331776xi32, #tpu.memory_space<hbm>> -> memref<128xi32, #tpu.memory_space<hbm>>
      %dma_start3A_109 = tpu.memref_slice %arg4[%add3A_107] : memref<331776xi32, #tpu.memory_space<hbm>> -> memref<128xi32, #tpu.memory_space<hbm>>
      tpu.enqueue_dma source(%dma_start3A_109 : memref<128xi32, #tpu.memory_space<hbm>>) target(%arg10 : memref<128xi32, #tpu.memory_space<vmem>>) target_semaphore(%arg13 : memref<!tpu.dma_semaphore, #tpu.memory_space<semaphore_mem>>)
      %while3A_110 = arith.constant 0 : i32
      scf.yield %while3A_110 : i32
    }
    %while3A_49 = arith.constant 1 : i32
    %while3A_50 = scf.for %while3A_62 = %while3A_46 to %while3A_42 step %while3A_49 iter_args(%while3A_63 = %while3A_48) -> (i32)  : i32 {
      %mul3A_64 = arith.constant 2 : i32
      %mul3A_65 = arith.muli %mul3A_64, %while3A_62 : i32
      %mul3A_66 = arith.constant 128 : i32
      %mul3A_67 = arith.muli %mul3A_65, %mul3A_66 : i32
      %dma_start3A_68 = tpu.memref_slice %arg8[%mul3A_67] : memref<15616xi32, #tpu.memory_space<vmem>> -> memref<128xi32, #tpu.memory_space<vmem>>
      %dma_start3A_69 = arith.constant 0 : i32
      %dma_start3A_70 = arith.constant 0 : i32
      %dma_start3A_71 = tpu.memref_slice %arg2[%dma_start3A_69, %dma_start3A_70] : memref<10000x128xf32, #tpu.memory_space<hbm>> -> memref<10000x128xf32, #tpu.memory_space<hbm>>
      tpu.enqueue_indirect_dma source(%dma_start3A_71 : memref<10000x128xf32, #tpu.memory_space<hbm>>) target(%arg7 : memref<128x128xf32, #tpu.memory_space<vmem>>) offsets(%dma_start3A_68 : memref<128xi32, #tpu.memory_space<vmem>>) semaphore(%arg11 : memref<!tpu.dma_semaphore, #tpu.memory_space<semaphore_mem>>)
      %dma_wait3A_72 = tpu.memref_slice %arg8[%mul3A_67] : memref<15616xi32, #tpu.memory_space<vmem>> -> memref<128xi32, #tpu.memory_space<vmem>>
      %dma_wait3A_73 = arith.constant 0 : i32
      %dma_wait3A_74 = arith.constant 0 : i32
      %dma_wait3A_75 = tpu.memref_slice %arg2[%dma_wait3A_73, %dma_wait3A_74] : memref<10000x128xf32, #tpu.memory_space<hbm>> -> memref<10000x128xf32, #tpu.memory_space<hbm>>
      tpu.wait_indirect_dma semaphore(%arg11 : memref<!tpu.dma_semaphore, #tpu.memory_space<semaphore_mem>>) src(%dma_wait3A_75 : memref<10000x128xf32, #tpu.memory_space<hbm>>) dst(%arg7 : memref<128x128xf32, #tpu.memory_space<vmem>>)
      %add3A_76 = arith.constant 0 : i32
      %add3A_77 = arith.addi %mul3A_8, %add3A_76 : i32
      %dma_wait3A_78 = tpu.memref_slice %arg4[%add3A_77] : memref<331776xi32, #tpu.memory_space<hbm>> -> memref<128xi32, #tpu.memory_space<hbm>>
      %dma_wait3A_79 = tpu.memref_slice %arg4[%add3A_77] : memref<331776xi32, #tpu.memory_space<hbm>> -> memref<128xi32, #tpu.memory_space<hbm>>
      tpu.wait_dma2 semaphore(%arg12 : memref<!tpu.dma_semaphore, #tpu.memory_space<semaphore_mem>>) src(%dma_wait3A_79 : memref<128xi32, #tpu.memory_space<hbm>>) dst(%arg9 : memref<128xi32, #tpu.memory_space<vmem>>)
      "tpu.region"() ({
        %run_scoped3A = tpu.sem_alloc : memref<!tpu.dma_semaphore, #tpu.memory_space<semaphore_mem>>
        %dma_start3A_111 = arith.constant 0 : i32
        %dma_start3A_112 = arith.constant 0 : i32
        %dma_start3A_113 = tpu.memref_slice %arg6[%dma_start3A_111, %dma_start3A_112] : memref<10112x128xf32, #tpu.memory_space<vmem_shared>> -> memref<10112x128xf32, #tpu.memory_space<vmem_shared>>
        tpu.enqueue_indirect_dma source(%arg7 : memref<128x128xf32, #tpu.memory_space<vmem>>) target(%dma_start3A_113 : memref<10112x128xf32, #tpu.memory_space<vmem_shared>>) offsets(%arg9 : memref<128xi32, #tpu.memory_space<vmem>>) semaphore(%run_scoped3A : memref<!tpu.dma_semaphore, #tpu.memory_space<semaphore_mem>>) {add = true}
        %dma_wait3A_114 = arith.constant 0 : i32
        %dma_wait3A_115 = arith.constant 0 : i32
        %dma_wait3A_116 = tpu.memref_slice %arg6[%dma_wait3A_114, %dma_wait3A_115] : memref<10112x128xf32, #tpu.memory_space<vmem_shared>> -> memref<10112x128xf32, #tpu.memory_space<vmem_shared>>
        tpu.wait_indirect_dma semaphore(%run_scoped3A : memref<!tpu.dma_semaphore, #tpu.memory_space<semaphore_mem>>) src(%arg7 : memref<128x128xf32, #tpu.memory_space<vmem>>) dst(%dma_wait3A_116 : memref<10112x128xf32, #tpu.memory_space<vmem_shared>>)
        tpu.yield
      }) : () -> ()
      %add3A_80 = arith.constant 2 : i32
      %add3A_81 = arith.addi %mul3A_65, %add3A_80 : i32
      %mul3A_82 = arith.constant 128 : i32
      %mul3A_83 = arith.muli %add3A_81, %mul3A_82 : i32
      %add3A_84 = arith.addi %mul3A_8, %mul3A_83 : i32
      %dma_start3A_85 = tpu.memref_slice %arg4[%add3A_84] : memref<331776xi32, #tpu.memory_space<hbm>> -> memref<128xi32, #tpu.memory_space<hbm>>
      %dma_start3A_86 = tpu.memref_slice %arg4[%add3A_84] : memref<331776xi32, #tpu.memory_space<hbm>> -> memref<128xi32, #tpu.memory_space<hbm>>
      tpu.enqueue_dma source(%dma_start3A_86 : memref<128xi32, #tpu.memory_space<hbm>>) target(%arg9 : memref<128xi32, #tpu.memory_space<vmem>>) target_semaphore(%arg12 : memref<!tpu.dma_semaphore, #tpu.memory_space<semaphore_mem>>)
      %add3A_87 = arith.constant 1 : i32
      %add3A_88 = arith.addi %mul3A_65, %add3A_87 : i32
      %mul3A_89 = arith.constant 128 : i32
      %mul3A_90 = arith.muli %add3A_88, %mul3A_89 : i32
      %dma_start3A_91 = tpu.memref_slice %arg8[%mul3A_90] : memref<15616xi32, #tpu.memory_space<vmem>> -> memref<128xi32, #tpu.memory_space<vmem>>
      %dma_start3A_92 = arith.constant 0 : i32
      %dma_start3A_93 = arith.constant 0 : i32
      %dma_start3A_94 = tpu.memref_slice %arg2[%dma_start3A_92, %dma_start3A_93] : memref<10000x128xf32, #tpu.memory_space<hbm>> -> memref<10000x128xf32, #tpu.memory_space<hbm>>
      tpu.enqueue_indirect_dma source(%dma_start3A_94 : memref<10000x128xf32, #tpu.memory_space<hbm>>) target(%arg7 : memref<128x128xf32, #tpu.memory_space<vmem>>) offsets(%dma_start3A_91 : memref<128xi32, #tpu.memory_space<vmem>>) semaphore(%arg11 : memref<!tpu.dma_semaphore, #tpu.memory_space<semaphore_mem>>)
      %dma_wait3A_95 = tpu.memref_slice %arg8[%mul3A_90] : memref<15616xi32, #tpu.memory_space<vmem>> -> memref<128xi32, #tpu.memory_space<vmem>>
      %dma_wait3A_96 = arith.constant 0 : i32
      %dma_wait3A_97 = arith.constant 0 : i32
      %dma_wait3A_98 = tpu.memref_slice %arg2[%dma_wait3A_96, %dma_wait3A_97] : memref<10000x128xf32, #tpu.memory_space<hbm>> -> memref<10000x128xf32, #tpu.memory_space<hbm>>
      tpu.wait_indirect_dma semaphore(%arg11 : memref<!tpu.dma_semaphore, #tpu.memory_space<semaphore_mem>>) src(%dma_wait3A_98 : memref<10000x128xf32, #tpu.memory_space<hbm>>) dst(%arg7 : memref<128x128xf32, #tpu.memory_space<vmem>>)
      %add3A_99 = arith.constant 128 : i32
      %add3A_100 = arith.addi %mul3A_8, %add3A_99 : i32
      %dma_wait3A_101 = tpu.memref_slice %arg4[%add3A_100] : memref<331776xi32, #tpu.memory_space<hbm>> -> memref<128xi32, #tpu.memory_space<hbm>>
      %dma_wait3A_102 = tpu.memref_slice %arg4[%add3A_100] : memref<331776xi32, #tpu.memory_space<hbm>> -> memref<128xi32, #tpu.memory_space<hbm>>
      tpu.wait_dma2 semaphore(%arg13 : memref<!tpu.dma_semaphore, #tpu.memory_space<semaphore_mem>>) src(%dma_wait3A_102 : memref<128xi32, #tpu.memory_space<hbm>>) dst(%arg10 : memref<128xi32, #tpu.memory_space<vmem>>)
      "tpu.region"() ({
        %run_scoped3A = tpu.sem_alloc : memref<!tpu.dma_semaphore, #tpu.memory_space<semaphore_mem>>
        %dma_start3A_111 = arith.constant 0 : i32
        %dma_start3A_112 = arith.constant 0 : i32
        %dma_start3A_113 = tpu.memref_slice %arg6[%dma_start3A_111, %dma_start3A_112] : memref<10112x128xf32, #tpu.memory_space<vmem_shared>> -> memref<10112x128xf32, #tpu.memory_space<vmem_shared>>
        tpu.enqueue_indirect_dma source(%arg7 : memref<128x128xf32, #tpu.memory_space<vmem>>) target(%dma_start3A_113 : memref<10112x128xf32, #tpu.memory_space<vmem_shared>>) offsets(%arg10 : memref<128xi32, #tpu.memory_space<vmem>>) semaphore(%run_scoped3A : memref<!tpu.dma_semaphore, #tpu.memory_space<semaphore_mem>>) {add = true}
        %dma_wait3A_114 = arith.constant 0 : i32
        %dma_wait3A_115 = arith.constant 0 : i32
        %dma_wait3A_116 = tpu.memref_slice %arg6[%dma_wait3A_114, %dma_wait3A_115] : memref<10112x128xf32, #tpu.memory_space<vmem_shared>> -> memref<10112x128xf32, #tpu.memory_space<vmem_shared>>
        tpu.wait_indirect_dma semaphore(%run_scoped3A : memref<!tpu.dma_semaphore, #tpu.memory_space<semaphore_mem>>) src(%arg7 : memref<128x128xf32, #tpu.memory_space<vmem>>) dst(%dma_wait3A_116 : memref<10112x128xf32, #tpu.memory_space<vmem_shared>>)
        tpu.yield
      }) : () -> ()
      %add3A_103 = arith.constant 3 : i32
      %add3A_104 = arith.addi %mul3A_65, %add3A_103 : i32
      %mul3A_105 = arith.constant 128 : i32
      %mul3A_106 = arith.muli %add3A_104, %mul3A_105 : i32
      %add3A_107 = arith.addi %mul3A_8, %mul3A_106 : i32
      %dma_start3A_108 = tpu.memref_slice %arg4[%add3A_107] : memref<331776xi32, #tpu.memory_space<hbm>> -> memref<128xi32, #tpu.memory_space<hbm>>
      %dma_start3A_109 = tpu.memref_slice %arg4[%add3A_107] : memref<331776xi32, #tpu.memory_space<hbm>> -> memref<128xi32, #tpu.memory_space<hbm>>
      tpu.enqueue_dma source(%dma_start3A_109 : memref<128xi32, #tpu.memory_space<hbm>>) target(%arg10 : memref<128xi32, #tpu.memory_space<vmem>>) target_semaphore(%arg13 : memref<!tpu.dma_semaphore, #tpu.memory_space<semaphore_mem>>)
      %while3A_110 = arith.constant 0 : i32
      scf.yield %while3A_110 : i32
    }
    %add3A_51 = arith.constant 0 : i32
    %add3A_52 = arith.addi %mul3A_8, %add3A_51 : i32
    %dma_wait3A_53 = tpu.memref_slice %arg4[%add3A_52] : memref<331776xi32, #tpu.memory_space<hbm>> -> memref<128xi32, #tpu.memory_space<hbm>>
    %dma_wait3A_54 = tpu.memref_slice %arg4[%add3A_52] : memref<331776xi32, #tpu.memory_space<hbm>> -> memref<128xi32, #tpu.memory_space<hbm>>
    tpu.wait_dma2 semaphore(%arg12 : memref<!tpu.dma_semaphore, #tpu.memory_space<semaphore_mem>>) src(%dma_wait3A_54 : memref<128xi32, #tpu.memory_space<hbm>>) dst(%arg9 : memref<128xi32, #tpu.memory_space<vmem>>)
    %add3A_55 = arith.constant 128 : i32
    %add3A_56 = arith.addi %mul3A_8, %add3A_55 : i32
    %dma_wait3A_57 = tpu.memref_slice %arg4[%add3A_56] : memref<331776xi32, #tpu.memory_space<hbm>> -> memref<128xi32, #tpu.memory_space<hbm>>
    %dma_wait3A_58 = tpu.memref_slice %arg4[%add3A_56] : memref<331776xi32, #tpu.memory_space<hbm>> -> memref<128xi32, #tpu.memory_space<hbm>>
    tpu.wait_dma2 semaphore(%arg13 : memref<!tpu.dma_semaphore, #tpu.memory_space<semaphore_mem>>) src(%dma_wait3A_58 : memref<128xi32, #tpu.memory_space<hbm>>) dst(%arg10 : memref<128xi32, #tpu.memory_space<vmem>>)
    %barrier3A_59 = arith.constant 0 : index
    tpu.barrier barrier_id(%barrier3A_59)
    %mul3A_60 = arith.constant 632 : i32
    %mul3A_61 = arith.muli %arg1, %mul3A_60 : i32
    "tpu.region"() ({
      %run_scoped3A = tpu.sem_alloc : memref<!tpu.dma_semaphore, #tpu.memory_space<semaphore_mem>>
      %dma_start3A_62 = arith.constant 0 : i32
      %dma_start3A_63 = tpu.memref_slice %arg5[%arg0, %mul3A_61, %dma_start3A_62] : memref<2x10112x128xf32, #tpu.memory_space<hbm>> -> memref<1x632x128xf32, #tpu.memory_space<hbm>>
      %dma_start3A_64 = tpu.memref_squeeze %dma_start3A_63 : memref<1x632x128xf32, #tpu.memory_space<hbm>> -> memref<632x128xf32, #tpu.memory_space<hbm>>
      %dma_start3A_65 = arith.constant 0 : i32
      %dma_start3A_66 = tpu.memref_slice %arg6[%mul3A_61, %dma_start3A_65] : memref<10112x128xf32, #tpu.memory_space<vmem_shared>> -> memref<632x128xf32, #tpu.memory_space<vmem_shared>>
      tpu.enqueue_dma source(%dma_start3A_66 : memref<632x128xf32, #tpu.memory_space<vmem_shared>>) target(%dma_start3A_64 : memref<632x128xf32, #tpu.memory_space<hbm>>) target_semaphore(%run_scoped3A : memref<!tpu.dma_semaphore, #tpu.memory_space<semaphore_mem>>)
      %dma_wait3A_67 = arith.constant 0 : i32
      %dma_wait3A_68 = tpu.memref_slice %arg5[%arg0, %mul3A_61, %dma_wait3A_67] : memref<2x10112x128xf32, #tpu.memory_space<hbm>> -> memref<1x632x128xf32, #tpu.memory_space<hbm>>
      %dma_wait3A_69 = tpu.memref_squeeze %dma_wait3A_68 : memref<1x632x128xf32, #tpu.memory_space<hbm>> -> memref<632x128xf32, #tpu.memory_space<hbm>>
      %dma_wait3A_70 = arith.constant 0 : i32
      %dma_wait3A_71 = tpu.memref_slice %arg6[%mul3A_61, %dma_wait3A_70] : memref<10112x128xf32, #tpu.memory_space<vmem_shared>> -> memref<632x128xf32, #tpu.memory_space<vmem_shared>>
      tpu.wait_dma2 semaphore(%run_scoped3A : memref<!tpu.dma_semaphore, #tpu.memory_space<semaphore_mem>>) src(%dma_wait3A_71 : memref<632x128xf32, #tpu.memory_space<vmem_shared>>) dst(%dma_wait3A_69 : memref<632x128xf32, #tpu.memory_space<hbm>>)
      tpu.yield
    }) : () -> ()
    return
  }
}

module attributes {stable_mosaic.version = 14 : i64} {
  func.func @_final_body(%arg0: i32, %arg1: memref<1000x128xf32, #tpu.memory_space<vmem>>, %arg2: memref<1000x128xf32, #tpu.memory_space<vmem>>, %arg3: memref<1000x128xf32, #tpu.memory_space<vmem>>, %arg4: memref<1000x128xf32, #tpu.memory_space<vmem>>, %arg5: memref<1000x128xf32, #tpu.memory_space<vmem>>, %arg6: memref<1x1000x128xf32, #tpu.memory_space<vmem>>, %arg7: memref<1x1000x128xf32, #tpu.memory_space<vmem>>, %arg8: memref<128x128xf32, #tpu.memory_space<vmem>>, %arg9: memref<1x128xf32, #tpu.memory_space<vmem>>, %arg10: memref<1000x128xf32, #tpu.memory_space<vmem>>) attributes {dimension_semantics = [#tpu.dimension_semantics<arbitrary>], iteration_bounds = array<i64: 10>, scalar_prefetch = 0 : i64, scratch_operands = 0 : i64, tpu.core_type = #tpu.core_type<tc>, window_params = [{transform_indices = @transform_0, window_bounds = array<i64: 1000, 128>}, {transform_indices = @transform_1, window_bounds = array<i64: 1000, 128>}, {transform_indices = @transform_2, window_bounds = array<i64: 1000, 128>}, {transform_indices = @transform_3, window_bounds = array<i64: 1000, 128>}, {transform_indices = @transform_4, window_bounds = array<i64: 1000, 128>}, {transform_indices = @transform_5, window_bounds = array<i64: 1, 1000, 128>}, {transform_indices = @transform_6, window_bounds = array<i64: 1, 1000, 128>}, {pipeline_mode = #tpu.pipeline_mode<synchronous>, transform_indices = @transform_7, window_bounds = array<i64: 128, 128>}, {pipeline_mode = #tpu.pipeline_mode<synchronous>, transform_indices = @transform_8, window_bounds = array<i64: 1, 128>}, {transform_indices = @transform_9, window_bounds = array<i64: 1000, 128>}]} {
    %get3A = arith.constant 0 : index
    %get3A_0 = arith.constant 0 : index
    %get3A_1 = vector.load %arg5[%get3A, %get3A_0] : memref<1000x128xf32, #tpu.memory_space<vmem>>, vector<1000x128xf32>
    %get3A_2 = arith.constant 0 : index
    %get3A_3 = arith.constant 0 : index
    %get3A_4 = arith.constant 0 : index
    %get3A_5 = vector.load %arg6[%get3A_2, %get3A_3, %get3A_4] : memref<1x1000x128xf32, #tpu.memory_space<vmem>>, vector<1x1000x128xf32>
    %get3A_6 = vector.shape_cast %get3A_5 : vector<1x1000x128xf32> to vector<1000x128xf32>
    %get3A_7 = arith.constant 0 : index
    %get3A_8 = arith.constant 0 : index
    %get3A_9 = arith.constant 0 : index
    %get3A_10 = vector.load %arg7[%get3A_7, %get3A_8, %get3A_9] : memref<1x1000x128xf32, #tpu.memory_space<vmem>>, vector<1x1000x128xf32>
    %get3A_11 = vector.shape_cast %get3A_10 : vector<1x1000x128xf32> to vector<1000x128xf32>
    %add3A = arith.addf %get3A_6, %get3A_11 : vector<1000x128xf32>
    %mul3A = arith.mulf %get3A_1, %add3A : vector<1000x128xf32>
    %mul3A_12 = arith.mulf %get3A_1, %get3A_1 : vector<1000x128xf32>
    %get3A_13 = arith.constant 0 : index
    %get3A_14 = arith.constant 0 : index
    %get3A_15 = vector.load %arg2[%get3A_13, %get3A_14] : memref<1000x128xf32, #tpu.memory_space<vmem>>, vector<1000x128xf32>
    %mul3A_16 = arith.mulf %mul3A_12, %get3A_15 : vector<1000x128xf32>
    %add3A_17 = arith.addf %mul3A, %mul3A_16 : vector<1000x128xf32>
    %get3A_18 = arith.constant 0 : index
    %get3A_19 = arith.constant 0 : index
    %get3A_20 = vector.load %arg1[%get3A_18, %get3A_19] : memref<1000x128xf32, #tpu.memory_space<vmem>>, vector<1000x128xf32>
    %get3A_21 = arith.constant 0 : index
    %get3A_22 = arith.constant 0 : index
    %get3A_23 = vector.load %arg3[%get3A_21, %get3A_22] : memref<1000x128xf32, #tpu.memory_space<vmem>>, vector<1000x128xf32>
    %sub3A = arith.subf %add3A_17, %get3A_23 : vector<1000x128xf32>
    %get3A_24 = arith.constant 0 : index
    %get3A_25 = arith.constant 0 : index
    %get3A_26 = vector.load %arg4[%get3A_24, %get3A_25] : memref<1000x128xf32, #tpu.memory_space<vmem>>, vector<1000x128xf32>
    %sub3A_27 = arith.subf %sub3A, %get3A_26 : vector<1000x128xf32>
    %max3A = arith.constant 0.000000e+00 : f32
    %max3A_28 = vector.broadcast %max3A : f32 to vector<1000x128xf32>
    %max3A_29 = arith.maximumf %sub3A_27, %max3A_28 : vector<1000x128xf32>
    %add3A_30 = arith.addf %get3A_20, %max3A_29 : vector<1000x128xf32>
    %max3A_31 = arith.constant 0.000000e+00 : f32
    %max3A_32 = vector.broadcast %max3A_31 : f32 to vector<1000x128xf32>
    %max3A_33 = arith.maximumf %add3A_30, %max3A_32 : vector<1000x128xf32>
    %get3A_34 = arith.constant 0 : index
    %get3A_35 = arith.constant 0 : index
    %get3A_36 = vector.load %arg8[%get3A_34, %get3A_35] : memref<128x128xf32, #tpu.memory_space<vmem>>, vector<128x128xf32>
    %dot_general3A = arith.constant dense<0.000000e+00> : vector<1000x128xf32>
    %dot_general3A_37 = tpu.matmul %max3A_33, %get3A_36, %dot_general3A {dimension_numbers = #tpu.dot_dimension_numbers<[1], [0], [0], [1], [0, 0, 1, 1], [], []>, transpose_lhs_hint = false} : vector<1000x128xf32>, vector<128x128xf32>, vector<1000x128xf32> -> vector<1000x128xf32>
    %get3A_38 = arith.constant 0 : index
    %get3A_39 = arith.constant 0 : index
    %get3A_40 = vector.load %arg9[%get3A_38, %get3A_39] : memref<1x128xf32, #tpu.memory_space<vmem>>, vector<1x128xf32>
    %add3A_41 = vector.broadcast %get3A_40 : vector<1x128xf32> to vector<1000x128xf32>
    %add3A_42 = arith.addf %dot_general3A_37, %add3A_41 : vector<1000x128xf32>
    %swap3A = arith.constant 0 : index
    %swap3A_43 = arith.constant 0 : index
    %swap3A_44 = vector.load %arg10[%swap3A, %swap3A_43] : memref<1000x128xf32, #tpu.memory_space<vmem>>, vector<1000x128xf32>
    tpu.vector_store %arg10[%swap3A, %swap3A_43], %add3A_42 {strides = array<i32>} : memref<1000x128xf32, #tpu.memory_space<vmem>>, vector<1000x128xf32>,
    return
  }
  func.func @transform_0(%arg0: i32) -> (i32, i32) {
    %c0_i32 = arith.constant 0 : i32
    %c0_i32_0 = arith.constant 0 : i32
    return %arg0, %c0_i32 : i32, i32
  }
  func.func @transform_1(%arg0: i32) -> (i32, i32) {
    %c0_i32 = arith.constant 0 : i32
    %c0_i32_0 = arith.constant 0 : i32
    return %arg0, %c0_i32 : i32, i32
  }
  func.func @transform_2(%arg0: i32) -> (i32, i32) {
    %c0_i32 = arith.constant 0 : i32
    %c0_i32_0 = arith.constant 0 : i32
    return %arg0, %c0_i32 : i32, i32
  }
  func.func @transform_3(%arg0: i32) -> (i32, i32) {
    %c0_i32 = arith.constant 0 : i32
    %c0_i32_0 = arith.constant 0 : i32
    return %arg0, %c0_i32 : i32, i32
  }
  func.func @transform_4(%arg0: i32) -> (i32, i32) {
    %c0_i32 = arith.constant 0 : i32
    %c0_i32_0 = arith.constant 0 : i32
    return %arg0, %c0_i32 : i32, i32
  }
  func.func @transform_5(%arg0: i32) -> (i32, i32, i32) {
    %c0_i32 = arith.constant 0 : i32
    %c0_i32_0 = arith.constant 0 : i32
    %c0_i32_1 = arith.constant 0 : i32
    return %c0_i32, %arg0, %c0_i32_0 : i32, i32, i32
  }
  func.func @transform_6(%arg0: i32) -> (i32, i32, i32) {
    %c1_i32 = arith.constant 1 : i32
    %c0_i32 = arith.constant 0 : i32
    %c0_i32_0 = arith.constant 0 : i32
    return %c1_i32, %arg0, %c0_i32 : i32, i32, i32
  }
  func.func @transform_7(%arg0: i32) -> (i32, i32) {
    %c0_i32 = arith.constant 0 : i32
    %c0_i32_0 = arith.constant 0 : i32
    %c0_i32_1 = arith.constant 0 : i32
    return %c0_i32, %c0_i32_0 : i32, i32
  }
  func.func @transform_8(%arg0: i32) -> (i32, i32) {
    %c0_i32 = arith.constant 0 : i32
    %c0_i32_0 = arith.constant 0 : i32
    %c0_i32_1 = arith.constant 0 : i32
    return %c0_i32, %c0_i32_0 : i32, i32
  }
  func.func @transform_9(%arg0: i32) -> (i32, i32) {
    %c0_i32 = arith.constant 0 : i32
    %c0_i32_0 = arith.constant 0 : i32
    return %arg0, %c0_i32 : i32, i32
  }
}

module attributes {stable_mosaic.version = 14 : i64} {
  func.func @_layer_body(%arg0: i32, %arg1: memref<1000x128xf32, #tpu.memory_space<vmem>>, %arg2: memref<1000x128xf32, #tpu.memory_space<vmem>>, %arg3: memref<1000x128xf32, #tpu.memory_space<vmem>>, %arg4: memref<1000x128xf32, #tpu.memory_space<vmem>>, %arg5: memref<1000x128xf32, #tpu.memory_space<vmem>>, %arg6: memref<1x1000x128xf32, #tpu.memory_space<vmem>>, %arg7: memref<1x1000x128xf32, #tpu.memory_space<vmem>>, %arg8: memref<128x128xf32, #tpu.memory_space<vmem>>, %arg9: memref<128x128xf32, #tpu.memory_space<vmem>>, %arg10: memref<1000x128xf32, #tpu.memory_space<vmem>>, %arg11: memref<1000x128xf32, #tpu.memory_space<vmem>>, %arg12: memref<1000x128xf32, #tpu.memory_space<vmem>>, %arg13: memref<1000x128xf32, #tpu.memory_space<vmem>>) attributes {dimension_semantics = [#tpu.dimension_semantics<arbitrary>], iteration_bounds = array<i64: 10>, scalar_prefetch = 0 : i64, scratch_operands = 0 : i64, tpu.core_type = #tpu.core_type<tc>, window_params = [{transform_indices = @transform_0, window_bounds = array<i64: 1000, 128>}, {transform_indices = @transform_1, window_bounds = array<i64: 1000, 128>}, {transform_indices = @transform_2, window_bounds = array<i64: 1000, 128>}, {transform_indices = @transform_3, window_bounds = array<i64: 1000, 128>}, {transform_indices = @transform_4, window_bounds = array<i64: 1000, 128>}, {transform_indices = @transform_5, window_bounds = array<i64: 1, 1000, 128>}, {transform_indices = @transform_6, window_bounds = array<i64: 1, 1000, 128>}, {pipeline_mode = #tpu.pipeline_mode<synchronous>, transform_indices = @transform_7, window_bounds = array<i64: 128, 128>}, {pipeline_mode = #tpu.pipeline_mode<synchronous>, transform_indices = @transform_8, window_bounds = array<i64: 128, 128>}, {transform_indices = @transform_9, window_bounds = array<i64: 1000, 128>}, {transform_indices = @transform_10, window_bounds = array<i64: 1000, 128>}, {transform_indices = @transform_11, window_bounds = array<i64: 1000, 128>}, {transform_indices = @transform_12, window_bounds = array<i64: 1000, 128>}]} {
    %get3A = arith.constant 0 : index
    %get3A_0 = arith.constant 0 : index
    %get3A_1 = vector.load %arg5[%get3A, %get3A_0] : memref<1000x128xf32, #tpu.memory_space<vmem>>, vector<1000x128xf32>
    %get3A_2 = arith.constant 0 : index
    %get3A_3 = arith.constant 0 : index
    %get3A_4 = arith.constant 0 : index
    %get3A_5 = vector.load %arg6[%get3A_2, %get3A_3, %get3A_4] : memref<1x1000x128xf32, #tpu.memory_space<vmem>>, vector<1x1000x128xf32>
    %get3A_6 = vector.shape_cast %get3A_5 : vector<1x1000x128xf32> to vector<1000x128xf32>
    %get3A_7 = arith.constant 0 : index
    %get3A_8 = arith.constant 0 : index
    %get3A_9 = arith.constant 0 : index
    %get3A_10 = vector.load %arg7[%get3A_7, %get3A_8, %get3A_9] : memref<1x1000x128xf32, #tpu.memory_space<vmem>>, vector<1x1000x128xf32>
    %get3A_11 = vector.shape_cast %get3A_10 : vector<1x1000x128xf32> to vector<1000x128xf32>
    %add3A = arith.addf %get3A_6, %get3A_11 : vector<1000x128xf32>
    %mul3A = arith.mulf %get3A_1, %add3A : vector<1000x128xf32>
    %mul3A_12 = arith.mulf %get3A_1, %get3A_1 : vector<1000x128xf32>
    %get3A_13 = arith.constant 0 : index
    %get3A_14 = arith.constant 0 : index
    %get3A_15 = vector.load %arg2[%get3A_13, %get3A_14] : memref<1000x128xf32, #tpu.memory_space<vmem>>, vector<1000x128xf32>
    %mul3A_16 = arith.mulf %mul3A_12, %get3A_15 : vector<1000x128xf32>
    %add3A_17 = arith.addf %mul3A, %mul3A_16 : vector<1000x128xf32>
    %get3A_18 = arith.constant 0 : index
    %get3A_19 = arith.constant 0 : index
    %get3A_20 = vector.load %arg1[%get3A_18, %get3A_19] : memref<1000x128xf32, #tpu.memory_space<vmem>>, vector<1000x128xf32>
    %get3A_21 = arith.constant 0 : index
    %get3A_22 = arith.constant 0 : index
    %get3A_23 = vector.load %arg3[%get3A_21, %get3A_22] : memref<1000x128xf32, #tpu.memory_space<vmem>>, vector<1000x128xf32>
    %sub3A = arith.subf %add3A_17, %get3A_23 : vector<1000x128xf32>
    %get3A_24 = arith.constant 0 : index
    %get3A_25 = arith.constant 0 : index
    %get3A_26 = vector.load %arg4[%get3A_24, %get3A_25] : memref<1000x128xf32, #tpu.memory_space<vmem>>, vector<1000x128xf32>
    %sub3A_27 = arith.subf %sub3A, %get3A_26 : vector<1000x128xf32>
    %max3A = arith.constant 0.000000e+00 : f32
    %max3A_28 = vector.broadcast %max3A : f32 to vector<1000x128xf32>
    %max3A_29 = arith.maximumf %sub3A_27, %max3A_28 : vector<1000x128xf32>
    %add3A_30 = arith.addf %get3A_20, %max3A_29 : vector<1000x128xf32>
    %max3A_31 = arith.constant 0.000000e+00 : f32
    %max3A_32 = vector.broadcast %max3A_31 : f32 to vector<1000x128xf32>
    %max3A_33 = arith.maximumf %add3A_30, %max3A_32 : vector<1000x128xf32>
    %get3A_34 = arith.constant 0 : index
    %get3A_35 = arith.constant 0 : index
    %get3A_36 = vector.load %arg8[%get3A_34, %get3A_35] : memref<128x128xf32, #tpu.memory_space<vmem>>, vector<128x128xf32>
    %dot_general3A = arith.constant dense<0.000000e+00> : vector<1000x128xf32>
    %dot_general3A_37 = tpu.matmul %max3A_33, %get3A_36, %dot_general3A {dimension_numbers = #tpu.dot_dimension_numbers<[1], [0], [0], [1], [0, 0, 1, 1], [], []>, transpose_lhs_hint = false} : vector<1000x128xf32>, vector<128x128xf32>, vector<1000x128xf32> -> vector<1000x128xf32>
    %swap3A = arith.constant 0 : index
    %swap3A_38 = arith.constant 0 : index
    %swap3A_39 = vector.load %arg10[%swap3A, %swap3A_38] : memref<1000x128xf32, #tpu.memory_space<vmem>>, vector<1000x128xf32>
    tpu.vector_store %arg10[%swap3A, %swap3A_38], %max3A_33 {strides = array<i32>} : memref<1000x128xf32, #tpu.memory_space<vmem>>, vector<1000x128xf32>,
    %swap3A_40 = arith.constant 0 : index
    %swap3A_41 = arith.constant 0 : index
    %swap3A_42 = vector.load %arg11[%swap3A_40, %swap3A_41] : memref<1000x128xf32, #tpu.memory_space<vmem>>, vector<1000x128xf32>
    tpu.vector_store %arg11[%swap3A_40, %swap3A_41], %dot_general3A_37 {strides = array<i32>} : memref<1000x128xf32, #tpu.memory_space<vmem>>, vector<1000x128xf32>,
    %mul3A_43 = arith.mulf %get3A_1, %dot_general3A_37 : vector<1000x128xf32>
    %swap3A_44 = arith.constant 0 : index
    %swap3A_45 = arith.constant 0 : index
    %swap3A_46 = vector.load %arg12[%swap3A_44, %swap3A_45] : memref<1000x128xf32, #tpu.memory_space<vmem>>, vector<1000x128xf32>
    tpu.vector_store %arg12[%swap3A_44, %swap3A_45], %mul3A_43 {strides = array<i32>} : memref<1000x128xf32, #tpu.memory_space<vmem>>, vector<1000x128xf32>,
    %get3A_47 = arith.constant 0 : index
    %get3A_48 = arith.constant 0 : index
    %get3A_49 = vector.load %arg9[%get3A_47, %get3A_48] : memref<128x128xf32, #tpu.memory_space<vmem>>, vector<128x128xf32>
    %dot_general3A_50 = arith.constant dense<0.000000e+00> : vector<1000x128xf32>
    %dot_general3A_51 = tpu.matmul %max3A_33, %get3A_49, %dot_general3A_50 {dimension_numbers = #tpu.dot_dimension_numbers<[1], [0], [0], [1], [0, 0, 1, 1], [], []>, transpose_lhs_hint = false} : vector<1000x128xf32>, vector<128x128xf32>, vector<1000x128xf32> -> vector<1000x128xf32>
    %swap3A_52 = arith.constant 0 : index
    %swap3A_53 = arith.constant 0 : index
    %swap3A_54 = vector.load %arg13[%swap3A_52, %swap3A_53] : memref<1000x128xf32, #tpu.memory_space<vmem>>, vector<1000x128xf32>
    tpu.vector_store %arg13[%swap3A_52, %swap3A_53], %dot_general3A_51 {strides = array<i32>} : memref<1000x128xf32, #tpu.memory_space<vmem>>, vector<1000x128xf32>,
    return
  }
  func.func @transform_0(%arg0: i32) -> (i32, i32) {
    %c0_i32 = arith.constant 0 : i32
    %c0_i32_0 = arith.constant 0 : i32
    return %arg0, %c0_i32 : i32, i32
  }
  func.func @transform_1(%arg0: i32) -> (i32, i32) {
    %c0_i32 = arith.constant 0 : i32
    %c0_i32_0 = arith.constant 0 : i32
    return %arg0, %c0_i32 : i32, i32
  }
  func.func @transform_2(%arg0: i32) -> (i32, i32) {
    %c0_i32 = arith.constant 0 : i32
    %c0_i32_0 = arith.constant 0 : i32
    return %arg0, %c0_i32 : i32, i32
  }
  func.func @transform_3(%arg0: i32) -> (i32, i32) {
    %c0_i32 = arith.constant 0 : i32
    %c0_i32_0 = arith.constant 0 : i32
    return %arg0, %c0_i32 : i32, i32
  }
  func.func @transform_4(%arg0: i32) -> (i32, i32) {
    %c0_i32 = arith.constant 0 : i32
    %c0_i32_0 = arith.constant 0 : i32
    return %arg0, %c0_i32 : i32, i32
  }
  func.func @transform_5(%arg0: i32) -> (i32, i32, i32) {
    %c0_i32 = arith.constant 0 : i32
    %c0_i32_0 = arith.constant 0 : i32
    %c0_i32_1 = arith.constant 0 : i32
    return %c0_i32, %arg0, %c0_i32_0 : i32, i32, i32
  }
  func.func @transform_6(%arg0: i32) -> (i32, i32, i32) {
    %c1_i32 = arith.constant 1 : i32
    %c0_i32 = arith.constant 0 : i32
    %c0_i32_0 = arith.constant 0 : i32
    return %c1_i32, %arg0, %c0_i32 : i32, i32, i32
  }
  func.func @transform_7(%arg0: i32) -> (i32, i32) {
    %c0_i32 = arith.constant 0 : i32
    %c0_i32_0 = arith.constant 0 : i32
    %c0_i32_1 = arith.constant 0 : i32
    return %c0_i32, %c0_i32_0 : i32, i32
  }
  func.func @transform_8(%arg0: i32) -> (i32, i32) {
    %c0_i32 = arith.constant 0 : i32
    %c0_i32_0 = arith.constant 0 : i32
    %c0_i32_1 = arith.constant 0 : i32
    return %c0_i32, %c0_i32_0 : i32, i32
  }
  func.func @transform_9(%arg0: i32) -> (i32, i32) {
    %c0_i32 = arith.constant 0 : i32
    %c0_i32_0 = arith.constant 0 : i32
    return %arg0, %c0_i32 : i32, i32
  }
  func.func @transform_10(%arg0: i32) -> (i32, i32) {
    %c0_i32 = arith.constant 0 : i32
    %c0_i32_0 = arith.constant 0 : i32
    return %arg0, %c0_i32 : i32, i32
  }
  func.func @transform_11(%arg0: i32) -> (i32, i32) {
    %c0_i32 = arith.constant 0 : i32
    %c0_i32_0 = arith.constant 0 : i32
    return %arg0, %c0_i32 : i32, i32
  }
  func.func @transform_12(%arg0: i32) -> (i32, i32) {
    %c0_i32 = arith.constant 0 : i32
    %c0_i32_0 = arith.constant 0 : i32
    return %arg0, %c0_i32 : i32, i32
  }
}

module attributes {stable_mosaic.version = 14 : i64} {
  func.func @_enc_body(%arg0: i32, %arg1: memref<1000x128xf32, #tpu.memory_space<vmem>>, %arg2: memref<128x128xf32, #tpu.memory_space<vmem>>, %arg3: memref<1x128xf32, #tpu.memory_space<vmem>>, %arg4: memref<128x128xf32, #tpu.memory_space<vmem>>, %arg5: memref<128x128xf32, #tpu.memory_space<vmem>>, %arg6: memref<128x128xf32, #tpu.memory_space<vmem>>, %arg7: memref<1x1000x16xf32, #tpu.memory_space<vmem>>, %arg8: memref<1x1000x16xf32, #tpu.memory_space<vmem>>, %arg9: memref<1000x128xf32, #tpu.memory_space<vmem>>, %arg10: memref<1000x128xf32, #tpu.memory_space<vmem>>, %arg11: memref<1000x128xf32, #tpu.memory_space<vmem>>, %arg12: memref<1000x128xf32, #tpu.memory_space<vmem>>, %arg13: memref<1000x128xf32, #tpu.memory_space<vmem>>, %arg14: memref<1000x128xf32, #tpu.memory_space<vmem>>) attributes {dimension_semantics = [#tpu.dimension_semantics<arbitrary>], iteration_bounds = array<i64: 10>, scalar_prefetch = 0 : i64, scratch_operands = 0 : i64, tpu.core_type = #tpu.core_type<tc>, window_params = [{transform_indices = @transform_0, window_bounds = array<i64: 1000, 128>}, {pipeline_mode = #tpu.pipeline_mode<synchronous>, transform_indices = @transform_1, window_bounds = array<i64: 128, 128>}, {pipeline_mode = #tpu.pipeline_mode<synchronous>, transform_indices = @transform_2, window_bounds = array<i64: 1, 128>}, {pipeline_mode = #tpu.pipeline_mode<synchronous>, transform_indices = @transform_3, window_bounds = array<i64: 128, 128>}, {pipeline_mode = #tpu.pipeline_mode<synchronous>, transform_indices = @transform_4, window_bounds = array<i64: 128, 128>}, {pipeline_mode = #tpu.pipeline_mode<synchronous>, transform_indices = @transform_5, window_bounds = array<i64: 128, 128>}, {transform_indices = @transform_6, window_bounds = array<i64: 1, 1000, 16>}, {transform_indices = @transform_7, window_bounds = array<i64: 1, 1000, 16>}, {transform_indices = @transform_8, window_bounds = array<i64: 1000, 128>}, {transform_indices = @transform_9, window_bounds = array<i64: 1000, 128>}, {transform_indices = @transform_10, window_bounds = array<i64: 1000, 128>}, {transform_indices = @transform_11, window_bounds = array<i64: 1000, 128>}, {transform_indices = @transform_12, window_bounds = array<i64: 1000, 128>}, {transform_indices = @transform_13, window_bounds = array<i64: 1000, 128>}]} {
    %get3A = arith.constant 0 : index
    %get3A_0 = arith.constant 0 : index
    %get3A_1 = vector.load %arg1[%get3A, %get3A_0] : memref<1000x128xf32, #tpu.memory_space<vmem>>, vector<1000x128xf32>
    %get3A_2 = arith.constant 0 : index
    %get3A_3 = arith.constant 0 : index
    %get3A_4 = vector.load %arg2[%get3A_2, %get3A_3] : memref<128x128xf32, #tpu.memory_space<vmem>>, vector<128x128xf32>
    %dot_general3A = arith.constant dense<0.000000e+00> : vector<1000x128xf32>
    %dot_general3A_5 = tpu.matmul %get3A_1, %get3A_4, %dot_general3A {dimension_numbers = #tpu.dot_dimension_numbers<[1], [0], [0], [1], [0, 0, 1, 1], [], []>, transpose_lhs_hint = false} : vector<1000x128xf32>, vector<128x128xf32>, vector<1000x128xf32> -> vector<1000x128xf32>
    %get3A_6 = arith.constant 0 : index
    %get3A_7 = arith.constant 0 : index
    %get3A_8 = vector.load %arg3[%get3A_6, %get3A_7] : memref<1x128xf32, #tpu.memory_space<vmem>>, vector<1x128xf32>
    %add3A = vector.broadcast %get3A_8 : vector<1x128xf32> to vector<1000x128xf32>
    %add3A_9 = arith.addf %dot_general3A_5, %add3A : vector<1000x128xf32>
    %get3A_10 = arith.constant 0 : index
    %get3A_11 = arith.constant 0 : index
    %get3A_12 = arith.constant 0 : index
    %get3A_13 = vector.load %arg7[%get3A_10, %get3A_11, %get3A_12] : memref<1x1000x16xf32, #tpu.memory_space<vmem>>, vector<1x1000x1xf32>
    %get3A_14 = vector.shape_cast %get3A_13 : vector<1x1000x1xf32> to vector<1000x1xf32>
    %get3A_15 = arith.constant 0 : index
    %get3A_16 = arith.constant 0 : index
    %get3A_17 = arith.constant 0 : index
    %get3A_18 = vector.load %arg8[%get3A_15, %get3A_16, %get3A_17] : memref<1x1000x16xf32, #tpu.memory_space<vmem>>, vector<1x1000x1xf32>
    %get3A_19 = vector.shape_cast %get3A_18 : vector<1x1000x1xf32> to vector<1000x1xf32>
    %add3A_20 = arith.addf %get3A_14, %get3A_19 : vector<1000x1xf32>
    %add3A_21 = arith.constant 1.000000e+00 : f32
    %add3A_22 = vector.broadcast %add3A_21 : f32 to vector<1000x1xf32>
    %add3A_23 = arith.addf %add3A_20, %add3A_22 : vector<1000x1xf32>
    %rsqrt3A = math.rsqrt %add3A_23 : vector<1000x1xf32>
    %broadcast_in_dim3A = vector.shape_cast %rsqrt3A : vector<1000x1xf32> to vector<1000x1xf32>
    %broadcast_in_dim3A_24 = vector.broadcast %broadcast_in_dim3A : vector<1000x1xf32> to vector<1000x128xf32>
    %get3A_25 = arith.constant 0 : index
    %get3A_26 = arith.constant 0 : index
    %get3A_27 = vector.load %arg5[%get3A_25, %get3A_26] : memref<128x128xf32, #tpu.memory_space<vmem>>, vector<128x128xf32>
    %dot_general3A_28 = arith.constant dense<0.000000e+00> : vector<1000x128xf32>
    %dot_general3A_29 = tpu.matmul %add3A_9, %get3A_27, %dot_general3A_28 {dimension_numbers = #tpu.dot_dimension_numbers<[1], [0], [0], [1], [0, 0, 1, 1], [], []>, transpose_lhs_hint = false} : vector<1000x128xf32>, vector<128x128xf32>, vector<1000x128xf32> -> vector<1000x128xf32>
    %swap3A = arith.constant 0 : index
    %swap3A_30 = arith.constant 0 : index
    %swap3A_31 = vector.load %arg9[%swap3A, %swap3A_30] : memref<1000x128xf32, #tpu.memory_space<vmem>>, vector<1000x128xf32>
    tpu.vector_store %arg9[%swap3A, %swap3A_30], %add3A_9 {strides = array<i32>} : memref<1000x128xf32, #tpu.memory_space<vmem>>, vector<1000x128xf32>,
    %get3A_32 = arith.constant 0 : index
    %get3A_33 = arith.constant 0 : index
    %get3A_34 = vector.load %arg4[%get3A_32, %get3A_33] : memref<128x128xf32, #tpu.memory_space<vmem>>, vector<128x128xf32>
    %dot_general3A_35 = arith.constant dense<0.000000e+00> : vector<1000x128xf32>
    %dot_general3A_36 = tpu.matmul %add3A_9, %get3A_34, %dot_general3A_35 {dimension_numbers = #tpu.dot_dimension_numbers<[1], [0], [0], [1], [0, 0, 1, 1], [], []>, transpose_lhs_hint = false} : vector<1000x128xf32>, vector<128x128xf32>, vector<1000x128xf32> -> vector<1000x128xf32>
    %swap3A_37 = arith.constant 0 : index
    %swap3A_38 = arith.constant 0 : index
    %swap3A_39 = vector.load %arg10[%swap3A_37, %swap3A_38] : memref<1000x128xf32, #tpu.memory_space<vmem>>, vector<1000x128xf32>
    tpu.vector_store %arg10[%swap3A_37, %swap3A_38], %dot_general3A_36 {strides = array<i32>} : memref<1000x128xf32, #tpu.memory_space<vmem>>, vector<1000x128xf32>,
    %swap3A_40 = arith.constant 0 : index
    %swap3A_41 = arith.constant 0 : index
    %swap3A_42 = vector.load %arg11[%swap3A_40, %swap3A_41] : memref<1000x128xf32, #tpu.memory_space<vmem>>, vector<1000x128xf32>
    tpu.vector_store %arg11[%swap3A_40, %swap3A_41], %broadcast_in_dim3A_24 {strides = array<i32>} : memref<1000x128xf32, #tpu.memory_space<vmem>>, vector<1000x128xf32>,
    %swap3A_43 = arith.constant 0 : index
    %swap3A_44 = arith.constant 0 : index
    %swap3A_45 = vector.load %arg12[%swap3A_43, %swap3A_44] : memref<1000x128xf32, #tpu.memory_space<vmem>>, vector<1000x128xf32>
    tpu.vector_store %arg12[%swap3A_43, %swap3A_44], %dot_general3A_29 {strides = array<i32>} : memref<1000x128xf32, #tpu.memory_space<vmem>>, vector<1000x128xf32>,
    %mul3A = arith.mulf %broadcast_in_dim3A_24, %dot_general3A_29 : vector<1000x128xf32>
    %swap3A_46 = arith.constant 0 : index
    %swap3A_47 = arith.constant 0 : index
    %swap3A_48 = vector.load %arg13[%swap3A_46, %swap3A_47] : memref<1000x128xf32, #tpu.memory_space<vmem>>, vector<1000x128xf32>
    tpu.vector_store %arg13[%swap3A_46, %swap3A_47], %mul3A {strides = array<i32>} : memref<1000x128xf32, #tpu.memory_space<vmem>>, vector<1000x128xf32>,
    %get3A_49 = arith.constant 0 : index
    %get3A_50 = arith.constant 0 : index
    %get3A_51 = vector.load %arg6[%get3A_49, %get3A_50] : memref<128x128xf32, #tpu.memory_space<vmem>>, vector<128x128xf32>
    %dot_general3A_52 = arith.constant dense<0.000000e+00> : vector<1000x128xf32>
    %dot_general3A_53 = tpu.matmul %add3A_9, %get3A_51, %dot_general3A_52 {dimension_numbers = #tpu.dot_dimension_numbers<[1], [0], [0], [1], [0, 0, 1, 1], [], []>, transpose_lhs_hint = false} : vector<1000x128xf32>, vector<128x128xf32>, vector<1000x128xf32> -> vector<1000x128xf32>
    %swap3A_54 = arith.constant 0 : index
    %swap3A_55 = arith.constant 0 : index
    %swap3A_56 = vector.load %arg14[%swap3A_54, %swap3A_55] : memref<1000x128xf32, #tpu.memory_space<vmem>>, vector<1000x128xf32>
    tpu.vector_store %arg14[%swap3A_54, %swap3A_55], %dot_general3A_53 {strides = array<i32>} : memref<1000x128xf32, #tpu.memory_space<vmem>>, vector<1000x128xf32>,
    return
  }
  func.func @transform_0(%arg0: i32) -> (i32, i32) {
    %c0_i32 = arith.constant 0 : i32
    %c0_i32_0 = arith.constant 0 : i32
    return %arg0, %c0_i32 : i32, i32
  }
  func.func @transform_1(%arg0: i32) -> (i32, i32) {
    %c0_i32 = arith.constant 0 : i32
    %c0_i32_0 = arith.constant 0 : i32
    %c0_i32_1 = arith.constant 0 : i32
    return %c0_i32, %c0_i32_0 : i32, i32
  }
  func.func @transform_2(%arg0: i32) -> (i32, i32) {
    %c0_i32 = arith.constant 0 : i32
    %c0_i32_0 = arith.constant 0 : i32
    %c0_i32_1 = arith.constant 0 : i32
    return %c0_i32, %c0_i32_0 : i32, i32
  }
  func.func @transform_3(%arg0: i32) -> (i32, i32) {
    %c0_i32 = arith.constant 0 : i32
    %c0_i32_0 = arith.constant 0 : i32
    %c0_i32_1 = arith.constant 0 : i32
    return %c0_i32, %c0_i32_0 : i32, i32
  }
  func.func @transform_4(%arg0: i32) -> (i32, i32) {
    %c0_i32 = arith.constant 0 : i32
    %c0_i32_0 = arith.constant 0 : i32
    %c0_i32_1 = arith.constant 0 : i32
    return %c0_i32, %c0_i32_0 : i32, i32
  }
  func.func @transform_5(%arg0: i32) -> (i32, i32) {
    %c0_i32 = arith.constant 0 : i32
    %c0_i32_0 = arith.constant 0 : i32
    %c0_i32_1 = arith.constant 0 : i32
    return %c0_i32, %c0_i32_0 : i32, i32
  }
  func.func @transform_6(%arg0: i32) -> (i32, i32, i32) {
    %c0_i32 = arith.constant 0 : i32
    %c0_i32_0 = arith.constant 0 : i32
    %c0_i32_1 = arith.constant 0 : i32
    return %c0_i32, %arg0, %c0_i32_0 : i32, i32, i32
  }
  func.func @transform_7(%arg0: i32) -> (i32, i32, i32) {
    %c1_i32 = arith.constant 1 : i32
    %c0_i32 = arith.constant 0 : i32
    %c0_i32_0 = arith.constant 0 : i32
    return %c1_i32, %arg0, %c0_i32 : i32, i32, i32
  }
  func.func @transform_8(%arg0: i32) -> (i32, i32) {
    %c0_i32 = arith.constant 0 : i32
    %c0_i32_0 = arith.constant 0 : i32
    return %arg0, %c0_i32 : i32, i32
  }
  func.func @transform_9(%arg0: i32) -> (i32, i32) {
    %c0_i32 = arith.constant 0 : i32
    %c0_i32_0 = arith.constant 0 : i32
    return %arg0, %c0_i32 : i32, i32
  }
  func.func @transform_10(%arg0: i32) -> (i32, i32) {
    %c0_i32 = arith.constant 0 : i32
    %c0_i32_0 = arith.constant 0 : i32
    return %arg0, %c0_i32 : i32, i32
  }
  func.func @transform_11(%arg0: i32) -> (i32, i32) {
    %c0_i32 = arith.constant 0 : i32
    %c0_i32_0 = arith.constant 0 : i32
    return %arg0, %c0_i32 : i32, i32
  }
  func.func @transform_12(%arg0: i32) -> (i32, i32) {
    %c0_i32 = arith.constant 0 : i32
    %c0_i32_0 = arith.constant 0 : i32
    return %arg0, %c0_i32 : i32, i32
  }
  func.func @transform_13(%arg0: i32) -> (i32, i32) {
    %c0_i32 = arith.constant 0 : i32
    %c0_i32_0 = arith.constant 0 : i32
    return %arg0, %c0_i32 : i32, i32
  }
}

</mosaic_0001>

<sc_bundles>
// kernel: kernel.12.cloned.1.call-start
scs
__scs_entry_jumppad:
0x0: {  	(pc) =	sbr.rel $0x88, $3  }
0x1: {  	(tag) =	ssettag $0x0;
	lr =	simm.s32 $0x1  }
0x2: {  	[smem:$0x3F98] =	sst lr;
	_ =	strace $0xD0000000  }
0x3: {  	_ = 	snop  }
0x4: {  	_ = 	snop  }
0x5: {  	_ = 	snop  }
0x6: {  	_ = 	snop  }
0x7: {  	_ = 	snop  }
__scs_overlays_trampoline_lowered:
0x8: {  	[smem:$0x3FA7] =	sst s0  }
0x9: {  	[smem:$0x3FA8] =	sst s1  }
0xa: {  	[smem:$0x3FA9] =	sst s2  }
0xb: {  	[smem:$0x3FAA] =	sst s3  }
0xc: {  	[smem:$0x3FAB] =	sst s4  }
0xd: {  	[smem:$0x3FAC] =	sst s5  }
0xe: {  	[smem:$0x3FAD] =	sst s6  }
0xf: {  	[smem:$0x3FAE] =	sst s7  }
0x10: {  	[smem:$0x3FAF] =	sst s8  }
0x11: {  	[smem:$0x3FB0] =	sst s9;
	s0 =	simm.s32 @!p0 $0x0  }
0x12: {  	s1 =	sld [smem:$0x3F96];
	s0 =	simm.s32 @p0 $0x1  }
0x13: {  	[smem:$0x3FB1] =	sst s0;
	s0 =	simm.s32 @!p1 $0x0  }
0x14: {  	s2 =	sld [smem:$0x3F95];
	s0 =	simm.s32 @p1 $0x1  }
0x15: {  	[smem:$0x3FB2] =	sst s0;
	s0 =	simm.s32 @!p2 $0x0  }
0x16: {  	s3 =	sld [smem:$0x3FDB];
	s0 =	simm.s32 @p2 $0x1  }
0x17: {  	s4 =	simm.s32 $0x1BF5;
	[smem:$0x3FB4] =	sst s0  }
0x18: {  	s0 =	sld [smem:$0x3F97];
	_ =	swait.ge [sflag:s4], $0x0  }
0x19: {  	s7 =	sld [smem:$0x3F98]  }
0x1a: {  	s8 =	sadd.s32 $0xFFFFE003, lr  }
0x1b: {  	s9 =	sadd.s32 $0xFFFFFEF7, lr;
	s5 =	simm.s32 $0xFFFFFFFF;
	p2 =	slt.u32 s8, $0xFFFFF086  }
0x1c: {  	p1 =	slt.u32 s9, $0xF7A;
	s5 =	simm.s32 @!p2 $0x0  }
0x1d: {  	s5 =	simm.s32 @p1 $0x1;
	p0 =	seq.s32 s7, s2  }
0x1e: {  	s7 =	smul.u32 @!p0 $0xF7A, s2;
	p2 =	seq.s32 @!p0 s5, $0x0  }
0x1f: {  	s9 =	smul.u32 $0xF7A, s1;
	s8 =	simm.s32 @!p0 $0x1BF5;
	p2 =	por !p2, p0  }
0x20: {  	[sflag:s8] =	ssyncset.s32 @!p0 $0xFFFFF086;
	s6 =	sadd.s32 @!p0 s3, s7;
	s7 =	simm.s32 @!p0 $0x108  }
0x21: {  	s3 =	sadd.s32 s3, s9;
	s6 =	sadd.s32 @!p0 $0x88, s6;
	s7 =	simm.s32 @p2 $0x1082  }
0x22: {  	[simem:s7], [sflag:s8] =	dma.local @!p0 [hbm:s6], $0xF7A  }
0x23: {  	s9 =	sor.u32 $0xD0000000, s2;
	s6 =	simm.s32 $0x108;
	_ =	swait.ge @!p0 [sflag:s8], $0x0  }
0x24: {  	s3 =	sadd.s32 $0x88, s3;
	s6 =	simm.s32 @!p1 $0x1082;
	[sflag:s4] =	ssyncset.s32 $0xFFFFF086  }
0x25: {  	[simem:s6], [sflag:s4] =	dma.local [hbm:s3], $0xF7A  }
0x26: {  	[smem:$0x3F98] =	sst s1;
	(tag) =	ssettag s2;
	_ =	strace s9  }
0x27: {  	s1 =	sld [smem:$0x3FA8]  }
0x28: {  	s2 =	sld [smem:$0x3FA9]  }
0x29: {  	s4 =	sld [smem:$0x3FAB]  }
0x2a: {  	p0 =	seq.s32 s5, $0x0;
	s5 =	sld [smem:$0x3FAC]  }
0x2b: {  	s6 =	sld [smem:$0x3FAD]  }
0x2c: {  	s7 =	sld [smem:$0x3FAE]  }
0x2d: {  	s3 =	simm.s32 $0x108;
	s8 =	sld [smem:$0x3FAF]  }
0x2e: {  	s3 =	simm.s32 @!p0 $0x1082;
	s9 =	sld [smem:$0x3FB0]  }
0x2f: {  	lr =	sadd.s32 s0, s3;
	s0 =	sld [smem:$0x3FA7]  }
0x30: {  	s3 =	sld [smem:$0x3FAA]  }
0x31: {  	[smem:$0x3FB3] =	sst s10  }
0x32: {  	s10 =	sld [smem:$0x3FB1];
	_ =	sdelay $0x3  }
0x33: {  	p0 =	seq.s32 s10, $0x1;
	s10 =	sld [smem:$0x3FB3];
	_ =	sdelay $0x3  }
0x34: {  	[smem:$0x3FB3] =	sst s10  }
0x35: {  	s10 =	sld [smem:$0x3FB2];
	_ =	sdelay $0x3  }
0x36: {  	p1 =	seq.s32 s10, $0x1;
	s10 =	sld [smem:$0x3FB3];
	_ =	sdelay $0x3  }
0x37: {  	[smem:$0x3FB3] =	sst s10  }
0x38: {  	s10 =	sld [smem:$0x3FB4]  }
0x39: {  	_ = 	snop;
	(pc) =	sbr.ind lr, $3  }
0x3a: {  	_ = 	snop  }
0x3b: {  	_ = 	snop  }
0x3c: {  	p2 =	seq.s32 s10, $0x1;
	s10 =	sld [smem:$0x3FB3]  }
0x3d: {  	_ =	shalt  }
0x3e: {  	_ =	shalt  }
0x3f: {  	_ =	shalt  }
0x40: {  	_ =	shalt  }
0x41: {  	_ =	shalt  }
0x42: {  	_ =	shalt  }
0x43: {  	_ =	shalt  }
0x44: {  	_ =	shalt  }
0x45: {  	_ =	shalt  }
0x46: {  	_ =	shalt  }
0x47: {  	_ =	shalt  }
0x48: {  	_ =	shalt  }
0x49: {  	_ =	shalt  }
0x4a: {  	_ =	shalt  }
0x4b: {  	_ =	shalt  }
0x4c: {  	_ =	shalt  }
0x4d: {  	_ =	shalt  }
0x4e: {  	_ =	shalt  }
0x4f: {  	_ =	shalt  }
0x50: {  	_ =	shalt  }
0x51: {  	_ =	shalt  }
0x52: {  	_ =	shalt  }
0x53: {  	_ =	shalt  }
0x54: {  	_ =	shalt  }
0x55: {  	_ =	shalt  }
0x56: {  	_ =	shalt  }
0x57: {  	_ =	shalt  }
0x58: {  	_ =	shalt  }
0x59: {  	_ =	shalt  }
0x5a: {  	_ =	shalt  }
0x5b: {  	_ =	shalt  }
0x5c: {  	_ =	shalt  }
0x5d: {  	_ =	shalt  }
0x5e: {  	_ =	shalt  }
0x5f: {  	_ =	shalt  }
0x60: {  	_ =	shalt  }
0x61: {  	_ =	shalt  }
0x62: {  	_ =	shalt  }
0x63: {  	_ =	shalt  }
0x64: {  	_ =	shalt  }
0x65: {  	_ =	shalt  }
0x66: {  	_ =	shalt  }
0x67: {  	_ =	shalt  }
0x68: {  	_ =	shalt  }
0x69: {  	_ =	shalt  }
0x6a: {  	_ =	shalt  }
0x6b: {  	_ =	shalt  }
0x6c: {  	_ =	shalt  }
0x6d: {  	_ =	shalt  }
0x6e: {  	_ =	shalt  }
0x6f: {  	_ =	shalt  }
0x70: {  	_ =	shalt  }
0x71: {  	_ =	shalt  }
0x72: {  	_ =	shalt  }
0x73: {  	_ =	shalt  }
0x74: {  	_ =	shalt  }
0x75: {  	_ =	shalt  }
0x76: {  	_ =	shalt  }
0x77: {  	_ =	shalt  }
0x78: {  	_ =	shalt  }
0x79: {  	_ =	shalt  }
0x7a: {  	_ =	shalt  }
0x7b: {  	_ =	shalt  }
0x7c: {  	_ =	shalt  }
0x7d: {  	_ =	shalt  }
0x7e: {  	_ =	shalt  }
0x7f: {  	_ =	shalt  }
0x80: {  	_ =	shalt  }
0x81: {  	_ =	shalt  }
0x82: {  	_ =	shalt  }
0x83: {  	_ =	shalt  }
0x84: {  	_ =	shalt  }
0x85: {  	_ =	shalt  }
0x86: {  	_ =	shalt  }
0x87: {  	_ =	shalt  }
.Lfunc_end0:
.L_simem_size_0:
called_computation_lowered:
.L_overlay_start_0:
0x88: {  	s2 =	sld [smem:$0x3FD9]  }
0x89: {  	s3 =	sld [smem:$0x3FFE];
	_ =	sdelay $0x1  }
0x8a: {  	s1 =	srdreg.scid  }
0x8b: {  	s0 =	sand.u32 $0x1, s1  }
0x8c: {  	s16 =	sshll.u32 s0, $0xA;
	s2 =	sadd.s32 s3, s2  }
0x8d: {  	s2 =	sadd.s32 s2, s16  }
0x8e: {  	[smem:$0x3FBF] =	sst s2  }
0x8f: {  	_ = 	snop  }
0x90: {  	(tm) =	ssettm $0x1  }
0x91: {  	s17 =	sld [smem:$0x3FFB];
	_ =	sdelay $0x3  }
0x92: {  	_ =	strace s17  }
0x93: {  	s2 =	sld [smem:$0x3FFC];
	_ =	sdelay $0x3  }
0x94: {  	_ =	strace s2  }
0x95: {  	s2 =	sld [smem:$0x3FFD];
	_ =	sdelay $0x3  }
0x96: {  	_ =	strace s2  }
0x97: {  	_ =	strace $0x8FFFFFFF  }
0x98: {  	s18 =	sld [smem:$0x3FDB];
	_ =	sdelay $0x1  }
0x99: {  	s19 =	simm.s32 $_scs_section_size  }
0x9a: {  	s4 =	simm.s32 $_size__tile_overlayer_lowered;
	s5 =	simm.s32 $_tile_overlayer_lowered  }
0x9b: {  	s22 =	simm.s32 $0x1BFF;
	s21 =	sshll.u32 s5, $0x1;
	s2 =	sadd.s32 s19, s18  }
0x9c: {  	s6 =	simm.s32 $0x0;
	s20 =	sshll.u32 s4, $0x1;
	s4 =	sadd.s32 s21, s2  }
0x9d: {  	[timem:s6], [sflag:s22] =	dma.local [hbm:s4], s20  }
0x9e: {  	_ =	swait.ge [sflag:s22], s20  }
0x9f: {  	s3 =	ssub.s32 $0x0, s20;
	[sflag:s22] =	ssyncset.done $0x0  }
0xa0: {  	[sflag:s22] =	ssyncadd.s32 s3;
	_ =	sdelay $0x1  }
0xa1: {  	s23 =	simm.s32 $0x1B8B  }
0xa2: {  	_ =	swait.ge [sflag:s23], $0x1  }
0xa3: {  	[sflag:s23] =	ssyncset.done $0x0  }
0xa4: {  	s25 =	simm.s32 $0x1B8E;
	s24 =	sld [smem:$0x3FFE];
	[sflag:s23] =	ssyncadd.s32 $0xFFFFFFFF  }
0xa5: {  	s26 =	simm.s32 $execute0_lowered;
	[smem:$0x3FD2] =	sst s25  }
0xa6: {  	s4 =	sshll.u32 s26, $0x1;
	_ =	strace $0x80000046;
	[dreg:$0x1] =	wrdreg $0xFFFFFFFF  }
0xa7: {  	s28 =	simm.s32 $_size_execute0_lowered;
	s2 =	sadd.s32 s2, s4;
	[dreg:$0x0] =	wrdreg $0x0  }
0xa8: {  	s4 =	sshll.u32 s28, $0x1;
	[dreg:$0x2] =	wrdreg s2  }
0xa9: {  	[dreg:$0x3] =	wrdreg s4  }
0xaa: {  	[dreg:$0x4] =	wrdreg $0xC0  }
0xab: {  	_ =	task [dreg:s6], $0x5FFFF  }
0xac: {  	[dreg:$0x1] =	wrdreg $0xFFFFFFFF  }
0xad: {  	[dreg:$0x0] =	wrdreg $0x60  }
0xae: {  	[dreg:$0x2] =	wrdreg s24  }
0xaf: {  	[dreg:$0x3] =	wrdreg $0x0  }
0xb0: {  	[dreg:$0x4] =	wrdreg $0x9  }
0xb1: {  	_ =	task.clear_ibuf [dreg:s6], $0x5FFFF;
	_ =	strace $0x90000046  }
0xb2: {  	s29 =	simm.s32 $0x9;
	_ =	strace $0x80000048  }
0xb3: {  	_ =	swait.ge [sflag:s29], $0x1  }
0xb4: {  	[sflag:s29] =	ssyncadd.s32 $0xFFFFFFFF  }
0xb5: {  	_ =	strace $0x90000048  }
0xb6: {  	_ =	sfence  }
0xb7: {  	s30 =	sld [smem:$0x0];
	_ =	sdelay $0x2  }
0xb8: {  	s31 =	sshll.u32 s1, $0xD;
	s1 =	sshrl.u32 s1, $0x2  }
0xb9: {  	s3 =	sand.u32 $0x4000, s31;
	s1 =	sadd.s32 s1, s30  }
0xba: {  	s0 =	sor.u32 s3, s0;
	s1 =	sshll.u32 s1, $0x11  }
0xbb: {  	s0 =	sor.u32 s1, s0  }
0xbc: {  	s0 =	sadd.s32 $0x8F2B, s0  }
0xbd: {  	[sflag:s0] =	ssyncadd.remote.s32 $0x1  }
0xbe: {  	_ =	sfence.sel $0xFFFF  }
0xbf: {  	[dreg:$0x0] =	wrdreg $0xFFFFFFFF;
	(pc) =	sbr.abs _section_cstart, $3  }
0xc0: {  	[dreg:$0x1] =	wrdreg $0xFFFFFFFF  }
0xc1: {  	_ =	task.clear_ibuf [dreg:s6], $0x2FFFF;
	_ =	strace $0x9FFFFFFF  }
0xc2: {  	(tm) =	ssettm $0x7FFFFFFF  }
0xc3: {  	_ =	shalt  }
tec
execute0_lowered:
.L_overlay_start_1:
0x0: {  	(tag) =	ssettag $0x1  }
0x1: {  	s5 =	rddreg [dreg:$0x0];
	s0 =	srdreg.scid  }
0x2: {  	s2 =	rddreg [dreg:$0x1];
	s1 =	stileid.u32  }
0x3: {  	s3 =	simm.s32 $0x0;
	s14 =	simm.s32 $0x2780;
	s7 =	smul.u32 $0x13C00, s1  }
0x4: {  	s15 =	simm.s32 $0x3;
	s16 =	simm.s32 $0x1;
	s8 =	smul.u32 $0xA2, s1  }
0x5: {  	s17 =	simm.s32 $0x80;
	s18 =	simm.s32 $0x16380;
	s28 =	smul.u32 $0x4F000, s1  }
0x6: {  	s19 =	simm.s32 $0x2;
	s6 =	sand.u32 $0x1, s0;
	s31 =	smul.u32 $0x5100, s1  }
0x7: {  	s21 =	simm.s32 $0x0;
	s0 =	rddreg [dreg:$0x2];
	s4 =	smul.u32 $0x13C000, s6  }
0x8: {  	[smem:$0x7FF] =	sst s3;
	s20 =	sshll.u32 s1, $0x6;
	s9 =	smul.u32 $0x7A, s6  }
0x9: {  	_ =	strace $0x80000047;
	s26 =	ssub.s32 $0x2, s6;
	s12 =	smul.u32 $0x29, s6  }
0xa: {  	s13 =	smul.u32 $0x3D00, s6;
	s20 =	sor.u32 $0x1C03, s20;
	s11 =	sshrl.u32 s26, $0x1  }
0xb: {  	s7 =	sadd.s32 s7, s4;
	s4 =	sadd.s32 $0x4C00, s5;
	s8 =	sadd.s32 s9, s8  }
0xc: {  	s29 =	ssub.s32 s26, s11;
	s11 =	sadd.s32 s13, s31;
	s13 =	simm.s32 $0x1A400  }
0xd: {  	s7 =	sshrl.u32 s7, $0x3;
	s30 =	sshll.u32 s8, $0x4;
	s9 =	smax.u32 s29, $0x1  }
0xe: {  	s10 =	sadd.s32 s7, s5;
	s5 =	sadd.s32 s4, s30;
	s7 =	sshrl.u32 s28, $0x2  }
0xf: {  	s11 =	sadd.s32 $0x180, s11;
	s6 =	sadd.s32 $0x10, s5;
	s7 =	sadd.s32 s7, s2  }
0x10: {  	v0 =	vimm.f32 $0.0e+00;
	v1 =	vimm.f32 $1.000000000e+00;
	s8 =	sadd.s32 $0xEE00, s10;
	s10 =	ssub.s32 $0x3C, s12;
	s12 =	simm.s32 $0x1A380  }
.LBB2_1:
0x11: {  	[tilespmem:s12], [sflag:$0x1] =	stream.linear.gather [hbm4b:s5+s3], $0x80, $0x38;
	[tilespmem:$0x1A480] =	vst v63  }
0x12: {  	s22 =	simm.s32 $0x0  }
0x13: {  	[tilespmem:s13], [sflag:$0x2] =	stream.linear.gather [hbm4b:s6+s3], $0x80, $0x38;
	[tilespmem:$0x1A480] =	vst v63  }
.LBB2_2:
0x14: {  	p0 =	sne.s32 s22, $0x4EE00  }
.Ltmp0:
0x15: {  	_ = 	snop;
	(pc) =	sbr.rel @p0 .LBB2_2-.Ltmp0, $3  }
0x16: {  	_ =	sdelay $0x1  }
0x17: {  	s23 =	sshra.s32 s22, $0x2  }
0x18: {  	s22 =	sadd.s32 $0x200, s22;
	[tilespmem:s23+$0x2780] =	vst v0  }
0x19: {  	s22 =	simm.s32 $0x200;
	s23 =	simm.s32 $0x0  }
.LBB2_4:
0x1a: {  	p0 =	sne.s32 s22, $0xFE00;
	[tilespmem:s23+$0x16380] =	vst v1;
	s23 =	smov.u32 s22;
	s22 =	sadd.s32 $0x200, s22  }
.Ltmp1:
0x1b: {  	(pc) =	sbr.rel @p0 .LBB2_4-.Ltmp1, $2  }
0x1c: {  	_ =	sdelay $0x2  }
0x1d: {  	s23 =	sshra.s32 s23, $0x2  }
0x1e: {  	[tilespmem:s23+$0x16380] =	vst v1  }
0x1f: {  	[spmem:s7] =	stream.linear.scatter [tilespmem:s14], [sflag:$0x3], $0x13C00, $0x38;
	[tilespmem:$0x1A480] =	vst v63  }
0x20: {  	_ =	swait.ge [sflag:s15], $0x13C00  }
0x21: {  	[sflag:s15] =	ssyncset.done $0x0  }
0x22: {  	[sflag:s15] =	ssyncadd.s32 $0xFFFEC400  }
0x23: {  	[bflag:$0x0] =	sbarrier.arrive $0xFFFF  }
0x24: {  	_ =	swait.ge [sflag:s16], $0x80  }
0x25: {  	[sflag:s16] =	ssyncset.done $0x0  }
0x26: {  	[sflag:s16] =	ssyncadd.s32 $0xFFFFFF80  }
0x27: {  	[spmem:s2] =	stream.indirect.scatter.add.f32 [tilespmem:s18], [sflag:$0x3], $0x10, s12, s17, $0xb8;
	[tilespmem:$0x1A480] =	vst v63  }
0x28: {  	s22 =	sadd.s32 $0xFFFFFF80, s11;
	_ =	swait.ge [sflag:s15], $0x800  }
0x29: {  	s22 =	sshrl.u32 s22, $0x3;
	[sflag:s15] =	ssyncset.done $0x0  }
0x2a: {  	s22 =	sadd.s32 s4, s22;
	[sflag:s15] =	ssyncadd.s32 $0xFFFFF800  }
0x2b: {  	[tilespmem:s12], [sflag:$0x1] =	stream.linear.gather [hbm4b:s22+s3], $0x80, $0x38;
	[tilespmem:$0x1A480] =	vst v63  }
0x2c: {  	_ =	swait.ge [sflag:s19], $0x80  }
0x2d: {  	p0 =	sne.s32 s10, $0x1;
	[sflag:s19] =	ssyncset.done $0x0  }
.Ltmp2:
0x2e: {  	[sflag:s19] =	ssyncadd.s32 $0xFFFFFF80;
	(pc) =	sbr.rel @!p0 .LBB2_7-.Ltmp2, $4  }
0x2f: {  	[spmem:s2] =	stream.indirect.scatter.add.f32 [tilespmem:s18], [sflag:$0x3], $0x10, s13, s17, $0xb8;
	[tilespmem:$0x1A480] =	vst v63  }
0x30: {  	_ =	swait.ge [sflag:s15], $0x800  }
0x31: {  	s31 =	sshrl.u32 s11, $0x3;
	s23 =	sadd.s32 $0x100, s11;
	[sflag:s15] =	ssyncset.done $0x0  }
0x32: {  	s24 =	sadd.s32 s4, s31;
	s22 =	sadd.s32 $0xFFFFFFFF, s10;
	[sflag:s15] =	ssyncadd.s32 $0xFFFFF800  }
.LBB2_6:
0x33: {  	[tilespmem:s13], [sflag:$0x2] =	stream.linear.gather [hbm4b:s24+s3], $0x80, $0x38;
	[tilespmem:$0x1A480] =	vst v63  }
0x34: {  	p0 =	sne.s32 s22, $0x1;
	s22 =	sadd.s32 $0xFFFFFFFF, s22;
	_ =	swait.ge [sflag:s16], $0x80  }
0x35: {  	[sflag:s16] =	ssyncset.done $0x0  }
0x36: {  	[sflag:s16] =	ssyncadd.s32 $0xFFFFFF80  }
0x37: {  	[spmem:s2] =	stream.indirect.scatter.add.f32 [tilespmem:s18], [sflag:$0x3], $0x10, s12, s17, $0xb8;
	[tilespmem:$0x1A480] =	vst v63  }
0x38: {  	s24 =	sadd.s32 $0xFFFFFF80, s23;
	_ =	swait.ge [sflag:s15], $0x800  }
0x39: {  	s24 =	sshrl.u32 s24, $0x3;
	[sflag:s15] =	ssyncset.done $0x0  }
0x3a: {  	s24 =	sadd.s32 s4, s24;
	[sflag:s15] =	ssyncadd.s32 $0xFFFFF800  }
0x3b: {  	[tilespmem:s12], [sflag:$0x1] =	stream.linear.gather [hbm4b:s24+s3], $0x80, $0x38;
	[tilespmem:$0x1A480] =	vst v63  }
0x3c: {  	_ =	swait.ge [sflag:s19], $0x80  }
0x3d: {  	[sflag:s19] =	ssyncset.done $0x0  }
.Ltmp3:
0x3e: {  	[sflag:s19] =	ssyncadd.s32 $0xFFFFFF80;
	(pc) =	sbr.rel @p0 .LBB2_6-.Ltmp3, $4  }
0x3f: {  	[spmem:s2] =	stream.indirect.scatter.add.f32 [tilespmem:s18], [sflag:$0x3], $0x10, s13, s17, $0xb8;
	[tilespmem:$0x1A480] =	vst v63  }
0x40: {  	_ =	swait.ge [sflag:s15], $0x800  }
0x41: {  	s24 =	sshrl.u32 s23, $0x3;
	[sflag:s15] =	ssyncset.done $0x0  }
0x42: {  	s23 =	sadd.s32 $0x100, s23;
	s24 =	sadd.s32 s4, s24;
	[sflag:s15] =	ssyncadd.s32 $0xFFFFF800  }
.LBB2_7:
0x43: {  	[tilespmem:s13], [sflag:$0x2] =	stream.linear.gather [hbm4b:s24+s3], $0x80, $0x38;
	[tilespmem:$0x1A480] =	vst v63  }
0x44: {  	_ =	swait.ge [sflag:s16], $0x80  }
0x45: {  	[sflag:s16] =	ssyncset.done $0x0  }
0x46: {  	[sflag:s16] =	ssyncadd.s32 $0xFFFFFF80  }
0x47: {  	_ =	swait.ge [sflag:s19], $0x80  }
0x48: {  	s21 =	sadd.s32 $0x1, s21;
	[sflag:s19] =	ssyncset.done $0x0  }
0x49: {  	p0 =	sne.s32 s21, s9;
	[sflag:s19] =	ssyncadd.s32 $0xFFFFFF80  }
.Ltmp4:
0x4a: {  	s22 =	sshrl.u32 s7, $0x3;
	[bflag:$0x0] =	sbarrier.arrive $0xFFFF;
	(pc) =	sbr.rel @p0 .LBB2_1-.Ltmp4, $4  }
0x4b: {  	[hbm:s8], [sflag:s20] =	dma.local [spmem:s22], $0x2780  }
0x4c: {  	_ =	swait.ge [sflag:s15], $0x2780  }
0x4d: {  	[sflag:s15] =	ssyncset.done $0x0  }
0x4e: {  	[sflag:s15] =	ssyncadd.s32 $0xFFFFD880  }
0x4f: {  	_ =	sfence.sel $0x180000  }
0x50: {  	[bflag:$0x0] =	sbarrier.arrive $0xFFFF  }
0x51: {  	p0 =	sne.s32 s1, $0x0;
	_ =	strace $0x90000047  }
0x52: {  	s0 =	sadd.s32 @!p0 $0x100000, s0;
	[bflag:$0x2] =	sbarrier.arrive $0xFFFF  }
0x53: {  	[sflag:s0] =	ssyncadd.tile.s32 @!p0 $0x1;
	_ =	shalt  }
.Lfunc_end2:
_tile_overlayer_lowered:
.L_overlay_start_2:
0x54: {  	(tag) =	ssettag $0x2  }
0x55: {  	s0 =	rddreg [dreg:$0x0];
	s2 =	stileid.u32  }
0x56: {  	s1 =	rddreg [dreg:$0x1];
	p0 =	sne.s32 s2, $0x0  }
0x57: {  	s3 =	rddreg [dreg:$0x2];
	[bflag:$0x3] =	sbarrier.arrive $0xFFFF;
	s2 =	simm.s32 @!p0 $0x1C03  }
0x58: {  	[timem:s3], [sflag:s2] =	dma.local @!p0 [hbm:s0], s1  }
0x59: {  	s0 =	simm.s32 @!p0 $0x3  }
0x5a: {  	_ =	swait.ge @!p0 [sflag:s0], s1  }
0x5b: {  	s1 =	ssub.s32 @!p0 $0x0, s1;
	[sflag:s0] =	ssyncset.done @!p0 $0x0  }
0x5c: {  	[sflag:s0] =	ssyncadd.s32 @!p0 s1  }
0x5d: {  	[bflag:$0x3] =	sbarrier.arrive $0xFFFF  }
0x5e: {  	_ =	shalt  }

// kernel: kernel.15.cloned.1.call-start
scs
__scs_entry_jumppad:
0x0: {  	(pc) =	sbr.rel $0x88, $3  }
0x1: {  	(tag) =	ssettag $0x0;
	lr =	simm.s32 $0x1  }
0x2: {  	[smem:$0x3F98] =	sst lr;
	_ =	strace $0xD0000000  }
0x3: {  	_ = 	snop  }
0x4: {  	_ = 	snop  }
0x5: {  	_ = 	snop  }
0x6: {  	_ = 	snop  }
0x7: {  	_ = 	snop  }
__scs_overlays_trampoline_lowered:
0x8: {  	[smem:$0x3FA7] =	sst s0  }
0x9: {  	[smem:$0x3FA8] =	sst s1  }
0xa: {  	[smem:$0x3FA9] =	sst s2  }
0xb: {  	[smem:$0x3FAA] =	sst s3  }
0xc: {  	[smem:$0x3FAB] =	sst s4  }
0xd: {  	[smem:$0x3FAC] =	sst s5  }
0xe: {  	[smem:$0x3FAD] =	sst s6  }
0xf: {  	[smem:$0x3FAE] =	sst s7  }
0x10: {  	[smem:$0x3FAF] =	sst s8  }
0x11: {  	[smem:$0x3FB0] =	sst s9;
	s0 =	simm.s32 @!p0 $0x0  }
0x12: {  	s1 =	sld [smem:$0x3F96];
	s0 =	simm.s32 @p0 $0x1  }
0x13: {  	[smem:$0x3FB1] =	sst s0;
	s0 =	simm.s32 @!p1 $0x0  }
0x14: {  	s2 =	sld [smem:$0x3F95];
	s0 =	simm.s32 @p1 $0x1  }
0x15: {  	[smem:$0x3FB2] =	sst s0;
	s0 =	simm.s32 @!p2 $0x0  }
0x16: {  	s3 =	sld [smem:$0x3FDB];
	s0 =	simm.s32 @p2 $0x1  }
0x17: {  	s4 =	simm.s32 $0x1BF5;
	[smem:$0x3FB4] =	sst s0  }
0x18: {  	s0 =	sld [smem:$0x3F97];
	_ =	swait.ge [sflag:s4], $0x0  }
0x19: {  	s7 =	sld [smem:$0x3F98]  }
0x1a: {  	s8 =	sadd.s32 $0xFFFFE003, lr  }
0x1b: {  	s9 =	sadd.s32 $0xFFFFFEF7, lr;
	s5 =	simm.s32 $0xFFFFFFFF;
	p2 =	slt.u32 s8, $0xFFFFF086  }
0x1c: {  	p1 =	slt.u32 s9, $0xF7A;
	s5 =	simm.s32 @!p2 $0x0  }
0x1d: {  	s5 =	simm.s32 @p1 $0x1;
	p0 =	seq.s32 s7, s2  }
0x1e: {  	s7 =	smul.u32 @!p0 $0xF7A, s2;
	p2 =	seq.s32 @!p0 s5, $0x0  }
0x1f: {  	s9 =	smul.u32 $0xF7A, s1;
	s8 =	simm.s32 @!p0 $0x1BF5;
	p2 =	por !p2, p0  }
0x20: {  	[sflag:s8] =	ssyncset.s32 @!p0 $0xFFFFF086;
	s6 =	sadd.s32 @!p0 s3, s7;
	s7 =	simm.s32 @!p0 $0x108  }
0x21: {  	s3 =	sadd.s32 s3, s9;
	s6 =	sadd.s32 @!p0 $0x88, s6;
	s7 =	simm.s32 @p2 $0x1082  }
0x22: {  	[simem:s7], [sflag:s8] =	dma.local @!p0 [hbm:s6], $0xF7A  }
0x23: {  	s9 =	sor.u32 $0xD0000000, s2;
	s6 =	simm.s32 $0x108;
	_ =	swait.ge @!p0 [sflag:s8], $0x0  }
0x24: {  	s3 =	sadd.s32 $0x88, s3;
	s6 =	simm.s32 @!p1 $0x1082;
	[sflag:s4] =	ssyncset.s32 $0xFFFFF086  }
0x25: {  	[simem:s6], [sflag:s4] =	dma.local [hbm:s3], $0xF7A  }
0x26: {  	[smem:$0x3F98] =	sst s1;
	(tag) =	ssettag s2;
	_ =	strace s9  }
0x27: {  	s1 =	sld [smem:$0x3FA8]  }
0x28: {  	s2 =	sld [smem:$0x3FA9]  }
0x29: {  	s4 =	sld [smem:$0x3FAB]  }
0x2a: {  	p0 =	seq.s32 s5, $0x0;
	s5 =	sld [smem:$0x3FAC]  }
0x2b: {  	s6 =	sld [smem:$0x3FAD]  }
0x2c: {  	s7 =	sld [smem:$0x3FAE]  }
0x2d: {  	s3 =	simm.s32 $0x108;
	s8 =	sld [smem:$0x3FAF]  }
0x2e: {  	s3 =	simm.s32 @!p0 $0x1082;
	s9 =	sld [smem:$0x3FB0]  }
0x2f: {  	lr =	sadd.s32 s0, s3;
	s0 =	sld [smem:$0x3FA7]  }
0x30: {  	s3 =	sld [smem:$0x3FAA]  }
0x31: {  	[smem:$0x3FB3] =	sst s10  }
0x32: {  	s10 =	sld [smem:$0x3FB1];
	_ =	sdelay $0x3  }
0x33: {  	p0 =	seq.s32 s10, $0x1;
	s10 =	sld [smem:$0x3FB3];
	_ =	sdelay $0x3  }
0x34: {  	[smem:$0x3FB3] =	sst s10  }
0x35: {  	s10 =	sld [smem:$0x3FB2];
	_ =	sdelay $0x3  }
0x36: {  	p1 =	seq.s32 s10, $0x1;
	s10 =	sld [smem:$0x3FB3];
	_ =	sdelay $0x3  }
0x37: {  	[smem:$0x3FB3] =	sst s10  }
0x38: {  	s10 =	sld [smem:$0x3FB4]  }
0x39: {  	_ = 	snop;
	(pc) =	sbr.ind lr, $3  }
0x3a: {  	_ = 	snop  }
0x3b: {  	_ = 	snop  }
0x3c: {  	p2 =	seq.s32 s10, $0x1;
	s10 =	sld [smem:$0x3FB3]  }
0x3d: {  	_ =	shalt  }
0x3e: {  	_ =	shalt  }
0x3f: {  	_ =	shalt  }
0x40: {  	_ =	shalt  }
0x41: {  	_ =	shalt  }
0x42: {  	_ =	shalt  }
0x43: {  	_ =	shalt  }
0x44: {  	_ =	shalt  }
0x45: {  	_ =	shalt  }
0x46: {  	_ =	shalt  }
0x47: {  	_ =	shalt  }
0x48: {  	_ =	shalt  }
0x49: {  	_ =	shalt  }
0x4a: {  	_ =	shalt  }
0x4b: {  	_ =	shalt  }
0x4c: {  	_ =	shalt  }
0x4d: {  	_ =	shalt  }
0x4e: {  	_ =	shalt  }
0x4f: {  	_ =	shalt  }
0x50: {  	_ =	shalt  }
0x51: {  	_ =	shalt  }
0x52: {  	_ =	shalt  }
0x53: {  	_ =	shalt  }
0x54: {  	_ =	shalt  }
0x55: {  	_ =	shalt  }
0x56: {  	_ =	shalt  }
0x57: {  	_ =	shalt  }
0x58: {  	_ =	shalt  }
0x59: {  	_ =	shalt  }
0x5a: {  	_ =	shalt  }
0x5b: {  	_ =	shalt  }
0x5c: {  	_ =	shalt  }
0x5d: {  	_ =	shalt  }
0x5e: {  	_ =	shalt  }
0x5f: {  	_ =	shalt  }
0x60: {  	_ =	shalt  }
0x61: {  	_ =	shalt  }
0x62: {  	_ =	shalt  }
0x63: {  	_ =	shalt  }
0x64: {  	_ =	shalt  }
0x65: {  	_ =	shalt  }
0x66: {  	_ =	shalt  }
0x67: {  	_ =	shalt  }
0x68: {  	_ =	shalt  }
0x69: {  	_ =	shalt  }
0x6a: {  	_ =	shalt  }
0x6b: {  	_ =	shalt  }
0x6c: {  	_ =	shalt  }
0x6d: {  	_ =	shalt  }
0x6e: {  	_ =	shalt  }
0x6f: {  	_ =	shalt  }
0x70: {  	_ =	shalt  }
0x71: {  	_ =	shalt  }
0x72: {  	_ =	shalt  }
0x73: {  	_ =	shalt  }
0x74: {  	_ =	shalt  }
0x75: {  	_ =	shalt  }
0x76: {  	_ =	shalt  }
0x77: {  	_ =	shalt  }
0x78: {  	_ =	shalt  }
0x79: {  	_ =	shalt  }
0x7a: {  	_ =	shalt  }
0x7b: {  	_ =	shalt  }
0x7c: {  	_ =	shalt  }
0x7d: {  	_ =	shalt  }
0x7e: {  	_ =	shalt  }
0x7f: {  	_ =	shalt  }
0x80: {  	_ =	shalt  }
0x81: {  	_ =	shalt  }
0x82: {  	_ =	shalt  }
0x83: {  	_ =	shalt  }
0x84: {  	_ =	shalt  }
0x85: {  	_ =	shalt  }
0x86: {  	_ =	shalt  }
0x87: {  	_ =	shalt  }
.Lfunc_end0:
.L_simem_size_0:
called_computation.1_lowered:
.L_overlay_start_0:
0x88: {  	s2 =	sld [smem:$0x3FD9]  }
0x89: {  	s3 =	sld [smem:$0x3FFE];
	_ =	sdelay $0x1  }
0x8a: {  	s1 =	srdreg.scid  }
0x8b: {  	s0 =	sand.u32 $0x1, s1  }
0x8c: {  	s17 =	sshll.u32 s0, $0xA;
	s2 =	sadd.s32 s3, s2  }
0x8d: {  	s2 =	sadd.s32 s2, s17  }
0x8e: {  	[smem:$0x3FBF] =	sst s2  }
0x8f: {  	_ = 	snop  }
0x90: {  	s2 =	sld [smem:$0x3FD0];
	(tm) =	ssettm $0x1  }
0x91: {  	s18 =	sld [smem:$0x3FFB];
	_ =	sdelay $0x3  }
0x92: {  	_ =	strace s18  }
0x93: {  	s3 =	sld [smem:$0x3FFC];
	_ =	sdelay $0x3  }
0x94: {  	_ =	strace s3  }
0x95: {  	s3 =	sld [smem:$0x3FFD];
	_ =	sdelay $0x3  }
0x96: {  	_ =	strace s3  }
0x97: {  	_ =	strace $0x8FFFFFFF  }
0x98: {  	s19 =	sld [smem:$0x3FDB];
	_ =	sdelay $0x1  }
0x99: {  	s4 =	simm.s32 $_scs_section_size  }
0x9a: {  	s5 =	simm.s32 $_size__tile_overlayer_lowered;
	s6 =	simm.s32 $_tile_overlayer_lowered  }
0x9b: {  	s22 =	simm.s32 $0x1BFF;
	s21 =	sshll.u32 s6, $0x1;
	s3 =	sadd.s32 s4, s19  }
0x9c: {  	s7 =	simm.s32 $0x0;
	s20 =	sshll.u32 s5, $0x1;
	s5 =	sadd.s32 s21, s3  }
0x9d: {  	[timem:s7], [sflag:s22] =	dma.local [hbm:s5], s20  }
0x9e: {  	_ =	swait.ge [sflag:s22], s20  }
0x9f: {  	s4 =	ssub.s32 $0x0, s20;
	[sflag:s22] =	ssyncset.done $0x0  }
0xa0: {  	[sflag:s22] =	ssyncadd.s32 s4;
	_ =	sdelay $0x1  }
0xa1: {  	s23 =	simm.s32 $0x1B8B  }
0xa2: {  	_ =	swait.ge [sflag:s23], $0x1  }
0xa3: {  	[sflag:s23] =	ssyncset.done $0x0  }
0xa4: {  	s25 =	simm.s32 $0x1B8E;
	s24 =	sld [smem:$0x3FFE];
	[sflag:s23] =	ssyncadd.s32 $0xFFFFFFFF  }
0xa5: {  	s26 =	simm.s32 $execute0_lowered;
	[smem:$0x3FD2] =	sst s25  }
0xa6: {  	s5 =	sshll.u32 s26, $0x1;
	_ =	strace $0x80000049;
	[dreg:$0x1] =	wrdreg $0xFFFFFFFF  }
0xa7: {  	s28 =	simm.s32 $_size_execute0_lowered;
	s3 =	sadd.s32 s3, s5;
	[dreg:$0x0] =	wrdreg $0x0  }
0xa8: {  	s5 =	sshll.u32 s28, $0x1;
	[dreg:$0x2] =	wrdreg s3  }
0xa9: {  	[dreg:$0x3] =	wrdreg s5  }
0xaa: {  	[dreg:$0x4] =	wrdreg $0xC0  }
0xab: {  	_ =	task [dreg:s7], $0x5FFFF  }
0xac: {  	[dreg:$0x1] =	wrdreg $0xFFFFFFFF  }
0xad: {  	[dreg:$0x0] =	wrdreg $0x60  }
0xae: {  	[dreg:$0x2] =	wrdreg s2  }
0xaf: {  	[dreg:$0x3] =	wrdreg s24  }
0xb0: {  	[dreg:$0x4] =	wrdreg $0x0  }
0xb1: {  	[dreg:$0x5] =	wrdreg $0x9  }
0xb2: {  	_ =	task.clear_ibuf [dreg:s7], $0x6FFFF;
	_ =	strace $0x90000049  }
0xb3: {  	s29 =	simm.s32 $0x9;
	_ =	strace $0x8000004B  }
0xb4: {  	_ =	swait.ge [sflag:s29], $0x1  }
0xb5: {  	[sflag:s29] =	ssyncadd.s32 $0xFFFFFFFF  }
0xb6: {  	_ =	strace $0x9000004B  }
0xb7: {  	_ =	sfence  }
0xb8: {  	s30 =	sld [smem:$0x0];
	_ =	sdelay $0x2  }
0xb9: {  	s31 =	sshll.u32 s1, $0xD;
	s1 =	sshrl.u32 s1, $0x2  }
0xba: {  	s3 =	sand.u32 $0x4000, s31;
	s1 =	sadd.s32 s1, s30  }
0xbb: {  	s0 =	sor.u32 s3, s0;
	s1 =	sshll.u32 s1, $0x11  }
0xbc: {  	s0 =	sor.u32 s1, s0  }
0xbd: {  	s0 =	sadd.s32 $0x8F2B, s0  }
0xbe: {  	[sflag:s0] =	ssyncadd.remote.s32 $0x1  }
0xbf: {  	_ =	sfence.sel $0xFFFF  }
0xc0: {  	[dreg:$0x0] =	wrdreg $0xFFFFFFFF;
	(pc) =	sbr.abs _section_cstart, $3  }
0xc1: {  	[dreg:$0x1] =	wrdreg $0xFFFFFFFF  }
0xc2: {  	_ =	task.clear_ibuf [dreg:s7], $0x2FFFF;
	_ =	strace $0x9FFFFFFF  }
0xc3: {  	(tm) =	ssettm $0x7FFFFFFF  }
tec
execute0_lowered:
.L_overlay_start_1:
0x0: {  	(tag) =	ssettag $0x1  }
0x1: {  	s1 =	rddreg [dreg:$0x0];
	s2 =	srdreg.scid  }
0x2: {  	s0 =	stileid.u32;
	s6 =	rddreg [dreg:$0x1]  }
0x3: {  	s3 =	rddreg [dreg:$0x2];
	s5 =	smul.u32 $0xA2, s0  }
0x4: {  	s4 =	simm.s32 $0x0;
	s18 =	simm.s32 $0x17C00;
	s26 =	smul.u32 $0x13C00, s0  }
0x5: {  	s19 =	simm.s32 $0x1B900;
	s20 =	simm.s32 $0x1B980;
	s12 =	smul.u32 $0x4F000, s0  }
0x6: {  	s21 =	simm.s32 $0x13C00;
	s2 =	sand.u32 $0x1, s2;
	s16 =	smul.u32 $0x5100, s0  }
0x7: {  	s22 =	simm.s32 $0x4;
	s23 =	simm.s32 $0x1;
	s7 =	smul.u32 $0x7A, s2  }
0x8: {  	s24 =	simm.s32 $0x80;
	s25 =	simm.s32 $0x2;
	s8 =	smul.u32 $0x13C000, s2  }
0x9: {  	s28 =	simm.s32 $0x0;
	[smem:$0x7FF] =	sst s4;
	s17 =	smul.u32 $0x3D00, s2  }
0xa: {  	_ =	strace $0x8000004A;
	s30 =	ssub.s32 $0x2, s2;
	s2 =	smul.u32 $0x29, s2  }
0xb: {  	s11 =	sshrl.u32 s30, $0x1;
	s31 =	sshrl.u32 s12, $0x2;
	s5 =	sadd.s32 s7, s5  }
0xc: {  	s29 =	sadd.s32 s26, s8;
	s15 =	ssub.s32 s30, s11;
	s17 =	sadd.s32 s17, s16  }
0xd: {  	s16 =	ssub.s32 $0x3C, s2;
	s26 =	simm.s32 $0x3;
	s9 =	sshll.u32 s5, $0x4  }
0xe: {  	s8 =	sshrl.u32 s29, $0x3;
	s5 =	sadd.s32 $0x4C00, s6;
	s15 =	smax.u32 s15, $0x1  }
0xf: {  	s17 =	sadd.s32 $0x180, s17;
	s10 =	sadd.s32 s9, s6;
	s14 =	sadd.s32 s8, s6  }
0x10: {  	s7 =	sadd.s32 s5, s9;
	s9 =	sadd.s32 s31, s3;
	s6 =	sadd.s32 $0x5DE00, s10  }
0x11: {  	s8 =	sadd.s32 $0x10, s7;
	s10 =	sadd.s32 $0x4000, s9;
	s11 =	sadd.s32 $0x8000, s9  }
0x12: {  	v0 =	vimm.f32 $0.0e+00;
	s12 =	sadd.s32 $0xC000, s9;
	s13 =	sadd.s32 $0x10000, s9;
	s14 =	sadd.s32 $0xDD600, s14  }
.LBB2_1:
0x13: {  	[tilespmem:s18], [sflag:$0x1] =	stream.linear.gather [hbm4b:s6+s4], $0x3D00, $0x38;
	[tilespmem:$0x1BA00] =	vst v63  }
0x14: {  	_ = 	snop  }
0x15: {  	[tilespmem:s19], [sflag:$0x2] =	stream.linear.gather [hbm4b:s7+s4], $0x80, $0x38;
	[tilespmem:$0x1BA00] =	vst v63  }
0x16: {  	s29 =	simm.s32 $0x0;
	s30 =	simm.s32 $0x200  }
0x17: {  	[tilespmem:s20], [sflag:$0x3] =	stream.linear.gather [hbm4b:s8+s4], $0x80, $0x38;
	[tilespmem:$0x1BA00] =	vst v63  }
.LBB2_2:
0x18: {  	p0 =	sne.s32 s30, $0xFE00;
	[tilespmem:s29+$0x13C70] =	vst v0  }
0x19: {  	[tilespmem:s29+$0x13C00] =	vst v0  }
0x1a: {  	[tilespmem:s29+$0x13C10] =	vst v0  }
.Ltmp0:
0x1b: {  	[tilespmem:s29+$0x13C20] =	vst v0;
	(pc) =	sbr.rel @p0 .LBB2_2-.Ltmp0, $4  }
0x1c: {  	[tilespmem:s29+$0x13C30] =	vst v0  }
0x1d: {  	[tilespmem:s29+$0x13C40] =	vst v0  }
0x1e: {  	[tilespmem:s29+$0x13C50] =	vst v0  }
0x1f: {  	[tilespmem:s29+$0x13C60] =	vst v0;
	s29 =	sshra.s32 s30, $0x2;
	s30 =	sadd.s32 $0x200, s30  }
0x20: {  	[tilespmem:s29+$0x13C70] =	vst v0  }
0x21: {  	[tilespmem:s29+$0x13C00] =	vst v0  }
0x22: {  	[tilespmem:s29+$0x13C10] =	vst v0  }
0x23: {  	[tilespmem:s29+$0x13C20] =	vst v0  }
0x24: {  	[tilespmem:s29+$0x13C30] =	vst v0  }
0x25: {  	[tilespmem:s29+$0x13C40] =	vst v0  }
0x26: {  	[tilespmem:s29+$0x13C50] =	vst v0  }
0x27: {  	[tilespmem:s29+$0x13C60] =	vst v0  }
0x28: {  	[spmem:s9] =	stream.linear.scatter [tilespmem:s21], [sflag:$0x4], $0x4000, $0x38;
	[tilespmem:$0x1BA00] =	vst v63  }
0x29: {  	_ =	swait.ge [sflag:s22], $0x4000  }
0x2a: {  	[sflag:s22] =	ssyncset.done $0x0  }
0x2b: {  	[sflag:s22] =	ssyncadd.s32 $0xFFFFC000  }
0x2c: {  	[spmem:s10] =	stream.linear.scatter [tilespmem:s21], [sflag:$0x4], $0x4000, $0x38;
	[tilespmem:$0x1BA00] =	vst v63  }
0x2d: {  	_ =	swait.ge [sflag:s22], $0x4000  }
0x2e: {  	[sflag:s22] =	ssyncset.done $0x0  }
0x2f: {  	[sflag:s22] =	ssyncadd.s32 $0xFFFFC000  }
0x30: {  	[spmem:s11] =	stream.linear.scatter [tilespmem:s21], [sflag:$0x4], $0x4000, $0x38;
	[tilespmem:$0x1BA00] =	vst v63  }
0x31: {  	_ =	swait.ge [sflag:s22], $0x4000  }
0x32: {  	[sflag:s22] =	ssyncset.done $0x0  }
0x33: {  	[sflag:s22] =	ssyncadd.s32 $0xFFFFC000  }
0x34: {  	[spmem:s12] =	stream.linear.scatter [tilespmem:s21], [sflag:$0x4], $0x4000, $0x38;
	[tilespmem:$0x1BA00] =	vst v63  }
0x35: {  	_ =	swait.ge [sflag:s22], $0x4000  }
0x36: {  	[sflag:s22] =	ssyncset.done $0x0  }
0x37: {  	[sflag:s22] =	ssyncadd.s32 $0xFFFFC000  }
0x38: {  	[spmem:s13] =	stream.linear.scatter [tilespmem:s21], [sflag:$0x4], $0x3C00, $0x38;
	[tilespmem:$0x1BA00] =	vst v63  }
0x39: {  	_ =	swait.ge [sflag:s22], $0x3C00  }
0x3a: {  	[sflag:s22] =	ssyncset.done $0x0  }
0x3b: {  	[sflag:s22] =	ssyncadd.s32 $0xFFFFC400  }
0x3c: {  	_ =	swait.ge [sflag:s23], $0x3D00  }
0x3d: {  	[sflag:s23] =	ssyncset.done $0x0  }
0x3e: {  	[sflag:s23] =	ssyncadd.s32 $0xFFFFC300  }
0x3f: {  	s2 =	simm.s32 $0x17C00;
	[bflag:$0x0] =	sbarrier.arrive $0xFFFF  }
0x40: {  	[tilespmem:s21], [sflag:$0x1] =	stream.indirect.gather [hbm4b:s1+s24], $0x80, s2, s24, $0xb8;
	[tilespmem:$0x1BA00] =	vst v63  }
0x41: {  	_ =	swait.ge [sflag:s23], $0x4000  }
0x42: {  	[sflag:s23] =	ssyncset.done $0x0  }
0x43: {  	[sflag:s23] =	ssyncadd.s32 $0xFFFFC000  }
0x44: {  	_ =	swait.ge [sflag:s25], $0x80  }
0x45: {  	[sflag:s25] =	ssyncset.done $0x0  }
0x46: {  	[sflag:s25] =	ssyncadd.s32 $0xFFFFFF80  }
0x47: {  	[spmem:s3] =	stream.indirect.scatter.add.f32 [tilespmem:s21], [sflag:$0x4], $0x80, s19, s24, $0xb8;
	[tilespmem:$0x1BA00] =	vst v63  }
0x48: {  	s2 =	sadd.s32 $0xFFFFFF80, s17;
	_ =	swait.ge [sflag:s22], $0x4000  }
0x49: {  	s2 =	sshrl.u32 s2, $0x3;
	[sflag:s22] =	ssyncset.done $0x0  }
0x4a: {  	s2 =	sadd.s32 s5, s2;
	[sflag:s22] =	ssyncadd.s32 $0xFFFFC000  }
0x4b: {  	[tilespmem:s19], [sflag:$0x2] =	stream.linear.gather [hbm4b:s2+s4], $0x80, $0x38;
	[tilespmem:$0x1BA00] =	vst v63  }
0x4c: {  	s2 =	simm.s32 $0x17C80  }
0x4d: {  	[tilespmem:s21], [sflag:$0x1] =	stream.indirect.gather [hbm4b:s1+s24], $0x80, s2, s24, $0xb8;
	[tilespmem:$0x1BA00] =	vst v63  }
0x4e: {  	_ =	swait.ge [sflag:s23], $0x4000  }
0x4f: {  	[sflag:s23] =	ssyncset.done $0x0  }
0x50: {  	[sflag:s23] =	ssyncadd.s32 $0xFFFFC000  }
0x51: {  	_ =	swait.ge [sflag:s26], $0x80  }
0x52: {  	p0 =	sne.s32 s16, $0x1;
	[sflag:s26] =	ssyncset.done $0x0  }
.Ltmp1:
0x53: {  	[sflag:s26] =	ssyncadd.s32 $0xFFFFFF80;
	(pc) =	sbr.rel @!p0 .LBB2_5-.Ltmp1, $4  }
0x54: {  	[spmem:s3] =	stream.indirect.scatter.add.f32 [tilespmem:s21], [sflag:$0x4], $0x80, s20, s24, $0xb8;
	[tilespmem:$0x1BA00] =	vst v63  }
0x55: {  	s29 =	sadd.s32 $0xFFFFFFFF, s16;
	_ =	swait.ge [sflag:s22], $0x4000  }
0x56: {  	s30 =	simm.s32 $0x17D80;
	s2 =	sshrl.u32 s17, $0x3;
	[sflag:s22] =	ssyncset.done $0x0  }
0x57: {  	s31 =	sadd.s32 $0x100, s17;
	s2 =	sadd.s32 s5, s2;
	[sflag:s22] =	ssyncadd.s32 $0xFFFFC000  }
.LBB2_4:
0x58: {  	[tilespmem:s20], [sflag:$0x3] =	stream.linear.gather [hbm4b:s2+s4], $0x80, $0x38;
	[tilespmem:$0x1BA00] =	vst v63  }
0x59: {  	s2 =	sadd.s32 $0xFFFFFF80, s30;
	p0 =	sne.s32 s29, $0x1;
	s29 =	sadd.s32 $0xFFFFFFFF, s29  }
0x5a: {  	[tilespmem:s21], [sflag:$0x1] =	stream.indirect.gather [hbm4b:s1+s24], $0x80, s2, s24, $0xb8;
	[tilespmem:$0x1BA00] =	vst v63  }
0x5b: {  	_ =	swait.ge [sflag:s23], $0x4000  }
0x5c: {  	[sflag:s23] =	ssyncset.done $0x0  }
0x5d: {  	[sflag:s23] =	ssyncadd.s32 $0xFFFFC000  }
0x5e: {  	_ =	swait.ge [sflag:s25], $0x80  }
0x5f: {  	[sflag:s25] =	ssyncset.done $0x0  }
0x60: {  	[sflag:s25] =	ssyncadd.s32 $0xFFFFFF80  }
0x61: {  	[spmem:s3] =	stream.indirect.scatter.add.f32 [tilespmem:s21], [sflag:$0x4], $0x80, s19, s24, $0xb8;
	[tilespmem:$0x1BA00] =	vst v63  }
0x62: {  	s2 =	sadd.s32 $0xFFFFFF80, s31;
	_ =	swait.ge [sflag:s22], $0x4000  }
0x63: {  	s2 =	sshrl.u32 s2, $0x3;
	[sflag:s22] =	ssyncset.done $0x0  }
0x64: {  	s2 =	sadd.s32 s5, s2;
	[sflag:s22] =	ssyncadd.s32 $0xFFFFC000  }
0x65: {  	[tilespmem:s19], [sflag:$0x2] =	stream.linear.gather [hbm4b:s2+s4], $0x80, $0x38;
	[tilespmem:$0x1BA00] =	vst v63  }
0x66: {  	_ = 	snop  }
0x67: {  	[tilespmem:s21], [sflag:$0x1] =	stream.indirect.gather [hbm4b:s1+s24], $0x80, s30, s24, $0xb8;
	[tilespmem:$0x1BA00] =	vst v63  }
0x68: {  	_ =	swait.ge [sflag:s23], $0x4000  }
0x69: {  	[sflag:s23] =	ssyncset.done $0x0  }
0x6a: {  	[sflag:s23] =	ssyncadd.s32 $0xFFFFC000  }
0x6b: {  	_ =	swait.ge [sflag:s26], $0x80  }
0x6c: {  	[sflag:s26] =	ssyncset.done $0x0  }
.Ltmp2:
0x6d: {  	[sflag:s26] =	ssyncadd.s32 $0xFFFFFF80;
	(pc) =	sbr.rel @p0 .LBB2_4-.Ltmp2, $4  }
0x6e: {  	[spmem:s3] =	stream.indirect.scatter.add.f32 [tilespmem:s21], [sflag:$0x4], $0x80, s20, s24, $0xb8;
	[tilespmem:$0x1BA00] =	vst v63  }
0x6f: {  	_ =	swait.ge [sflag:s22], $0x4000  }
0x70: {  	s2 =	sshrl.u32 s31, $0x3;
	s30 =	sadd.s32 $0x100, s30;
	[sflag:s22] =	ssyncset.done $0x0  }
0x71: {  	s31 =	sadd.s32 $0x100, s31;
	s2 =	sadd.s32 s5, s2;
	[sflag:s22] =	ssyncadd.s32 $0xFFFFC000  }
.LBB2_5:
0x72: {  	[tilespmem:s20], [sflag:$0x3] =	stream.linear.gather [hbm4b:s2+s4], $0x80, $0x38;
	[tilespmem:$0x1BA00] =	vst v63  }
0x73: {  	_ =	swait.ge [sflag:s25], $0x80  }
0x74: {  	[sflag:s25] =	ssyncset.done $0x0  }
0x75: {  	[sflag:s25] =	ssyncadd.s32 $0xFFFFFF80  }
0x76: {  	_ =	swait.ge [sflag:s26], $0x80  }
0x77: {  	s31 =	sshll.u32 s0, $0x6;
	s28 =	sadd.s32 $0x1, s28;
	[sflag:s26] =	ssyncset.done $0x0  }
0x78: {  	s29 =	sshrl.u32 s9, $0x3;
	p0 =	sne.s32 s28, s15;
	[sflag:s26] =	ssyncadd.s32 $0xFFFFFF80  }
.Ltmp3:
0x79: {  	s2 =	sor.u32 $0x1C04, s31;
	[bflag:$0x0] =	sbarrier.arrive $0xFFFF;
	(pc) =	sbr.rel @p0 .LBB2_1-.Ltmp3, $4  }
0x7a: {  	[hbm:s14], [sflag:s2] =	dma.local [spmem:s29], $0x2780  }
0x7b: {  	_ =	swait.ge [sflag:s22], $0x2780  }
0x7c: {  	[sflag:s22] =	ssyncset.done $0x0  }
0x7d: {  	[sflag:s22] =	ssyncadd.s32 $0xFFFFD880  }
0x7e: {  	_ =	sfence.sel $0x180000  }
0x7f: {  	[bflag:$0x0] =	sbarrier.arrive $0xFFFF  }
0x80: {  	_ =	strace $0x9000004A  }
0x81: {  	[bflag:$0x2] =	sbarrier.arrive $0xFFFF  }
0x82: {  	p0 =	sne.s32 s0, $0x0;
	s0 =	rddreg [dreg:$0x3]  }
0x83: {  	s0 =	sadd.s32 @!p0 $0x100000, s0  }
0x84: {  	[sflag:s0] =	ssyncadd.tile.s32 @!p0 $0x1;
	_ =	shalt  }
.Lfunc_end2:
_tile_overlayer_lowered:
.L_overlay_start_2:
0x85: {  	(tag) =	ssettag $0x2  }
0x86: {  	s0 =	rddreg [dreg:$0x0];
	s2 =	stileid.u32  }
0x87: {  	s1 =	rddreg [dreg:$0x1];
	p0 =	sne.s32 s2, $0x0  }
0x88: {  	s3 =	rddreg [dreg:$0x2];
	[bflag:$0x3] =	sbarrier.arrive $0xFFFF;
	s2 =	simm.s32 @!p0 $0x1C04  }
0x89: {  	[timem:s3], [sflag:s2] =	dma.local @!p0 [hbm:s0], s1  }
0x8a: {  	s0 =	simm.s32 @!p0 $0x4  }
0x8b: {  	_ =	swait.ge @!p0 [sflag:s0], s1  }
0x8c: {  	s1 =	ssub.s32 @!p0 $0x0, s1;
	[sflag:s0] =	ssyncset.done @!p0 $0x0  }
0x8d: {  	[sflag:s0] =	ssyncadd.s32 @!p0 s1  }
0x8e: {  	[bflag:$0x3] =	sbarrier.arrive $0xFFFF  }
0x8f: {  	_ =	shalt  }

// kernel: kernel.18.cloned.1.call-start
scs
__scs_entry_jumppad:
0x0: {  	(pc) =	sbr.rel $0x88, $3  }
0x1: {  	(tag) =	ssettag $0x0;
	lr =	simm.s32 $0x1  }
0x2: {  	[smem:$0x3F98] =	sst lr;
	_ =	strace $0xD0000000  }
0x3: {  	_ = 	snop  }
0x4: {  	_ = 	snop  }
0x5: {  	_ = 	snop  }
0x6: {  	_ = 	snop  }
0x7: {  	_ = 	snop  }
__scs_overlays_trampoline_lowered:
0x8: {  	[smem:$0x3FA7] =	sst s0  }
0x9: {  	[smem:$0x3FA8] =	sst s1  }
0xa: {  	[smem:$0x3FA9] =	sst s2  }
0xb: {  	[smem:$0x3FAA] =	sst s3  }
0xc: {  	[smem:$0x3FAB] =	sst s4  }
0xd: {  	[smem:$0x3FAC] =	sst s5  }
0xe: {  	[smem:$0x3FAD] =	sst s6  }
0xf: {  	[smem:$0x3FAE] =	sst s7  }
0x10: {  	[smem:$0x3FAF] =	sst s8  }
0x11: {  	[smem:$0x3FB0] =	sst s9;
	s0 =	simm.s32 @!p0 $0x0  }
0x12: {  	s1 =	sld [smem:$0x3F96];
	s0 =	simm.s32 @p0 $0x1  }
0x13: {  	[smem:$0x3FB1] =	sst s0;
	s0 =	simm.s32 @!p1 $0x0  }
0x14: {  	s2 =	sld [smem:$0x3F95];
	s0 =	simm.s32 @p1 $0x1  }
0x15: {  	[smem:$0x3FB2] =	sst s0;
	s0 =	simm.s32 @!p2 $0x0  }
0x16: {  	s3 =	sld [smem:$0x3FDB];
	s0 =	simm.s32 @p2 $0x1  }
0x17: {  	s4 =	simm.s32 $0x1BF5;
	[smem:$0x3FB4] =	sst s0  }
0x18: {  	s0 =	sld [smem:$0x3F97];
	_ =	swait.ge [sflag:s4], $0x0  }
0x19: {  	s7 =	sld [smem:$0x3F98]  }
0x1a: {  	s8 =	sadd.s32 $0xFFFFE003, lr  }
0x1b: {  	s9 =	sadd.s32 $0xFFFFFEF7, lr;
	s5 =	simm.s32 $0xFFFFFFFF;
	p2 =	slt.u32 s8, $0xFFFFF086  }
0x1c: {  	p1 =	slt.u32 s9, $0xF7A;
	s5 =	simm.s32 @!p2 $0x0  }
0x1d: {  	s5 =	simm.s32 @p1 $0x1;
	p0 =	seq.s32 s7, s2  }
0x1e: {  	s7 =	smul.u32 @!p0 $0xF7A, s2;
	p2 =	seq.s32 @!p0 s5, $0x0  }
0x1f: {  	s9 =	smul.u32 $0xF7A, s1;
	s8 =	simm.s32 @!p0 $0x1BF5;
	p2 =	por !p2, p0  }
0x20: {  	[sflag:s8] =	ssyncset.s32 @!p0 $0xFFFFF086;
	s6 =	sadd.s32 @!p0 s3, s7;
	s7 =	simm.s32 @!p0 $0x108  }
0x21: {  	s3 =	sadd.s32 s3, s9;
	s6 =	sadd.s32 @!p0 $0x88, s6;
	s7 =	simm.s32 @p2 $0x1082  }
0x22: {  	[simem:s7], [sflag:s8] =	dma.local @!p0 [hbm:s6], $0xF7A  }
0x23: {  	s9 =	sor.u32 $0xD0000000, s2;
	s6 =	simm.s32 $0x108;
	_ =	swait.ge @!p0 [sflag:s8], $0x0  }
0x24: {  	s3 =	sadd.s32 $0x88, s3;
	s6 =	simm.s32 @!p1 $0x1082;
	[sflag:s4] =	ssyncset.s32 $0xFFFFF086  }
0x25: {  	[simem:s6], [sflag:s4] =	dma.local [hbm:s3], $0xF7A  }
0x26: {  	[smem:$0x3F98] =	sst s1;
	(tag) =	ssettag s2;
	_ =	strace s9  }
0x27: {  	s1 =	sld [smem:$0x3FA8]  }
0x28: {  	s2 =	sld [smem:$0x3FA9]  }
0x29: {  	s4 =	sld [smem:$0x3FAB]  }
0x2a: {  	p0 =	seq.s32 s5, $0x0;
	s5 =	sld [smem:$0x3FAC]  }
0x2b: {  	s6 =	sld [smem:$0x3FAD]  }
0x2c: {  	s7 =	sld [smem:$0x3FAE]  }
0x2d: {  	s3 =	simm.s32 $0x108;
	s8 =	sld [smem:$0x3FAF]  }
0x2e: {  	s3 =	simm.s32 @!p0 $0x1082;
	s9 =	sld [smem:$0x3FB0]  }
0x2f: {  	lr =	sadd.s32 s0, s3;
	s0 =	sld [smem:$0x3FA7]  }
0x30: {  	s3 =	sld [smem:$0x3FAA]  }
0x31: {  	[smem:$0x3FB3] =	sst s10  }
0x32: {  	s10 =	sld [smem:$0x3FB1];
	_ =	sdelay $0x3  }
0x33: {  	p0 =	seq.s32 s10, $0x1;
	s10 =	sld [smem:$0x3FB3];
	_ =	sdelay $0x3  }
0x34: {  	[smem:$0x3FB3] =	sst s10  }
0x35: {  	s10 =	sld [smem:$0x3FB2];
	_ =	sdelay $0x3  }
0x36: {  	p1 =	seq.s32 s10, $0x1;
	s10 =	sld [smem:$0x3FB3];
	_ =	sdelay $0x3  }
0x37: {  	[smem:$0x3FB3] =	sst s10  }
0x38: {  	s10 =	sld [smem:$0x3FB4]  }
0x39: {  	_ = 	snop;
	(pc) =	sbr.ind lr, $3  }
0x3a: {  	_ = 	snop  }
0x3b: {  	_ = 	snop  }
0x3c: {  	p2 =	seq.s32 s10, $0x1;
	s10 =	sld [smem:$0x3FB3]  }
0x3d: {  	_ =	shalt  }
0x3e: {  	_ =	shalt  }
0x3f: {  	_ =	shalt  }
0x40: {  	_ =	shalt  }
0x41: {  	_ =	shalt  }
0x42: {  	_ =	shalt  }
0x43: {  	_ =	shalt  }
0x44: {  	_ =	shalt  }
0x45: {  	_ =	shalt  }
0x46: {  	_ =	shalt  }
0x47: {  	_ =	shalt  }
0x48: {  	_ =	shalt  }
0x49: {  	_ =	shalt  }
0x4a: {  	_ =	shalt  }
0x4b: {  	_ =	shalt  }
0x4c: {  	_ =	shalt  }
0x4d: {  	_ =	shalt  }
0x4e: {  	_ =	shalt  }
0x4f: {  	_ =	shalt  }
0x50: {  	_ =	shalt  }
0x51: {  	_ =	shalt  }
0x52: {  	_ =	shalt  }
0x53: {  	_ =	shalt  }
0x54: {  	_ =	shalt  }
0x55: {  	_ =	shalt  }
0x56: {  	_ =	shalt  }
0x57: {  	_ =	shalt  }
0x58: {  	_ =	shalt  }
0x59: {  	_ =	shalt  }
0x5a: {  	_ =	shalt  }
0x5b: {  	_ =	shalt  }
0x5c: {  	_ =	shalt  }
0x5d: {  	_ =	shalt  }
0x5e: {  	_ =	shalt  }
0x5f: {  	_ =	shalt  }
0x60: {  	_ =	shalt  }
0x61: {  	_ =	shalt  }
0x62: {  	_ =	shalt  }
0x63: {  	_ =	shalt  }
0x64: {  	_ =	shalt  }
0x65: {  	_ =	shalt  }
0x66: {  	_ =	shalt  }
0x67: {  	_ =	shalt  }
0x68: {  	_ =	shalt  }
0x69: {  	_ =	shalt  }
0x6a: {  	_ =	shalt  }
0x6b: {  	_ =	shalt  }
0x6c: {  	_ =	shalt  }
0x6d: {  	_ =	shalt  }
0x6e: {  	_ =	shalt  }
0x6f: {  	_ =	shalt  }
0x70: {  	_ =	shalt  }
0x71: {  	_ =	shalt  }
0x72: {  	_ =	shalt  }
0x73: {  	_ =	shalt  }
0x74: {  	_ =	shalt  }
0x75: {  	_ =	shalt  }
0x76: {  	_ =	shalt  }
0x77: {  	_ =	shalt  }
0x78: {  	_ =	shalt  }
0x79: {  	_ =	shalt  }
0x7a: {  	_ =	shalt  }
0x7b: {  	_ =	shalt  }
0x7c: {  	_ =	shalt  }
0x7d: {  	_ =	shalt  }
0x7e: {  	_ =	shalt  }
0x7f: {  	_ =	shalt  }
0x80: {  	_ =	shalt  }
0x81: {  	_ =	shalt  }
0x82: {  	_ =	shalt  }
0x83: {  	_ =	shalt  }
0x84: {  	_ =	shalt  }
0x85: {  	_ =	shalt  }
0x86: {  	_ =	shalt  }
0x87: {  	_ =	shalt  }
.Lfunc_end0:
.L_simem_size_0:
called_computation.2_lowered:
.L_overlay_start_0:
0x88: {  	s2 =	sld [smem:$0x3FD9]  }
0x89: {  	s3 =	sld [smem:$0x3FFE];
	_ =	sdelay $0x1  }
0x8a: {  	s1 =	srdreg.scid  }
0x8b: {  	s0 =	sand.u32 $0x1, s1  }
0x8c: {  	s16 =	sshll.u32 s0, $0xA;
	s2 =	sadd.s32 s3, s2  }
0x8d: {  	s2 =	sadd.s32 s2, s16  }
0x8e: {  	[smem:$0x3FBF] =	sst s2  }
0x8f: {  	_ = 	snop  }
0x90: {  	(tm) =	ssettm $0x1  }
0x91: {  	s17 =	sld [smem:$0x3FFB];
	_ =	sdelay $0x3  }
0x92: {  	_ =	strace s17  }
0x93: {  	s2 =	sld [smem:$0x3FFC];
	_ =	sdelay $0x3  }
0x94: {  	_ =	strace s2  }
0x95: {  	s2 =	sld [smem:$0x3FFD];
	_ =	sdelay $0x3  }
0x96: {  	_ =	strace s2  }
0x97: {  	_ =	strace $0x8FFFFFFF  }
0x98: {  	s18 =	sld [smem:$0x3FDB];
	_ =	sdelay $0x1  }
0x99: {  	s19 =	simm.s32 $_scs_section_size  }
0x9a: {  	s4 =	simm.s32 $_size__tile_overlayer_lowered;
	s5 =	simm.s32 $_tile_overlayer_lowered  }
0x9b: {  	s22 =	simm.s32 $0x1BFF;
	s21 =	sshll.u32 s5, $0x1;
	s2 =	sadd.s32 s19, s18  }
0x9c: {  	s6 =	simm.s32 $0x0;
	s20 =	sshll.u32 s4, $0x1;
	s4 =	sadd.s32 s21, s2  }
0x9d: {  	[timem:s6], [sflag:s22] =	dma.local [hbm:s4], s20  }
0x9e: {  	_ =	swait.ge [sflag:s22], s20  }
0x9f: {  	s3 =	ssub.s32 $0x0, s20;
	[sflag:s22] =	ssyncset.done $0x0  }
0xa0: {  	[sflag:s22] =	ssyncadd.s32 s3;
	_ =	sdelay $0x1  }
0xa1: {  	s23 =	simm.s32 $0x1B8B  }
0xa2: {  	_ =	swait.ge [sflag:s23], $0x1  }
0xa3: {  	[sflag:s23] =	ssyncset.done $0x0  }
0xa4: {  	s25 =	simm.s32 $0x1B8E;
	s24 =	sld [smem:$0x3FFE];
	[sflag:s23] =	ssyncadd.s32 $0xFFFFFFFF  }
0xa5: {  	s26 =	simm.s32 $execute0_lowered;
	[smem:$0x3FD2] =	sst s25  }
0xa6: {  	s4 =	sshll.u32 s26, $0x1;
	_ =	strace $0x8000004C;
	[dreg:$0x1] =	wrdreg $0xFFFFFFFF  }
0xa7: {  	s28 =	simm.s32 $_size_execute0_lowered;
	s2 =	sadd.s32 s2, s4;
	[dreg:$0x0] =	wrdreg $0x0  }
0xa8: {  	s4 =	sshll.u32 s28, $0x1;
	[dreg:$0x2] =	wrdreg s2  }
0xa9: {  	[dreg:$0x3] =	wrdreg s4  }
0xaa: {  	[dreg:$0x4] =	wrdreg $0xC0  }
0xab: {  	_ =	task [dreg:s6], $0x5FFFF  }
0xac: {  	[dreg:$0x1] =	wrdreg $0xFFFFFFFF  }
0xad: {  	[dreg:$0x0] =	wrdreg $0x60  }
0xae: {  	[dreg:$0x2] =	wrdreg s24  }
0xaf: {  	[dreg:$0x3] =	wrdreg $0x0  }
0xb0: {  	[dreg:$0x4] =	wrdreg $0x9  }
0xb1: {  	_ =	task.clear_ibuf [dreg:s6], $0x5FFFF;
	_ =	strace $0x9000004C  }
0xb2: {  	s29 =	simm.s32 $0x9;
	_ =	strace $0x8000004E  }
0xb3: {  	_ =	swait.ge [sflag:s29], $0x1  }
0xb4: {  	[sflag:s29] =	ssyncadd.s32 $0xFFFFFFFF  }
0xb5: {  	_ =	strace $0x9000004E  }
0xb6: {  	_ =	sfence  }
0xb7: {  	s30 =	sld [smem:$0x0];
	_ =	sdelay $0x2  }
0xb8: {  	s31 =	sshll.u32 s1, $0xD;
	s1 =	sshrl.u32 s1, $0x2  }
0xb9: {  	s3 =	sand.u32 $0x4000, s31;
	s1 =	sadd.s32 s1, s30  }
0xba: {  	s0 =	sor.u32 s3, s0;
	s1 =	sshll.u32 s1, $0x11  }
0xbb: {  	s0 =	sor.u32 s1, s0  }
0xbc: {  	s0 =	sadd.s32 $0x8F2B, s0  }
0xbd: {  	[sflag:s0] =	ssyncadd.remote.s32 $0x1  }
0xbe: {  	_ =	sfence.sel $0xFFFF  }
0xbf: {  	[dreg:$0x0] =	wrdreg $0xFFFFFFFF;
	(pc) =	sbr.abs _section_cstart, $3  }
0xc0: {  	[dreg:$0x1] =	wrdreg $0xFFFFFFFF  }
0xc1: {  	_ =	task.clear_ibuf [dreg:s6], $0x2FFFF;
	_ =	strace $0x9FFFFFFF  }
0xc2: {  	(tm) =	ssettm $0x7FFFFFFF  }
0xc3: {  	_ =	shalt  }
tec
execute0_lowered:
.L_overlay_start_1:
0x0: {  	(tag) =	ssettag $0x1  }
0x1: {  	s1 =	srdreg.scid  }
0x2: {  	s0 =	stileid.u32;
	s6 =	rddreg [dreg:$0x0]  }
0x3: {  	s2 =	rddreg [dreg:$0x1];
	s3 =	simm.s32 $0x0;
	s4 =	smul.u32 $0xA2, s0  }
0x4: {  	s18 =	simm.s32 $0x17C00;
	s19 =	simm.s32 $0x1B900;
	s8 =	smul.u32 $0x13C00, s0  }
0x5: {  	s20 =	simm.s32 $0x1B980;
	s21 =	simm.s32 $0x13C00;
	s12 =	smul.u32 $0x4F000, s0  }
0x6: {  	s22 =	simm.s32 $0x4;
	s1 =	sand.u32 $0x1, s1;
	s16 =	smul.u32 $0x5100, s0  }
0x7: {  	s23 =	simm.s32 $0x1;
	s24 =	simm.s32 $0x80;
	s5 =	smul.u32 $0x7A, s1  }
0x8: {  	s25 =	simm.s32 $0x2;
	s26 =	simm.s32 $0x3;
	s7 =	smul.u32 $0x13C000, s1  }
0x9: {  	s28 =	simm.s32 $0x0;
	[smem:$0x7FF] =	sst s3;
	s17 =	smul.u32 $0x3D00, s1  }
0xa: {  	_ =	strace $0x8000004D;
	s30 =	ssub.s32 $0x2, s1;
	s1 =	smul.u32 $0x29, s1  }
0xb: {  	s11 =	sshrl.u32 s30, $0x1;
	s31 =	sshrl.u32 s12, $0x2;
	s5 =	sadd.s32 s5, s4  }
0xc: {  	s4 =	sadd.s32 $0xEE00, s6;
	s29 =	sadd.s32 s8, s7;
	s15 =	ssub.s32 s30, s11  }
0xd: {  	s17 =	sadd.s32 s17, s16;
	s16 =	ssub.s32 $0x3C, s1;
	s9 =	sshll.u32 s5, $0x4  }
0xe: {  	s8 =	sshrl.u32 s29, $0x3;
	s5 =	sadd.s32 $0x4C00, s6;
	s15 =	smax.u32 s15, $0x1  }
0xf: {  	s17 =	sadd.s32 $0x180, s17;
	s10 =	sadd.s32 s9, s6;
	s14 =	sadd.s32 s8, s6  }
0x10: {  	s7 =	sadd.s32 s5, s9;
	s9 =	sadd.s32 s31, s2;
	s6 =	sadd.s32 $0x5DE00, s10  }
0x11: {  	s8 =	sadd.s32 $0x10, s7;
	s10 =	sadd.s32 $0x4000, s9;
	s11 =	sadd.s32 $0x8000, s9  }
0x12: {  	v0 =	vimm.f32 $0.0e+00;
	s12 =	sadd.s32 $0xC000, s9;
	s13 =	sadd.s32 $0x10000, s9;
	s14 =	sadd.s32 $0xDD600, s14  }
.LBB2_1:
0x13: {  	[tilespmem:s18], [sflag:$0x1] =	stream.linear.gather [hbm4b:s6+s3], $0x3D00, $0x38;
	[tilespmem:$0x1BA00] =	vst v63  }
0x14: {  	_ = 	snop  }
0x15: {  	[tilespmem:s19], [sflag:$0x2] =	stream.linear.gather [hbm4b:s7+s3], $0x80, $0x38;
	[tilespmem:$0x1BA00] =	vst v63  }
0x16: {  	s29 =	simm.s32 $0x0;
	s30 =	simm.s32 $0x200  }
0x17: {  	[tilespmem:s20], [sflag:$0x3] =	stream.linear.gather [hbm4b:s8+s3], $0x80, $0x38;
	[tilespmem:$0x1BA00] =	vst v63  }
.LBB2_2:
0x18: {  	p0 =	sne.s32 s30, $0xFE00;
	[tilespmem:s29+$0x13C70] =	vst v0  }
0x19: {  	[tilespmem:s29+$0x13C00] =	vst v0  }
0x1a: {  	[tilespmem:s29+$0x13C10] =	vst v0  }
.Ltmp0:
0x1b: {  	[tilespmem:s29+$0x13C20] =	vst v0;
	(pc) =	sbr.rel @p0 .LBB2_2-.Ltmp0, $4  }
0x1c: {  	[tilespmem:s29+$0x13C30] =	vst v0  }
0x1d: {  	[tilespmem:s29+$0x13C40] =	vst v0  }
0x1e: {  	[tilespmem:s29+$0x13C50] =	vst v0  }
0x1f: {  	[tilespmem:s29+$0x13C60] =	vst v0;
	s29 =	sshra.s32 s30, $0x2;
	s30 =	sadd.s32 $0x200, s30  }
0x20: {  	[tilespmem:s29+$0x13C70] =	vst v0  }
0x21: {  	[tilespmem:s29+$0x13C00] =	vst v0  }
0x22: {  	[tilespmem:s29+$0x13C10] =	vst v0  }
0x23: {  	[tilespmem:s29+$0x13C20] =	vst v0  }
0x24: {  	[tilespmem:s29+$0x13C30] =	vst v0  }
0x25: {  	[tilespmem:s29+$0x13C40] =	vst v0  }
0x26: {  	[tilespmem:s29+$0x13C50] =	vst v0  }
0x27: {  	[tilespmem:s29+$0x13C60] =	vst v0  }
0x28: {  	[spmem:s9] =	stream.linear.scatter [tilespmem:s21], [sflag:$0x4], $0x4000, $0x38;
	[tilespmem:$0x1BA00] =	vst v63  }
0x29: {  	_ =	swait.ge [sflag:s22], $0x4000  }
0x2a: {  	[sflag:s22] =	ssyncset.done $0x0  }
0x2b: {  	[sflag:s22] =	ssyncadd.s32 $0xFFFFC000  }
0x2c: {  	[spmem:s10] =	stream.linear.scatter [tilespmem:s21], [sflag:$0x4], $0x4000, $0x38;
	[tilespmem:$0x1BA00] =	vst v63  }
0x2d: {  	_ =	swait.ge [sflag:s22], $0x4000  }
0x2e: {  	[sflag:s22] =	ssyncset.done $0x0  }
0x2f: {  	[sflag:s22] =	ssyncadd.s32 $0xFFFFC000  }
0x30: {  	[spmem:s11] =	stream.linear.scatter [tilespmem:s21], [sflag:$0x4], $0x4000, $0x38;
	[tilespmem:$0x1BA00] =	vst v63  }
0x31: {  	_ =	swait.ge [sflag:s22], $0x4000  }
0x32: {  	[sflag:s22] =	ssyncset.done $0x0  }
0x33: {  	[sflag:s22] =	ssyncadd.s32 $0xFFFFC000  }
0x34: {  	[spmem:s12] =	stream.linear.scatter [tilespmem:s21], [sflag:$0x4], $0x4000, $0x38;
	[tilespmem:$0x1BA00] =	vst v63  }
0x35: {  	_ =	swait.ge [sflag:s22], $0x4000  }
0x36: {  	[sflag:s22] =	ssyncset.done $0x0  }
0x37: {  	[sflag:s22] =	ssyncadd.s32 $0xFFFFC000  }
0x38: {  	[spmem:s13] =	stream.linear.scatter [tilespmem:s21], [sflag:$0x4], $0x3C00, $0x38;
	[tilespmem:$0x1BA00] =	vst v63  }
0x39: {  	_ =	swait.ge [sflag:s22], $0x3C00  }
0x3a: {  	[sflag:s22] =	ssyncset.done $0x0  }
0x3b: {  	[sflag:s22] =	ssyncadd.s32 $0xFFFFC400  }
0x3c: {  	_ =	swait.ge [sflag:s23], $0x3D00  }
0x3d: {  	[sflag:s23] =	ssyncset.done $0x0  }
0x3e: {  	[sflag:s23] =	ssyncadd.s32 $0xFFFFC300  }
0x3f: {  	s1 =	simm.s32 $0x17C00;
	[bflag:$0x0] =	sbarrier.arrive $0xFFFF  }
0x40: {  	[tilespmem:s21], [sflag:$0x1] =	stream.indirect.gather [hbm4b:s4+s24], $0x80, s1, s24, $0xb8;
	[tilespmem:$0x1BA00] =	vst v63  }
0x41: {  	_ =	swait.ge [sflag:s23], $0x4000  }
0x42: {  	[sflag:s23] =	ssyncset.done $0x0  }
0x43: {  	[sflag:s23] =	ssyncadd.s32 $0xFFFFC000  }
0x44: {  	_ =	swait.ge [sflag:s25], $0x80  }
0x45: {  	[sflag:s25] =	ssyncset.done $0x0  }
0x46: {  	[sflag:s25] =	ssyncadd.s32 $0xFFFFFF80  }
0x47: {  	[spmem:s2] =	stream.indirect.scatter.add.f32 [tilespmem:s21], [sflag:$0x4], $0x80, s19, s24, $0xb8;
	[tilespmem:$0x1BA00] =	vst v63  }
0x48: {  	s1 =	sadd.s32 $0xFFFFFF80, s17;
	_ =	swait.ge [sflag:s22], $0x4000  }
0x49: {  	s1 =	sshrl.u32 s1, $0x3;
	[sflag:s22] =	ssyncset.done $0x0  }
0x4a: {  	s1 =	sadd.s32 s5, s1;
	[sflag:s22] =	ssyncadd.s32 $0xFFFFC000  }
0x4b: {  	[tilespmem:s19], [sflag:$0x2] =	stream.linear.gather [hbm4b:s1+s3], $0x80, $0x38;
	[tilespmem:$0x1BA00] =	vst v63  }
0x4c: {  	s1 =	simm.s32 $0x17C80  }
0x4d: {  	[tilespmem:s21], [sflag:$0x1] =	stream.indirect.gather [hbm4b:s4+s24], $0x80, s1, s24, $0xb8;
	[tilespmem:$0x1BA00] =	vst v63  }
0x4e: {  	_ =	swait.ge [sflag:s23], $0x4000  }
0x4f: {  	[sflag:s23] =	ssyncset.done $0x0  }
0x50: {  	[sflag:s23] =	ssyncadd.s32 $0xFFFFC000  }
0x51: {  	_ =	swait.ge [sflag:s26], $0x80  }
0x52: {  	p0 =	sne.s32 s16, $0x1;
	[sflag:s26] =	ssyncset.done $0x0  }
.Ltmp1:
0x53: {  	[sflag:s26] =	ssyncadd.s32 $0xFFFFFF80;
	(pc) =	sbr.rel @!p0 .LBB2_5-.Ltmp1, $4  }
0x54: {  	[spmem:s2] =	stream.indirect.scatter.add.f32 [tilespmem:s21], [sflag:$0x4], $0x80, s20, s24, $0xb8;
	[tilespmem:$0x1BA00] =	vst v63  }
0x55: {  	s29 =	sadd.s32 $0xFFFFFFFF, s16;
	_ =	swait.ge [sflag:s22], $0x4000  }
0x56: {  	s30 =	simm.s32 $0x17D80;
	s1 =	sshrl.u32 s17, $0x3;
	[sflag:s22] =	ssyncset.done $0x0  }
0x57: {  	s31 =	sadd.s32 $0x100, s17;
	s1 =	sadd.s32 s5, s1;
	[sflag:s22] =	ssyncadd.s32 $0xFFFFC000  }
.LBB2_4:
0x58: {  	[tilespmem:s20], [sflag:$0x3] =	stream.linear.gather [hbm4b:s1+s3], $0x80, $0x38;
	[tilespmem:$0x1BA00] =	vst v63  }
0x59: {  	s1 =	sadd.s32 $0xFFFFFF80, s30;
	p0 =	sne.s32 s29, $0x1;
	s29 =	sadd.s32 $0xFFFFFFFF, s29  }
0x5a: {  	[tilespmem:s21], [sflag:$0x1] =	stream.indirect.gather [hbm4b:s4+s24], $0x80, s1, s24, $0xb8;
	[tilespmem:$0x1BA00] =	vst v63  }
0x5b: {  	_ =	swait.ge [sflag:s23], $0x4000  }
0x5c: {  	[sflag:s23] =	ssyncset.done $0x0  }
0x5d: {  	[sflag:s23] =	ssyncadd.s32 $0xFFFFC000  }
0x5e: {  	_ =	swait.ge [sflag:s25], $0x80  }
0x5f: {  	[sflag:s25] =	ssyncset.done $0x0  }
0x60: {  	[sflag:s25] =	ssyncadd.s32 $0xFFFFFF80  }
0x61: {  	[spmem:s2] =	stream.indirect.scatter.add.f32 [tilespmem:s21], [sflag:$0x4], $0x80, s19, s24, $0xb8;
	[tilespmem:$0x1BA00] =	vst v63  }
0x62: {  	s1 =	sadd.s32 $0xFFFFFF80, s31;
	_ =	swait.ge [sflag:s22], $0x4000  }
0x63: {  	s1 =	sshrl.u32 s1, $0x3;
	[sflag:s22] =	ssyncset.done $0x0  }
0x64: {  	s1 =	sadd.s32 s5, s1;
	[sflag:s22] =	ssyncadd.s32 $0xFFFFC000  }
0x65: {  	[tilespmem:s19], [sflag:$0x2] =	stream.linear.gather [hbm4b:s1+s3], $0x80, $0x38;
	[tilespmem:$0x1BA00] =	vst v63  }
0x66: {  	_ = 	snop  }
0x67: {  	[tilespmem:s21], [sflag:$0x1] =	stream.indirect.gather [hbm4b:s4+s24], $0x80, s30, s24, $0xb8;
	[tilespmem:$0x1BA00] =	vst v63  }
0x68: {  	_ =	swait.ge [sflag:s23], $0x4000  }
0x69: {  	[sflag:s23] =	ssyncset.done $0x0  }
0x6a: {  	[sflag:s23] =	ssyncadd.s32 $0xFFFFC000  }
0x6b: {  	_ =	swait.ge [sflag:s26], $0x80  }
0x6c: {  	[sflag:s26] =	ssyncset.done $0x0  }
.Ltmp2:
0x6d: {  	[sflag:s26] =	ssyncadd.s32 $0xFFFFFF80;
	(pc) =	sbr.rel @p0 .LBB2_4-.Ltmp2, $4  }
0x6e: {  	[spmem:s2] =	stream.indirect.scatter.add.f32 [tilespmem:s21], [sflag:$0x4], $0x80, s20, s24, $0xb8;
	[tilespmem:$0x1BA00] =	vst v63  }
0x6f: {  	_ =	swait.ge [sflag:s22], $0x4000  }
0x70: {  	s1 =	sshrl.u32 s31, $0x3;
	s30 =	sadd.s32 $0x100, s30;
	[sflag:s22] =	ssyncset.done $0x0  }
0x71: {  	s31 =	sadd.s32 $0x100, s31;
	s1 =	sadd.s32 s5, s1;
	[sflag:s22] =	ssyncadd.s32 $0xFFFFC000  }
.LBB2_5:
0x72: {  	[tilespmem:s20], [sflag:$0x3] =	stream.linear.gather [hbm4b:s1+s3], $0x80, $0x38;
	[tilespmem:$0x1BA00] =	vst v63  }
0x73: {  	_ =	swait.ge [sflag:s25], $0x80  }
0x74: {  	[sflag:s25] =	ssyncset.done $0x0  }
0x75: {  	[sflag:s25] =	ssyncadd.s32 $0xFFFFFF80  }
0x76: {  	_ =	swait.ge [sflag:s26], $0x80  }
0x77: {  	s31 =	sshll.u32 s0, $0x6;
	s28 =	sadd.s32 $0x1, s28;
	[sflag:s26] =	ssyncset.done $0x0  }
0x78: {  	s29 =	sshrl.u32 s9, $0x3;
	p0 =	sne.s32 s28, s15;
	[sflag:s26] =	ssyncadd.s32 $0xFFFFFF80  }
.Ltmp3:
0x79: {  	s1 =	sor.u32 $0x1C04, s31;
	[bflag:$0x0] =	sbarrier.arrive $0xFFFF;
	(pc) =	sbr.rel @p0 .LBB2_1-.Ltmp3, $4  }
0x7a: {  	[hbm:s14], [sflag:s1] =	dma.local [spmem:s29], $0x2780  }
0x7b: {  	_ =	swait.ge [sflag:s22], $0x2780  }
0x7c: {  	[sflag:s22] =	ssyncset.done $0x0  }
0x7d: {  	[sflag:s22] =	ssyncadd.s32 $0xFFFFD880  }
0x7e: {  	_ =	sfence.sel $0x180000  }
0x7f: {  	[bflag:$0x0] =	sbarrier.arrive $0xFFFF  }
0x80: {  	_ =	strace $0x9000004D  }
0x81: {  	[bflag:$0x2] =	sbarrier.arrive $0xFFFF  }
0x82: {  	p0 =	sne.s32 s0, $0x0;
	s0 =	rddreg [dreg:$0x2]  }
0x83: {  	s0 =	sadd.s32 @!p0 $0x100000, s0  }
0x84: {  	[sflag:s0] =	ssyncadd.tile.s32 @!p0 $0x1;
	_ =	shalt  }
.Lfunc_end2:
_tile_overlayer_lowered:
.L_overlay_start_2:
0x85: {  	(tag) =	ssettag $0x2  }
0x86: {  	s0 =	rddreg [dreg:$0x0];
	s2 =	stileid.u32  }
0x87: {  	s1 =	rddreg [dreg:$0x1];
	p0 =	sne.s32 s2, $0x0  }
0x88: {  	s3 =	rddreg [dreg:$0x2];
	[bflag:$0x3] =	sbarrier.arrive $0xFFFF;
	s2 =	simm.s32 @!p0 $0x1C04  }
0x89: {  	[timem:s3], [sflag:s2] =	dma.local @!p0 [hbm:s0], s1  }
0x8a: {  	s0 =	simm.s32 @!p0 $0x4  }
0x8b: {  	_ =	swait.ge @!p0 [sflag:s0], s1  }
0x8c: {  	s1 =	ssub.s32 @!p0 $0x0, s1;
	[sflag:s0] =	ssyncset.done @!p0 $0x0  }
0x8d: {  	[sflag:s0] =	ssyncadd.s32 @!p0 s1  }
0x8e: {  	[bflag:$0x3] =	sbarrier.arrive $0xFFFF  }
0x8f: {  	_ =	shalt  }

// kernel: kernel.21.cloned.1.call-start
scs
__scs_entry_jumppad:
0x0: {  	(pc) =	sbr.rel $0x88, $3  }
0x1: {  	(tag) =	ssettag $0x0;
	lr =	simm.s32 $0x1  }
0x2: {  	[smem:$0x3F98] =	sst lr;
	_ =	strace $0xD0000000  }
0x3: {  	_ = 	snop  }
0x4: {  	_ = 	snop  }
0x5: {  	_ = 	snop  }
0x6: {  	_ = 	snop  }
0x7: {  	_ = 	snop  }
__scs_overlays_trampoline_lowered:
0x8: {  	[smem:$0x3FA7] =	sst s0  }
0x9: {  	[smem:$0x3FA8] =	sst s1  }
0xa: {  	[smem:$0x3FA9] =	sst s2  }
0xb: {  	[smem:$0x3FAA] =	sst s3  }
0xc: {  	[smem:$0x3FAB] =	sst s4  }
0xd: {  	[smem:$0x3FAC] =	sst s5  }
0xe: {  	[smem:$0x3FAD] =	sst s6  }
0xf: {  	[smem:$0x3FAE] =	sst s7  }
0x10: {  	[smem:$0x3FAF] =	sst s8  }
0x11: {  	[smem:$0x3FB0] =	sst s9;
	s0 =	simm.s32 @!p0 $0x0  }
0x12: {  	s1 =	sld [smem:$0x3F96];
	s0 =	simm.s32 @p0 $0x1  }
0x13: {  	[smem:$0x3FB1] =	sst s0;
	s0 =	simm.s32 @!p1 $0x0  }
0x14: {  	s2 =	sld [smem:$0x3F95];
	s0 =	simm.s32 @p1 $0x1  }
0x15: {  	[smem:$0x3FB2] =	sst s0;
	s0 =	simm.s32 @!p2 $0x0  }
0x16: {  	s3 =	sld [smem:$0x3FDB];
	s0 =	simm.s32 @p2 $0x1  }
0x17: {  	s4 =	simm.s32 $0x1BF5;
	[smem:$0x3FB4] =	sst s0  }
0x18: {  	s0 =	sld [smem:$0x3F97];
	_ =	swait.ge [sflag:s4], $0x0  }
0x19: {  	s7 =	sld [smem:$0x3F98]  }
0x1a: {  	s8 =	sadd.s32 $0xFFFFE003, lr  }
0x1b: {  	s9 =	sadd.s32 $0xFFFFFEF7, lr;
	s5 =	simm.s32 $0xFFFFFFFF;
	p2 =	slt.u32 s8, $0xFFFFF086  }
0x1c: {  	p1 =	slt.u32 s9, $0xF7A;
	s5 =	simm.s32 @!p2 $0x0  }
0x1d: {  	s5 =	simm.s32 @p1 $0x1;
	p0 =	seq.s32 s7, s2  }
0x1e: {  	s7 =	smul.u32 @!p0 $0xF7A, s2;
	p2 =	seq.s32 @!p0 s5, $0x0  }
0x1f: {  	s9 =	smul.u32 $0xF7A, s1;
	s8 =	simm.s32 @!p0 $0x1BF5;
	p2 =	por !p2, p0  }
0x20: {  	[sflag:s8] =	ssyncset.s32 @!p0 $0xFFFFF086;
	s6 =	sadd.s32 @!p0 s3, s7;
	s7 =	simm.s32 @!p0 $0x108  }
0x21: {  	s3 =	sadd.s32 s3, s9;
	s6 =	sadd.s32 @!p0 $0x88, s6;
	s7 =	simm.s32 @p2 $0x1082  }
0x22: {  	[simem:s7], [sflag:s8] =	dma.local @!p0 [hbm:s6], $0xF7A  }
0x23: {  	s9 =	sor.u32 $0xD0000000, s2;
	s6 =	simm.s32 $0x108;
	_ =	swait.ge @!p0 [sflag:s8], $0x0  }
0x24: {  	s3 =	sadd.s32 $0x88, s3;
	s6 =	simm.s32 @!p1 $0x1082;
	[sflag:s4] =	ssyncset.s32 $0xFFFFF086  }
0x25: {  	[simem:s6], [sflag:s4] =	dma.local [hbm:s3], $0xF7A  }
0x26: {  	[smem:$0x3F98] =	sst s1;
	(tag) =	ssettag s2;
	_ =	strace s9  }
0x27: {  	s1 =	sld [smem:$0x3FA8]  }
0x28: {  	s2 =	sld [smem:$0x3FA9]  }
0x29: {  	s4 =	sld [smem:$0x3FAB]  }
0x2a: {  	p0 =	seq.s32 s5, $0x0;
	s5 =	sld [smem:$0x3FAC]  }
0x2b: {  	s6 =	sld [smem:$0x3FAD]  }
0x2c: {  	s7 =	sld [smem:$0x3FAE]  }
0x2d: {  	s3 =	simm.s32 $0x108;
	s8 =	sld [smem:$0x3FAF]  }
0x2e: {  	s3 =	simm.s32 @!p0 $0x1082;
	s9 =	sld [smem:$0x3FB0]  }
0x2f: {  	lr =	sadd.s32 s0, s3;
	s0 =	sld [smem:$0x3FA7]  }
0x30: {  	s3 =	sld [smem:$0x3FAA]  }
0x31: {  	[smem:$0x3FB3] =	sst s10  }
0x32: {  	s10 =	sld [smem:$0x3FB1];
	_ =	sdelay $0x3  }
0x33: {  	p0 =	seq.s32 s10, $0x1;
	s10 =	sld [smem:$0x3FB3];
	_ =	sdelay $0x3  }
0x34: {  	[smem:$0x3FB3] =	sst s10  }
0x35: {  	s10 =	sld [smem:$0x3FB2];
	_ =	sdelay $0x3  }
0x36: {  	p1 =	seq.s32 s10, $0x1;
	s10 =	sld [smem:$0x3FB3];
	_ =	sdelay $0x3  }
0x37: {  	[smem:$0x3FB3] =	sst s10  }
0x38: {  	s10 =	sld [smem:$0x3FB4]  }
0x39: {  	_ = 	snop;
	(pc) =	sbr.ind lr, $3  }
0x3a: {  	_ = 	snop  }
0x3b: {  	_ = 	snop  }
0x3c: {  	p2 =	seq.s32 s10, $0x1;
	s10 =	sld [smem:$0x3FB3]  }
0x3d: {  	_ =	shalt  }
0x3e: {  	_ =	shalt  }
0x3f: {  	_ =	shalt  }
0x40: {  	_ =	shalt  }
0x41: {  	_ =	shalt  }
0x42: {  	_ =	shalt  }
0x43: {  	_ =	shalt  }
0x44: {  	_ =	shalt  }
0x45: {  	_ =	shalt  }
0x46: {  	_ =	shalt  }
0x47: {  	_ =	shalt  }
0x48: {  	_ =	shalt  }
0x49: {  	_ =	shalt  }
0x4a: {  	_ =	shalt  }
0x4b: {  	_ =	shalt  }
0x4c: {  	_ =	shalt  }
0x4d: {  	_ =	shalt  }
0x4e: {  	_ =	shalt  }
0x4f: {  	_ =	shalt  }
0x50: {  	_ =	shalt  }
0x51: {  	_ =	shalt  }
0x52: {  	_ =	shalt  }
0x53: {  	_ =	shalt  }
0x54: {  	_ =	shalt  }
0x55: {  	_ =	shalt  }
0x56: {  	_ =	shalt  }
0x57: {  	_ =	shalt  }
0x58: {  	_ =	shalt  }
0x59: {  	_ =	shalt  }
0x5a: {  	_ =	shalt  }
0x5b: {  	_ =	shalt  }
0x5c: {  	_ =	shalt  }
0x5d: {  	_ =	shalt  }
0x5e: {  	_ =	shalt  }
0x5f: {  	_ =	shalt  }
0x60: {  	_ =	shalt  }
0x61: {  	_ =	shalt  }
0x62: {  	_ =	shalt  }
0x63: {  	_ =	shalt  }
0x64: {  	_ =	shalt  }
0x65: {  	_ =	shalt  }
0x66: {  	_ =	shalt  }
0x67: {  	_ =	shalt  }
0x68: {  	_ =	shalt  }
0x69: {  	_ =	shalt  }
0x6a: {  	_ =	shalt  }
0x6b: {  	_ =	shalt  }
0x6c: {  	_ =	shalt  }
0x6d: {  	_ =	shalt  }
0x6e: {  	_ =	shalt  }
0x6f: {  	_ =	shalt  }
0x70: {  	_ =	shalt  }
0x71: {  	_ =	shalt  }
0x72: {  	_ =	shalt  }
0x73: {  	_ =	shalt  }
0x74: {  	_ =	shalt  }
0x75: {  	_ =	shalt  }
0x76: {  	_ =	shalt  }
0x77: {  	_ =	shalt  }
0x78: {  	_ =	shalt  }
0x79: {  	_ =	shalt  }
0x7a: {  	_ =	shalt  }
0x7b: {  	_ =	shalt  }
0x7c: {  	_ =	shalt  }
0x7d: {  	_ =	shalt  }
0x7e: {  	_ =	shalt  }
0x7f: {  	_ =	shalt  }
0x80: {  	_ =	shalt  }
0x81: {  	_ =	shalt  }
0x82: {  	_ =	shalt  }
0x83: {  	_ =	shalt  }
0x84: {  	_ =	shalt  }
0x85: {  	_ =	shalt  }
0x86: {  	_ =	shalt  }
0x87: {  	_ =	shalt  }
.Lfunc_end0:
.L_simem_size_0:
called_computation.3_lowered:
.L_overlay_start_0:
0x88: {  	s2 =	sld [smem:$0x3FD9]  }
0x89: {  	s3 =	sld [smem:$0x3FFE];
	_ =	sdelay $0x1  }
0x8a: {  	s1 =	srdreg.scid  }
0x8b: {  	s0 =	sand.u32 $0x1, s1  }
0x8c: {  	s16 =	sshll.u32 s0, $0xA;
	s2 =	sadd.s32 s3, s2  }
0x8d: {  	s2 =	sadd.s32 s2, s16  }
0x8e: {  	[smem:$0x3FBF] =	sst s2  }
0x8f: {  	_ = 	snop  }
0x90: {  	(tm) =	ssettm $0x1  }
0x91: {  	s17 =	sld [smem:$0x3FFB];
	_ =	sdelay $0x3  }
0x92: {  	_ =	strace s17  }
0x93: {  	s2 =	sld [smem:$0x3FFC];
	_ =	sdelay $0x3  }
0x94: {  	_ =	strace s2  }
0x95: {  	s2 =	sld [smem:$0x3FFD];
	_ =	sdelay $0x3  }
0x96: {  	_ =	strace s2  }
0x97: {  	_ =	strace $0x8FFFFFFF  }
0x98: {  	s18 =	sld [smem:$0x3FDB];
	_ =	sdelay $0x1  }
0x99: {  	s19 =	simm.s32 $_scs_section_size  }
0x9a: {  	s4 =	simm.s32 $_size__tile_overlayer_lowered;
	s5 =	simm.s32 $_tile_overlayer_lowered  }
0x9b: {  	s22 =	simm.s32 $0x1BFF;
	s21 =	sshll.u32 s5, $0x1;
	s2 =	sadd.s32 s19, s18  }
0x9c: {  	s6 =	simm.s32 $0x0;
	s20 =	sshll.u32 s4, $0x1;
	s4 =	sadd.s32 s21, s2  }
0x9d: {  	[timem:s6], [sflag:s22] =	dma.local [hbm:s4], s20  }
0x9e: {  	_ =	swait.ge [sflag:s22], s20  }
0x9f: {  	s3 =	ssub.s32 $0x0, s20;
	[sflag:s22] =	ssyncset.done $0x0  }
0xa0: {  	[sflag:s22] =	ssyncadd.s32 s3;
	_ =	sdelay $0x1  }
0xa1: {  	s23 =	simm.s32 $0x1B8B  }
0xa2: {  	_ =	swait.ge [sflag:s23], $0x1  }
0xa3: {  	[sflag:s23] =	ssyncset.done $0x0  }
0xa4: {  	s25 =	simm.s32 $0x1B8E;
	s24 =	sld [smem:$0x3FFE];
	[sflag:s23] =	ssyncadd.s32 $0xFFFFFFFF  }
0xa5: {  	s26 =	simm.s32 $execute0_lowered;
	[smem:$0x3FD2] =	sst s25  }
0xa6: {  	s4 =	sshll.u32 s26, $0x1;
	_ =	strace $0x8000004F;
	[dreg:$0x1] =	wrdreg $0xFFFFFFFF  }
0xa7: {  	s28 =	simm.s32 $_size_execute0_lowered;
	s2 =	sadd.s32 s2, s4;
	[dreg:$0x0] =	wrdreg $0x0  }
0xa8: {  	s4 =	sshll.u32 s28, $0x1;
	[dreg:$0x2] =	wrdreg s2  }
0xa9: {  	[dreg:$0x3] =	wrdreg s4  }
0xaa: {  	[dreg:$0x4] =	wrdreg $0xC0  }
0xab: {  	_ =	task [dreg:s6], $0x5FFFF  }
0xac: {  	[dreg:$0x1] =	wrdreg $0xFFFFFFFF  }
0xad: {  	[dreg:$0x0] =	wrdreg $0x60  }
0xae: {  	[dreg:$0x2] =	wrdreg s24  }
0xaf: {  	[dreg:$0x3] =	wrdreg $0x0  }
0xb0: {  	[dreg:$0x4] =	wrdreg $0x9  }
0xb1: {  	_ =	task.clear_ibuf [dreg:s6], $0x5FFFF;
	_ =	strace $0x9000004F  }
0xb2: {  	s29 =	simm.s32 $0x9;
	_ =	strace $0x80000051  }
0xb3: {  	_ =	swait.ge [sflag:s29], $0x1  }
0xb4: {  	[sflag:s29] =	ssyncadd.s32 $0xFFFFFFFF  }
0xb5: {  	_ =	strace $0x90000051  }
0xb6: {  	_ =	sfence  }
0xb7: {  	s30 =	sld [smem:$0x0];
	_ =	sdelay $0x2  }
0xb8: {  	s31 =	sshll.u32 s1, $0xD;
	s1 =	sshrl.u32 s1, $0x2  }
0xb9: {  	s3 =	sand.u32 $0x4000, s31;
	s1 =	sadd.s32 s1, s30  }
0xba: {  	s0 =	sor.u32 s3, s0;
	s1 =	sshll.u32 s1, $0x11  }
0xbb: {  	s0 =	sor.u32 s1, s0  }
0xbc: {  	s0 =	sadd.s32 $0x8F2B, s0  }
0xbd: {  	[sflag:s0] =	ssyncadd.remote.s32 $0x1  }
0xbe: {  	_ =	sfence.sel $0xFFFF  }
0xbf: {  	[dreg:$0x0] =	wrdreg $0xFFFFFFFF;
	(pc) =	sbr.abs _section_cstart, $3  }
0xc0: {  	[dreg:$0x1] =	wrdreg $0xFFFFFFFF  }
0xc1: {  	_ =	task.clear_ibuf [dreg:s6], $0x2FFFF;
	_ =	strace $0x9FFFFFFF  }
0xc2: {  	(tm) =	ssettm $0x7FFFFFFF  }
0xc3: {  	_ =	shalt  }
tec
execute0_lowered:
.L_overlay_start_1:
0x0: {  	(tag) =	ssettag $0x1  }
0x1: {  	s1 =	srdreg.scid  }
0x2: {  	s0 =	stileid.u32;
	s6 =	rddreg [dreg:$0x0]  }
0x3: {  	s2 =	rddreg [dreg:$0x1];
	s3 =	simm.s32 $0x0;
	s4 =	smul.u32 $0xA2, s0  }
0x4: {  	s18 =	simm.s32 $0x17C00;
	s19 =	simm.s32 $0x1B900;
	s8 =	smul.u32 $0x13C00, s0  }
0x5: {  	s20 =	simm.s32 $0x1B980;
	s21 =	simm.s32 $0x13C00;
	s12 =	smul.u32 $0x4F000, s0  }
0x6: {  	s22 =	simm.s32 $0x4;
	s1 =	sand.u32 $0x1, s1;
	s16 =	smul.u32 $0x5100, s0  }
0x7: {  	s23 =	simm.s32 $0x1;
	s24 =	simm.s32 $0x80;
	s5 =	smul.u32 $0x7A, s1  }
0x8: {  	s25 =	simm.s32 $0x2;
	s26 =	simm.s32 $0x3;
	s7 =	smul.u32 $0x13C000, s1  }
0x9: {  	s28 =	simm.s32 $0x0;
	[smem:$0x7FF] =	sst s3;
	s17 =	smul.u32 $0x3D00, s1  }
0xa: {  	_ =	strace $0x80000050;
	s30 =	ssub.s32 $0x2, s1;
	s1 =	smul.u32 $0x29, s1  }
0xb: {  	s11 =	sshrl.u32 s30, $0x1;
	s31 =	sshrl.u32 s12, $0x2;
	s5 =	sadd.s32 s5, s4  }
0xc: {  	s4 =	sadd.s32 $0xEE00, s6;
	s29 =	sadd.s32 s8, s7;
	s15 =	ssub.s32 s30, s11  }
0xd: {  	s17 =	sadd.s32 s17, s16;
	s16 =	ssub.s32 $0x3C, s1;
	s9 =	sshll.u32 s5, $0x4  }
0xe: {  	s8 =	sshrl.u32 s29, $0x3;
	s5 =	sadd.s32 $0x4C00, s6;
	s15 =	smax.u32 s15, $0x1  }
0xf: {  	s17 =	sadd.s32 $0x180, s17;
	s10 =	sadd.s32 s9, s6;
	s14 =	sadd.s32 s8, s6  }
0x10: {  	s7 =	sadd.s32 s5, s9;
	s9 =	sadd.s32 s31, s2;
	s6 =	sadd.s32 $0x5DE00, s10  }
0x11: {  	s8 =	sadd.s32 $0x10, s7;
	s10 =	sadd.s32 $0x4000, s9;
	s11 =	sadd.s32 $0x8000, s9  }
0x12: {  	v0 =	vimm.f32 $0.0e+00;
	s12 =	sadd.s32 $0xC000, s9;
	s13 =	sadd.s32 $0x10000, s9;
	s14 =	sadd.s32 $0xDD600, s14  }
.LBB2_1:
0x13: {  	[tilespmem:s18], [sflag:$0x1] =	stream.linear.gather [hbm4b:s6+s3], $0x3D00, $0x38;
	[tilespmem:$0x1BA00] =	vst v63  }
0x14: {  	_ = 	snop  }
0x15: {  	[tilespmem:s19], [sflag:$0x2] =	stream.linear.gather [hbm4b:s7+s3], $0x80, $0x38;
	[tilespmem:$0x1BA00] =	vst v63  }
0x16: {  	s29 =	simm.s32 $0x0;
	s30 =	simm.s32 $0x200  }
0x17: {  	[tilespmem:s20], [sflag:$0x3] =	stream.linear.gather [hbm4b:s8+s3], $0x80, $0x38;
	[tilespmem:$0x1BA00] =	vst v63  }
.LBB2_2:
0x18: {  	p0 =	sne.s32 s30, $0xFE00;
	[tilespmem:s29+$0x13C70] =	vst v0  }
0x19: {  	[tilespmem:s29+$0x13C00] =	vst v0  }
0x1a: {  	[tilespmem:s29+$0x13C10] =	vst v0  }
.Ltmp0:
0x1b: {  	[tilespmem:s29+$0x13C20] =	vst v0;
	(pc) =	sbr.rel @p0 .LBB2_2-.Ltmp0, $4  }
0x1c: {  	[tilespmem:s29+$0x13C30] =	vst v0  }
0x1d: {  	[tilespmem:s29+$0x13C40] =	vst v0  }
0x1e: {  	[tilespmem:s29+$0x13C50] =	vst v0  }
0x1f: {  	[tilespmem:s29+$0x13C60] =	vst v0;
	s29 =	sshra.s32 s30, $0x2;
	s30 =	sadd.s32 $0x200, s30  }
0x20: {  	[tilespmem:s29+$0x13C70] =	vst v0  }
0x21: {  	[tilespmem:s29+$0x13C00] =	vst v0  }
0x22: {  	[tilespmem:s29+$0x13C10] =	vst v0  }
0x23: {  	[tilespmem:s29+$0x13C20] =	vst v0  }
0x24: {  	[tilespmem:s29+$0x13C30] =	vst v0  }
0x25: {  	[tilespmem:s29+$0x13C40] =	vst v0  }
0x26: {  	[tilespmem:s29+$0x13C50] =	vst v0  }
0x27: {  	[tilespmem:s29+$0x13C60] =	vst v0  }
0x28: {  	[spmem:s9] =	stream.linear.scatter [tilespmem:s21], [sflag:$0x4], $0x4000, $0x38;
	[tilespmem:$0x1BA00] =	vst v63  }
0x29: {  	_ =	swait.ge [sflag:s22], $0x4000  }
0x2a: {  	[sflag:s22] =	ssyncset.done $0x0  }
0x2b: {  	[sflag:s22] =	ssyncadd.s32 $0xFFFFC000  }
0x2c: {  	[spmem:s10] =	stream.linear.scatter [tilespmem:s21], [sflag:$0x4], $0x4000, $0x38;
	[tilespmem:$0x1BA00] =	vst v63  }
0x2d: {  	_ =	swait.ge [sflag:s22], $0x4000  }
0x2e: {  	[sflag:s22] =	ssyncset.done $0x0  }
0x2f: {  	[sflag:s22] =	ssyncadd.s32 $0xFFFFC000  }
0x30: {  	[spmem:s11] =	stream.linear.scatter [tilespmem:s21], [sflag:$0x4], $0x4000, $0x38;
	[tilespmem:$0x1BA00] =	vst v63  }
0x31: {  	_ =	swait.ge [sflag:s22], $0x4000  }
0x32: {  	[sflag:s22] =	ssyncset.done $0x0  }
0x33: {  	[sflag:s22] =	ssyncadd.s32 $0xFFFFC000  }
0x34: {  	[spmem:s12] =	stream.linear.scatter [tilespmem:s21], [sflag:$0x4], $0x4000, $0x38;
	[tilespmem:$0x1BA00] =	vst v63  }
0x35: {  	_ =	swait.ge [sflag:s22], $0x4000  }
0x36: {  	[sflag:s22] =	ssyncset.done $0x0  }
0x37: {  	[sflag:s22] =	ssyncadd.s32 $0xFFFFC000  }
0x38: {  	[spmem:s13] =	stream.linear.scatter [tilespmem:s21], [sflag:$0x4], $0x3C00, $0x38;
	[tilespmem:$0x1BA00] =	vst v63  }
0x39: {  	_ =	swait.ge [sflag:s22], $0x3C00  }
0x3a: {  	[sflag:s22] =	ssyncset.done $0x0  }
0x3b: {  	[sflag:s22] =	ssyncadd.s32 $0xFFFFC400  }
0x3c: {  	_ =	swait.ge [sflag:s23], $0x3D00  }
0x3d: {  	[sflag:s23] =	ssyncset.done $0x0  }
0x3e: {  	[sflag:s23] =	ssyncadd.s32 $0xFFFFC300  }
0x3f: {  	s1 =	simm.s32 $0x17C00;
	[bflag:$0x0] =	sbarrier.arrive $0xFFFF  }
0x40: {  	[tilespmem:s21], [sflag:$0x1] =	stream.indirect.gather [hbm4b:s4+s24], $0x80, s1, s24, $0xb8;
	[tilespmem:$0x1BA00] =	vst v63  }
0x41: {  	_ =	swait.ge [sflag:s23], $0x4000  }
0x42: {  	[sflag:s23] =	ssyncset.done $0x0  }
0x43: {  	[sflag:s23] =	ssyncadd.s32 $0xFFFFC000  }
0x44: {  	_ =	swait.ge [sflag:s25], $0x80  }
0x45: {  	[sflag:s25] =	ssyncset.done $0x0  }
0x46: {  	[sflag:s25] =	ssyncadd.s32 $0xFFFFFF80  }
0x47: {  	[spmem:s2] =	stream.indirect.scatter.add.f32 [tilespmem:s21], [sflag:$0x4], $0x80, s19, s24, $0xb8;
	[tilespmem:$0x1BA00] =	vst v63  }
0x48: {  	s1 =	sadd.s32 $0xFFFFFF80, s17;
	_ =	swait.ge [sflag:s22], $0x4000  }
0x49: {  	s1 =	sshrl.u32 s1, $0x3;
	[sflag:s22] =	ssyncset.done $0x0  }
0x4a: {  	s1 =	sadd.s32 s5, s1;
	[sflag:s22] =	ssyncadd.s32 $0xFFFFC000  }
0x4b: {  	[tilespmem:s19], [sflag:$0x2] =	stream.linear.gather [hbm4b:s1+s3], $0x80, $0x38;
	[tilespmem:$0x1BA00] =	vst v63  }
0x4c: {  	s1 =	simm.s32 $0x17C80  }
0x4d: {  	[tilespmem:s21], [sflag:$0x1] =	stream.indirect.gather [hbm4b:s4+s24], $0x80, s1, s24, $0xb8;
	[tilespmem:$0x1BA00] =	vst v63  }
0x4e: {  	_ =	swait.ge [sflag:s23], $0x4000  }
0x4f: {  	[sflag:s23] =	ssyncset.done $0x0  }
0x50: {  	[sflag:s23] =	ssyncadd.s32 $0xFFFFC000  }
0x51: {  	_ =	swait.ge [sflag:s26], $0x80  }
0x52: {  	p0 =	sne.s32 s16, $0x1;
	[sflag:s26] =	ssyncset.done $0x0  }
.Ltmp1:
0x53: {  	[sflag:s26] =	ssyncadd.s32 $0xFFFFFF80;
	(pc) =	sbr.rel @!p0 .LBB2_5-.Ltmp1, $4  }
0x54: {  	[spmem:s2] =	stream.indirect.scatter.add.f32 [tilespmem:s21], [sflag:$0x4], $0x80, s20, s24, $0xb8;
	[tilespmem:$0x1BA00] =	vst v63  }
0x55: {  	s29 =	sadd.s32 $0xFFFFFFFF, s16;
	_ =	swait.ge [sflag:s22], $0x4000  }
0x56: {  	s30 =	simm.s32 $0x17D80;
	s1 =	sshrl.u32 s17, $0x3;
	[sflag:s22] =	ssyncset.done $0x0  }
0x57: {  	s31 =	sadd.s32 $0x100, s17;
	s1 =	sadd.s32 s5, s1;
	[sflag:s22] =	ssyncadd.s32 $0xFFFFC000  }
.LBB2_4:
0x58: {  	[tilespmem:s20], [sflag:$0x3] =	stream.linear.gather [hbm4b:s1+s3], $0x80, $0x38;
	[tilespmem:$0x1BA00] =	vst v63  }
0x59: {  	s1 =	sadd.s32 $0xFFFFFF80, s30;
	p0 =	sne.s32 s29, $0x1;
	s29 =	sadd.s32 $0xFFFFFFFF, s29  }
0x5a: {  	[tilespmem:s21], [sflag:$0x1] =	stream.indirect.gather [hbm4b:s4+s24], $0x80, s1, s24, $0xb8;
	[tilespmem:$0x1BA00] =	vst v63  }
0x5b: {  	_ =	swait.ge [sflag:s23], $0x4000  }
0x5c: {  	[sflag:s23] =	ssyncset.done $0x0  }
0x5d: {  	[sflag:s23] =	ssyncadd.s32 $0xFFFFC000  }
0x5e: {  	_ =	swait.ge [sflag:s25], $0x80  }
0x5f: {  	[sflag:s25] =	ssyncset.done $0x0  }
0x60: {  	[sflag:s25] =	ssyncadd.s32 $0xFFFFFF80  }
0x61: {  	[spmem:s2] =	stream.indirect.scatter.add.f32 [tilespmem:s21], [sflag:$0x4], $0x80, s19, s24, $0xb8;
	[tilespmem:$0x1BA00] =	vst v63  }
0x62: {  	s1 =	sadd.s32 $0xFFFFFF80, s31;
	_ =	swait.ge [sflag:s22], $0x4000  }
0x63: {  	s1 =	sshrl.u32 s1, $0x3;
	[sflag:s22] =	ssyncset.done $0x0  }
0x64: {  	s1 =	sadd.s32 s5, s1;
	[sflag:s22] =	ssyncadd.s32 $0xFFFFC000  }
0x65: {  	[tilespmem:s19], [sflag:$0x2] =	stream.linear.gather [hbm4b:s1+s3], $0x80, $0x38;
	[tilespmem:$0x1BA00] =	vst v63  }
0x66: {  	_ = 	snop  }
0x67: {  	[tilespmem:s21], [sflag:$0x1] =	stream.indirect.gather [hbm4b:s4+s24], $0x80, s30, s24, $0xb8;
	[tilespmem:$0x1BA00] =	vst v63  }
0x68: {  	_ =	swait.ge [sflag:s23], $0x4000  }
0x69: {  	[sflag:s23] =	ssyncset.done $0x0  }
0x6a: {  	[sflag:s23] =	ssyncadd.s32 $0xFFFFC000  }
0x6b: {  	_ =	swait.ge [sflag:s26], $0x80  }
0x6c: {  	[sflag:s26] =	ssyncset.done $0x0  }
.Ltmp2:
0x6d: {  	[sflag:s26] =	ssyncadd.s32 $0xFFFFFF80;
	(pc) =	sbr.rel @p0 .LBB2_4-.Ltmp2, $4  }
0x6e: {  	[spmem:s2] =	stream.indirect.scatter.add.f32 [tilespmem:s21], [sflag:$0x4], $0x80, s20, s24, $0xb8;
	[tilespmem:$0x1BA00] =	vst v63  }
0x6f: {  	_ =	swait.ge [sflag:s22], $0x4000  }
0x70: {  	s1 =	sshrl.u32 s31, $0x3;
	s30 =	sadd.s32 $0x100, s30;
	[sflag:s22] =	ssyncset.done $0x0  }
0x71: {  	s31 =	sadd.s32 $0x100, s31;
	s1 =	sadd.s32 s5, s1;
	[sflag:s22] =	ssyncadd.s32 $0xFFFFC000  }
.LBB2_5:
0x72: {  	[tilespmem:s20], [sflag:$0x3] =	stream.linear.gather [hbm4b:s1+s3], $0x80, $0x38;
	[tilespmem:$0x1BA00] =	vst v63  }
0x73: {  	_ =	swait.ge [sflag:s25], $0x80  }
0x74: {  	[sflag:s25] =	ssyncset.done $0x0  }
0x75: {  	[sflag:s25] =	ssyncadd.s32 $0xFFFFFF80  }
0x76: {  	_ =	swait.ge [sflag:s26], $0x80  }
0x77: {  	s31 =	sshll.u32 s0, $0x6;
	s28 =	sadd.s32 $0x1, s28;
	[sflag:s26] =	ssyncset.done $0x0  }
0x78: {  	s29 =	sshrl.u32 s9, $0x3;
	p0 =	sne.s32 s28, s15;
	[sflag:s26] =	ssyncadd.s32 $0xFFFFFF80  }
.Ltmp3:
0x79: {  	s1 =	sor.u32 $0x1C04, s31;
	[bflag:$0x0] =	sbarrier.arrive $0xFFFF;
	(pc) =	sbr.rel @p0 .LBB2_1-.Ltmp3, $4  }
0x7a: {  	[hbm:s14], [sflag:s1] =	dma.local [spmem:s29], $0x2780  }
0x7b: {  	_ =	swait.ge [sflag:s22], $0x2780  }
0x7c: {  	[sflag:s22] =	ssyncset.done $0x0  }
0x7d: {  	[sflag:s22] =	ssyncadd.s32 $0xFFFFD880  }
0x7e: {  	_ =	sfence.sel $0x180000  }
0x7f: {  	[bflag:$0x0] =	sbarrier.arrive $0xFFFF  }
0x80: {  	_ =	strace $0x90000050  }
0x81: {  	[bflag:$0x2] =	sbarrier.arrive $0xFFFF  }
0x82: {  	p0 =	sne.s32 s0, $0x0;
	s0 =	rddreg [dreg:$0x2]  }
0x83: {  	s0 =	sadd.s32 @!p0 $0x100000, s0  }
0x84: {  	[sflag:s0] =	ssyncadd.tile.s32 @!p0 $0x1;
	_ =	shalt  }
.Lfunc_end2:
_tile_overlayer_lowered:
.L_overlay_start_2:
0x85: {  	(tag) =	ssettag $0x2  }
0x86: {  	s0 =	rddreg [dreg:$0x0];
	s2 =	stileid.u32  }
0x87: {  	s1 =	rddreg [dreg:$0x1];
	p0 =	sne.s32 s2, $0x0  }
0x88: {  	s3 =	rddreg [dreg:$0x2];
	[bflag:$0x3] =	sbarrier.arrive $0xFFFF;
	s2 =	simm.s32 @!p0 $0x1C04  }
0x89: {  	[timem:s3], [sflag:s2] =	dma.local @!p0 [hbm:s0], s1  }
0x8a: {  	s0 =	simm.s32 @!p0 $0x4  }
0x8b: {  	_ =	swait.ge @!p0 [sflag:s0], s1  }
0x8c: {  	s1 =	ssub.s32 @!p0 $0x0, s1;
	[sflag:s0] =	ssyncset.done @!p0 $0x0  }
0x8d: {  	[sflag:s0] =	ssyncadd.s32 @!p0 s1  }
0x8e: {  	[bflag:$0x3] =	sbarrier.arrive $0xFFFF  }
0x8f: {  	_ =	shalt  }

// kernel: kernel.24.cloned.1.call-start
scs
__scs_entry_jumppad:
0x0: {  	(pc) =	sbr.rel $0x88, $3  }
0x1: {  	(tag) =	ssettag $0x0;
	lr =	simm.s32 $0x1  }
0x2: {  	[smem:$0x3F98] =	sst lr;
	_ =	strace $0xD0000000  }
0x3: {  	_ = 	snop  }
0x4: {  	_ = 	snop  }
0x5: {  	_ = 	snop  }
0x6: {  	_ = 	snop  }
0x7: {  	_ = 	snop  }
__scs_overlays_trampoline_lowered:
0x8: {  	[smem:$0x3FA7] =	sst s0  }
0x9: {  	[smem:$0x3FA8] =	sst s1  }
0xa: {  	[smem:$0x3FA9] =	sst s2  }
0xb: {  	[smem:$0x3FAA] =	sst s3  }
0xc: {  	[smem:$0x3FAB] =	sst s4  }
0xd: {  	[smem:$0x3FAC] =	sst s5  }
0xe: {  	[smem:$0x3FAD] =	sst s6  }
0xf: {  	[smem:$0x3FAE] =	sst s7  }
0x10: {  	[smem:$0x3FAF] =	sst s8  }
0x11: {  	[smem:$0x3FB0] =	sst s9;
	s0 =	simm.s32 @!p0 $0x0  }
0x12: {  	s1 =	sld [smem:$0x3F96];
	s0 =	simm.s32 @p0 $0x1  }
0x13: {  	[smem:$0x3FB1] =	sst s0;
	s0 =	simm.s32 @!p1 $0x0  }
0x14: {  	s2 =	sld [smem:$0x3F95];
	s0 =	simm.s32 @p1 $0x1  }
0x15: {  	[smem:$0x3FB2] =	sst s0;
	s0 =	simm.s32 @!p2 $0x0  }
0x16: {  	s3 =	sld [smem:$0x3FDB];
	s0 =	simm.s32 @p2 $0x1  }
0x17: {  	s4 =	simm.s32 $0x1BF5;
	[smem:$0x3FB4] =	sst s0  }
0x18: {  	s0 =	sld [smem:$0x3F97];
	_ =	swait.ge [sflag:s4], $0x0  }
0x19: {  	s7 =	sld [smem:$0x3F98]  }
0x1a: {  	s8 =	sadd.s32 $0xFFFFE003, lr  }
0x1b: {  	s9 =	sadd.s32 $0xFFFFFEF7, lr;
	s5 =	simm.s32 $0xFFFFFFFF;
	p2 =	slt.u32 s8, $0xFFFFF086  }
0x1c: {  	p1 =	slt.u32 s9, $0xF7A;
	s5 =	simm.s32 @!p2 $0x0  }
0x1d: {  	s5 =	simm.s32 @p1 $0x1;
	p0 =	seq.s32 s7, s2  }
0x1e: {  	s7 =	smul.u32 @!p0 $0xF7A, s2;
	p2 =	seq.s32 @!p0 s5, $0x0  }
0x1f: {  	s9 =	smul.u32 $0xF7A, s1;
	s8 =	simm.s32 @!p0 $0x1BF5;
	p2 =	por !p2, p0  }
0x20: {  	[sflag:s8] =	ssyncset.s32 @!p0 $0xFFFFF086;
	s6 =	sadd.s32 @!p0 s3, s7;
	s7 =	simm.s32 @!p0 $0x108  }
0x21: {  	s3 =	sadd.s32 s3, s9;
	s6 =	sadd.s32 @!p0 $0x88, s6;
	s7 =	simm.s32 @p2 $0x1082  }
0x22: {  	[simem:s7], [sflag:s8] =	dma.local @!p0 [hbm:s6], $0xF7A  }
0x23: {  	s9 =	sor.u32 $0xD0000000, s2;
	s6 =	simm.s32 $0x108;
	_ =	swait.ge @!p0 [sflag:s8], $0x0  }
0x24: {  	s3 =	sadd.s32 $0x88, s3;
	s6 =	simm.s32 @!p1 $0x1082;
	[sflag:s4] =	ssyncset.s32 $0xFFFFF086  }
0x25: {  	[simem:s6], [sflag:s4] =	dma.local [hbm:s3], $0xF7A  }
0x26: {  	[smem:$0x3F98] =	sst s1;
	(tag) =	ssettag s2;
	_ =	strace s9  }
0x27: {  	s1 =	sld [smem:$0x3FA8]  }
0x28: {  	s2 =	sld [smem:$0x3FA9]  }
0x29: {  	s4 =	sld [smem:$0x3FAB]  }
0x2a: {  	p0 =	seq.s32 s5, $0x0;
	s5 =	sld [smem:$0x3FAC]  }
0x2b: {  	s6 =	sld [smem:$0x3FAD]  }
0x2c: {  	s7 =	sld [smem:$0x3FAE]  }
0x2d: {  	s3 =	simm.s32 $0x108;
	s8 =	sld [smem:$0x3FAF]  }
0x2e: {  	s3 =	simm.s32 @!p0 $0x1082;
	s9 =	sld [smem:$0x3FB0]  }
0x2f: {  	lr =	sadd.s32 s0, s3;
	s0 =	sld [smem:$0x3FA7]  }
0x30: {  	s3 =	sld [smem:$0x3FAA]  }
0x31: {  	[smem:$0x3FB3] =	sst s10  }
0x32: {  	s10 =	sld [smem:$0x3FB1];
	_ =	sdelay $0x3  }
0x33: {  	p0 =	seq.s32 s10, $0x1;
	s10 =	sld [smem:$0x3FB3];
	_ =	sdelay $0x3  }
0x34: {  	[smem:$0x3FB3] =	sst s10  }
0x35: {  	s10 =	sld [smem:$0x3FB2];
	_ =	sdelay $0x3  }
0x36: {  	p1 =	seq.s32 s10, $0x1;
	s10 =	sld [smem:$0x3FB3];
	_ =	sdelay $0x3  }
0x37: {  	[smem:$0x3FB3] =	sst s10  }
0x38: {  	s10 =	sld [smem:$0x3FB4]  }
0x39: {  	_ = 	snop;
	(pc) =	sbr.ind lr, $3  }
0x3a: {  	_ = 	snop  }
0x3b: {  	_ = 	snop  }
0x3c: {  	p2 =	seq.s32 s10, $0x1;
	s10 =	sld [smem:$0x3FB3]  }
0x3d: {  	_ =	shalt  }
0x3e: {  	_ =	shalt  }
0x3f: {  	_ =	shalt  }
0x40: {  	_ =	shalt  }
0x41: {  	_ =	shalt  }
0x42: {  	_ =	shalt  }
0x43: {  	_ =	shalt  }
0x44: {  	_ =	shalt  }
0x45: {  	_ =	shalt  }
0x46: {  	_ =	shalt  }
0x47: {  	_ =	shalt  }
0x48: {  	_ =	shalt  }
0x49: {  	_ =	shalt  }
0x4a: {  	_ =	shalt  }
0x4b: {  	_ =	shalt  }
0x4c: {  	_ =	shalt  }
0x4d: {  	_ =	shalt  }
0x4e: {  	_ =	shalt  }
0x4f: {  	_ =	shalt  }
0x50: {  	_ =	shalt  }
0x51: {  	_ =	shalt  }
0x52: {  	_ =	shalt  }
0x53: {  	_ =	shalt  }
0x54: {  	_ =	shalt  }
0x55: {  	_ =	shalt  }
0x56: {  	_ =	shalt  }
0x57: {  	_ =	shalt  }
0x58: {  	_ =	shalt  }
0x59: {  	_ =	shalt  }
0x5a: {  	_ =	shalt  }
0x5b: {  	_ =	shalt  }
0x5c: {  	_ =	shalt  }
0x5d: {  	_ =	shalt  }
0x5e: {  	_ =	shalt  }
0x5f: {  	_ =	shalt  }
0x60: {  	_ =	shalt  }
0x61: {  	_ =	shalt  }
0x62: {  	_ =	shalt  }
0x63: {  	_ =	shalt  }
0x64: {  	_ =	shalt  }
0x65: {  	_ =	shalt  }
0x66: {  	_ =	shalt  }
0x67: {  	_ =	shalt  }
0x68: {  	_ =	shalt  }
0x69: {  	_ =	shalt  }
0x6a: {  	_ =	shalt  }
0x6b: {  	_ =	shalt  }
0x6c: {  	_ =	shalt  }
0x6d: {  	_ =	shalt  }
0x6e: {  	_ =	shalt  }
0x6f: {  	_ =	shalt  }
0x70: {  	_ =	shalt  }
0x71: {  	_ =	shalt  }
0x72: {  	_ =	shalt  }
0x73: {  	_ =	shalt  }
0x74: {  	_ =	shalt  }
0x75: {  	_ =	shalt  }
0x76: {  	_ =	shalt  }
0x77: {  	_ =	shalt  }
0x78: {  	_ =	shalt  }
0x79: {  	_ =	shalt  }
0x7a: {  	_ =	shalt  }
0x7b: {  	_ =	shalt  }
0x7c: {  	_ =	shalt  }
0x7d: {  	_ =	shalt  }
0x7e: {  	_ =	shalt  }
0x7f: {  	_ =	shalt  }
0x80: {  	_ =	shalt  }
0x81: {  	_ =	shalt  }
0x82: {  	_ =	shalt  }
0x83: {  	_ =	shalt  }
0x84: {  	_ =	shalt  }
0x85: {  	_ =	shalt  }
0x86: {  	_ =	shalt  }
0x87: {  	_ =	shalt  }
.Lfunc_end0:
.L_simem_size_0:
called_computation.4_lowered:
.L_overlay_start_0:
0x88: {  	s2 =	sld [smem:$0x3FD9]  }
0x89: {  	s3 =	sld [smem:$0x3FFE];
	_ =	sdelay $0x1  }
0x8a: {  	s1 =	srdreg.scid  }
0x8b: {  	s0 =	sand.u32 $0x1, s1  }
0x8c: {  	s17 =	sshll.u32 s0, $0xA;
	s2 =	sadd.s32 s3, s2  }
0x8d: {  	s2 =	sadd.s32 s2, s17  }
0x8e: {  	[smem:$0x3FBF] =	sst s2  }
0x8f: {  	_ = 	snop  }
0x90: {  	s2 =	sld [smem:$0x3FD0];
	(tm) =	ssettm $0x1  }
0x91: {  	s18 =	sld [smem:$0x3FFB];
	_ =	sdelay $0x3  }
0x92: {  	_ =	strace s18  }
0x93: {  	s3 =	sld [smem:$0x3FFC];
	_ =	sdelay $0x3  }
0x94: {  	_ =	strace s3  }
0x95: {  	s3 =	sld [smem:$0x3FFD];
	_ =	sdelay $0x3  }
0x96: {  	_ =	strace s3  }
0x97: {  	_ =	strace $0x8FFFFFFF  }
0x98: {  	s19 =	sld [smem:$0x3FDB];
	_ =	sdelay $0x1  }
0x99: {  	s4 =	simm.s32 $_scs_section_size  }
0x9a: {  	s5 =	simm.s32 $_size__tile_overlayer_lowered;
	s6 =	simm.s32 $_tile_overlayer_lowered  }
0x9b: {  	s22 =	simm.s32 $0x1BFF;
	s21 =	sshll.u32 s6, $0x1;
	s3 =	sadd.s32 s4, s19  }
0x9c: {  	s7 =	simm.s32 $0x0;
	s20 =	sshll.u32 s5, $0x1;
	s5 =	sadd.s32 s21, s3  }
0x9d: {  	[timem:s7], [sflag:s22] =	dma.local [hbm:s5], s20  }
0x9e: {  	_ =	swait.ge [sflag:s22], s20  }
0x9f: {  	s4 =	ssub.s32 $0x0, s20;
	[sflag:s22] =	ssyncset.done $0x0  }
0xa0: {  	[sflag:s22] =	ssyncadd.s32 s4;
	_ =	sdelay $0x1  }
0xa1: {  	s23 =	simm.s32 $0x1B8B  }
0xa2: {  	_ =	swait.ge [sflag:s23], $0x1  }
0xa3: {  	[sflag:s23] =	ssyncset.done $0x0  }
0xa4: {  	s25 =	simm.s32 $0x1B8E;
	s24 =	sld [smem:$0x3FFE];
	[sflag:s23] =	ssyncadd.s32 $0xFFFFFFFF  }
0xa5: {  	s26 =	simm.s32 $execute0_lowered;
	[smem:$0x3FD2] =	sst s25  }
0xa6: {  	s5 =	sshll.u32 s26, $0x1;
	_ =	strace $0x80000052;
	[dreg:$0x1] =	wrdreg $0xFFFFFFFF  }
0xa7: {  	s28 =	simm.s32 $_size_execute0_lowered;
	s3 =	sadd.s32 s3, s5;
	[dreg:$0x0] =	wrdreg $0x0  }
0xa8: {  	s5 =	sshll.u32 s28, $0x1;
	[dreg:$0x2] =	wrdreg s3  }
0xa9: {  	[dreg:$0x3] =	wrdreg s5  }
0xaa: {  	[dreg:$0x4] =	wrdreg $0xC0  }
0xab: {  	_ =	task [dreg:s7], $0x5FFFF  }
0xac: {  	[dreg:$0x1] =	wrdreg $0xFFFFFFFF  }
0xad: {  	[dreg:$0x0] =	wrdreg $0x60  }
0xae: {  	[dreg:$0x2] =	wrdreg s2  }
0xaf: {  	[dreg:$0x3] =	wrdreg s24  }
0xb0: {  	[dreg:$0x4] =	wrdreg $0x0  }
0xb1: {  	[dreg:$0x5] =	wrdreg $0x9  }
0xb2: {  	_ =	task.clear_ibuf [dreg:s7], $0x6FFFF;
	_ =	strace $0x90000052  }
0xb3: {  	s29 =	simm.s32 $0x9;
	_ =	strace $0x80000054  }
0xb4: {  	_ =	swait.ge [sflag:s29], $0x1  }
0xb5: {  	[sflag:s29] =	ssyncadd.s32 $0xFFFFFFFF  }
0xb6: {  	_ =	strace $0x90000054  }
0xb7: {  	_ =	sfence  }
0xb8: {  	s30 =	sld [smem:$0x0];
	_ =	sdelay $0x2  }
0xb9: {  	s31 =	sshll.u32 s1, $0xD;
	s1 =	sshrl.u32 s1, $0x2  }
0xba: {  	s3 =	sand.u32 $0x4000, s31;
	s1 =	sadd.s32 s1, s30  }
0xbb: {  	s0 =	sor.u32 s3, s0;
	s1 =	sshll.u32 s1, $0x11  }
0xbc: {  	s0 =	sor.u32 s1, s0  }
0xbd: {  	s0 =	sadd.s32 $0x8F2B, s0  }
0xbe: {  	[sflag:s0] =	ssyncadd.remote.s32 $0x1  }
0xbf: {  	_ =	sfence.sel $0xFFFF  }
0xc0: {  	[dreg:$0x0] =	wrdreg $0xFFFFFFFF;
	(pc) =	sbr.abs _section_cstart, $3  }
0xc1: {  	[dreg:$0x1] =	wrdreg $0xFFFFFFFF  }
0xc2: {  	_ =	task.clear_ibuf [dreg:s7], $0x2FFFF;
	_ =	strace $0x9FFFFFFF  }
0xc3: {  	(tm) =	ssettm $0x7FFFFFFF  }
tec
execute0_lowered:
.L_overlay_start_1:
0x0: {  	(tag) =	ssettag $0x1  }
0x1: {  	s1 =	rddreg [dreg:$0x0];
	s2 =	srdreg.scid  }
0x2: {  	s0 =	stileid.u32;
	s6 =	rddreg [dreg:$0x1]  }
0x3: {  	s3 =	rddreg [dreg:$0x2];
	s5 =	smul.u32 $0xA2, s0  }
0x4: {  	s4 =	simm.s32 $0x0;
	s18 =	simm.s32 $0x17C00;
	s26 =	smul.u32 $0x13C00, s0  }
0x5: {  	s19 =	simm.s32 $0x1B900;
	s20 =	simm.s32 $0x1B980;
	s12 =	smul.u32 $0x4F000, s0  }
0x6: {  	s21 =	simm.s32 $0x13C00;
	s2 =	sand.u32 $0x1, s2;
	s16 =	smul.u32 $0x5100, s0  }
0x7: {  	s22 =	simm.s32 $0x4;
	s23 =	simm.s32 $0x1;
	s7 =	smul.u32 $0x7A, s2  }
0x8: {  	s24 =	simm.s32 $0x80;
	s25 =	simm.s32 $0x2;
	s8 =	smul.u32 $0x13C000, s2  }
0x9: {  	s28 =	simm.s32 $0x0;
	[smem:$0x7FF] =	sst s4;
	s17 =	smul.u32 $0x3D00, s2  }
0xa: {  	_ =	strace $0x80000053;
	s30 =	ssub.s32 $0x2, s2;
	s2 =	smul.u32 $0x29, s2  }
0xb: {  	s11 =	sshrl.u32 s30, $0x1;
	s31 =	sshrl.u32 s12, $0x2;
	s5 =	sadd.s32 s7, s5  }
0xc: {  	s29 =	sadd.s32 s26, s8;
	s15 =	ssub.s32 s30, s11;
	s17 =	sadd.s32 s17, s16  }
0xd: {  	s16 =	ssub.s32 $0x3C, s2;
	s26 =	simm.s32 $0x3;
	s9 =	sshll.u32 s5, $0x4  }
0xe: {  	s8 =	sshrl.u32 s29, $0x3;
	s5 =	sadd.s32 $0x4C00, s6;
	s15 =	smax.u32 s15, $0x1  }
0xf: {  	s17 =	sadd.s32 $0x180, s17;
	s10 =	sadd.s32 s9, s6;
	s14 =	sadd.s32 s8, s6  }
0x10: {  	s7 =	sadd.s32 s5, s9;
	s9 =	sadd.s32 s31, s3;
	s6 =	sadd.s32 $0x5DE00, s10  }
0x11: {  	s8 =	sadd.s32 $0x10, s7;
	s10 =	sadd.s32 $0x4000, s9;
	s11 =	sadd.s32 $0x8000, s9  }
0x12: {  	v0 =	vimm.f32 $0.0e+00;
	s12 =	sadd.s32 $0xC000, s9;
	s13 =	sadd.s32 $0x10000, s9;
	s14 =	sadd.s32 $0xB6400, s14  }
.LBB2_1:
0x13: {  	[tilespmem:s18], [sflag:$0x1] =	stream.linear.gather [hbm4b:s6+s4], $0x3D00, $0x38;
	[tilespmem:$0x1BA00] =	vst v63  }
0x14: {  	_ = 	snop  }
0x15: {  	[tilespmem:s19], [sflag:$0x2] =	stream.linear.gather [hbm4b:s7+s4], $0x80, $0x38;
	[tilespmem:$0x1BA00] =	vst v63  }
0x16: {  	s29 =	simm.s32 $0x0;
	s30 =	simm.s32 $0x200  }
0x17: {  	[tilespmem:s20], [sflag:$0x3] =	stream.linear.gather [hbm4b:s8+s4], $0x80, $0x38;
	[tilespmem:$0x1BA00] =	vst v63  }
.LBB2_2:
0x18: {  	p0 =	sne.s32 s30, $0xFE00;
	[tilespmem:s29+$0x13C70] =	vst v0  }
0x19: {  	[tilespmem:s29+$0x13C00] =	vst v0  }
0x1a: {  	[tilespmem:s29+$0x13C10] =	vst v0  }
.Ltmp0:
0x1b: {  	[tilespmem:s29+$0x13C20] =	vst v0;
	(pc) =	sbr.rel @p0 .LBB2_2-.Ltmp0, $4  }
0x1c: {  	[tilespmem:s29+$0x13C30] =	vst v0  }
0x1d: {  	[tilespmem:s29+$0x13C40] =	vst v0  }
0x1e: {  	[tilespmem:s29+$0x13C50] =	vst v0  }
0x1f: {  	[tilespmem:s29+$0x13C60] =	vst v0;
	s29 =	sshra.s32 s30, $0x2;
	s30 =	sadd.s32 $0x200, s30  }
0x20: {  	[tilespmem:s29+$0x13C70] =	vst v0  }
0x21: {  	[tilespmem:s29+$0x13C00] =	vst v0  }
0x22: {  	[tilespmem:s29+$0x13C10] =	vst v0  }
0x23: {  	[tilespmem:s29+$0x13C20] =	vst v0  }
0x24: {  	[tilespmem:s29+$0x13C30] =	vst v0  }
0x25: {  	[tilespmem:s29+$0x13C40] =	vst v0  }
0x26: {  	[tilespmem:s29+$0x13C50] =	vst v0  }
0x27: {  	[tilespmem:s29+$0x13C60] =	vst v0  }
0x28: {  	[spmem:s9] =	stream.linear.scatter [tilespmem:s21], [sflag:$0x4], $0x4000, $0x38;
	[tilespmem:$0x1BA00] =	vst v63  }
0x29: {  	_ =	swait.ge [sflag:s22], $0x4000  }
0x2a: {  	[sflag:s22] =	ssyncset.done $0x0  }
0x2b: {  	[sflag:s22] =	ssyncadd.s32 $0xFFFFC000  }
0x2c: {  	[spmem:s10] =	stream.linear.scatter [tilespmem:s21], [sflag:$0x4], $0x4000, $0x38;
	[tilespmem:$0x1BA00] =	vst v63  }
0x2d: {  	_ =	swait.ge [sflag:s22], $0x4000  }
0x2e: {  	[sflag:s22] =	ssyncset.done $0x0  }
0x2f: {  	[sflag:s22] =	ssyncadd.s32 $0xFFFFC000  }
0x30: {  	[spmem:s11] =	stream.linear.scatter [tilespmem:s21], [sflag:$0x4], $0x4000, $0x38;
	[tilespmem:$0x1BA00] =	vst v63  }
0x31: {  	_ =	swait.ge [sflag:s22], $0x4000  }
0x32: {  	[sflag:s22] =	ssyncset.done $0x0  }
0x33: {  	[sflag:s22] =	ssyncadd.s32 $0xFFFFC000  }
0x34: {  	[spmem:s12] =	stream.linear.scatter [tilespmem:s21], [sflag:$0x4], $0x4000, $0x38;
	[tilespmem:$0x1BA00] =	vst v63  }
0x35: {  	_ =	swait.ge [sflag:s22], $0x4000  }
0x36: {  	[sflag:s22] =	ssyncset.done $0x0  }
0x37: {  	[sflag:s22] =	ssyncadd.s32 $0xFFFFC000  }
0x38: {  	[spmem:s13] =	stream.linear.scatter [tilespmem:s21], [sflag:$0x4], $0x3C00, $0x38;
	[tilespmem:$0x1BA00] =	vst v63  }
0x39: {  	_ =	swait.ge [sflag:s22], $0x3C00  }
0x3a: {  	[sflag:s22] =	ssyncset.done $0x0  }
0x3b: {  	[sflag:s22] =	ssyncadd.s32 $0xFFFFC400  }
0x3c: {  	_ =	swait.ge [sflag:s23], $0x3D00  }
0x3d: {  	[sflag:s23] =	ssyncset.done $0x0  }
0x3e: {  	[sflag:s23] =	ssyncadd.s32 $0xFFFFC300  }
0x3f: {  	s2 =	simm.s32 $0x17C00;
	[bflag:$0x0] =	sbarrier.arrive $0xFFFF  }
0x40: {  	[tilespmem:s21], [sflag:$0x1] =	stream.indirect.gather [hbm4b:s1+s24], $0x80, s2, s24, $0xb8;
	[tilespmem:$0x1BA00] =	vst v63  }
0x41: {  	_ =	swait.ge [sflag:s23], $0x4000  }
0x42: {  	[sflag:s23] =	ssyncset.done $0x0  }
0x43: {  	[sflag:s23] =	ssyncadd.s32 $0xFFFFC000  }
0x44: {  	_ =	swait.ge [sflag:s25], $0x80  }
0x45: {  	[sflag:s25] =	ssyncset.done $0x0  }
0x46: {  	[sflag:s25] =	ssyncadd.s32 $0xFFFFFF80  }
0x47: {  	[spmem:s3] =	stream.indirect.scatter.add.f32 [tilespmem:s21], [sflag:$0x4], $0x80, s19, s24, $0xb8;
	[tilespmem:$0x1BA00] =	vst v63  }
0x48: {  	s2 =	sadd.s32 $0xFFFFFF80, s17;
	_ =	swait.ge [sflag:s22], $0x4000  }
0x49: {  	s2 =	sshrl.u32 s2, $0x3;
	[sflag:s22] =	ssyncset.done $0x0  }
0x4a: {  	s2 =	sadd.s32 s5, s2;
	[sflag:s22] =	ssyncadd.s32 $0xFFFFC000  }
0x4b: {  	[tilespmem:s19], [sflag:$0x2] =	stream.linear.gather [hbm4b:s2+s4], $0x80, $0x38;
	[tilespmem:$0x1BA00] =	vst v63  }
0x4c: {  	s2 =	simm.s32 $0x17C80  }
0x4d: {  	[tilespmem:s21], [sflag:$0x1] =	stream.indirect.gather [hbm4b:s1+s24], $0x80, s2, s24, $0xb8;
	[tilespmem:$0x1BA00] =	vst v63  }
0x4e: {  	_ =	swait.ge [sflag:s23], $0x4000  }
0x4f: {  	[sflag:s23] =	ssyncset.done $0x0  }
0x50: {  	[sflag:s23] =	ssyncadd.s32 $0xFFFFC000  }
0x51: {  	_ =	swait.ge [sflag:s26], $0x80  }
0x52: {  	p0 =	sne.s32 s16, $0x1;
	[sflag:s26] =	ssyncset.done $0x0  }
.Ltmp1:
0x53: {  	[sflag:s26] =	ssyncadd.s32 $0xFFFFFF80;
	(pc) =	sbr.rel @!p0 .LBB2_5-.Ltmp1, $4  }
0x54: {  	[spmem:s3] =	stream.indirect.scatter.add.f32 [tilespmem:s21], [sflag:$0x4], $0x80, s20, s24, $0xb8;
	[tilespmem:$0x1BA00] =	vst v63  }
0x55: {  	s29 =	sadd.s32 $0xFFFFFFFF, s16;
	_ =	swait.ge [sflag:s22], $0x4000  }
0x56: {  	s30 =	simm.s32 $0x17D80;
	s2 =	sshrl.u32 s17, $0x3;
	[sflag:s22] =	ssyncset.done $0x0  }
0x57: {  	s31 =	sadd.s32 $0x100, s17;
	s2 =	sadd.s32 s5, s2;
	[sflag:s22] =	ssyncadd.s32 $0xFFFFC000  }
.LBB2_4:
0x58: {  	[tilespmem:s20], [sflag:$0x3] =	stream.linear.gather [hbm4b:s2+s4], $0x80, $0x38;
	[tilespmem:$0x1BA00] =	vst v63  }
0x59: {  	s2 =	sadd.s32 $0xFFFFFF80, s30;
	p0 =	sne.s32 s29, $0x1;
	s29 =	sadd.s32 $0xFFFFFFFF, s29  }
0x5a: {  	[tilespmem:s21], [sflag:$0x1] =	stream.indirect.gather [hbm4b:s1+s24], $0x80, s2, s24, $0xb8;
	[tilespmem:$0x1BA00] =	vst v63  }
0x5b: {  	_ =	swait.ge [sflag:s23], $0x4000  }
0x5c: {  	[sflag:s23] =	ssyncset.done $0x0  }
0x5d: {  	[sflag:s23] =	ssyncadd.s32 $0xFFFFC000  }
0x5e: {  	_ =	swait.ge [sflag:s25], $0x80  }
0x5f: {  	[sflag:s25] =	ssyncset.done $0x0  }
0x60: {  	[sflag:s25] =	ssyncadd.s32 $0xFFFFFF80  }
0x61: {  	[spmem:s3] =	stream.indirect.scatter.add.f32 [tilespmem:s21], [sflag:$0x4], $0x80, s19, s24, $0xb8;
	[tilespmem:$0x1BA00] =	vst v63  }
0x62: {  	s2 =	sadd.s32 $0xFFFFFF80, s31;
	_ =	swait.ge [sflag:s22], $0x4000  }
0x63: {  	s2 =	sshrl.u32 s2, $0x3;
	[sflag:s22] =	ssyncset.done $0x0  }
0x64: {  	s2 =	sadd.s32 s5, s2;
	[sflag:s22] =	ssyncadd.s32 $0xFFFFC000  }
0x65: {  	[tilespmem:s19], [sflag:$0x2] =	stream.linear.gather [hbm4b:s2+s4], $0x80, $0x38;
	[tilespmem:$0x1BA00] =	vst v63  }
0x66: {  	_ = 	snop  }
0x67: {  	[tilespmem:s21], [sflag:$0x1] =	stream.indirect.gather [hbm4b:s1+s24], $0x80, s30, s24, $0xb8;
	[tilespmem:$0x1BA00] =	vst v63  }
0x68: {  	_ =	swait.ge [sflag:s23], $0x4000  }
0x69: {  	[sflag:s23] =	ssyncset.done $0x0  }
0x6a: {  	[sflag:s23] =	ssyncadd.s32 $0xFFFFC000  }
0x6b: {  	_ =	swait.ge [sflag:s26], $0x80  }
0x6c: {  	[sflag:s26] =	ssyncset.done $0x0  }
.Ltmp2:
0x6d: {  	[sflag:s26] =	ssyncadd.s32 $0xFFFFFF80;
	(pc) =	sbr.rel @p0 .LBB2_4-.Ltmp2, $4  }
0x6e: {  	[spmem:s3] =	stream.indirect.scatter.add.f32 [tilespmem:s21], [sflag:$0x4], $0x80, s20, s24, $0xb8;
	[tilespmem:$0x1BA00] =	vst v63  }
0x6f: {  	_ =	swait.ge [sflag:s22], $0x4000  }
0x70: {  	s2 =	sshrl.u32 s31, $0x3;
	s30 =	sadd.s32 $0x100, s30;
	[sflag:s22] =	ssyncset.done $0x0  }
0x71: {  	s31 =	sadd.s32 $0x100, s31;
	s2 =	sadd.s32 s5, s2;
	[sflag:s22] =	ssyncadd.s32 $0xFFFFC000  }
.LBB2_5:
0x72: {  	[tilespmem:s20], [sflag:$0x3] =	stream.linear.gather [hbm4b:s2+s4], $0x80, $0x38;
	[tilespmem:$0x1BA00] =	vst v63  }
0x73: {  	_ =	swait.ge [sflag:s25], $0x80  }
0x74: {  	[sflag:s25] =	ssyncset.done $0x0  }
0x75: {  	[sflag:s25] =	ssyncadd.s32 $0xFFFFFF80  }
0x76: {  	_ =	swait.ge [sflag:s26], $0x80  }
0x77: {  	s31 =	sshll.u32 s0, $0x6;
	s28 =	sadd.s32 $0x1, s28;
	[sflag:s26] =	ssyncset.done $0x0  }
0x78: {  	s29 =	sshrl.u32 s9, $0x3;
	p0 =	sne.s32 s28, s15;
	[sflag:s26] =	ssyncadd.s32 $0xFFFFFF80  }
.Ltmp3:
0x79: {  	s2 =	sor.u32 $0x1C04, s31;
	[bflag:$0x0] =	sbarrier.arrive $0xFFFF;
	(pc) =	sbr.rel @p0 .LBB2_1-.Ltmp3, $4  }
0x7a: {  	[hbm:s14], [sflag:s2] =	dma.local [spmem:s29], $0x2780  }
0x7b: {  	_ =	swait.ge [sflag:s22], $0x2780  }
0x7c: {  	[sflag:s22] =	ssyncset.done $0x0  }
0x7d: {  	[sflag:s22] =	ssyncadd.s32 $0xFFFFD880  }
0x7e: {  	_ =	sfence.sel $0x180000  }
0x7f: {  	[bflag:$0x0] =	sbarrier.arrive $0xFFFF  }
0x80: {  	_ =	strace $0x90000053  }
0x81: {  	[bflag:$0x2] =	sbarrier.arrive $0xFFFF  }
0x82: {  	p0 =	sne.s32 s0, $0x0;
	s0 =	rddreg [dreg:$0x3]  }
0x83: {  	s0 =	sadd.s32 @!p0 $0x100000, s0  }
0x84: {  	[sflag:s0] =	ssyncadd.tile.s32 @!p0 $0x1;
	_ =	shalt  }
.Lfunc_end2:
_tile_overlayer_lowered:
.L_overlay_start_2:
0x85: {  	(tag) =	ssettag $0x2  }
0x86: {  	s0 =	rddreg [dreg:$0x0];
	s2 =	stileid.u32  }
0x87: {  	s1 =	rddreg [dreg:$0x1];
	p0 =	sne.s32 s2, $0x0  }
0x88: {  	s3 =	rddreg [dreg:$0x2];
	[bflag:$0x3] =	sbarrier.arrive $0xFFFF;
	s2 =	simm.s32 @!p0 $0x1C04  }
0x89: {  	[timem:s3], [sflag:s2] =	dma.local @!p0 [hbm:s0], s1  }
0x8a: {  	s0 =	simm.s32 @!p0 $0x4  }
0x8b: {  	_ =	swait.ge @!p0 [sflag:s0], s1  }
0x8c: {  	s1 =	ssub.s32 @!p0 $0x0, s1;
	[sflag:s0] =	ssyncset.done @!p0 $0x0  }
0x8d: {  	[sflag:s0] =	ssyncadd.s32 @!p0 s1  }
0x8e: {  	[bflag:$0x3] =	sbarrier.arrive $0xFFFF  }
0x8f: {  	_ =	shalt  }

</sc_bundles>
